<compile_context>
chip_gen: v7x
topology: tpu7x:2x2x1
jax: 0.10.2.dev20260603
libtpu: 0.0.44.dev20260713+nightly
codegen_flags: <defaults>
</compile_context>

<pallas_src>
import functools

import jax
import jax.numpy as jnp
from jax import lax
from jax.experimental import pallas as pl
from jax.experimental.pallas import tpu as pltpu
from jax.experimental.pallas import tpu_sc as plsc

F32 = jnp.float32
U32 = jnp.uint32

_NC, _NS = 2, 16
_NW = _NC * _NS
_IDXW = 128
_TW = 64
_CBUF = 4


def _sc_gather(table, idx2):
    groups = idx2.shape[0]
    nrows = table.shape[0]
    per_w_groups = groups // _NW
    iters = per_w_groups // (2 * _CBUF)
    rows_per_sub = nrows // _NS
    mesh = plsc.VectorSubcoreMesh(core_axis_name="c", subcore_axis_name="s")

    @functools.partial(
        pl.kernel,
        mesh=mesh,
        out_type=jax.ShapeDtypeStruct((groups * _IDXW, _TW), F32),
        scratch_types=[
            pltpu.VMEM((per_w_groups, _IDXW), jnp.int32),
            pltpu.VMEM((2, _CBUF * _IDXW, _TW), F32),
            pltpu.VMEM_SHARED((nrows, _TW), F32),
            pltpu.SemaphoreType.DMA,
            pltpu.SemaphoreType.DMA,
            pltpu.SemaphoreType.DMA,
            pltpu.SemaphoreType.DMA,
        ],
        compiler_params=pltpu.CompilerParams(use_tc_tiling_on_sc=False),
    )
    def k(table_hbm, idx_hbm, out_hbm, idx_v, rows_v, tbl_sh,
          gs0, gs1, ss0, ss1):
        cid = lax.axis_index("c")
        sid = lax.axis_index("s")
        wid = sid * _NC + cid
        gbase = wid * per_w_groups

        pltpu.sync_copy(idx_hbm.at[pl.ds(gbase, per_w_groups)], idx_v)
        pltpu.sync_copy(table_hbm.at[pl.ds(sid * rows_per_sub, rows_per_sub)],
                        tbl_sh.at[pl.ds(sid * rows_per_sub, rows_per_sub)])
        plsc.subcore_barrier()

        gsems = (gs0, gs1)
        ssems = (ss0, ss1)

        def body(t, carry):
            c0 = 2 * _CBUF * t
            gh = []
            for bb in range(2):
                for j in range(_CBUF):
                    gh.append(pltpu.async_copy(
                        tbl_sh.at[idx_v.at[c0 + bb * _CBUF + j]],
                        rows_v.at[bb].at[pl.ds(j * _IDXW, _IDXW)],
                        gsems[bb]))
            sh = []
            for bb in range(2):
                for j in range(_CBUF):
                    gh[bb * _CBUF + j].wait()
                sh.append(pltpu.async_copy(
                    rows_v.at[bb],
                    out_hbm.at[pl.ds((gbase + c0 + bb * _CBUF) * _IDXW,
                                     _CBUF * _IDXW)],
                    ssems[bb]))
            for bb in range(2):
                sh[bb].wait()
            return carry

        lax.fori_loop(0, iters, body, 0)

    return k(table, idx2)


def _pack_bf16_pair(low_f32, high_f32):
    lo = lax.bitcast_convert_type(low_f32.astype(jnp.bfloat16),
                                  jnp.uint16).astype(U32)
    hi = lax.bitcast_convert_type(high_f32.astype(jnp.bfloat16),
                                  jnp.uint16).astype(U32)
    return lax.bitcast_convert_type(lo | (hi << 16), F32)


def _unpack_low(word_f32):
    u = lax.bitcast_convert_type(word_f32, U32)
    return lax.bitcast_convert_type(u << 16, F32)


def _unpack_high(word_f32):
    u = lax.bitcast_convert_type(word_f32, U32)
    return lax.bitcast_convert_type(u & jnp.uint32(0xFFFF0000), F32)


def _mlp_table(xs, p3, wbs, wf, wq, consts, sel_e, sel_o, nb=1024):
    n = xs[0].shape[1]
    npc = len(xs)

    def body(*refs):
        x_refs = refs[:npc]
        p_ref = refs[npc]
        wb_refs = refs[npc + 1:2 * npc + 1]
        wf_ref, wq_ref, c_ref, se_ref, so_ref, o_ref = refs[2 * npc + 1:]
        acc = c_ref[:, 0:1]
        for xr, wr in zip(x_refs, wb_refs):
            acc = acc + jnp.dot(wr[...], xr[...], preferred_element_type=F32)
        new = jnp.maximum(acc, 0.0)
        f = jnp.maximum(
            jnp.dot(wf_ref[...], new, preferred_element_type=F32)
            + c_ref[:, 1:2], 0.0)
        q = jnp.dot(wq_ref[...], p_ref[...], preferred_element_type=F32)
        se = se_ref[...]
        so = so_ref[...]
        fe = jnp.dot(f, se, preferred_element_type=F32).T
        fo = jnp.dot(f, so, preferred_element_type=F32).T
        qe = jnp.dot(q, se, preferred_element_type=F32).T
        qo = jnp.dot(q, so, preferred_element_type=F32).T
        o_ref[...] = jnp.concatenate(
            [_pack_bf16_pair(fe, qe), _pack_bf16_pair(fo, qo)], axis=1)

    in_specs = (
        [pl.BlockSpec((x.shape[0], nb), lambda i: (0, i)) for x in xs]
        + [pl.BlockSpec((3, nb), lambda i: (0, i))]
        + [pl.BlockSpec(w.shape, lambda i: (0, 0)) for w in wbs]
        + [pl.BlockSpec(wf.shape, lambda i: (0, 0)),
           pl.BlockSpec(wq.shape, lambda i: (0, 0)),
           pl.BlockSpec((64, 8), lambda i: (0, 0)),
           pl.BlockSpec(sel_e.shape, lambda i: (0, 0)),
           pl.BlockSpec(sel_o.shape, lambda i: (0, 0))]
    )
    return pl.pallas_call(
        body,
        grid=(n // nb,),
        in_specs=in_specs,
        out_specs=pl.BlockSpec((nb // 2, 128), lambda i: (i, 0)),
        out_shape=jax.ShapeDtypeStruct((n // 2, 128), F32),
    )(*xs, p3, *wbs, wf, wq, consts, sel_e, sel_o)


def _edge(g3, tablev, wp2, consts, n, kslc, inter=None, acc_in=None,
          final=True, nb=512):
    nb2 = nb // 2

    def body(*refs):
        g_ref, t_ref, wp_ref, c_ref = refs[:4]
        if acc_in is None:
            acc = jnp.zeros((nb2, 128), F32)
        else:
            acc = refs[4][...]
        o_ref = refs[-1]
        qs = _unpack_high(t_ref[...])
        s = qs - c_ref[0:1, :]
        cp = c_ref[1:2, :]
        wpm = wp_ref[...]
        for kk in range(kslc):
            blk = g_ref[kk]
            g = _unpack_low(blk)
            qn = _unpack_high(blk)
            d = jnp.maximum(qn - s, 0.0)
            h = d * g
            acc = acc + jnp.maximum(
                jnp.dot(h, wpm, preferred_element_type=F32) + cp, 0.0)
        if final:
            at = acc.T
            ie_ref, io_ref = refs[-3], refs[-2]
            o_ref[...] = (
                jnp.dot(at[0:64], ie_ref[...], preferred_element_type=F32)
                + jnp.dot(at[64:128], io_ref[...], preferred_element_type=F32))
        else:
            o_ref[...] = acc

    in_specs = [
        pl.BlockSpec((kslc, nb2, 128), lambda i: (0, i, 0)),
        pl.BlockSpec((nb2, 128), lambda i: (i, 0)),
        pl.BlockSpec((128, 128), lambda i: (0, 0)),
        pl.BlockSpec((8, 128), lambda i: (0, 0)),
    ]
    args = [g3, tablev, wp2, consts]
    if acc_in is not None:
        in_specs.append(pl.BlockSpec((nb2, 128), lambda i: (i, 0)))
        args.append(acc_in)
    if final:
        ie, io = inter
        in_specs.append(pl.BlockSpec(ie.shape, lambda i: (0, 0)))
        in_specs.append(pl.BlockSpec(io.shape, lambda i: (0, 0)))
        args.append(ie)
        args.append(io)
        out_spec = pl.BlockSpec((64, nb), lambda i: (0, i))
        out_shape = jax.ShapeDtypeStruct((64, n), F32)
    else:
        out_spec = pl.BlockSpec((nb2, 128), lambda i: (i, 0))
        out_shape = jax.ShapeDtypeStruct((n // 2, 128), F32)
    return pl.pallas_call(
        body,
        grid=(n // nb,),
        in_specs=in_specs,
        out_specs=out_spec,
        out_shape=out_shape,
    )(*args)


def _fold(w, b, g, bt):
    return w * g[:, None], b * g + bt


def _consts_rows(*rows):
    m = jnp.stack(rows)
    return jnp.pad(m, ((0, 8 - m.shape[0]), (0, 0)))


def kernel(feats, pts, knn_idx, params):
    b, fdim, n = feats.shape
    k = knn_idx.shape[2]
    e = n * k
    chunk = _NW * 2 * _CBUF * _IDXW
    epad = chunk * (-(-e // chunk))

    npad = epad // k
    x0 = jnp.pad(feats[0], ((0, 0), (0, npad - n)))
    p3 = jnp.pad(pts[0], ((0, 0), (0, npad - n)))
    idx_km = jnp.pad(knn_idx[0].T, ((0, 0), (0, npad - n)))
    idx2 = idx_km.reshape(epad // _IDXW, _IDXW)

    fold = []
    for p in params:
        wb, cb = _fold(p['Wb'], p['bb'], p['gb'], p['betab'])
        wf, cf = _fold(p['Wf'], p['bf'], p['gf'], p['betaf'])
        wq, cd = _fold(p['Wd'], p['bd'], p['gd'], p['betad'])
        wp, cp = _fold(p['Wp'], p['bp'], p['gp'], p['betap'])
        z = jnp.zeros((64, 64), F32)
        wp2 = jnp.concatenate([
            jnp.concatenate([wp.T, z], axis=1),
            jnp.concatenate([z, wp.T], axis=1)], axis=0)
        fold.append(dict(
            wb=wb, wf=wf, wq=wq, wp2=wp2,
            cab=jnp.pad(jnp.stack([cb, cf], axis=1), ((0, 0), (0, 6))),
            ccd=_consts_rows(jnp.tile(cd, 2), jnp.tile(cp, 2))))

    outs = []
    xpieces, wsplit = [x0], [fdim]
    half = idx2.shape[0] // 2
    k2 = k // 2
    nbm, nbe = 1024, 512
    am = jnp.arange(nbm)[:, None]
    mm = jnp.arange(nbm // 2)[None, :]
    sel_e = (am == 2 * mm).astype(F32)
    sel_o = (am == 2 * mm + 1).astype(F32)
    me = jnp.arange(nbe // 2)[:, None]
    ae = jnp.arange(nbe)[None, :]
    inter_e = (2 * me == ae).astype(F32)
    inter_o = (2 * me + 1 == ae).astype(F32)
    for i, f in enumerate(fold):
        splits = []
        off = 0
        for w in wsplit:
            splits.append((off, w))
            off += w
        wbs = [f['wb'][:, o:o + w] for (o, w) in splits]
        tablev = _mlp_table(xpieces, p3, wbs, f['wf'], f['wq'], f['cab'],
                            sel_e, sel_o, nb=nbm)
        table = tablev.reshape(npad, _TW)
        ga = _sc_gather(table, idx2[:half]).reshape(k2, npad // 2, 128)
        gb = _sc_gather(table, idx2[half:]).reshape(k2, npad // 2, 128)
        acc = _edge(ga, tablev, f['wp2'], f['ccd'], npad, k2, final=False,
                    nb=nbe)
        oi = _edge(gb, tablev, f['wp2'], f['ccd'], npad, k2,
                   inter=(inter_e, inter_o), acc_in=acc, nb=nbe)
        outs.append(oi)
        xpieces = xpieces + [oi]
        wsplit = wsplit + [64]

    return jnp.concatenate([feats] + [o[None, :, :n] for o in outs], axis=1)

# --- scband reference (transcript-rebuilt; emitter-appended) ---
"""Pipeline reference for scband-generator-3040836845603 (READ-ONLY COPY).

The authoritative reference and input builder live on the scoring server;
editing this copy changes nothing except your own understanding.
"""

import jax, jax.numpy as jnp
import numpy as np

B, N, K = 1, 10000, 16
FEAT_DIM, GROWTH, BN_SIZE, LAYERS = 128, 64, 1, 3
C = BN_SIZE * GROWTH


def _make_params(key):
    params = []
    in_dim = FEAT_DIM
    for i in range(LAYERS):
        k = jax.random.fold_in(key, i)
        ks = jax.random.split(k, 4)
        p = {
            'Wb': jax.random.normal(ks[0], (C, in_dim), dtype=jnp.float32) * 0.05,
            'bb': jnp.zeros((C,), jnp.float32),
            'gb': jnp.ones((C,), jnp.float32), 'betab': jnp.zeros((C,), jnp.float32),
            'Wd': jax.random.normal(ks[1], (GROWTH, 3), dtype=jnp.float32) * 0.05,
            'bd': jnp.zeros((GROWTH,), jnp.float32),
            'gd': jnp.ones((GROWTH,), jnp.float32), 'betad': jnp.zeros((GROWTH,), jnp.float32),
            'Wf': jax.random.normal(ks[2], (GROWTH, C), dtype=jnp.float32) * 0.05,
            'bf': jnp.zeros((GROWTH,), jnp.float32),
            'gf': jnp.ones((GROWTH,), jnp.float32), 'betaf': jnp.zeros((GROWTH,), jnp.float32),
            'Wp': jax.random.normal(ks[3], (GROWTH, GROWTH), dtype=jnp.float32) * 0.05,
            'bp': jnp.zeros((GROWTH,), jnp.float32),
            'gp': jnp.ones((GROWTH,), jnp.float32), 'betap': jnp.zeros((GROWTH,), jnp.float32),
        }
        params.append(p)
        in_dim += GROWTH
    return params


def setup_inputs(seed: int = 0) -> dict:
    key = jax.random.key(seed)
    k1, k2, k3, k4 = jax.random.split(key, 4)
    feats = jax.random.normal(k1, (B, FEAT_DIM, N), dtype=jnp.float32)
    pts = jax.random.normal(k2, (B, 3, N), dtype=jnp.float32)
    knn_idx = jax.random.randint(k3, (B, N, K), 0, N, dtype=jnp.int32)
    params = _make_params(k4)
    return {'feats': feats, 'pts': pts, 'knn_idx': knn_idx, 'params': params}


def _index_points(pts, idx):
    # pts: [B, C, N]; idx: [B, S, K] -> [B, C, S, K]
    b, c, n = pts.shape
    s, kk = idx.shape[1], idx.shape[2]
    idx_flat = idx.reshape(b, -1)
    gathered = jnp.take_along_axis(
        pts, jnp.broadcast_to(idx_flat[:, None, :], (b, c, s * kk)), axis=2)
    return gathered.reshape(b, c, s, kk)


def _conv1d(x, W, bias):
    return jnp.einsum('oc,bcn->bon', W, x) + bias[None, :, None]


def _conv2d(x, W, bias):
    return jnp.einsum('oc,bcnk->bonk', W, x) + bias[None, :, None, None]


def _bnrelu(x, g, bt):
    sh = (1, -1) + (1,) * (x.ndim - 2)
    return jax.nn.relu(x * g.reshape(sh) + bt.reshape(sh))


def _dense_unit(feats, pts, knn_idx, params):
    for p in params:
        # DenseLayer: bottleneck 1x1 conv
        new = _bnrelu(_conv1d(feats, p['Wb'], p['bb']), p['gb'], p['betab'])
        # Point3DConv
        knn_pts = _index_points(pts, knn_idx)          # [B, 3, N, K]
        knn_delta = knn_pts - pts[:, :, :, None]
        knn_delta = _bnrelu(_conv2d(knn_delta, p['Wd'], p['bd']), p['gd'], p['betad'])
        knn_feats = _index_points(new, knn_idx)        # [B, C, N, K]
        knn_feats = _bnrelu(_conv2d(knn_feats, p['Wf'], p['bf']), p['gf'], p['betaf'])
        out = knn_delta * knn_feats
        out = _bnrelu(_conv2d(out, p['Wp'], p['bp']), p['gp'], p['betap'])
        out = out.sum(axis=-1)                         # [B, GROWTH, N]
        feats = jnp.concatenate([feats, out], axis=1)
    return feats


def reference(feats, pts, knn_idx, params):
    return _dense_unit(feats, pts, knn_idx, params)

if __name__ == "__main__":
    import jax
    _d = setup_inputs()
    print(jax.jit(kernel)(*tuple(_d.values())))

</pallas_src>

<mosaic_0001>
#map = affine_map<(d0, d1) -> (0, 0)>
module attributes {stable_mosaic.version = 14 : i64} {
  func.func @k(%arg0: i32, %arg1: i32, %arg2: memref<10240x64xf32, #tpu.memory_space<hbm>>, %arg3: memref<640x128xi32, #tpu.memory_space<hbm>>, %arg4: memref<81920x64xf32, #tpu.memory_space<hbm>>, %arg5: memref<20x128xi32, #tpu.memory_space<vmem>>, %arg6: memref<2x512x64xf32, #tpu.memory_space<vmem>>, %arg7: memref<10240x64xf32, #tpu.memory_space<vmem_shared>>, %arg8: memref<!tpu.dma_semaphore, #tpu.memory_space<semaphore_mem>>, %arg9: memref<!tpu.dma_semaphore, #tpu.memory_space<semaphore_mem>>, %arg10: memref<!tpu.dma_semaphore, #tpu.memory_space<semaphore_mem>>, %arg11: memref<!tpu.dma_semaphore, #tpu.memory_space<semaphore_mem>>) attributes {dimension_semantics = [#tpu.dimension_semantics<core_parallel>, #tpu.dimension_semantics<subcore_parallel>], iteration_bounds = array<i64: 2, 16>, scalar_prefetch = 0 : i64, scratch_operands = 7 : i64, tpu.core_type = #tpu.core_type<sc_vector_subcore>, window_params = [{transform_indices = #map}, {transform_indices = #map}, {transform_indices = #map}]} {
    %mul3A = arith.constant 2 : i32
    %mul3A_0 = arith.muli %arg1, %mul3A : i32
    %add3A = arith.addi %mul3A_0, %arg0 : i32
    %mul3A_1 = arith.constant 20 : i32
    %mul3A_2 = arith.muli %add3A, %mul3A_1 : i32
    "tpu.region"() ({
      %run_scoped3A = tpu.sem_alloc : memref<!tpu.dma_semaphore, #tpu.memory_space<semaphore_mem>>
      %dma_start3A = arith.constant 0 : i32
      %dma_start3A_12 = tpu.memref_slice %arg3[%mul3A_2, %dma_start3A] : memref<640x128xi32, #tpu.memory_space<hbm>> -> memref<20x128xi32, #tpu.memory_space<hbm>>
      %dma_start3A_13 = arith.constant 0 : i32
      %dma_start3A_14 = tpu.memref_slice %arg3[%mul3A_2, %dma_start3A_13] : memref<640x128xi32, #tpu.memory_space<hbm>> -> memref<20x128xi32, #tpu.memory_space<hbm>>
      tpu.enqueue_dma source(%dma_start3A_14 : memref<20x128xi32, #tpu.memory_space<hbm>>) target(%arg5 : memref<20x128xi32, #tpu.memory_space<vmem>>) target_semaphore(%run_scoped3A : memref<!tpu.dma_semaphore, #tpu.memory_space<semaphore_mem>>)
      %dma_wait3A = arith.constant 0 : i32
      %dma_wait3A_15 = tpu.memref_slice %arg3[%mul3A_2, %dma_wait3A] : memref<640x128xi32, #tpu.memory_space<hbm>> -> memref<20x128xi32, #tpu.memory_space<hbm>>
      %dma_wait3A_16 = arith.constant 0 : i32
      %dma_wait3A_17 = tpu.memref_slice %arg3[%mul3A_2, %dma_wait3A_16] : memref<640x128xi32, #tpu.memory_space<hbm>> -> memref<20x128xi32, #tpu.memory_space<hbm>>
      tpu.wait_dma2 semaphore(%run_scoped3A : memref<!tpu.dma_semaphore, #tpu.memory_space<semaphore_mem>>) src(%dma_wait3A_17 : memref<20x128xi32, #tpu.memory_space<hbm>>) dst(%arg5 : memref<20x128xi32, #tpu.memory_space<vmem>>)
      tpu.yield
    }) : () -> ()
    %mul3A_3 = arith.constant 640 : i32
    %mul3A_4 = arith.muli %arg1, %mul3A_3 : i32
    %mul3A_5 = arith.constant 640 : i32
    %mul3A_6 = arith.muli %arg1, %mul3A_5 : i32
    "tpu.region"() ({
      %run_scoped3A = tpu.sem_alloc : memref<!tpu.dma_semaphore, #tpu.memory_space<semaphore_mem>>
      %dma_start3A = arith.constant 0 : i32
      %dma_start3A_12 = tpu.memref_slice %arg7[%mul3A_6, %dma_start3A] : memref<10240x64xf32, #tpu.memory_space<vmem_shared>> -> memref<640x64xf32, #tpu.memory_space<vmem_shared>>
      %dma_start3A_13 = arith.constant 0 : i32
      %dma_start3A_14 = tpu.memref_slice %arg2[%mul3A_4, %dma_start3A_13] : memref<10240x64xf32, #tpu.memory_space<hbm>> -> memref<640x64xf32, #tpu.memory_space<hbm>>
      tpu.enqueue_dma source(%dma_start3A_14 : memref<640x64xf32, #tpu.memory_space<hbm>>) target(%dma_start3A_12 : memref<640x64xf32, #tpu.memory_space<vmem_shared>>) target_semaphore(%run_scoped3A : memref<!tpu.dma_semaphore, #tpu.memory_space<semaphore_mem>>)
      %dma_wait3A = arith.constant 0 : i32
      %dma_wait3A_15 = tpu.memref_slice %arg7[%mul3A_6, %dma_wait3A] : memref<10240x64xf32, #tpu.memory_space<vmem_shared>> -> memref<640x64xf32, #tpu.memory_space<vmem_shared>>
      %dma_wait3A_16 = arith.constant 0 : i32
      %dma_wait3A_17 = tpu.memref_slice %arg2[%mul3A_4, %dma_wait3A_16] : memref<10240x64xf32, #tpu.memory_space<hbm>> -> memref<640x64xf32, #tpu.memory_space<hbm>>
      tpu.wait_dma2 semaphore(%run_scoped3A : memref<!tpu.dma_semaphore, #tpu.memory_space<semaphore_mem>>) src(%dma_wait3A_17 : memref<640x64xf32, #tpu.memory_space<hbm>>) dst(%dma_wait3A_15 : memref<640x64xf32, #tpu.memory_space<vmem_shared>>)
      tpu.yield
    }) : () -> ()
    %barrier3A = arith.constant 0 : index
    tpu.barrier barrier_id(%barrier3A)
    %scan3A = arith.constant 0 : i32
    %scan3A_7 = arith.constant 0 : i32
    %scan3A_8 = arith.constant 2 : i32
    %scan3A_9 = arith.addi %scan3A_7, %scan3A_8 : i32
    %scan3A_10 = arith.constant 1 : i32
    scf.for %scan3A_12 = %scan3A_7 to %scan3A_9 step %scan3A_10  : i32 {
      %mul3A_13 = arith.constant 8 : i32
      %mul3A_14 = arith.muli %mul3A_13, %scan3A_12 : i32
      %add3A_15 = arith.constant 0 : i32
      %add3A_16 = arith.addi %mul3A_14, %add3A_15 : i32
      %add3A_17 = arith.constant 0 : i32
      %add3A_18 = arith.addi %add3A_16, %add3A_17 : i32
      %dma_start3A = arith.constant 0 : i32
      %dma_start3A_19 = arith.constant 0 : i32
      %dma_start3A_20 = arith.constant 0 : i32
      %dma_start3A_21 = tpu.memref_slice %arg6[%dma_start3A, %dma_start3A_19, %dma_start3A_20] : memref<2x512x64xf32, #tpu.memory_space<vmem>> -> memref<1x512x64xf32, #tpu.memory_space<vmem>>
      %dma_start3A_22 = tpu.memref_squeeze %dma_start3A_21 : memref<1x512x64xf32, #tpu.memory_space<vmem>> -> memref<512x64xf32, #tpu.memory_space<vmem>>
      %dma_start3A_23 = arith.constant 0 : i32
      %dma_start3A_24 = arith.constant 0 : i32
      %dma_start3A_25 = tpu.memref_slice %dma_start3A_22[%dma_start3A_23, %dma_start3A_24] : memref<512x64xf32, #tpu.memory_space<vmem>> -> memref<128x64xf32, #tpu.memory_space<vmem>>
      %dma_start3A_26 = arith.constant 0 : i32
      %dma_start3A_27 = tpu.memref_slice %arg5[%add3A_18, %dma_start3A_26] : memref<20x128xi32, #tpu.memory_space<vmem>> -> memref<1x128xi32, #tpu.memory_space<vmem>>
      %dma_start3A_28 = tpu.memref_squeeze %dma_start3A_27 : memref<1x128xi32, #tpu.memory_space<vmem>> -> memref<128xi32, #tpu.memory_space<vmem>>
      %dma_start3A_29 = arith.constant 0 : i32
      %dma_start3A_30 = arith.constant 0 : i32
      %dma_start3A_31 = tpu.memref_slice %arg7[%dma_start3A_29, %dma_start3A_30] : memref<10240x64xf32, #tpu.memory_space<vmem_shared>> -> memref<10240x64xf32, #tpu.memory_space<vmem_shared>>
      tpu.enqueue_indirect_dma source(%dma_start3A_31 : memref<10240x64xf32, #tpu.memory_space<vmem_shared>>) target(%dma_start3A_25 : memref<128x64xf32, #tpu.memory_space<vmem>>) offsets(%dma_start3A_28 : memref<128xi32, #tpu.memory_space<vmem>>) semaphore(%arg8 : memref<!tpu.dma_semaphore, #tpu.memory_space<semaphore_mem>>)
      %add3A_32 = arith.constant 0 : i32
      %add3A_33 = arith.addi %mul3A_14, %add3A_32 : i32
      %add3A_34 = arith.constant 1 : i32
      %add3A_35 = arith.addi %add3A_33, %add3A_34 : i32
      %dma_start3A_36 = arith.constant 0 : i32
      %dma_start3A_37 = arith.constant 0 : i32
      %dma_start3A_38 = arith.constant 0 : i32
      %dma_start3A_39 = tpu.memref_slice %arg6[%dma_start3A_36, %dma_start3A_37, %dma_start3A_38] : memref<2x512x64xf32, #tpu.memory_space<vmem>> -> memref<1x512x64xf32, #tpu.memory_space<vmem>>
      %dma_start3A_40 = tpu.memref_squeeze %dma_start3A_39 : memref<1x512x64xf32, #tpu.memory_space<vmem>> -> memref<512x64xf32, #tpu.memory_space<vmem>>
      %dma_start3A_41 = arith.constant 128 : i32
      %dma_start3A_42 = arith.constant 0 : i32
      %dma_start3A_43 = tpu.memref_slice %dma_start3A_40[%dma_start3A_41, %dma_start3A_42] : memref<512x64xf32, #tpu.memory_space<vmem>> -> memref<128x64xf32, #tpu.memory_space<vmem>>
      %dma_start3A_44 = arith.constant 0 : i32
      %dma_start3A_45 = tpu.memref_slice %arg5[%add3A_35, %dma_start3A_44] : memref<20x128xi32, #tpu.memory_space<vmem>> -> memref<1x128xi32, #tpu.memory_space<vmem>>
      %dma_start3A_46 = tpu.memref_squeeze %dma_start3A_45 : memref<1x128xi32, #tpu.memory_space<vmem>> -> memref<128xi32, #tpu.memory_space<vmem>>
      %dma_start3A_47 = arith.constant 0 : i32
      %dma_start3A_48 = arith.constant 0 : i32
      %dma_start3A_49 = tpu.memref_slice %arg7[%dma_start3A_47, %dma_start3A_48] : memref<10240x64xf32, #tpu.memory_space<vmem_shared>> -> memref<10240x64xf32, #tpu.memory_space<vmem_shared>>
      tpu.enqueue_indirect_dma source(%dma_start3A_49 : memref<10240x64xf32, #tpu.memory_space<vmem_shared>>) target(%dma_start3A_43 : memref<128x64xf32, #tpu.memory_space<vmem>>) offsets(%dma_start3A_46 : memref<128xi32, #tpu.memory_space<vmem>>) semaphore(%arg8 : memref<!tpu.dma_semaphore, #tpu.memory_space<semaphore_mem>>)
      %add3A_50 = arith.constant 0 : i32
      %add3A_51 = arith.addi %mul3A_14, %add3A_50 : i32
      %add3A_52 = arith.constant 2 : i32
      %add3A_53 = arith.addi %add3A_51, %add3A_52 : i32
      %dma_start3A_54 = arith.constant 0 : i32
      %dma_start3A_55 = arith.constant 0 : i32
      %dma_start3A_56 = arith.constant 0 : i32
      %dma_start3A_57 = tpu.memref_slice %arg6[%dma_start3A_54, %dma_start3A_55, %dma_start3A_56] : memref<2x512x64xf32, #tpu.memory_space<vmem>> -> memref<1x512x64xf32, #tpu.memory_space<vmem>>
      %dma_start3A_58 = tpu.memref_squeeze %dma_start3A_57 : memref<1x512x64xf32, #tpu.memory_space<vmem>> -> memref<512x64xf32, #tpu.memory_space<vmem>>
      %dma_start3A_59 = arith.constant 256 : i32
      %dma_start3A_60 = arith.constant 0 : i32
      %dma_start3A_61 = tpu.memref_slice %dma_start3A_58[%dma_start3A_59, %dma_start3A_60] : memref<512x64xf32, #tpu.memory_space<vmem>> -> memref<128x64xf32, #tpu.memory_space<vmem>>
      %dma_start3A_62 = arith.constant 0 : i32
      %dma_start3A_63 = tpu.memref_slice %arg5[%add3A_53, %dma_start3A_62] : memref<20x128xi32, #tpu.memory_space<vmem>> -> memref<1x128xi32, #tpu.memory_space<vmem>>
      %dma_start3A_64 = tpu.memref_squeeze %dma_start3A_63 : memref<1x128xi32, #tpu.memory_space<vmem>> -> memref<128xi32, #tpu.memory_space<vmem>>
      %dma_start3A_65 = arith.constant 0 : i32
      %dma_start3A_66 = arith.constant 0 : i32
      %dma_start3A_67 = tpu.memref_slice %arg7[%dma_start3A_65, %dma_start3A_66] : memref<10240x64xf32, #tpu.memory_space<vmem_shared>> -> memref<10240x64xf32, #tpu.memory_space<vmem_shared>>
      tpu.enqueue_indirect_dma source(%dma_start3A_67 : memref<10240x64xf32, #tpu.memory_space<vmem_shared>>) target(%dma_start3A_61 : memref<128x64xf32, #tpu.memory_space<vmem>>) offsets(%dma_start3A_64 : memref<128xi32, #tpu.memory_space<vmem>>) semaphore(%arg8 : memref<!tpu.dma_semaphore, #tpu.memory_space<semaphore_mem>>)
      %add3A_68 = arith.constant 0 : i32
      %add3A_69 = arith.addi %mul3A_14, %add3A_68 : i32
      %add3A_70 = arith.constant 3 : i32
      %add3A_71 = arith.addi %add3A_69, %add3A_70 : i32
      %dma_start3A_72 = arith.constant 0 : i32
      %dma_start3A_73 = arith.constant 0 : i32
      %dma_start3A_74 = arith.constant 0 : i32
      %dma_start3A_75 = tpu.memref_slice %arg6[%dma_start3A_72, %dma_start3A_73, %dma_start3A_74] : memref<2x512x64xf32, #tpu.memory_space<vmem>> -> memref<1x512x64xf32, #tpu.memory_space<vmem>>
      %dma_start3A_76 = tpu.memref_squeeze %dma_start3A_75 : memref<1x512x64xf32, #tpu.memory_space<vmem>> -> memref<512x64xf32, #tpu.memory_space<vmem>>
      %dma_start3A_77 = arith.constant 384 : i32
      %dma_start3A_78 = arith.constant 0 : i32
      %dma_start3A_79 = tpu.memref_slice %dma_start3A_76[%dma_start3A_77, %dma_start3A_78] : memref<512x64xf32, #tpu.memory_space<vmem>> -> memref<128x64xf32, #tpu.memory_space<vmem>>
      %dma_start3A_80 = arith.constant 0 : i32
      %dma_start3A_81 = tpu.memref_slice %arg5[%add3A_71, %dma_start3A_80] : memref<20x128xi32, #tpu.memory_space<vmem>> -> memref<1x128xi32, #tpu.memory_space<vmem>>
      %dma_start3A_82 = tpu.memref_squeeze %dma_start3A_81 : memref<1x128xi32, #tpu.memory_space<vmem>> -> memref<128xi32, #tpu.memory_space<vmem>>
      %dma_start3A_83 = arith.constant 0 : i32
      %dma_start3A_84 = arith.constant 0 : i32
      %dma_start3A_85 = tpu.memref_slice %arg7[%dma_start3A_83, %dma_start3A_84] : memref<10240x64xf32, #tpu.memory_space<vmem_shared>> -> memref<10240x64xf32, #tpu.memory_space<vmem_shared>>
      tpu.enqueue_indirect_dma source(%dma_start3A_85 : memref<10240x64xf32, #tpu.memory_space<vmem_shared>>) target(%dma_start3A_79 : memref<128x64xf32, #tpu.memory_space<vmem>>) offsets(%dma_start3A_82 : memref<128xi32, #tpu.memory_space<vmem>>) semaphore(%arg8 : memref<!tpu.dma_semaphore, #tpu.memory_space<semaphore_mem>>)
      %add3A_86 = arith.constant 4 : i32
      %add3A_87 = arith.addi %mul3A_14, %add3A_86 : i32
      %add3A_88 = arith.constant 0 : i32
      %add3A_89 = arith.addi %add3A_87, %add3A_88 : i32
      %dma_start3A_90 = arith.constant 1 : i32
      %dma_start3A_91 = arith.constant 0 : i32
      %dma_start3A_92 = arith.constant 0 : i32
      %dma_start3A_93 = tpu.memref_slice %arg6[%dma_start3A_90, %dma_start3A_91, %dma_start3A_92] : memref<2x512x64xf32, #tpu.memory_space<vmem>> -> memref<1x512x64xf32, #tpu.memory_space<vmem>>
      %dma_start3A_94 = tpu.memref_squeeze %dma_start3A_93 : memref<1x512x64xf32, #tpu.memory_space<vmem>> -> memref<512x64xf32, #tpu.memory_space<vmem>>
      %dma_start3A_95 = arith.constant 0 : i32
      %dma_start3A_96 = arith.constant 0 : i32
      %dma_start3A_97 = tpu.memref_slice %dma_start3A_94[%dma_start3A_95, %dma_start3A_96] : memref<512x64xf32, #tpu.memory_space<vmem>> -> memref<128x64xf32, #tpu.memory_space<vmem>>
      %dma_start3A_98 = arith.constant 0 : i32
      %dma_start3A_99 = tpu.memref_slice %arg5[%add3A_89, %dma_start3A_98] : memref<20x128xi32, #tpu.memory_space<vmem>> -> memref<1x128xi32, #tpu.memory_space<vmem>>
      %dma_start3A_100 = tpu.memref_squeeze %dma_start3A_99 : memref<1x128xi32, #tpu.memory_space<vmem>> -> memref<128xi32, #tpu.memory_space<vmem>>
      %dma_start3A_101 = arith.constant 0 : i32
      %dma_start3A_102 = arith.constant 0 : i32
      %dma_start3A_103 = tpu.memref_slice %arg7[%dma_start3A_101, %dma_start3A_102] : memref<10240x64xf32, #tpu.memory_space<vmem_shared>> -> memref<10240x64xf32, #tpu.memory_space<vmem_shared>>
      tpu.enqueue_indirect_dma source(%dma_start3A_103 : memref<10240x64xf32, #tpu.memory_space<vmem_shared>>) target(%dma_start3A_97 : memref<128x64xf32, #tpu.memory_space<vmem>>) offsets(%dma_start3A_100 : memref<128xi32, #tpu.memory_space<vmem>>) semaphore(%arg9 : memref<!tpu.dma_semaphore, #tpu.memory_space<semaphore_mem>>)
      %add3A_104 = arith.constant 4 : i32
      %add3A_105 = arith.addi %mul3A_14, %add3A_104 : i32
      %add3A_106 = arith.constant 1 : i32
      %add3A_107 = arith.addi %add3A_105, %add3A_106 : i32
      %dma_start3A_108 = arith.constant 1 : i32
      %dma_start3A_109 = arith.constant 0 : i32
      %dma_start3A_110 = arith.constant 0 : i32
      %dma_start3A_111 = tpu.memref_slice %arg6[%dma_start3A_108, %dma_start3A_109, %dma_start3A_110] : memref<2x512x64xf32, #tpu.memory_space<vmem>> -> memref<1x512x64xf32, #tpu.memory_space<vmem>>
      %dma_start3A_112 = tpu.memref_squeeze %dma_start3A_111 : memref<1x512x64xf32, #tpu.memory_space<vmem>> -> memref<512x64xf32, #tpu.memory_space<vmem>>
      %dma_start3A_113 = arith.constant 128 : i32
      %dma_start3A_114 = arith.constant 0 : i32
      %dma_start3A_115 = tpu.memref_slice %dma_start3A_112[%dma_start3A_113, %dma_start3A_114] : memref<512x64xf32, #tpu.memory_space<vmem>> -> memref<128x64xf32, #tpu.memory_space<vmem>>
      %dma_start3A_116 = arith.constant 0 : i32
      %dma_start3A_117 = tpu.memref_slice %arg5[%add3A_107, %dma_start3A_116] : memref<20x128xi32, #tpu.memory_space<vmem>> -> memref<1x128xi32, #tpu.memory_space<vmem>>
      %dma_start3A_118 = tpu.memref_squeeze %dma_start3A_117 : memref<1x128xi32, #tpu.memory_space<vmem>> -> memref<128xi32, #tpu.memory_space<vmem>>
      %dma_start3A_119 = arith.constant 0 : i32
      %dma_start3A_120 = arith.constant 0 : i32
      %dma_start3A_121 = tpu.memref_slice %arg7[%dma_start3A_119, %dma_start3A_120] : memref<10240x64xf32, #tpu.memory_space<vmem_shared>> -> memref<10240x64xf32, #tpu.memory_space<vmem_shared>>
      tpu.enqueue_indirect_dma source(%dma_start3A_121 : memref<10240x64xf32, #tpu.memory_space<vmem_shared>>) target(%dma_start3A_115 : memref<128x64xf32, #tpu.memory_space<vmem>>) offsets(%dma_start3A_118 : memref<128xi32, #tpu.memory_space<vmem>>) semaphore(%arg9 : memref<!tpu.dma_semaphore, #tpu.memory_space<semaphore_mem>>)
      %add3A_122 = arith.constant 4 : i32
      %add3A_123 = arith.addi %mul3A_14, %add3A_122 : i32
      %add3A_124 = arith.constant 2 : i32
      %add3A_125 = arith.addi %add3A_123, %add3A_124 : i32
      %dma_start3A_126 = arith.constant 1 : i32
      %dma_start3A_127 = arith.constant 0 : i32
      %dma_start3A_128 = arith.constant 0 : i32
      %dma_start3A_129 = tpu.memref_slice %arg6[%dma_start3A_126, %dma_start3A_127, %dma_start3A_128] : memref<2x512x64xf32, #tpu.memory_space<vmem>> -> memref<1x512x64xf32, #tpu.memory_space<vmem>>
      %dma_start3A_130 = tpu.memref_squeeze %dma_start3A_129 : memref<1x512x64xf32, #tpu.memory_space<vmem>> -> memref<512x64xf32, #tpu.memory_space<vmem>>
      %dma_start3A_131 = arith.constant 256 : i32
      %dma_start3A_132 = arith.constant 0 : i32
      %dma_start3A_133 = tpu.memref_slice %dma_start3A_130[%dma_start3A_131, %dma_start3A_132] : memref<512x64xf32, #tpu.memory_space<vmem>> -> memref<128x64xf32, #tpu.memory_space<vmem>>
      %dma_start3A_134 = arith.constant 0 : i32
      %dma_start3A_135 = tpu.memref_slice %arg5[%add3A_125, %dma_start3A_134] : memref<20x128xi32, #tpu.memory_space<vmem>> -> memref<1x128xi32, #tpu.memory_space<vmem>>
      %dma_start3A_136 = tpu.memref_squeeze %dma_start3A_135 : memref<1x128xi32, #tpu.memory_space<vmem>> -> memref<128xi32, #tpu.memory_space<vmem>>
      %dma_start3A_137 = arith.constant 0 : i32
      %dma_start3A_138 = arith.constant 0 : i32
      %dma_start3A_139 = tpu.memref_slice %arg7[%dma_start3A_137, %dma_start3A_138] : memref<10240x64xf32, #tpu.memory_space<vmem_shared>> -> memref<10240x64xf32, #tpu.memory_space<vmem_shared>>
      tpu.enqueue_indirect_dma source(%dma_start3A_139 : memref<10240x64xf32, #tpu.memory_space<vmem_shared>>) target(%dma_start3A_133 : memref<128x64xf32, #tpu.memory_space<vmem>>) offsets(%dma_start3A_136 : memref<128xi32, #tpu.memory_space<vmem>>) semaphore(%arg9 : memref<!tpu.dma_semaphore, #tpu.memory_space<semaphore_mem>>)
      %add3A_140 = arith.constant 4 : i32
      %add3A_141 = arith.addi %mul3A_14, %add3A_140 : i32
      %add3A_142 = arith.constant 3 : i32
      %add3A_143 = arith.addi %add3A_141, %add3A_142 : i32
      %dma_start3A_144 = arith.constant 1 : i32
      %dma_start3A_145 = arith.constant 0 : i32
      %dma_start3A_146 = arith.constant 0 : i32
      %dma_start3A_147 = tpu.memref_slice %arg6[%dma_start3A_144, %dma_start3A_145, %dma_start3A_146] : memref<2x512x64xf32, #tpu.memory_space<vmem>> -> memref<1x512x64xf32, #tpu.memory_space<vmem>>
      %dma_start3A_148 = tpu.memref_squeeze %dma_start3A_147 : memref<1x512x64xf32, #tpu.memory_space<vmem>> -> memref<512x64xf32, #tpu.memory_space<vmem>>
      %dma_start3A_149 = arith.constant 384 : i32
      %dma_start3A_150 = arith.constant 0 : i32
      %dma_start3A_151 = tpu.memref_slice %dma_start3A_148[%dma_start3A_149, %dma_start3A_150] : memref<512x64xf32, #tpu.memory_space<vmem>> -> memref<128x64xf32, #tpu.memory_space<vmem>>
      %dma_start3A_152 = arith.constant 0 : i32
      %dma_start3A_153 = tpu.memref_slice %arg5[%add3A_143, %dma_start3A_152] : memref<20x128xi32, #tpu.memory_space<vmem>> -> memref<1x128xi32, #tpu.memory_space<vmem>>
      %dma_start3A_154 = tpu.memref_squeeze %dma_start3A_153 : memref<1x128xi32, #tpu.memory_space<vmem>> -> memref<128xi32, #tpu.memory_space<vmem>>
      %dma_start3A_155 = arith.constant 0 : i32
      %dma_start3A_156 = arith.constant 0 : i32
      %dma_start3A_157 = tpu.memref_slice %arg7[%dma_start3A_155, %dma_start3A_156] : memref<10240x64xf32, #tpu.memory_space<vmem_shared>> -> memref<10240x64xf32, #tpu.memory_space<vmem_shared>>
      tpu.enqueue_indirect_dma source(%dma_start3A_157 : memref<10240x64xf32, #tpu.memory_space<vmem_shared>>) target(%dma_start3A_151 : memref<128x64xf32, #tpu.memory_space<vmem>>) offsets(%dma_start3A_154 : memref<128xi32, #tpu.memory_space<vmem>>) semaphore(%arg9 : memref<!tpu.dma_semaphore, #tpu.memory_space<semaphore_mem>>)
      %dma_wait3A = arith.constant 0 : i32
      %dma_wait3A_158 = arith.constant 0 : i32
      %dma_wait3A_159 = arith.constant 0 : i32
      %dma_wait3A_160 = tpu.memref_slice %arg6[%dma_wait3A, %dma_wait3A_158, %dma_wait3A_159] : memref<2x512x64xf32, #tpu.memory_space<vmem>> -> memref<1x512x64xf32, #tpu.memory_space<vmem>>
      %dma_wait3A_161 = tpu.memref_squeeze %dma_wait3A_160 : memref<1x512x64xf32, #tpu.memory_space<vmem>> -> memref<512x64xf32, #tpu.memory_space<vmem>>
      %dma_wait3A_162 = arith.constant 0 : i32
      %dma_wait3A_163 = arith.constant 0 : i32
      %dma_wait3A_164 = tpu.memref_slice %dma_wait3A_161[%dma_wait3A_162, %dma_wait3A_163] : memref<512x64xf32, #tpu.memory_space<vmem>> -> memref<128x64xf32, #tpu.memory_space<vmem>>
      %dma_wait3A_165 = arith.constant 0 : i32
      %dma_wait3A_166 = tpu.memref_slice %arg5[%add3A_18, %dma_wait3A_165] : memref<20x128xi32, #tpu.memory_space<vmem>> -> memref<1x128xi32, #tpu.memory_space<vmem>>
      %dma_wait3A_167 = tpu.memref_squeeze %dma_wait3A_166 : memref<1x128xi32, #tpu.memory_space<vmem>> -> memref<128xi32, #tpu.memory_space<vmem>>
      %dma_wait3A_168 = arith.constant 0 : i32
      %dma_wait3A_169 = arith.constant 0 : i32
      %dma_wait3A_170 = tpu.memref_slice %arg7[%dma_wait3A_168, %dma_wait3A_169] : memref<10240x64xf32, #tpu.memory_space<vmem_shared>> -> memref<10240x64xf32, #tpu.memory_space<vmem_shared>>
      tpu.wait_indirect_dma semaphore(%arg8 : memref<!tpu.dma_semaphore, #tpu.memory_space<semaphore_mem>>) src(%dma_wait3A_170 : memref<10240x64xf32, #tpu.memory_space<vmem_shared>>) dst(%dma_wait3A_164 : memref<128x64xf32, #tpu.memory_space<vmem>>)
      %dma_wait3A_171 = arith.constant 0 : i32
      %dma_wait3A_172 = arith.constant 0 : i32
      %dma_wait3A_173 = arith.constant 0 : i32
      %dma_wait3A_174 = tpu.memref_slice %arg6[%dma_wait3A_171, %dma_wait3A_172, %dma_wait3A_173] : memref<2x512x64xf32, #tpu.memory_space<vmem>> -> memref<1x512x64xf32, #tpu.memory_space<vmem>>
      %dma_wait3A_175 = tpu.memref_squeeze %dma_wait3A_174 : memref<1x512x64xf32, #tpu.memory_space<vmem>> -> memref<512x64xf32, #tpu.memory_space<vmem>>
      %dma_wait3A_176 = arith.constant 128 : i32
      %dma_wait3A_177 = arith.constant 0 : i32
      %dma_wait3A_178 = tpu.memref_slice %dma_wait3A_175[%dma_wait3A_176, %dma_wait3A_177] : memref<512x64xf32, #tpu.memory_space<vmem>> -> memref<128x64xf32, #tpu.memory_space<vmem>>
      %dma_wait3A_179 = arith.constant 0 : i32
      %dma_wait3A_180 = tpu.memref_slice %arg5[%add3A_35, %dma_wait3A_179] : memref<20x128xi32, #tpu.memory_space<vmem>> -> memref<1x128xi32, #tpu.memory_space<vmem>>
      %dma_wait3A_181 = tpu.memref_squeeze %dma_wait3A_180 : memref<1x128xi32, #tpu.memory_space<vmem>> -> memref<128xi32, #tpu.memory_space<vmem>>
      %dma_wait3A_182 = arith.constant 0 : i32
      %dma_wait3A_183 = arith.constant 0 : i32
      %dma_wait3A_184 = tpu.memref_slice %arg7[%dma_wait3A_182, %dma_wait3A_183] : memref<10240x64xf32, #tpu.memory_space<vmem_shared>> -> memref<10240x64xf32, #tpu.memory_space<vmem_shared>>
      tpu.wait_indirect_dma semaphore(%arg8 : memref<!tpu.dma_semaphore, #tpu.memory_space<semaphore_mem>>) src(%dma_wait3A_184 : memref<10240x64xf32, #tpu.memory_space<vmem_shared>>) dst(%dma_wait3A_178 : memref<128x64xf32, #tpu.memory_space<vmem>>)
      %dma_wait3A_185 = arith.constant 0 : i32
      %dma_wait3A_186 = arith.constant 0 : i32
      %dma_wait3A_187 = arith.constant 0 : i32
      %dma_wait3A_188 = tpu.memref_slice %arg6[%dma_wait3A_185, %dma_wait3A_186, %dma_wait3A_187] : memref<2x512x64xf32, #tpu.memory_space<vmem>> -> memref<1x512x64xf32, #tpu.memory_space<vmem>>
      %dma_wait3A_189 = tpu.memref_squeeze %dma_wait3A_188 : memref<1x512x64xf32, #tpu.memory_space<vmem>> -> memref<512x64xf32, #tpu.memory_space<vmem>>
      %dma_wait3A_190 = arith.constant 256 : i32
      %dma_wait3A_191 = arith.constant 0 : i32
      %dma_wait3A_192 = tpu.memref_slice %dma_wait3A_189[%dma_wait3A_190, %dma_wait3A_191] : memref<512x64xf32, #tpu.memory_space<vmem>> -> memref<128x64xf32, #tpu.memory_space<vmem>>
      %dma_wait3A_193 = arith.constant 0 : i32
      %dma_wait3A_194 = tpu.memref_slice %arg5[%add3A_53, %dma_wait3A_193] : memref<20x128xi32, #tpu.memory_space<vmem>> -> memref<1x128xi32, #tpu.memory_space<vmem>>
      %dma_wait3A_195 = tpu.memref_squeeze %dma_wait3A_194 : memref<1x128xi32, #tpu.memory_space<vmem>> -> memref<128xi32, #tpu.memory_space<vmem>>
      %dma_wait3A_196 = arith.constant 0 : i32
      %dma_wait3A_197 = arith.constant 0 : i32
      %dma_wait3A_198 = tpu.memref_slice %arg7[%dma_wait3A_196, %dma_wait3A_197] : memref<10240x64xf32, #tpu.memory_space<vmem_shared>> -> memref<10240x64xf32, #tpu.memory_space<vmem_shared>>
      tpu.wait_indirect_dma semaphore(%arg8 : memref<!tpu.dma_semaphore, #tpu.memory_space<semaphore_mem>>) src(%dma_wait3A_198 : memref<10240x64xf32, #tpu.memory_space<vmem_shared>>) dst(%dma_wait3A_192 : memref<128x64xf32, #tpu.memory_space<vmem>>)
      %dma_wait3A_199 = arith.constant 0 : i32
      %dma_wait3A_200 = arith.constant 0 : i32
      %dma_wait3A_201 = arith.constant 0 : i32
      %dma_wait3A_202 = tpu.memref_slice %arg6[%dma_wait3A_199, %dma_wait3A_200, %dma_wait3A_201] : memref<2x512x64xf32, #tpu.memory_space<vmem>> -> memref<1x512x64xf32, #tpu.memory_space<vmem>>
      %dma_wait3A_203 = tpu.memref_squeeze %dma_wait3A_202 : memref<1x512x64xf32, #tpu.memory_space<vmem>> -> memref<512x64xf32, #tpu.memory_space<vmem>>
      %dma_wait3A_204 = arith.constant 384 : i32
      %dma_wait3A_205 = arith.constant 0 : i32
      %dma_wait3A_206 = tpu.memref_slice %dma_wait3A_203[%dma_wait3A_204, %dma_wait3A_205] : memref<512x64xf32, #tpu.memory_space<vmem>> -> memref<128x64xf32, #tpu.memory_space<vmem>>
      %dma_wait3A_207 = arith.constant 0 : i32
      %dma_wait3A_208 = tpu.memref_slice %arg5[%add3A_71, %dma_wait3A_207] : memref<20x128xi32, #tpu.memory_space<vmem>> -> memref<1x128xi32, #tpu.memory_space<vmem>>
      %dma_wait3A_209 = tpu.memref_squeeze %dma_wait3A_208 : memref<1x128xi32, #tpu.memory_space<vmem>> -> memref<128xi32, #tpu.memory_space<vmem>>
      %dma_wait3A_210 = arith.constant 0 : i32
      %dma_wait3A_211 = arith.constant 0 : i32
      %dma_wait3A_212 = tpu.memref_slice %arg7[%dma_wait3A_210, %dma_wait3A_211] : memref<10240x64xf32, #tpu.memory_space<vmem_shared>> -> memref<10240x64xf32, #tpu.memory_space<vmem_shared>>
      tpu.wait_indirect_dma semaphore(%arg8 : memref<!tpu.dma_semaphore, #tpu.memory_space<semaphore_mem>>) src(%dma_wait3A_212 : memref<10240x64xf32, #tpu.memory_space<vmem_shared>>) dst(%dma_wait3A_206 : memref<128x64xf32, #tpu.memory_space<vmem>>)
      %add3A_213 = arith.addi %mul3A_2, %mul3A_14 : i32
      %add3A_214 = arith.constant 0 : i32
      %add3A_215 = arith.addi %add3A_213, %add3A_214 : i32
      %mul3A_216 = arith.constant 128 : i32
      %mul3A_217 = arith.muli %add3A_215, %mul3A_216 : i32
      %dma_start3A_218 = arith.constant 0 : i32
      %dma_start3A_219 = arith.constant 0 : i32
      %dma_start3A_220 = arith.constant 0 : i32
      %dma_start3A_221 = tpu.memref_slice %arg6[%dma_start3A_218, %dma_start3A_219, %dma_start3A_220] : memref<2x512x64xf32, #tpu.memory_space<vmem>> -> memref<1x512x64xf32, #tpu.memory_space<vmem>>
      %dma_start3A_222 = tpu.memref_squeeze %dma_start3A_221 : memref<1x512x64xf32, #tpu.memory_space<vmem>> -> memref<512x64xf32, #tpu.memory_space<vmem>>
      %dma_start3A_223 = arith.constant 0 : i32
      %dma_start3A_224 = tpu.memref_slice %arg4[%mul3A_217, %dma_start3A_223] : memref<81920x64xf32, #tpu.memory_space<hbm>> -> memref<512x64xf32, #tpu.memory_space<hbm>>
      %dma_start3A_225 = arith.constant 0 : i32
      %dma_start3A_226 = tpu.memref_slice %arg4[%mul3A_217, %dma_start3A_225] : memref<81920x64xf32, #tpu.memory_space<hbm>> -> memref<512x64xf32, #tpu.memory_space<hbm>>
      %dma_start3A_227 = arith.constant 0 : i32
      %dma_start3A_228 = arith.constant 0 : i32
      %dma_start3A_229 = tpu.memref_slice %arg6[%dma_start3A_218, %dma_start3A_227, %dma_start3A_228] : memref<2x512x64xf32, #tpu.memory_space<vmem>> -> memref<1x512x64xf32, #tpu.memory_space<vmem>>
      %dma_start3A_230 = tpu.memref_squeeze %dma_start3A_229 : memref<1x512x64xf32, #tpu.memory_space<vmem>> -> memref<512x64xf32, #tpu.memory_space<vmem>>
      tpu.enqueue_dma source(%dma_start3A_230 : memref<512x64xf32, #tpu.memory_space<vmem>>) target(%dma_start3A_226 : memref<512x64xf32, #tpu.memory_space<hbm>>) target_semaphore(%arg10 : memref<!tpu.dma_semaphore, #tpu.memory_space<semaphore_mem>>)
      %dma_wait3A_231 = arith.constant 1 : i32
      %dma_wait3A_232 = arith.constant 0 : i32
      %dma_wait3A_233 = arith.constant 0 : i32
      %dma_wait3A_234 = tpu.memref_slice %arg6[%dma_wait3A_231, %dma_wait3A_232, %dma_wait3A_233] : memref<2x512x64xf32, #tpu.memory_space<vmem>> -> memref<1x512x64xf32, #tpu.memory_space<vmem>>
      %dma_wait3A_235 = tpu.memref_squeeze %dma_wait3A_234 : memref<1x512x64xf32, #tpu.memory_space<vmem>> -> memref<512x64xf32, #tpu.memory_space<vmem>>
      %dma_wait3A_236 = arith.constant 0 : i32
      %dma_wait3A_237 = arith.constant 0 : i32
      %dma_wait3A_238 = tpu.memref_slice %dma_wait3A_235[%dma_wait3A_236, %dma_wait3A_237] : memref<512x64xf32, #tpu.memory_space<vmem>> -> memref<128x64xf32, #tpu.memory_space<vmem>>
      %dma_wait3A_239 = arith.constant 0 : i32
      %dma_wait3A_240 = tpu.memref_slice %arg5[%add3A_89, %dma_wait3A_239] : memref<20x128xi32, #tpu.memory_space<vmem>> -> memref<1x128xi32, #tpu.memory_space<vmem>>
      %dma_wait3A_241 = tpu.memref_squeeze %dma_wait3A_240 : memref<1x128xi32, #tpu.memory_space<vmem>> -> memref<128xi32, #tpu.memory_space<vmem>>
      %dma_wait3A_242 = arith.constant 0 : i32
      %dma_wait3A_243 = arith.constant 0 : i32
      %dma_wait3A_244 = tpu.memref_slice %arg7[%dma_wait3A_242, %dma_wait3A_243] : memref<10240x64xf32, #tpu.memory_space<vmem_shared>> -> memref<10240x64xf32, #tpu.memory_space<vmem_shared>>
      tpu.wait_indirect_dma semaphore(%arg9 : memref<!tpu.dma_semaphore, #tpu.memory_space<semaphore_mem>>) src(%dma_wait3A_244 : memref<10240x64xf32, #tpu.memory_space<vmem_shared>>) dst(%dma_wait3A_238 : memref<128x64xf32, #tpu.memory_space<vmem>>)
      %dma_wait3A_245 = arith.constant 1 : i32
      %dma_wait3A_246 = arith.constant 0 : i32
      %dma_wait3A_247 = arith.constant 0 : i32
      %dma_wait3A_248 = tpu.memref_slice %arg6[%dma_wait3A_245, %dma_wait3A_246, %dma_wait3A_247] : memref<2x512x64xf32, #tpu.memory_space<vmem>> -> memref<1x512x64xf32, #tpu.memory_space<vmem>>
      %dma_wait3A_249 = tpu.memref_squeeze %dma_wait3A_248 : memref<1x512x64xf32, #tpu.memory_space<vmem>> -> memref<512x64xf32, #tpu.memory_space<vmem>>
      %dma_wait3A_250 = arith.constant 128 : i32
      %dma_wait3A_251 = arith.constant 0 : i32
      %dma_wait3A_252 = tpu.memref_slice %dma_wait3A_249[%dma_wait3A_250, %dma_wait3A_251] : memref<512x64xf32, #tpu.memory_space<vmem>> -> memref<128x64xf32, #tpu.memory_space<vmem>>
      %dma_wait3A_253 = arith.constant 0 : i32
      %dma_wait3A_254 = tpu.memref_slice %arg5[%add3A_107, %dma_wait3A_253] : memref<20x128xi32, #tpu.memory_space<vmem>> -> memref<1x128xi32, #tpu.memory_space<vmem>>
      %dma_wait3A_255 = tpu.memref_squeeze %dma_wait3A_254 : memref<1x128xi32, #tpu.memory_space<vmem>> -> memref<128xi32, #tpu.memory_space<vmem>>
      %dma_wait3A_256 = arith.constant 0 : i32
      %dma_wait3A_257 = arith.constant 0 : i32
      %dma_wait3A_258 = tpu.memref_slice %arg7[%dma_wait3A_256, %dma_wait3A_257] : memref<10240x64xf32, #tpu.memory_space<vmem_shared>> -> memref<10240x64xf32, #tpu.memory_space<vmem_shared>>
      tpu.wait_indirect_dma semaphore(%arg9 : memref<!tpu.dma_semaphore, #tpu.memory_space<semaphore_mem>>) src(%dma_wait3A_258 : memref<10240x64xf32, #tpu.memory_space<vmem_shared>>) dst(%dma_wait3A_252 : memref<128x64xf32, #tpu.memory_space<vmem>>)
      %dma_wait3A_259 = arith.constant 1 : i32
      %dma_wait3A_260 = arith.constant 0 : i32
      %dma_wait3A_261 = arith.constant 0 : i32
      %dma_wait3A_262 = tpu.memref_slice %arg6[%dma_wait3A_259, %dma_wait3A_260, %dma_wait3A_261] : memref<2x512x64xf32, #tpu.memory_space<vmem>> -> memref<1x512x64xf32, #tpu.memory_space<vmem>>
      %dma_wait3A_263 = tpu.memref_squeeze %dma_wait3A_262 : memref<1x512x64xf32, #tpu.memory_space<vmem>> -> memref<512x64xf32, #tpu.memory_space<vmem>>
      %dma_wait3A_264 = arith.constant 256 : i32
      %dma_wait3A_265 = arith.constant 0 : i32
      %dma_wait3A_266 = tpu.memref_slice %dma_wait3A_263[%dma_wait3A_264, %dma_wait3A_265] : memref<512x64xf32, #tpu.memory_space<vmem>> -> memref<128x64xf32, #tpu.memory_space<vmem>>
      %dma_wait3A_267 = arith.constant 0 : i32
      %dma_wait3A_268 = tpu.memref_slice %arg5[%add3A_125, %dma_wait3A_267] : memref<20x128xi32, #tpu.memory_space<vmem>> -> memref<1x128xi32, #tpu.memory_space<vmem>>
      %dma_wait3A_269 = tpu.memref_squeeze %dma_wait3A_268 : memref<1x128xi32, #tpu.memory_space<vmem>> -> memref<128xi32, #tpu.memory_space<vmem>>
      %dma_wait3A_270 = arith.constant 0 : i32
      %dma_wait3A_271 = arith.constant 0 : i32
      %dma_wait3A_272 = tpu.memref_slice %arg7[%dma_wait3A_270, %dma_wait3A_271] : memref<10240x64xf32, #tpu.memory_space<vmem_shared>> -> memref<10240x64xf32, #tpu.memory_space<vmem_shared>>
      tpu.wait_indirect_dma semaphore(%arg9 : memref<!tpu.dma_semaphore, #tpu.memory_space<semaphore_mem>>) src(%dma_wait3A_272 : memref<10240x64xf32, #tpu.memory_space<vmem_shared>>) dst(%dma_wait3A_266 : memref<128x64xf32, #tpu.memory_space<vmem>>)
      %dma_wait3A_273 = arith.constant 1 : i32
      %dma_wait3A_274 = arith.constant 0 : i32
      %dma_wait3A_275 = arith.constant 0 : i32
      %dma_wait3A_276 = tpu.memref_slice %arg6[%dma_wait3A_273, %dma_wait3A_274, %dma_wait3A_275] : memref<2x512x64xf32, #tpu.memory_space<vmem>> -> memref<1x512x64xf32, #tpu.memory_space<vmem>>
      %dma_wait3A_277 = tpu.memref_squeeze %dma_wait3A_276 : memref<1x512x64xf32, #tpu.memory_space<vmem>> -> memref<512x64xf32, #tpu.memory_space<vmem>>
      %dma_wait3A_278 = arith.constant 384 : i32
      %dma_wait3A_279 = arith.constant 0 : i32
      %dma_wait3A_280 = tpu.memref_slice %dma_wait3A_277[%dma_wait3A_278, %dma_wait3A_279] : memref<512x64xf32, #tpu.memory_space<vmem>> -> memref<128x64xf32, #tpu.memory_space<vmem>>
      %dma_wait3A_281 = arith.constant 0 : i32
      %dma_wait3A_282 = tpu.memref_slice %arg5[%add3A_143, %dma_wait3A_281] : memref<20x128xi32, #tpu.memory_space<vmem>> -> memref<1x128xi32, #tpu.memory_space<vmem>>
      %dma_wait3A_283 = tpu.memref_squeeze %dma_wait3A_282 : memref<1x128xi32, #tpu.memory_space<vmem>> -> memref<128xi32, #tpu.memory_space<vmem>>
      %dma_wait3A_284 = arith.constant 0 : i32
      %dma_wait3A_285 = arith.constant 0 : i32
      %dma_wait3A_286 = tpu.memref_slice %arg7[%dma_wait3A_284, %dma_wait3A_285] : memref<10240x64xf32, #tpu.memory_space<vmem_shared>> -> memref<10240x64xf32, #tpu.memory_space<vmem_shared>>
      tpu.wait_indirect_dma semaphore(%arg9 : memref<!tpu.dma_semaphore, #tpu.memory_space<semaphore_mem>>) src(%dma_wait3A_286 : memref<10240x64xf32, #tpu.memory_space<vmem_shared>>) dst(%dma_wait3A_280 : memref<128x64xf32, #tpu.memory_space<vmem>>)
      %add3A_287 = arith.addi %mul3A_2, %mul3A_14 : i32
      %add3A_288 = arith.constant 4 : i32
      %add3A_289 = arith.addi %add3A_287, %add3A_288 : i32
      %mul3A_290 = arith.constant 128 : i32
      %mul3A_291 = arith.muli %add3A_289, %mul3A_290 : i32
      %dma_start3A_292 = arith.constant 1 : i32
      %dma_start3A_293 = arith.constant 0 : i32
      %dma_start3A_294 = arith.constant 0 : i32
      %dma_start3A_295 = tpu.memref_slice %arg6[%dma_start3A_292, %dma_start3A_293, %dma_start3A_294] : memref<2x512x64xf32, #tpu.memory_space<vmem>> -> memref<1x512x64xf32, #tpu.memory_space<vmem>>
      %dma_start3A_296 = tpu.memref_squeeze %dma_start3A_295 : memref<1x512x64xf32, #tpu.memory_space<vmem>> -> memref<512x64xf32, #tpu.memory_space<vmem>>
      %dma_start3A_297 = arith.constant 0 : i32
      %dma_start3A_298 = tpu.memref_slice %arg4[%mul3A_291, %dma_start3A_297] : memref<81920x64xf32, #tpu.memory_space<hbm>> -> memref<512x64xf32, #tpu.memory_space<hbm>>
      %dma_start3A_299 = arith.constant 0 : i32
      %dma_start3A_300 = tpu.memref_slice %arg4[%mul3A_291, %dma_start3A_299] : memref<81920x64xf32, #tpu.memory_space<hbm>> -> memref<512x64xf32, #tpu.memory_space<hbm>>
      %dma_start3A_301 = arith.constant 0 : i32
      %dma_start3A_302 = arith.constant 0 : i32
      %dma_start3A_303 = tpu.memref_slice %arg6[%dma_start3A_292, %dma_start3A_301, %dma_start3A_302] : memref<2x512x64xf32, #tpu.memory_space<vmem>> -> memref<1x512x64xf32, #tpu.memory_space<vmem>>
      %dma_start3A_304 = tpu.memref_squeeze %dma_start3A_303 : memref<1x512x64xf32, #tpu.memory_space<vmem>> -> memref<512x64xf32, #tpu.memory_space<vmem>>
      tpu.enqueue_dma source(%dma_start3A_304 : memref<512x64xf32, #tpu.memory_space<vmem>>) target(%dma_start3A_300 : memref<512x64xf32, #tpu.memory_space<hbm>>) target_semaphore(%arg11 : memref<!tpu.dma_semaphore, #tpu.memory_space<semaphore_mem>>)
      %dma_wait3A_305 = arith.constant 0 : i32
      %dma_wait3A_306 = arith.constant 0 : i32
      %dma_wait3A_307 = arith.constant 0 : i32
      %dma_wait3A_308 = tpu.memref_slice %arg6[%dma_wait3A_305, %dma_wait3A_306, %dma_wait3A_307] : memref<2x512x64xf32, #tpu.memory_space<vmem>> -> memref<1x512x64xf32, #tpu.memory_space<vmem>>
      %dma_wait3A_309 = tpu.memref_squeeze %dma_wait3A_308 : memref<1x512x64xf32, #tpu.memory_space<vmem>> -> memref<512x64xf32, #tpu.memory_space<vmem>>
      %dma_wait3A_310 = arith.constant 0 : i32
      %dma_wait3A_311 = tpu.memref_slice %arg4[%mul3A_217, %dma_wait3A_310] : memref<81920x64xf32, #tpu.memory_space<hbm>> -> memref<512x64xf32, #tpu.memory_space<hbm>>
      %dma_wait3A_312 = arith.constant 0 : i32
      %dma_wait3A_313 = tpu.memref_slice %arg4[%mul3A_217, %dma_wait3A_312] : memref<81920x64xf32, #tpu.memory_space<hbm>> -> memref<512x64xf32, #tpu.memory_space<hbm>>
      %dma_wait3A_314 = arith.constant 0 : i32
      %dma_wait3A_315 = arith.constant 0 : i32
      %dma_wait3A_316 = tpu.memref_slice %arg6[%dma_wait3A_305, %dma_wait3A_314, %dma_wait3A_315] : memref<2x512x64xf32, #tpu.memory_space<vmem>> -> memref<1x512x64xf32, #tpu.memory_space<vmem>>
      %dma_wait3A_317 = tpu.memref_squeeze %dma_wait3A_316 : memref<1x512x64xf32, #tpu.memory_space<vmem>> -> memref<512x64xf32, #tpu.memory_space<vmem>>
      tpu.wait_dma2 semaphore(%arg10 : memref<!tpu.dma_semaphore, #tpu.memory_space<semaphore_mem>>) src(%dma_wait3A_317 : memref<512x64xf32, #tpu.memory_space<vmem>>) dst(%dma_wait3A_313 : memref<512x64xf32, #tpu.memory_space<hbm>>)
      %dma_wait3A_318 = arith.constant 1 : i32
      %dma_wait3A_319 = arith.constant 0 : i32
      %dma_wait3A_320 = arith.constant 0 : i32
      %dma_wait3A_321 = tpu.memref_slice %arg6[%dma_wait3A_318, %dma_wait3A_319, %dma_wait3A_320] : memref<2x512x64xf32, #tpu.memory_space<vmem>> -> memref<1x512x64xf32, #tpu.memory_space<vmem>>
      %dma_wait3A_322 = tpu.memref_squeeze %dma_wait3A_321 : memref<1x512x64xf32, #tpu.memory_space<vmem>> -> memref<512x64xf32, #tpu.memory_space<vmem>>
      %dma_wait3A_323 = arith.constant 0 : i32
      %dma_wait3A_324 = tpu.memref_slice %arg4[%mul3A_291, %dma_wait3A_323] : memref<81920x64xf32, #tpu.memory_space<hbm>> -> memref<512x64xf32, #tpu.memory_space<hbm>>
      %dma_wait3A_325 = arith.constant 0 : i32
      %dma_wait3A_326 = tpu.memref_slice %arg4[%mul3A_291, %dma_wait3A_325] : memref<81920x64xf32, #tpu.memory_space<hbm>> -> memref<512x64xf32, #tpu.memory_space<hbm>>
      %dma_wait3A_327 = arith.constant 0 : i32
      %dma_wait3A_328 = arith.constant 0 : i32
      %dma_wait3A_329 = tpu.memref_slice %arg6[%dma_wait3A_318, %dma_wait3A_327, %dma_wait3A_328] : memref<2x512x64xf32, #tpu.memory_space<vmem>> -> memref<1x512x64xf32, #tpu.memory_space<vmem>>
      %dma_wait3A_330 = tpu.memref_squeeze %dma_wait3A_329 : memref<1x512x64xf32, #tpu.memory_space<vmem>> -> memref<512x64xf32, #tpu.memory_space<vmem>>
      tpu.wait_dma2 semaphore(%arg11 : memref<!tpu.dma_semaphore, #tpu.memory_space<semaphore_mem>>) src(%dma_wait3A_330 : memref<512x64xf32, #tpu.memory_space<vmem>>) dst(%dma_wait3A_326 : memref<512x64xf32, #tpu.memory_space<hbm>>)
    }
    %scan3A_11 = arith.constant 2 : i32
    return
  }
}

#map = affine_map<(d0, d1) -> (0, 0)>
module attributes {stable_mosaic.version = 14 : i64} {
  func.func @k(%arg0: i32, %arg1: i32, %arg2: memref<10240x64xf32, #tpu.memory_space<hbm>>, %arg3: memref<640x128xi32, #tpu.memory_space<hbm>>, %arg4: memref<81920x64xf32, #tpu.memory_space<hbm>>, %arg5: memref<20x128xi32, #tpu.memory_space<vmem>>, %arg6: memref<2x512x64xf32, #tpu.memory_space<vmem>>, %arg7: memref<10240x64xf32, #tpu.memory_space<vmem_shared>>, %arg8: memref<!tpu.dma_semaphore, #tpu.memory_space<semaphore_mem>>, %arg9: memref<!tpu.dma_semaphore, #tpu.memory_space<semaphore_mem>>, %arg10: memref<!tpu.dma_semaphore, #tpu.memory_space<semaphore_mem>>, %arg11: memref<!tpu.dma_semaphore, #tpu.memory_space<semaphore_mem>>) attributes {dimension_semantics = [#tpu.dimension_semantics<core_parallel>, #tpu.dimension_semantics<subcore_parallel>], iteration_bounds = array<i64: 2, 16>, scalar_prefetch = 0 : i64, scratch_operands = 7 : i64, tpu.core_type = #tpu.core_type<sc_vector_subcore>, window_params = [{transform_indices = #map}, {transform_indices = #map}, {transform_indices = #map}]} {
    %mul3A = arith.constant 2 : i32
    %mul3A_0 = arith.muli %arg1, %mul3A : i32
    %add3A = arith.addi %mul3A_0, %arg0 : i32
    %mul3A_1 = arith.constant 20 : i32
    %mul3A_2 = arith.muli %add3A, %mul3A_1 : i32
    "tpu.region"() ({
      %run_scoped3A = tpu.sem_alloc : memref<!tpu.dma_semaphore, #tpu.memory_space<semaphore_mem>>
      %dma_start3A = arith.constant 0 : i32
      %dma_start3A_12 = tpu.memref_slice %arg3[%mul3A_2, %dma_start3A] : memref<640x128xi32, #tpu.memory_space<hbm>> -> memref<20x128xi32, #tpu.memory_space<hbm>>
      %dma_start3A_13 = arith.constant 0 : i32
      %dma_start3A_14 = tpu.memref_slice %arg3[%mul3A_2, %dma_start3A_13] : memref<640x128xi32, #tpu.memory_space<hbm>> -> memref<20x128xi32, #tpu.memory_space<hbm>>
      tpu.enqueue_dma source(%dma_start3A_14 : memref<20x128xi32, #tpu.memory_space<hbm>>) target(%arg5 : memref<20x128xi32, #tpu.memory_space<vmem>>) target_semaphore(%run_scoped3A : memref<!tpu.dma_semaphore, #tpu.memory_space<semaphore_mem>>)
      %dma_wait3A = arith.constant 0 : i32
      %dma_wait3A_15 = tpu.memref_slice %arg3[%mul3A_2, %dma_wait3A] : memref<640x128xi32, #tpu.memory_space<hbm>> -> memref<20x128xi32, #tpu.memory_space<hbm>>
      %dma_wait3A_16 = arith.constant 0 : i32
      %dma_wait3A_17 = tpu.memref_slice %arg3[%mul3A_2, %dma_wait3A_16] : memref<640x128xi32, #tpu.memory_space<hbm>> -> memref<20x128xi32, #tpu.memory_space<hbm>>
      tpu.wait_dma2 semaphore(%run_scoped3A : memref<!tpu.dma_semaphore, #tpu.memory_space<semaphore_mem>>) src(%dma_wait3A_17 : memref<20x128xi32, #tpu.memory_space<hbm>>) dst(%arg5 : memref<20x128xi32, #tpu.memory_space<vmem>>)
      tpu.yield
    }) : () -> ()
    %mul3A_3 = arith.constant 640 : i32
    %mul3A_4 = arith.muli %arg1, %mul3A_3 : i32
    %mul3A_5 = arith.constant 640 : i32
    %mul3A_6 = arith.muli %arg1, %mul3A_5 : i32
    "tpu.region"() ({
      %run_scoped3A = tpu.sem_alloc : memref<!tpu.dma_semaphore, #tpu.memory_space<semaphore_mem>>
      %dma_start3A = arith.constant 0 : i32
      %dma_start3A_12 = tpu.memref_slice %arg7[%mul3A_6, %dma_start3A] : memref<10240x64xf32, #tpu.memory_space<vmem_shared>> -> memref<640x64xf32, #tpu.memory_space<vmem_shared>>
      %dma_start3A_13 = arith.constant 0 : i32
      %dma_start3A_14 = tpu.memref_slice %arg2[%mul3A_4, %dma_start3A_13] : memref<10240x64xf32, #tpu.memory_space<hbm>> -> memref<640x64xf32, #tpu.memory_space<hbm>>
      tpu.enqueue_dma source(%dma_start3A_14 : memref<640x64xf32, #tpu.memory_space<hbm>>) target(%dma_start3A_12 : memref<640x64xf32, #tpu.memory_space<vmem_shared>>) target_semaphore(%run_scoped3A : memref<!tpu.dma_semaphore, #tpu.memory_space<semaphore_mem>>)
      %dma_wait3A = arith.constant 0 : i32
      %dma_wait3A_15 = tpu.memref_slice %arg7[%mul3A_6, %dma_wait3A] : memref<10240x64xf32, #tpu.memory_space<vmem_shared>> -> memref<640x64xf32, #tpu.memory_space<vmem_shared>>
      %dma_wait3A_16 = arith.constant 0 : i32
      %dma_wait3A_17 = tpu.memref_slice %arg2[%mul3A_4, %dma_wait3A_16] : memref<10240x64xf32, #tpu.memory_space<hbm>> -> memref<640x64xf32, #tpu.memory_space<hbm>>
      tpu.wait_dma2 semaphore(%run_scoped3A : memref<!tpu.dma_semaphore, #tpu.memory_space<semaphore_mem>>) src(%dma_wait3A_17 : memref<640x64xf32, #tpu.memory_space<hbm>>) dst(%dma_wait3A_15 : memref<640x64xf32, #tpu.memory_space<vmem_shared>>)
      tpu.yield
    }) : () -> ()
    %barrier3A = arith.constant 0 : index
    tpu.barrier barrier_id(%barrier3A)
    %scan3A = arith.constant 0 : i32
    %scan3A_7 = arith.constant 0 : i32
    %scan3A_8 = arith.constant 2 : i32
    %scan3A_9 = arith.addi %scan3A_7, %scan3A_8 : i32
    %scan3A_10 = arith.constant 1 : i32
    scf.for %scan3A_12 = %scan3A_7 to %scan3A_9 step %scan3A_10  : i32 {
      %mul3A_13 = arith.constant 8 : i32
      %mul3A_14 = arith.muli %mul3A_13, %scan3A_12 : i32
      %add3A_15 = arith.constant 0 : i32
      %add3A_16 = arith.addi %mul3A_14, %add3A_15 : i32
      %add3A_17 = arith.constant 0 : i32
      %add3A_18 = arith.addi %add3A_16, %add3A_17 : i32
      %dma_start3A = arith.constant 0 : i32
      %dma_start3A_19 = arith.constant 0 : i32
      %dma_start3A_20 = arith.constant 0 : i32
      %dma_start3A_21 = tpu.memref_slice %arg6[%dma_start3A, %dma_start3A_19, %dma_start3A_20] : memref<2x512x64xf32, #tpu.memory_space<vmem>> -> memref<1x512x64xf32, #tpu.memory_space<vmem>>
      %dma_start3A_22 = tpu.memref_squeeze %dma_start3A_21 : memref<1x512x64xf32, #tpu.memory_space<vmem>> -> memref<512x64xf32, #tpu.memory_space<vmem>>
      %dma_start3A_23 = arith.constant 0 : i32
      %dma_start3A_24 = arith.constant 0 : i32
      %dma_start3A_25 = tpu.memref_slice %dma_start3A_22[%dma_start3A_23, %dma_start3A_24] : memref<512x64xf32, #tpu.memory_space<vmem>> -> memref<128x64xf32, #tpu.memory_space<vmem>>
      %dma_start3A_26 = arith.constant 0 : i32
      %dma_start3A_27 = tpu.memref_slice %arg5[%add3A_18, %dma_start3A_26] : memref<20x128xi32, #tpu.memory_space<vmem>> -> memref<1x128xi32, #tpu.memory_space<vmem>>
      %dma_start3A_28 = tpu.memref_squeeze %dma_start3A_27 : memref<1x128xi32, #tpu.memory_space<vmem>> -> memref<128xi32, #tpu.memory_space<vmem>>
      %dma_start3A_29 = arith.constant 0 : i32
      %dma_start3A_30 = arith.constant 0 : i32
      %dma_start3A_31 = tpu.memref_slice %arg7[%dma_start3A_29, %dma_start3A_30] : memref<10240x64xf32, #tpu.memory_space<vmem_shared>> -> memref<10240x64xf32, #tpu.memory_space<vmem_shared>>
      tpu.enqueue_indirect_dma source(%dma_start3A_31 : memref<10240x64xf32, #tpu.memory_space<vmem_shared>>) target(%dma_start3A_25 : memref<128x64xf32, #tpu.memory_space<vmem>>) offsets(%dma_start3A_28 : memref<128xi32, #tpu.memory_space<vmem>>) semaphore(%arg8 : memref<!tpu.dma_semaphore, #tpu.memory_space<semaphore_mem>>)
      %add3A_32 = arith.constant 0 : i32
      %add3A_33 = arith.addi %mul3A_14, %add3A_32 : i32
      %add3A_34 = arith.constant 1 : i32
      %add3A_35 = arith.addi %add3A_33, %add3A_34 : i32
      %dma_start3A_36 = arith.constant 0 : i32
      %dma_start3A_37 = arith.constant 0 : i32
      %dma_start3A_38 = arith.constant 0 : i32
      %dma_start3A_39 = tpu.memref_slice %arg6[%dma_start3A_36, %dma_start3A_37, %dma_start3A_38] : memref<2x512x64xf32, #tpu.memory_space<vmem>> -> memref<1x512x64xf32, #tpu.memory_space<vmem>>
      %dma_start3A_40 = tpu.memref_squeeze %dma_start3A_39 : memref<1x512x64xf32, #tpu.memory_space<vmem>> -> memref<512x64xf32, #tpu.memory_space<vmem>>
      %dma_start3A_41 = arith.constant 128 : i32
      %dma_start3A_42 = arith.constant 0 : i32
      %dma_start3A_43 = tpu.memref_slice %dma_start3A_40[%dma_start3A_41, %dma_start3A_42] : memref<512x64xf32, #tpu.memory_space<vmem>> -> memref<128x64xf32, #tpu.memory_space<vmem>>
      %dma_start3A_44 = arith.constant 0 : i32
      %dma_start3A_45 = tpu.memref_slice %arg5[%add3A_35, %dma_start3A_44] : memref<20x128xi32, #tpu.memory_space<vmem>> -> memref<1x128xi32, #tpu.memory_space<vmem>>
      %dma_start3A_46 = tpu.memref_squeeze %dma_start3A_45 : memref<1x128xi32, #tpu.memory_space<vmem>> -> memref<128xi32, #tpu.memory_space<vmem>>
      %dma_start3A_47 = arith.constant 0 : i32
      %dma_start3A_48 = arith.constant 0 : i32
      %dma_start3A_49 = tpu.memref_slice %arg7[%dma_start3A_47, %dma_start3A_48] : memref<10240x64xf32, #tpu.memory_space<vmem_shared>> -> memref<10240x64xf32, #tpu.memory_space<vmem_shared>>
      tpu.enqueue_indirect_dma source(%dma_start3A_49 : memref<10240x64xf32, #tpu.memory_space<vmem_shared>>) target(%dma_start3A_43 : memref<128x64xf32, #tpu.memory_space<vmem>>) offsets(%dma_start3A_46 : memref<128xi32, #tpu.memory_space<vmem>>) semaphore(%arg8 : memref<!tpu.dma_semaphore, #tpu.memory_space<semaphore_mem>>)
      %add3A_50 = arith.constant 0 : i32
      %add3A_51 = arith.addi %mul3A_14, %add3A_50 : i32
      %add3A_52 = arith.constant 2 : i32
      %add3A_53 = arith.addi %add3A_51, %add3A_52 : i32
      %dma_start3A_54 = arith.constant 0 : i32
      %dma_start3A_55 = arith.constant 0 : i32
      %dma_start3A_56 = arith.constant 0 : i32
      %dma_start3A_57 = tpu.memref_slice %arg6[%dma_start3A_54, %dma_start3A_55, %dma_start3A_56] : memref<2x512x64xf32, #tpu.memory_space<vmem>> -> memref<1x512x64xf32, #tpu.memory_space<vmem>>
      %dma_start3A_58 = tpu.memref_squeeze %dma_start3A_57 : memref<1x512x64xf32, #tpu.memory_space<vmem>> -> memref<512x64xf32, #tpu.memory_space<vmem>>
      %dma_start3A_59 = arith.constant 256 : i32
      %dma_start3A_60 = arith.constant 0 : i32
      %dma_start3A_61 = tpu.memref_slice %dma_start3A_58[%dma_start3A_59, %dma_start3A_60] : memref<512x64xf32, #tpu.memory_space<vmem>> -> memref<128x64xf32, #tpu.memory_space<vmem>>
      %dma_start3A_62 = arith.constant 0 : i32
      %dma_start3A_63 = tpu.memref_slice %arg5[%add3A_53, %dma_start3A_62] : memref<20x128xi32, #tpu.memory_space<vmem>> -> memref<1x128xi32, #tpu.memory_space<vmem>>
      %dma_start3A_64 = tpu.memref_squeeze %dma_start3A_63 : memref<1x128xi32, #tpu.memory_space<vmem>> -> memref<128xi32, #tpu.memory_space<vmem>>
      %dma_start3A_65 = arith.constant 0 : i32
      %dma_start3A_66 = arith.constant 0 : i32
      %dma_start3A_67 = tpu.memref_slice %arg7[%dma_start3A_65, %dma_start3A_66] : memref<10240x64xf32, #tpu.memory_space<vmem_shared>> -> memref<10240x64xf32, #tpu.memory_space<vmem_shared>>
      tpu.enqueue_indirect_dma source(%dma_start3A_67 : memref<10240x64xf32, #tpu.memory_space<vmem_shared>>) target(%dma_start3A_61 : memref<128x64xf32, #tpu.memory_space<vmem>>) offsets(%dma_start3A_64 : memref<128xi32, #tpu.memory_space<vmem>>) semaphore(%arg8 : memref<!tpu.dma_semaphore, #tpu.memory_space<semaphore_mem>>)
      %add3A_68 = arith.constant 0 : i32
      %add3A_69 = arith.addi %mul3A_14, %add3A_68 : i32
      %add3A_70 = arith.constant 3 : i32
      %add3A_71 = arith.addi %add3A_69, %add3A_70 : i32
      %dma_start3A_72 = arith.constant 0 : i32
      %dma_start3A_73 = arith.constant 0 : i32
      %dma_start3A_74 = arith.constant 0 : i32
      %dma_start3A_75 = tpu.memref_slice %arg6[%dma_start3A_72, %dma_start3A_73, %dma_start3A_74] : memref<2x512x64xf32, #tpu.memory_space<vmem>> -> memref<1x512x64xf32, #tpu.memory_space<vmem>>
      %dma_start3A_76 = tpu.memref_squeeze %dma_start3A_75 : memref<1x512x64xf32, #tpu.memory_space<vmem>> -> memref<512x64xf32, #tpu.memory_space<vmem>>
      %dma_start3A_77 = arith.constant 384 : i32
      %dma_start3A_78 = arith.constant 0 : i32
      %dma_start3A_79 = tpu.memref_slice %dma_start3A_76[%dma_start3A_77, %dma_start3A_78] : memref<512x64xf32, #tpu.memory_space<vmem>> -> memref<128x64xf32, #tpu.memory_space<vmem>>
      %dma_start3A_80 = arith.constant 0 : i32
      %dma_start3A_81 = tpu.memref_slice %arg5[%add3A_71, %dma_start3A_80] : memref<20x128xi32, #tpu.memory_space<vmem>> -> memref<1x128xi32, #tpu.memory_space<vmem>>
      %dma_start3A_82 = tpu.memref_squeeze %dma_start3A_81 : memref<1x128xi32, #tpu.memory_space<vmem>> -> memref<128xi32, #tpu.memory_space<vmem>>
      %dma_start3A_83 = arith.constant 0 : i32
      %dma_start3A_84 = arith.constant 0 : i32
      %dma_start3A_85 = tpu.memref_slice %arg7[%dma_start3A_83, %dma_start3A_84] : memref<10240x64xf32, #tpu.memory_space<vmem_shared>> -> memref<10240x64xf32, #tpu.memory_space<vmem_shared>>
      tpu.enqueue_indirect_dma source(%dma_start3A_85 : memref<10240x64xf32, #tpu.memory_space<vmem_shared>>) target(%dma_start3A_79 : memref<128x64xf32, #tpu.memory_space<vmem>>) offsets(%dma_start3A_82 : memref<128xi32, #tpu.memory_space<vmem>>) semaphore(%arg8 : memref<!tpu.dma_semaphore, #tpu.memory_space<semaphore_mem>>)
      %add3A_86 = arith.constant 4 : i32
      %add3A_87 = arith.addi %mul3A_14, %add3A_86 : i32
      %add3A_88 = arith.constant 0 : i32
      %add3A_89 = arith.addi %add3A_87, %add3A_88 : i32
      %dma_start3A_90 = arith.constant 1 : i32
      %dma_start3A_91 = arith.constant 0 : i32
      %dma_start3A_92 = arith.constant 0 : i32
      %dma_start3A_93 = tpu.memref_slice %arg6[%dma_start3A_90, %dma_start3A_91, %dma_start3A_92] : memref<2x512x64xf32, #tpu.memory_space<vmem>> -> memref<1x512x64xf32, #tpu.memory_space<vmem>>
      %dma_start3A_94 = tpu.memref_squeeze %dma_start3A_93 : memref<1x512x64xf32, #tpu.memory_space<vmem>> -> memref<512x64xf32, #tpu.memory_space<vmem>>
      %dma_start3A_95 = arith.constant 0 : i32
      %dma_start3A_96 = arith.constant 0 : i32
      %dma_start3A_97 = tpu.memref_slice %dma_start3A_94[%dma_start3A_95, %dma_start3A_96] : memref<512x64xf32, #tpu.memory_space<vmem>> -> memref<128x64xf32, #tpu.memory_space<vmem>>
      %dma_start3A_98 = arith.constant 0 : i32
      %dma_start3A_99 = tpu.memref_slice %arg5[%add3A_89, %dma_start3A_98] : memref<20x128xi32, #tpu.memory_space<vmem>> -> memref<1x128xi32, #tpu.memory_space<vmem>>
      %dma_start3A_100 = tpu.memref_squeeze %dma_start3A_99 : memref<1x128xi32, #tpu.memory_space<vmem>> -> memref<128xi32, #tpu.memory_space<vmem>>
      %dma_start3A_101 = arith.constant 0 : i32
      %dma_start3A_102 = arith.constant 0 : i32
      %dma_start3A_103 = tpu.memref_slice %arg7[%dma_start3A_101, %dma_start3A_102] : memref<10240x64xf32, #tpu.memory_space<vmem_shared>> -> memref<10240x64xf32, #tpu.memory_space<vmem_shared>>
      tpu.enqueue_indirect_dma source(%dma_start3A_103 : memref<10240x64xf32, #tpu.memory_space<vmem_shared>>) target(%dma_start3A_97 : memref<128x64xf32, #tpu.memory_space<vmem>>) offsets(%dma_start3A_100 : memref<128xi32, #tpu.memory_space<vmem>>) semaphore(%arg9 : memref<!tpu.dma_semaphore, #tpu.memory_space<semaphore_mem>>)
      %add3A_104 = arith.constant 4 : i32
      %add3A_105 = arith.addi %mul3A_14, %add3A_104 : i32
      %add3A_106 = arith.constant 1 : i32
      %add3A_107 = arith.addi %add3A_105, %add3A_106 : i32
      %dma_start3A_108 = arith.constant 1 : i32
      %dma_start3A_109 = arith.constant 0 : i32
      %dma_start3A_110 = arith.constant 0 : i32
      %dma_start3A_111 = tpu.memref_slice %arg6[%dma_start3A_108, %dma_start3A_109, %dma_start3A_110] : memref<2x512x64xf32, #tpu.memory_space<vmem>> -> memref<1x512x64xf32, #tpu.memory_space<vmem>>
      %dma_start3A_112 = tpu.memref_squeeze %dma_start3A_111 : memref<1x512x64xf32, #tpu.memory_space<vmem>> -> memref<512x64xf32, #tpu.memory_space<vmem>>
      %dma_start3A_113 = arith.constant 128 : i32
      %dma_start3A_114 = arith.constant 0 : i32
      %dma_start3A_115 = tpu.memref_slice %dma_start3A_112[%dma_start3A_113, %dma_start3A_114] : memref<512x64xf32, #tpu.memory_space<vmem>> -> memref<128x64xf32, #tpu.memory_space<vmem>>
      %dma_start3A_116 = arith.constant 0 : i32
      %dma_start3A_117 = tpu.memref_slice %arg5[%add3A_107, %dma_start3A_116] : memref<20x128xi32, #tpu.memory_space<vmem>> -> memref<1x128xi32, #tpu.memory_space<vmem>>
      %dma_start3A_118 = tpu.memref_squeeze %dma_start3A_117 : memref<1x128xi32, #tpu.memory_space<vmem>> -> memref<128xi32, #tpu.memory_space<vmem>>
      %dma_start3A_119 = arith.constant 0 : i32
      %dma_start3A_120 = arith.constant 0 : i32
      %dma_start3A_121 = tpu.memref_slice %arg7[%dma_start3A_119, %dma_start3A_120] : memref<10240x64xf32, #tpu.memory_space<vmem_shared>> -> memref<10240x64xf32, #tpu.memory_space<vmem_shared>>
      tpu.enqueue_indirect_dma source(%dma_start3A_121 : memref<10240x64xf32, #tpu.memory_space<vmem_shared>>) target(%dma_start3A_115 : memref<128x64xf32, #tpu.memory_space<vmem>>) offsets(%dma_start3A_118 : memref<128xi32, #tpu.memory_space<vmem>>) semaphore(%arg9 : memref<!tpu.dma_semaphore, #tpu.memory_space<semaphore_mem>>)
      %add3A_122 = arith.constant 4 : i32
      %add3A_123 = arith.addi %mul3A_14, %add3A_122 : i32
      %add3A_124 = arith.constant 2 : i32
      %add3A_125 = arith.addi %add3A_123, %add3A_124 : i32
      %dma_start3A_126 = arith.constant 1 : i32
      %dma_start3A_127 = arith.constant 0 : i32
      %dma_start3A_128 = arith.constant 0 : i32
      %dma_start3A_129 = tpu.memref_slice %arg6[%dma_start3A_126, %dma_start3A_127, %dma_start3A_128] : memref<2x512x64xf32, #tpu.memory_space<vmem>> -> memref<1x512x64xf32, #tpu.memory_space<vmem>>
      %dma_start3A_130 = tpu.memref_squeeze %dma_start3A_129 : memref<1x512x64xf32, #tpu.memory_space<vmem>> -> memref<512x64xf32, #tpu.memory_space<vmem>>
      %dma_start3A_131 = arith.constant 256 : i32
      %dma_start3A_132 = arith.constant 0 : i32
      %dma_start3A_133 = tpu.memref_slice %dma_start3A_130[%dma_start3A_131, %dma_start3A_132] : memref<512x64xf32, #tpu.memory_space<vmem>> -> memref<128x64xf32, #tpu.memory_space<vmem>>
      %dma_start3A_134 = arith.constant 0 : i32
      %dma_start3A_135 = tpu.memref_slice %arg5[%add3A_125, %dma_start3A_134] : memref<20x128xi32, #tpu.memory_space<vmem>> -> memref<1x128xi32, #tpu.memory_space<vmem>>
      %dma_start3A_136 = tpu.memref_squeeze %dma_start3A_135 : memref<1x128xi32, #tpu.memory_space<vmem>> -> memref<128xi32, #tpu.memory_space<vmem>>
      %dma_start3A_137 = arith.constant 0 : i32
      %dma_start3A_138 = arith.constant 0 : i32
      %dma_start3A_139 = tpu.memref_slice %arg7[%dma_start3A_137, %dma_start3A_138] : memref<10240x64xf32, #tpu.memory_space<vmem_shared>> -> memref<10240x64xf32, #tpu.memory_space<vmem_shared>>
      tpu.enqueue_indirect_dma source(%dma_start3A_139 : memref<10240x64xf32, #tpu.memory_space<vmem_shared>>) target(%dma_start3A_133 : memref<128x64xf32, #tpu.memory_space<vmem>>) offsets(%dma_start3A_136 : memref<128xi32, #tpu.memory_space<vmem>>) semaphore(%arg9 : memref<!tpu.dma_semaphore, #tpu.memory_space<semaphore_mem>>)
      %add3A_140 = arith.constant 4 : i32
      %add3A_141 = arith.addi %mul3A_14, %add3A_140 : i32
      %add3A_142 = arith.constant 3 : i32
      %add3A_143 = arith.addi %add3A_141, %add3A_142 : i32
      %dma_start3A_144 = arith.constant 1 : i32
      %dma_start3A_145 = arith.constant 0 : i32
      %dma_start3A_146 = arith.constant 0 : i32
      %dma_start3A_147 = tpu.memref_slice %arg6[%dma_start3A_144, %dma_start3A_145, %dma_start3A_146] : memref<2x512x64xf32, #tpu.memory_space<vmem>> -> memref<1x512x64xf32, #tpu.memory_space<vmem>>
      %dma_start3A_148 = tpu.memref_squeeze %dma_start3A_147 : memref<1x512x64xf32, #tpu.memory_space<vmem>> -> memref<512x64xf32, #tpu.memory_space<vmem>>
      %dma_start3A_149 = arith.constant 384 : i32
      %dma_start3A_150 = arith.constant 0 : i32
      %dma_start3A_151 = tpu.memref_slice %dma_start3A_148[%dma_start3A_149, %dma_start3A_150] : memref<512x64xf32, #tpu.memory_space<vmem>> -> memref<128x64xf32, #tpu.memory_space<vmem>>
      %dma_start3A_152 = arith.constant 0 : i32
      %dma_start3A_153 = tpu.memref_slice %arg5[%add3A_143, %dma_start3A_152] : memref<20x128xi32, #tpu.memory_space<vmem>> -> memref<1x128xi32, #tpu.memory_space<vmem>>
      %dma_start3A_154 = tpu.memref_squeeze %dma_start3A_153 : memref<1x128xi32, #tpu.memory_space<vmem>> -> memref<128xi32, #tpu.memory_space<vmem>>
      %dma_start3A_155 = arith.constant 0 : i32
      %dma_start3A_156 = arith.constant 0 : i32
      %dma_start3A_157 = tpu.memref_slice %arg7[%dma_start3A_155, %dma_start3A_156] : memref<10240x64xf32, #tpu.memory_space<vmem_shared>> -> memref<10240x64xf32, #tpu.memory_space<vmem_shared>>
      tpu.enqueue_indirect_dma source(%dma_start3A_157 : memref<10240x64xf32, #tpu.memory_space<vmem_shared>>) target(%dma_start3A_151 : memref<128x64xf32, #tpu.memory_space<vmem>>) offsets(%dma_start3A_154 : memref<128xi32, #tpu.memory_space<vmem>>) semaphore(%arg9 : memref<!tpu.dma_semaphore, #tpu.memory_space<semaphore_mem>>)
      %dma_wait3A = arith.constant 0 : i32
      %dma_wait3A_158 = arith.constant 0 : i32
      %dma_wait3A_159 = arith.constant 0 : i32
      %dma_wait3A_160 = tpu.memref_slice %arg6[%dma_wait3A, %dma_wait3A_158, %dma_wait3A_159] : memref<2x512x64xf32, #tpu.memory_space<vmem>> -> memref<1x512x64xf32, #tpu.memory_space<vmem>>
      %dma_wait3A_161 = tpu.memref_squeeze %dma_wait3A_160 : memref<1x512x64xf32, #tpu.memory_space<vmem>> -> memref<512x64xf32, #tpu.memory_space<vmem>>
      %dma_wait3A_162 = arith.constant 0 : i32
      %dma_wait3A_163 = arith.constant 0 : i32
      %dma_wait3A_164 = tpu.memref_slice %dma_wait3A_161[%dma_wait3A_162, %dma_wait3A_163] : memref<512x64xf32, #tpu.memory_space<vmem>> -> memref<128x64xf32, #tpu.memory_space<vmem>>
      %dma_wait3A_165 = arith.constant 0 : i32
      %dma_wait3A_166 = tpu.memref_slice %arg5[%add3A_18, %dma_wait3A_165] : memref<20x128xi32, #tpu.memory_space<vmem>> -> memref<1x128xi32, #tpu.memory_space<vmem>>
      %dma_wait3A_167 = tpu.memref_squeeze %dma_wait3A_166 : memref<1x128xi32, #tpu.memory_space<vmem>> -> memref<128xi32, #tpu.memory_space<vmem>>
      %dma_wait3A_168 = arith.constant 0 : i32
      %dma_wait3A_169 = arith.constant 0 : i32
      %dma_wait3A_170 = tpu.memref_slice %arg7[%dma_wait3A_168, %dma_wait3A_169] : memref<10240x64xf32, #tpu.memory_space<vmem_shared>> -> memref<10240x64xf32, #tpu.memory_space<vmem_shared>>
      tpu.wait_indirect_dma semaphore(%arg8 : memref<!tpu.dma_semaphore, #tpu.memory_space<semaphore_mem>>) src(%dma_wait3A_170 : memref<10240x64xf32, #tpu.memory_space<vmem_shared>>) dst(%dma_wait3A_164 : memref<128x64xf32, #tpu.memory_space<vmem>>)
      %dma_wait3A_171 = arith.constant 0 : i32
      %dma_wait3A_172 = arith.constant 0 : i32
      %dma_wait3A_173 = arith.constant 0 : i32
      %dma_wait3A_174 = tpu.memref_slice %arg6[%dma_wait3A_171, %dma_wait3A_172, %dma_wait3A_173] : memref<2x512x64xf32, #tpu.memory_space<vmem>> -> memref<1x512x64xf32, #tpu.memory_space<vmem>>
      %dma_wait3A_175 = tpu.memref_squeeze %dma_wait3A_174 : memref<1x512x64xf32, #tpu.memory_space<vmem>> -> memref<512x64xf32, #tpu.memory_space<vmem>>
      %dma_wait3A_176 = arith.constant 128 : i32
      %dma_wait3A_177 = arith.constant 0 : i32
      %dma_wait3A_178 = tpu.memref_slice %dma_wait3A_175[%dma_wait3A_176, %dma_wait3A_177] : memref<512x64xf32, #tpu.memory_space<vmem>> -> memref<128x64xf32, #tpu.memory_space<vmem>>
      %dma_wait3A_179 = arith.constant 0 : i32
      %dma_wait3A_180 = tpu.memref_slice %arg5[%add3A_35, %dma_wait3A_179] : memref<20x128xi32, #tpu.memory_space<vmem>> -> memref<1x128xi32, #tpu.memory_space<vmem>>
      %dma_wait3A_181 = tpu.memref_squeeze %dma_wait3A_180 : memref<1x128xi32, #tpu.memory_space<vmem>> -> memref<128xi32, #tpu.memory_space<vmem>>
      %dma_wait3A_182 = arith.constant 0 : i32
      %dma_wait3A_183 = arith.constant 0 : i32
      %dma_wait3A_184 = tpu.memref_slice %arg7[%dma_wait3A_182, %dma_wait3A_183] : memref<10240x64xf32, #tpu.memory_space<vmem_shared>> -> memref<10240x64xf32, #tpu.memory_space<vmem_shared>>
      tpu.wait_indirect_dma semaphore(%arg8 : memref<!tpu.dma_semaphore, #tpu.memory_space<semaphore_mem>>) src(%dma_wait3A_184 : memref<10240x64xf32, #tpu.memory_space<vmem_shared>>) dst(%dma_wait3A_178 : memref<128x64xf32, #tpu.memory_space<vmem>>)
      %dma_wait3A_185 = arith.constant 0 : i32
      %dma_wait3A_186 = arith.constant 0 : i32
      %dma_wait3A_187 = arith.constant 0 : i32
      %dma_wait3A_188 = tpu.memref_slice %arg6[%dma_wait3A_185, %dma_wait3A_186, %dma_wait3A_187] : memref<2x512x64xf32, #tpu.memory_space<vmem>> -> memref<1x512x64xf32, #tpu.memory_space<vmem>>
      %dma_wait3A_189 = tpu.memref_squeeze %dma_wait3A_188 : memref<1x512x64xf32, #tpu.memory_space<vmem>> -> memref<512x64xf32, #tpu.memory_space<vmem>>
      %dma_wait3A_190 = arith.constant 256 : i32
      %dma_wait3A_191 = arith.constant 0 : i32
      %dma_wait3A_192 = tpu.memref_slice %dma_wait3A_189[%dma_wait3A_190, %dma_wait3A_191] : memref<512x64xf32, #tpu.memory_space<vmem>> -> memref<128x64xf32, #tpu.memory_space<vmem>>
      %dma_wait3A_193 = arith.constant 0 : i32
      %dma_wait3A_194 = tpu.memref_slice %arg5[%add3A_53, %dma_wait3A_193] : memref<20x128xi32, #tpu.memory_space<vmem>> -> memref<1x128xi32, #tpu.memory_space<vmem>>
      %dma_wait3A_195 = tpu.memref_squeeze %dma_wait3A_194 : memref<1x128xi32, #tpu.memory_space<vmem>> -> memref<128xi32, #tpu.memory_space<vmem>>
      %dma_wait3A_196 = arith.constant 0 : i32
      %dma_wait3A_197 = arith.constant 0 : i32
      %dma_wait3A_198 = tpu.memref_slice %arg7[%dma_wait3A_196, %dma_wait3A_197] : memref<10240x64xf32, #tpu.memory_space<vmem_shared>> -> memref<10240x64xf32, #tpu.memory_space<vmem_shared>>
      tpu.wait_indirect_dma semaphore(%arg8 : memref<!tpu.dma_semaphore, #tpu.memory_space<semaphore_mem>>) src(%dma_wait3A_198 : memref<10240x64xf32, #tpu.memory_space<vmem_shared>>) dst(%dma_wait3A_192 : memref<128x64xf32, #tpu.memory_space<vmem>>)
      %dma_wait3A_199 = arith.constant 0 : i32
      %dma_wait3A_200 = arith.constant 0 : i32
      %dma_wait3A_201 = arith.constant 0 : i32
      %dma_wait3A_202 = tpu.memref_slice %arg6[%dma_wait3A_199, %dma_wait3A_200, %dma_wait3A_201] : memref<2x512x64xf32, #tpu.memory_space<vmem>> -> memref<1x512x64xf32, #tpu.memory_space<vmem>>
      %dma_wait3A_203 = tpu.memref_squeeze %dma_wait3A_202 : memref<1x512x64xf32, #tpu.memory_space<vmem>> -> memref<512x64xf32, #tpu.memory_space<vmem>>
      %dma_wait3A_204 = arith.constant 384 : i32
      %dma_wait3A_205 = arith.constant 0 : i32
      %dma_wait3A_206 = tpu.memref_slice %dma_wait3A_203[%dma_wait3A_204, %dma_wait3A_205] : memref<512x64xf32, #tpu.memory_space<vmem>> -> memref<128x64xf32, #tpu.memory_space<vmem>>
      %dma_wait3A_207 = arith.constant 0 : i32
      %dma_wait3A_208 = tpu.memref_slice %arg5[%add3A_71, %dma_wait3A_207] : memref<20x128xi32, #tpu.memory_space<vmem>> -> memref<1x128xi32, #tpu.memory_space<vmem>>
      %dma_wait3A_209 = tpu.memref_squeeze %dma_wait3A_208 : memref<1x128xi32, #tpu.memory_space<vmem>> -> memref<128xi32, #tpu.memory_space<vmem>>
      %dma_wait3A_210 = arith.constant 0 : i32
      %dma_wait3A_211 = arith.constant 0 : i32
      %dma_wait3A_212 = tpu.memref_slice %arg7[%dma_wait3A_210, %dma_wait3A_211] : memref<10240x64xf32, #tpu.memory_space<vmem_shared>> -> memref<10240x64xf32, #tpu.memory_space<vmem_shared>>
      tpu.wait_indirect_dma semaphore(%arg8 : memref<!tpu.dma_semaphore, #tpu.memory_space<semaphore_mem>>) src(%dma_wait3A_212 : memref<10240x64xf32, #tpu.memory_space<vmem_shared>>) dst(%dma_wait3A_206 : memref<128x64xf32, #tpu.memory_space<vmem>>)
      %add3A_213 = arith.addi %mul3A_2, %mul3A_14 : i32
      %add3A_214 = arith.constant 0 : i32
      %add3A_215 = arith.addi %add3A_213, %add3A_214 : i32
      %mul3A_216 = arith.constant 128 : i32
      %mul3A_217 = arith.muli %add3A_215, %mul3A_216 : i32
      %dma_start3A_218 = arith.constant 0 : i32
      %dma_start3A_219 = arith.constant 0 : i32
      %dma_start3A_220 = arith.constant 0 : i32
      %dma_start3A_221 = tpu.memref_slice %arg6[%dma_start3A_218, %dma_start3A_219, %dma_start3A_220] : memref<2x512x64xf32, #tpu.memory_space<vmem>> -> memref<1x512x64xf32, #tpu.memory_space<vmem>>
      %dma_start3A_222 = tpu.memref_squeeze %dma_start3A_221 : memref<1x512x64xf32, #tpu.memory_space<vmem>> -> memref<512x64xf32, #tpu.memory_space<vmem>>
      %dma_start3A_223 = arith.constant 0 : i32
      %dma_start3A_224 = tpu.memref_slice %arg4[%mul3A_217, %dma_start3A_223] : memref<81920x64xf32, #tpu.memory_space<hbm>> -> memref<512x64xf32, #tpu.memory_space<hbm>>
      %dma_start3A_225 = arith.constant 0 : i32
      %dma_start3A_226 = tpu.memref_slice %arg4[%mul3A_217, %dma_start3A_225] : memref<81920x64xf32, #tpu.memory_space<hbm>> -> memref<512x64xf32, #tpu.memory_space<hbm>>
      %dma_start3A_227 = arith.constant 0 : i32
      %dma_start3A_228 = arith.constant 0 : i32
      %dma_start3A_229 = tpu.memref_slice %arg6[%dma_start3A_218, %dma_start3A_227, %dma_start3A_228] : memref<2x512x64xf32, #tpu.memory_space<vmem>> -> memref<1x512x64xf32, #tpu.memory_space<vmem>>
      %dma_start3A_230 = tpu.memref_squeeze %dma_start3A_229 : memref<1x512x64xf32, #tpu.memory_space<vmem>> -> memref<512x64xf32, #tpu.memory_space<vmem>>
      tpu.enqueue_dma source(%dma_start3A_230 : memref<512x64xf32, #tpu.memory_space<vmem>>) target(%dma_start3A_226 : memref<512x64xf32, #tpu.memory_space<hbm>>) target_semaphore(%arg10 : memref<!tpu.dma_semaphore, #tpu.memory_space<semaphore_mem>>)
      %dma_wait3A_231 = arith.constant 1 : i32
      %dma_wait3A_232 = arith.constant 0 : i32
      %dma_wait3A_233 = arith.constant 0 : i32
      %dma_wait3A_234 = tpu.memref_slice %arg6[%dma_wait3A_231, %dma_wait3A_232, %dma_wait3A_233] : memref<2x512x64xf32, #tpu.memory_space<vmem>> -> memref<1x512x64xf32, #tpu.memory_space<vmem>>
      %dma_wait3A_235 = tpu.memref_squeeze %dma_wait3A_234 : memref<1x512x64xf32, #tpu.memory_space<vmem>> -> memref<512x64xf32, #tpu.memory_space<vmem>>
      %dma_wait3A_236 = arith.constant 0 : i32
      %dma_wait3A_237 = arith.constant 0 : i32
      %dma_wait3A_238 = tpu.memref_slice %dma_wait3A_235[%dma_wait3A_236, %dma_wait3A_237] : memref<512x64xf32, #tpu.memory_space<vmem>> -> memref<128x64xf32, #tpu.memory_space<vmem>>
      %dma_wait3A_239 = arith.constant 0 : i32
      %dma_wait3A_240 = tpu.memref_slice %arg5[%add3A_89, %dma_wait3A_239] : memref<20x128xi32, #tpu.memory_space<vmem>> -> memref<1x128xi32, #tpu.memory_space<vmem>>
      %dma_wait3A_241 = tpu.memref_squeeze %dma_wait3A_240 : memref<1x128xi32, #tpu.memory_space<vmem>> -> memref<128xi32, #tpu.memory_space<vmem>>
      %dma_wait3A_242 = arith.constant 0 : i32
      %dma_wait3A_243 = arith.constant 0 : i32
      %dma_wait3A_244 = tpu.memref_slice %arg7[%dma_wait3A_242, %dma_wait3A_243] : memref<10240x64xf32, #tpu.memory_space<vmem_shared>> -> memref<10240x64xf32, #tpu.memory_space<vmem_shared>>
      tpu.wait_indirect_dma semaphore(%arg9 : memref<!tpu.dma_semaphore, #tpu.memory_space<semaphore_mem>>) src(%dma_wait3A_244 : memref<10240x64xf32, #tpu.memory_space<vmem_shared>>) dst(%dma_wait3A_238 : memref<128x64xf32, #tpu.memory_space<vmem>>)
      %dma_wait3A_245 = arith.constant 1 : i32
      %dma_wait3A_246 = arith.constant 0 : i32
      %dma_wait3A_247 = arith.constant 0 : i32
      %dma_wait3A_248 = tpu.memref_slice %arg6[%dma_wait3A_245, %dma_wait3A_246, %dma_wait3A_247] : memref<2x512x64xf32, #tpu.memory_space<vmem>> -> memref<1x512x64xf32, #tpu.memory_space<vmem>>
      %dma_wait3A_249 = tpu.memref_squeeze %dma_wait3A_248 : memref<1x512x64xf32, #tpu.memory_space<vmem>> -> memref<512x64xf32, #tpu.memory_space<vmem>>
      %dma_wait3A_250 = arith.constant 128 : i32
      %dma_wait3A_251 = arith.constant 0 : i32
      %dma_wait3A_252 = tpu.memref_slice %dma_wait3A_249[%dma_wait3A_250, %dma_wait3A_251] : memref<512x64xf32, #tpu.memory_space<vmem>> -> memref<128x64xf32, #tpu.memory_space<vmem>>
      %dma_wait3A_253 = arith.constant 0 : i32
      %dma_wait3A_254 = tpu.memref_slice %arg5[%add3A_107, %dma_wait3A_253] : memref<20x128xi32, #tpu.memory_space<vmem>> -> memref<1x128xi32, #tpu.memory_space<vmem>>
      %dma_wait3A_255 = tpu.memref_squeeze %dma_wait3A_254 : memref<1x128xi32, #tpu.memory_space<vmem>> -> memref<128xi32, #tpu.memory_space<vmem>>
      %dma_wait3A_256 = arith.constant 0 : i32
      %dma_wait3A_257 = arith.constant 0 : i32
      %dma_wait3A_258 = tpu.memref_slice %arg7[%dma_wait3A_256, %dma_wait3A_257] : memref<10240x64xf32, #tpu.memory_space<vmem_shared>> -> memref<10240x64xf32, #tpu.memory_space<vmem_shared>>
      tpu.wait_indirect_dma semaphore(%arg9 : memref<!tpu.dma_semaphore, #tpu.memory_space<semaphore_mem>>) src(%dma_wait3A_258 : memref<10240x64xf32, #tpu.memory_space<vmem_shared>>) dst(%dma_wait3A_252 : memref<128x64xf32, #tpu.memory_space<vmem>>)
      %dma_wait3A_259 = arith.constant 1 : i32
      %dma_wait3A_260 = arith.constant 0 : i32
      %dma_wait3A_261 = arith.constant 0 : i32
      %dma_wait3A_262 = tpu.memref_slice %arg6[%dma_wait3A_259, %dma_wait3A_260, %dma_wait3A_261] : memref<2x512x64xf32, #tpu.memory_space<vmem>> -> memref<1x512x64xf32, #tpu.memory_space<vmem>>
      %dma_wait3A_263 = tpu.memref_squeeze %dma_wait3A_262 : memref<1x512x64xf32, #tpu.memory_space<vmem>> -> memref<512x64xf32, #tpu.memory_space<vmem>>
      %dma_wait3A_264 = arith.constant 256 : i32
      %dma_wait3A_265 = arith.constant 0 : i32
      %dma_wait3A_266 = tpu.memref_slice %dma_wait3A_263[%dma_wait3A_264, %dma_wait3A_265] : memref<512x64xf32, #tpu.memory_space<vmem>> -> memref<128x64xf32, #tpu.memory_space<vmem>>
      %dma_wait3A_267 = arith.constant 0 : i32
      %dma_wait3A_268 = tpu.memref_slice %arg5[%add3A_125, %dma_wait3A_267] : memref<20x128xi32, #tpu.memory_space<vmem>> -> memref<1x128xi32, #tpu.memory_space<vmem>>
      %dma_wait3A_269 = tpu.memref_squeeze %dma_wait3A_268 : memref<1x128xi32, #tpu.memory_space<vmem>> -> memref<128xi32, #tpu.memory_space<vmem>>
      %dma_wait3A_270 = arith.constant 0 : i32
      %dma_wait3A_271 = arith.constant 0 : i32
      %dma_wait3A_272 = tpu.memref_slice %arg7[%dma_wait3A_270, %dma_wait3A_271] : memref<10240x64xf32, #tpu.memory_space<vmem_shared>> -> memref<10240x64xf32, #tpu.memory_space<vmem_shared>>
      tpu.wait_indirect_dma semaphore(%arg9 : memref<!tpu.dma_semaphore, #tpu.memory_space<semaphore_mem>>) src(%dma_wait3A_272 : memref<10240x64xf32, #tpu.memory_space<vmem_shared>>) dst(%dma_wait3A_266 : memref<128x64xf32, #tpu.memory_space<vmem>>)
      %dma_wait3A_273 = arith.constant 1 : i32
      %dma_wait3A_274 = arith.constant 0 : i32
      %dma_wait3A_275 = arith.constant 0 : i32
      %dma_wait3A_276 = tpu.memref_slice %arg6[%dma_wait3A_273, %dma_wait3A_274, %dma_wait3A_275] : memref<2x512x64xf32, #tpu.memory_space<vmem>> -> memref<1x512x64xf32, #tpu.memory_space<vmem>>
      %dma_wait3A_277 = tpu.memref_squeeze %dma_wait3A_276 : memref<1x512x64xf32, #tpu.memory_space<vmem>> -> memref<512x64xf32, #tpu.memory_space<vmem>>
      %dma_wait3A_278 = arith.constant 384 : i32
      %dma_wait3A_279 = arith.constant 0 : i32
      %dma_wait3A_280 = tpu.memref_slice %dma_wait3A_277[%dma_wait3A_278, %dma_wait3A_279] : memref<512x64xf32, #tpu.memory_space<vmem>> -> memref<128x64xf32, #tpu.memory_space<vmem>>
      %dma_wait3A_281 = arith.constant 0 : i32
      %dma_wait3A_282 = tpu.memref_slice %arg5[%add3A_143, %dma_wait3A_281] : memref<20x128xi32, #tpu.memory_space<vmem>> -> memref<1x128xi32, #tpu.memory_space<vmem>>
      %dma_wait3A_283 = tpu.memref_squeeze %dma_wait3A_282 : memref<1x128xi32, #tpu.memory_space<vmem>> -> memref<128xi32, #tpu.memory_space<vmem>>
      %dma_wait3A_284 = arith.constant 0 : i32
      %dma_wait3A_285 = arith.constant 0 : i32
      %dma_wait3A_286 = tpu.memref_slice %arg7[%dma_wait3A_284, %dma_wait3A_285] : memref<10240x64xf32, #tpu.memory_space<vmem_shared>> -> memref<10240x64xf32, #tpu.memory_space<vmem_shared>>
      tpu.wait_indirect_dma semaphore(%arg9 : memref<!tpu.dma_semaphore, #tpu.memory_space<semaphore_mem>>) src(%dma_wait3A_286 : memref<10240x64xf32, #tpu.memory_space<vmem_shared>>) dst(%dma_wait3A_280 : memref<128x64xf32, #tpu.memory_space<vmem>>)
      %add3A_287 = arith.addi %mul3A_2, %mul3A_14 : i32
      %add3A_288 = arith.constant 4 : i32
      %add3A_289 = arith.addi %add3A_287, %add3A_288 : i32
      %mul3A_290 = arith.constant 128 : i32
      %mul3A_291 = arith.muli %add3A_289, %mul3A_290 : i32
      %dma_start3A_292 = arith.constant 1 : i32
      %dma_start3A_293 = arith.constant 0 : i32
      %dma_start3A_294 = arith.constant 0 : i32
      %dma_start3A_295 = tpu.memref_slice %arg6[%dma_start3A_292, %dma_start3A_293, %dma_start3A_294] : memref<2x512x64xf32, #tpu.memory_space<vmem>> -> memref<1x512x64xf32, #tpu.memory_space<vmem>>
      %dma_start3A_296 = tpu.memref_squeeze %dma_start3A_295 : memref<1x512x64xf32, #tpu.memory_space<vmem>> -> memref<512x64xf32, #tpu.memory_space<vmem>>
      %dma_start3A_297 = arith.constant 0 : i32
      %dma_start3A_298 = tpu.memref_slice %arg4[%mul3A_291, %dma_start3A_297] : memref<81920x64xf32, #tpu.memory_space<hbm>> -> memref<512x64xf32, #tpu.memory_space<hbm>>
      %dma_start3A_299 = arith.constant 0 : i32
      %dma_start3A_300 = tpu.memref_slice %arg4[%mul3A_291, %dma_start3A_299] : memref<81920x64xf32, #tpu.memory_space<hbm>> -> memref<512x64xf32, #tpu.memory_space<hbm>>
      %dma_start3A_301 = arith.constant 0 : i32
      %dma_start3A_302 = arith.constant 0 : i32
      %dma_start3A_303 = tpu.memref_slice %arg6[%dma_start3A_292, %dma_start3A_301, %dma_start3A_302] : memref<2x512x64xf32, #tpu.memory_space<vmem>> -> memref<1x512x64xf32, #tpu.memory_space<vmem>>
      %dma_start3A_304 = tpu.memref_squeeze %dma_start3A_303 : memref<1x512x64xf32, #tpu.memory_space<vmem>> -> memref<512x64xf32, #tpu.memory_space<vmem>>
      tpu.enqueue_dma source(%dma_start3A_304 : memref<512x64xf32, #tpu.memory_space<vmem>>) target(%dma_start3A_300 : memref<512x64xf32, #tpu.memory_space<hbm>>) target_semaphore(%arg11 : memref<!tpu.dma_semaphore, #tpu.memory_space<semaphore_mem>>)
      %dma_wait3A_305 = arith.constant 0 : i32
      %dma_wait3A_306 = arith.constant 0 : i32
      %dma_wait3A_307 = arith.constant 0 : i32
      %dma_wait3A_308 = tpu.memref_slice %arg6[%dma_wait3A_305, %dma_wait3A_306, %dma_wait3A_307] : memref<2x512x64xf32, #tpu.memory_space<vmem>> -> memref<1x512x64xf32, #tpu.memory_space<vmem>>
      %dma_wait3A_309 = tpu.memref_squeeze %dma_wait3A_308 : memref<1x512x64xf32, #tpu.memory_space<vmem>> -> memref<512x64xf32, #tpu.memory_space<vmem>>
      %dma_wait3A_310 = arith.constant 0 : i32
      %dma_wait3A_311 = tpu.memref_slice %arg4[%mul3A_217, %dma_wait3A_310] : memref<81920x64xf32, #tpu.memory_space<hbm>> -> memref<512x64xf32, #tpu.memory_space<hbm>>
      %dma_wait3A_312 = arith.constant 0 : i32
      %dma_wait3A_313 = tpu.memref_slice %arg4[%mul3A_217, %dma_wait3A_312] : memref<81920x64xf32, #tpu.memory_space<hbm>> -> memref<512x64xf32, #tpu.memory_space<hbm>>
      %dma_wait3A_314 = arith.constant 0 : i32
      %dma_wait3A_315 = arith.constant 0 : i32
      %dma_wait3A_316 = tpu.memref_slice %arg6[%dma_wait3A_305, %dma_wait3A_314, %dma_wait3A_315] : memref<2x512x64xf32, #tpu.memory_space<vmem>> -> memref<1x512x64xf32, #tpu.memory_space<vmem>>
      %dma_wait3A_317 = tpu.memref_squeeze %dma_wait3A_316 : memref<1x512x64xf32, #tpu.memory_space<vmem>> -> memref<512x64xf32, #tpu.memory_space<vmem>>
      tpu.wait_dma2 semaphore(%arg10 : memref<!tpu.dma_semaphore, #tpu.memory_space<semaphore_mem>>) src(%dma_wait3A_317 : memref<512x64xf32, #tpu.memory_space<vmem>>) dst(%dma_wait3A_313 : memref<512x64xf32, #tpu.memory_space<hbm>>)
      %dma_wait3A_318 = arith.constant 1 : i32
      %dma_wait3A_319 = arith.constant 0 : i32
      %dma_wait3A_320 = arith.constant 0 : i32
      %dma_wait3A_321 = tpu.memref_slice %arg6[%dma_wait3A_318, %dma_wait3A_319, %dma_wait3A_320] : memref<2x512x64xf32, #tpu.memory_space<vmem>> -> memref<1x512x64xf32, #tpu.memory_space<vmem>>
      %dma_wait3A_322 = tpu.memref_squeeze %dma_wait3A_321 : memref<1x512x64xf32, #tpu.memory_space<vmem>> -> memref<512x64xf32, #tpu.memory_space<vmem>>
      %dma_wait3A_323 = arith.constant 0 : i32
      %dma_wait3A_324 = tpu.memref_slice %arg4[%mul3A_291, %dma_wait3A_323] : memref<81920x64xf32, #tpu.memory_space<hbm>> -> memref<512x64xf32, #tpu.memory_space<hbm>>
      %dma_wait3A_325 = arith.constant 0 : i32
      %dma_wait3A_326 = tpu.memref_slice %arg4[%mul3A_291, %dma_wait3A_325] : memref<81920x64xf32, #tpu.memory_space<hbm>> -> memref<512x64xf32, #tpu.memory_space<hbm>>
      %dma_wait3A_327 = arith.constant 0 : i32
      %dma_wait3A_328 = arith.constant 0 : i32
      %dma_wait3A_329 = tpu.memref_slice %arg6[%dma_wait3A_318, %dma_wait3A_327, %dma_wait3A_328] : memref<2x512x64xf32, #tpu.memory_space<vmem>> -> memref<1x512x64xf32, #tpu.memory_space<vmem>>
      %dma_wait3A_330 = tpu.memref_squeeze %dma_wait3A_329 : memref<1x512x64xf32, #tpu.memory_space<vmem>> -> memref<512x64xf32, #tpu.memory_space<vmem>>
      tpu.wait_dma2 semaphore(%arg11 : memref<!tpu.dma_semaphore, #tpu.memory_space<semaphore_mem>>) src(%dma_wait3A_330 : memref<512x64xf32, #tpu.memory_space<vmem>>) dst(%dma_wait3A_326 : memref<512x64xf32, #tpu.memory_space<hbm>>)
    }
    %scan3A_11 = arith.constant 2 : i32
    return
  }
}

#map = affine_map<(d0, d1) -> (0, 0)>
module attributes {stable_mosaic.version = 14 : i64} {
  func.func @k(%arg0: i32, %arg1: i32, %arg2: memref<10240x64xf32, #tpu.memory_space<hbm>>, %arg3: memref<640x128xi32, #tpu.memory_space<hbm>>, %arg4: memref<81920x64xf32, #tpu.memory_space<hbm>>, %arg5: memref<20x128xi32, #tpu.memory_space<vmem>>, %arg6: memref<2x512x64xf32, #tpu.memory_space<vmem>>, %arg7: memref<10240x64xf32, #tpu.memory_space<vmem_shared>>, %arg8: memref<!tpu.dma_semaphore, #tpu.memory_space<semaphore_mem>>, %arg9: memref<!tpu.dma_semaphore, #tpu.memory_space<semaphore_mem>>, %arg10: memref<!tpu.dma_semaphore, #tpu.memory_space<semaphore_mem>>, %arg11: memref<!tpu.dma_semaphore, #tpu.memory_space<semaphore_mem>>) attributes {dimension_semantics = [#tpu.dimension_semantics<core_parallel>, #tpu.dimension_semantics<subcore_parallel>], iteration_bounds = array<i64: 2, 16>, scalar_prefetch = 0 : i64, scratch_operands = 7 : i64, tpu.core_type = #tpu.core_type<sc_vector_subcore>, window_params = [{transform_indices = #map}, {transform_indices = #map}, {transform_indices = #map}]} {
    %mul3A = arith.constant 2 : i32
    %mul3A_0 = arith.muli %arg1, %mul3A : i32
    %add3A = arith.addi %mul3A_0, %arg0 : i32
    %mul3A_1 = arith.constant 20 : i32
    %mul3A_2 = arith.muli %add3A, %mul3A_1 : i32
    "tpu.region"() ({
      %run_scoped3A = tpu.sem_alloc : memref<!tpu.dma_semaphore, #tpu.memory_space<semaphore_mem>>
      %dma_start3A = arith.constant 0 : i32
      %dma_start3A_12 = tpu.memref_slice %arg3[%mul3A_2, %dma_start3A] : memref<640x128xi32, #tpu.memory_space<hbm>> -> memref<20x128xi32, #tpu.memory_space<hbm>>
      %dma_start3A_13 = arith.constant 0 : i32
      %dma_start3A_14 = tpu.memref_slice %arg3[%mul3A_2, %dma_start3A_13] : memref<640x128xi32, #tpu.memory_space<hbm>> -> memref<20x128xi32, #tpu.memory_space<hbm>>
      tpu.enqueue_dma source(%dma_start3A_14 : memref<20x128xi32, #tpu.memory_space<hbm>>) target(%arg5 : memref<20x128xi32, #tpu.memory_space<vmem>>) target_semaphore(%run_scoped3A : memref<!tpu.dma_semaphore, #tpu.memory_space<semaphore_mem>>)
      %dma_wait3A = arith.constant 0 : i32
      %dma_wait3A_15 = tpu.memref_slice %arg3[%mul3A_2, %dma_wait3A] : memref<640x128xi32, #tpu.memory_space<hbm>> -> memref<20x128xi32, #tpu.memory_space<hbm>>
      %dma_wait3A_16 = arith.constant 0 : i32
      %dma_wait3A_17 = tpu.memref_slice %arg3[%mul3A_2, %dma_wait3A_16] : memref<640x128xi32, #tpu.memory_space<hbm>> -> memref<20x128xi32, #tpu.memory_space<hbm>>
      tpu.wait_dma2 semaphore(%run_scoped3A : memref<!tpu.dma_semaphore, #tpu.memory_space<semaphore_mem>>) src(%dma_wait3A_17 : memref<20x128xi32, #tpu.memory_space<hbm>>) dst(%arg5 : memref<20x128xi32, #tpu.memory_space<vmem>>)
      tpu.yield
    }) : () -> ()
    %mul3A_3 = arith.constant 640 : i32
    %mul3A_4 = arith.muli %arg1, %mul3A_3 : i32
    %mul3A_5 = arith.constant 640 : i32
    %mul3A_6 = arith.muli %arg1, %mul3A_5 : i32
    "tpu.region"() ({
      %run_scoped3A = tpu.sem_alloc : memref<!tpu.dma_semaphore, #tpu.memory_space<semaphore_mem>>
      %dma_start3A = arith.constant 0 : i32
      %dma_start3A_12 = tpu.memref_slice %arg7[%mul3A_6, %dma_start3A] : memref<10240x64xf32, #tpu.memory_space<vmem_shared>> -> memref<640x64xf32, #tpu.memory_space<vmem_shared>>
      %dma_start3A_13 = arith.constant 0 : i32
      %dma_start3A_14 = tpu.memref_slice %arg2[%mul3A_4, %dma_start3A_13] : memref<10240x64xf32, #tpu.memory_space<hbm>> -> memref<640x64xf32, #tpu.memory_space<hbm>>
      tpu.enqueue_dma source(%dma_start3A_14 : memref<640x64xf32, #tpu.memory_space<hbm>>) target(%dma_start3A_12 : memref<640x64xf32, #tpu.memory_space<vmem_shared>>) target_semaphore(%run_scoped3A : memref<!tpu.dma_semaphore, #tpu.memory_space<semaphore_mem>>)
      %dma_wait3A = arith.constant 0 : i32
      %dma_wait3A_15 = tpu.memref_slice %arg7[%mul3A_6, %dma_wait3A] : memref<10240x64xf32, #tpu.memory_space<vmem_shared>> -> memref<640x64xf32, #tpu.memory_space<vmem_shared>>
      %dma_wait3A_16 = arith.constant 0 : i32
      %dma_wait3A_17 = tpu.memref_slice %arg2[%mul3A_4, %dma_wait3A_16] : memref<10240x64xf32, #tpu.memory_space<hbm>> -> memref<640x64xf32, #tpu.memory_space<hbm>>
      tpu.wait_dma2 semaphore(%run_scoped3A : memref<!tpu.dma_semaphore, #tpu.memory_space<semaphore_mem>>) src(%dma_wait3A_17 : memref<640x64xf32, #tpu.memory_space<hbm>>) dst(%dma_wait3A_15 : memref<640x64xf32, #tpu.memory_space<vmem_shared>>)
      tpu.yield
    }) : () -> ()
    %barrier3A = arith.constant 0 : index
    tpu.barrier barrier_id(%barrier3A)
    %scan3A = arith.constant 0 : i32
    %scan3A_7 = arith.constant 0 : i32
    %scan3A_8 = arith.constant 2 : i32
    %scan3A_9 = arith.addi %scan3A_7, %scan3A_8 : i32
    %scan3A_10 = arith.constant 1 : i32
    scf.for %scan3A_12 = %scan3A_7 to %scan3A_9 step %scan3A_10  : i32 {
      %mul3A_13 = arith.constant 8 : i32
      %mul3A_14 = arith.muli %mul3A_13, %scan3A_12 : i32
      %add3A_15 = arith.constant 0 : i32
      %add3A_16 = arith.addi %mul3A_14, %add3A_15 : i32
      %add3A_17 = arith.constant 0 : i32
      %add3A_18 = arith.addi %add3A_16, %add3A_17 : i32
      %dma_start3A = arith.constant 0 : i32
      %dma_start3A_19 = arith.constant 0 : i32
      %dma_start3A_20 = arith.constant 0 : i32
      %dma_start3A_21 = tpu.memref_slice %arg6[%dma_start3A, %dma_start3A_19, %dma_start3A_20] : memref<2x512x64xf32, #tpu.memory_space<vmem>> -> memref<1x512x64xf32, #tpu.memory_space<vmem>>
      %dma_start3A_22 = tpu.memref_squeeze %dma_start3A_21 : memref<1x512x64xf32, #tpu.memory_space<vmem>> -> memref<512x64xf32, #tpu.memory_space<vmem>>
      %dma_start3A_23 = arith.constant 0 : i32
      %dma_start3A_24 = arith.constant 0 : i32
      %dma_start3A_25 = tpu.memref_slice %dma_start3A_22[%dma_start3A_23, %dma_start3A_24] : memref<512x64xf32, #tpu.memory_space<vmem>> -> memref<128x64xf32, #tpu.memory_space<vmem>>
      %dma_start3A_26 = arith.constant 0 : i32
      %dma_start3A_27 = tpu.memref_slice %arg5[%add3A_18, %dma_start3A_26] : memref<20x128xi32, #tpu.memory_space<vmem>> -> memref<1x128xi32, #tpu.memory_space<vmem>>
      %dma_start3A_28 = tpu.memref_squeeze %dma_start3A_27 : memref<1x128xi32, #tpu.memory_space<vmem>> -> memref<128xi32, #tpu.memory_space<vmem>>
      %dma_start3A_29 = arith.constant 0 : i32
      %dma_start3A_30 = arith.constant 0 : i32
      %dma_start3A_31 = tpu.memref_slice %arg7[%dma_start3A_29, %dma_start3A_30] : memref<10240x64xf32, #tpu.memory_space<vmem_shared>> -> memref<10240x64xf32, #tpu.memory_space<vmem_shared>>
      tpu.enqueue_indirect_dma source(%dma_start3A_31 : memref<10240x64xf32, #tpu.memory_space<vmem_shared>>) target(%dma_start3A_25 : memref<128x64xf32, #tpu.memory_space<vmem>>) offsets(%dma_start3A_28 : memref<128xi32, #tpu.memory_space<vmem>>) semaphore(%arg8 : memref<!tpu.dma_semaphore, #tpu.memory_space<semaphore_mem>>)
      %add3A_32 = arith.constant 0 : i32
      %add3A_33 = arith.addi %mul3A_14, %add3A_32 : i32
      %add3A_34 = arith.constant 1 : i32
      %add3A_35 = arith.addi %add3A_33, %add3A_34 : i32
      %dma_start3A_36 = arith.constant 0 : i32
      %dma_start3A_37 = arith.constant 0 : i32
      %dma_start3A_38 = arith.constant 0 : i32
      %dma_start3A_39 = tpu.memref_slice %arg6[%dma_start3A_36, %dma_start3A_37, %dma_start3A_38] : memref<2x512x64xf32, #tpu.memory_space<vmem>> -> memref<1x512x64xf32, #tpu.memory_space<vmem>>
      %dma_start3A_40 = tpu.memref_squeeze %dma_start3A_39 : memref<1x512x64xf32, #tpu.memory_space<vmem>> -> memref<512x64xf32, #tpu.memory_space<vmem>>
      %dma_start3A_41 = arith.constant 128 : i32
      %dma_start3A_42 = arith.constant 0 : i32
      %dma_start3A_43 = tpu.memref_slice %dma_start3A_40[%dma_start3A_41, %dma_start3A_42] : memref<512x64xf32, #tpu.memory_space<vmem>> -> memref<128x64xf32, #tpu.memory_space<vmem>>
      %dma_start3A_44 = arith.constant 0 : i32
      %dma_start3A_45 = tpu.memref_slice %arg5[%add3A_35, %dma_start3A_44] : memref<20x128xi32, #tpu.memory_space<vmem>> -> memref<1x128xi32, #tpu.memory_space<vmem>>
      %dma_start3A_46 = tpu.memref_squeeze %dma_start3A_45 : memref<1x128xi32, #tpu.memory_space<vmem>> -> memref<128xi32, #tpu.memory_space<vmem>>
      %dma_start3A_47 = arith.constant 0 : i32
      %dma_start3A_48 = arith.constant 0 : i32
      %dma_start3A_49 = tpu.memref_slice %arg7[%dma_start3A_47, %dma_start3A_48] : memref<10240x64xf32, #tpu.memory_space<vmem_shared>> -> memref<10240x64xf32, #tpu.memory_space<vmem_shared>>
      tpu.enqueue_indirect_dma source(%dma_start3A_49 : memref<10240x64xf32, #tpu.memory_space<vmem_shared>>) target(%dma_start3A_43 : memref<128x64xf32, #tpu.memory_space<vmem>>) offsets(%dma_start3A_46 : memref<128xi32, #tpu.memory_space<vmem>>) semaphore(%arg8 : memref<!tpu.dma_semaphore, #tpu.memory_space<semaphore_mem>>)
      %add3A_50 = arith.constant 0 : i32
      %add3A_51 = arith.addi %mul3A_14, %add3A_50 : i32
      %add3A_52 = arith.constant 2 : i32
      %add3A_53 = arith.addi %add3A_51, %add3A_52 : i32
      %dma_start3A_54 = arith.constant 0 : i32
      %dma_start3A_55 = arith.constant 0 : i32
      %dma_start3A_56 = arith.constant 0 : i32
      %dma_start3A_57 = tpu.memref_slice %arg6[%dma_start3A_54, %dma_start3A_55, %dma_start3A_56] : memref<2x512x64xf32, #tpu.memory_space<vmem>> -> memref<1x512x64xf32, #tpu.memory_space<vmem>>
      %dma_start3A_58 = tpu.memref_squeeze %dma_start3A_57 : memref<1x512x64xf32, #tpu.memory_space<vmem>> -> memref<512x64xf32, #tpu.memory_space<vmem>>
      %dma_start3A_59 = arith.constant 256 : i32
      %dma_start3A_60 = arith.constant 0 : i32
      %dma_start3A_61 = tpu.memref_slice %dma_start3A_58[%dma_start3A_59, %dma_start3A_60] : memref<512x64xf32, #tpu.memory_space<vmem>> -> memref<128x64xf32, #tpu.memory_space<vmem>>
      %dma_start3A_62 = arith.constant 0 : i32
      %dma_start3A_63 = tpu.memref_slice %arg5[%add3A_53, %dma_start3A_62] : memref<20x128xi32, #tpu.memory_space<vmem>> -> memref<1x128xi32, #tpu.memory_space<vmem>>
      %dma_start3A_64 = tpu.memref_squeeze %dma_start3A_63 : memref<1x128xi32, #tpu.memory_space<vmem>> -> memref<128xi32, #tpu.memory_space<vmem>>
      %dma_start3A_65 = arith.constant 0 : i32
      %dma_start3A_66 = arith.constant 0 : i32
      %dma_start3A_67 = tpu.memref_slice %arg7[%dma_start3A_65, %dma_start3A_66] : memref<10240x64xf32, #tpu.memory_space<vmem_shared>> -> memref<10240x64xf32, #tpu.memory_space<vmem_shared>>
      tpu.enqueue_indirect_dma source(%dma_start3A_67 : memref<10240x64xf32, #tpu.memory_space<vmem_shared>>) target(%dma_start3A_61 : memref<128x64xf32, #tpu.memory_space<vmem>>) offsets(%dma_start3A_64 : memref<128xi32, #tpu.memory_space<vmem>>) semaphore(%arg8 : memref<!tpu.dma_semaphore, #tpu.memory_space<semaphore_mem>>)
      %add3A_68 = arith.constant 0 : i32
      %add3A_69 = arith.addi %mul3A_14, %add3A_68 : i32
      %add3A_70 = arith.constant 3 : i32
      %add3A_71 = arith.addi %add3A_69, %add3A_70 : i32
      %dma_start3A_72 = arith.constant 0 : i32
      %dma_start3A_73 = arith.constant 0 : i32
      %dma_start3A_74 = arith.constant 0 : i32
      %dma_start3A_75 = tpu.memref_slice %arg6[%dma_start3A_72, %dma_start3A_73, %dma_start3A_74] : memref<2x512x64xf32, #tpu.memory_space<vmem>> -> memref<1x512x64xf32, #tpu.memory_space<vmem>>
      %dma_start3A_76 = tpu.memref_squeeze %dma_start3A_75 : memref<1x512x64xf32, #tpu.memory_space<vmem>> -> memref<512x64xf32, #tpu.memory_space<vmem>>
      %dma_start3A_77 = arith.constant 384 : i32
      %dma_start3A_78 = arith.constant 0 : i32
      %dma_start3A_79 = tpu.memref_slice %dma_start3A_76[%dma_start3A_77, %dma_start3A_78] : memref<512x64xf32, #tpu.memory_space<vmem>> -> memref<128x64xf32, #tpu.memory_space<vmem>>
      %dma_start3A_80 = arith.constant 0 : i32
      %dma_start3A_81 = tpu.memref_slice %arg5[%add3A_71, %dma_start3A_80] : memref<20x128xi32, #tpu.memory_space<vmem>> -> memref<1x128xi32, #tpu.memory_space<vmem>>
      %dma_start3A_82 = tpu.memref_squeeze %dma_start3A_81 : memref<1x128xi32, #tpu.memory_space<vmem>> -> memref<128xi32, #tpu.memory_space<vmem>>
      %dma_start3A_83 = arith.constant 0 : i32
      %dma_start3A_84 = arith.constant 0 : i32
      %dma_start3A_85 = tpu.memref_slice %arg7[%dma_start3A_83, %dma_start3A_84] : memref<10240x64xf32, #tpu.memory_space<vmem_shared>> -> memref<10240x64xf32, #tpu.memory_space<vmem_shared>>
      tpu.enqueue_indirect_dma source(%dma_start3A_85 : memref<10240x64xf32, #tpu.memory_space<vmem_shared>>) target(%dma_start3A_79 : memref<128x64xf32, #tpu.memory_space<vmem>>) offsets(%dma_start3A_82 : memref<128xi32, #tpu.memory_space<vmem>>) semaphore(%arg8 : memref<!tpu.dma_semaphore, #tpu.memory_space<semaphore_mem>>)
      %add3A_86 = arith.constant 4 : i32
      %add3A_87 = arith.addi %mul3A_14, %add3A_86 : i32
      %add3A_88 = arith.constant 0 : i32
      %add3A_89 = arith.addi %add3A_87, %add3A_88 : i32
      %dma_start3A_90 = arith.constant 1 : i32
      %dma_start3A_91 = arith.constant 0 : i32
      %dma_start3A_92 = arith.constant 0 : i32
      %dma_start3A_93 = tpu.memref_slice %arg6[%dma_start3A_90, %dma_start3A_91, %dma_start3A_92] : memref<2x512x64xf32, #tpu.memory_space<vmem>> -> memref<1x512x64xf32, #tpu.memory_space<vmem>>
      %dma_start3A_94 = tpu.memref_squeeze %dma_start3A_93 : memref<1x512x64xf32, #tpu.memory_space<vmem>> -> memref<512x64xf32, #tpu.memory_space<vmem>>
      %dma_start3A_95 = arith.constant 0 : i32
      %dma_start3A_96 = arith.constant 0 : i32
      %dma_start3A_97 = tpu.memref_slice %dma_start3A_94[%dma_start3A_95, %dma_start3A_96] : memref<512x64xf32, #tpu.memory_space<vmem>> -> memref<128x64xf32, #tpu.memory_space<vmem>>
      %dma_start3A_98 = arith.constant 0 : i32
      %dma_start3A_99 = tpu.memref_slice %arg5[%add3A_89, %dma_start3A_98] : memref<20x128xi32, #tpu.memory_space<vmem>> -> memref<1x128xi32, #tpu.memory_space<vmem>>
      %dma_start3A_100 = tpu.memref_squeeze %dma_start3A_99 : memref<1x128xi32, #tpu.memory_space<vmem>> -> memref<128xi32, #tpu.memory_space<vmem>>
      %dma_start3A_101 = arith.constant 0 : i32
      %dma_start3A_102 = arith.constant 0 : i32
      %dma_start3A_103 = tpu.memref_slice %arg7[%dma_start3A_101, %dma_start3A_102] : memref<10240x64xf32, #tpu.memory_space<vmem_shared>> -> memref<10240x64xf32, #tpu.memory_space<vmem_shared>>
      tpu.enqueue_indirect_dma source(%dma_start3A_103 : memref<10240x64xf32, #tpu.memory_space<vmem_shared>>) target(%dma_start3A_97 : memref<128x64xf32, #tpu.memory_space<vmem>>) offsets(%dma_start3A_100 : memref<128xi32, #tpu.memory_space<vmem>>) semaphore(%arg9 : memref<!tpu.dma_semaphore, #tpu.memory_space<semaphore_mem>>)
      %add3A_104 = arith.constant 4 : i32
      %add3A_105 = arith.addi %mul3A_14, %add3A_104 : i32
      %add3A_106 = arith.constant 1 : i32
      %add3A_107 = arith.addi %add3A_105, %add3A_106 : i32
      %dma_start3A_108 = arith.constant 1 : i32
      %dma_start3A_109 = arith.constant 0 : i32
      %dma_start3A_110 = arith.constant 0 : i32
      %dma_start3A_111 = tpu.memref_slice %arg6[%dma_start3A_108, %dma_start3A_109, %dma_start3A_110] : memref<2x512x64xf32, #tpu.memory_space<vmem>> -> memref<1x512x64xf32, #tpu.memory_space<vmem>>
      %dma_start3A_112 = tpu.memref_squeeze %dma_start3A_111 : memref<1x512x64xf32, #tpu.memory_space<vmem>> -> memref<512x64xf32, #tpu.memory_space<vmem>>
      %dma_start3A_113 = arith.constant 128 : i32
      %dma_start3A_114 = arith.constant 0 : i32
      %dma_start3A_115 = tpu.memref_slice %dma_start3A_112[%dma_start3A_113, %dma_start3A_114] : memref<512x64xf32, #tpu.memory_space<vmem>> -> memref<128x64xf32, #tpu.memory_space<vmem>>
      %dma_start3A_116 = arith.constant 0 : i32
      %dma_start3A_117 = tpu.memref_slice %arg5[%add3A_107, %dma_start3A_116] : memref<20x128xi32, #tpu.memory_space<vmem>> -> memref<1x128xi32, #tpu.memory_space<vmem>>
      %dma_start3A_118 = tpu.memref_squeeze %dma_start3A_117 : memref<1x128xi32, #tpu.memory_space<vmem>> -> memref<128xi32, #tpu.memory_space<vmem>>
      %dma_start3A_119 = arith.constant 0 : i32
      %dma_start3A_120 = arith.constant 0 : i32
      %dma_start3A_121 = tpu.memref_slice %arg7[%dma_start3A_119, %dma_start3A_120] : memref<10240x64xf32, #tpu.memory_space<vmem_shared>> -> memref<10240x64xf32, #tpu.memory_space<vmem_shared>>
      tpu.enqueue_indirect_dma source(%dma_start3A_121 : memref<10240x64xf32, #tpu.memory_space<vmem_shared>>) target(%dma_start3A_115 : memref<128x64xf32, #tpu.memory_space<vmem>>) offsets(%dma_start3A_118 : memref<128xi32, #tpu.memory_space<vmem>>) semaphore(%arg9 : memref<!tpu.dma_semaphore, #tpu.memory_space<semaphore_mem>>)
      %add3A_122 = arith.constant 4 : i32
      %add3A_123 = arith.addi %mul3A_14, %add3A_122 : i32
      %add3A_124 = arith.constant 2 : i32
      %add3A_125 = arith.addi %add3A_123, %add3A_124 : i32
      %dma_start3A_126 = arith.constant 1 : i32
      %dma_start3A_127 = arith.constant 0 : i32
      %dma_start3A_128 = arith.constant 0 : i32
      %dma_start3A_129 = tpu.memref_slice %arg6[%dma_start3A_126, %dma_start3A_127, %dma_start3A_128] : memref<2x512x64xf32, #tpu.memory_space<vmem>> -> memref<1x512x64xf32, #tpu.memory_space<vmem>>
      %dma_start3A_130 = tpu.memref_squeeze %dma_start3A_129 : memref<1x512x64xf32, #tpu.memory_space<vmem>> -> memref<512x64xf32, #tpu.memory_space<vmem>>
      %dma_start3A_131 = arith.constant 256 : i32
      %dma_start3A_132 = arith.constant 0 : i32
      %dma_start3A_133 = tpu.memref_slice %dma_start3A_130[%dma_start3A_131, %dma_start3A_132] : memref<512x64xf32, #tpu.memory_space<vmem>> -> memref<128x64xf32, #tpu.memory_space<vmem>>
      %dma_start3A_134 = arith.constant 0 : i32
      %dma_start3A_135 = tpu.memref_slice %arg5[%add3A_125, %dma_start3A_134] : memref<20x128xi32, #tpu.memory_space<vmem>> -> memref<1x128xi32, #tpu.memory_space<vmem>>
      %dma_start3A_136 = tpu.memref_squeeze %dma_start3A_135 : memref<1x128xi32, #tpu.memory_space<vmem>> -> memref<128xi32, #tpu.memory_space<vmem>>
      %dma_start3A_137 = arith.constant 0 : i32
      %dma_start3A_138 = arith.constant 0 : i32
      %dma_start3A_139 = tpu.memref_slice %arg7[%dma_start3A_137, %dma_start3A_138] : memref<10240x64xf32, #tpu.memory_space<vmem_shared>> -> memref<10240x64xf32, #tpu.memory_space<vmem_shared>>
      tpu.enqueue_indirect_dma source(%dma_start3A_139 : memref<10240x64xf32, #tpu.memory_space<vmem_shared>>) target(%dma_start3A_133 : memref<128x64xf32, #tpu.memory_space<vmem>>) offsets(%dma_start3A_136 : memref<128xi32, #tpu.memory_space<vmem>>) semaphore(%arg9 : memref<!tpu.dma_semaphore, #tpu.memory_space<semaphore_mem>>)
      %add3A_140 = arith.constant 4 : i32
      %add3A_141 = arith.addi %mul3A_14, %add3A_140 : i32
      %add3A_142 = arith.constant 3 : i32
      %add3A_143 = arith.addi %add3A_141, %add3A_142 : i32
      %dma_start3A_144 = arith.constant 1 : i32
      %dma_start3A_145 = arith.constant 0 : i32
      %dma_start3A_146 = arith.constant 0 : i32
      %dma_start3A_147 = tpu.memref_slice %arg6[%dma_start3A_144, %dma_start3A_145, %dma_start3A_146] : memref<2x512x64xf32, #tpu.memory_space<vmem>> -> memref<1x512x64xf32, #tpu.memory_space<vmem>>
      %dma_start3A_148 = tpu.memref_squeeze %dma_start3A_147 : memref<1x512x64xf32, #tpu.memory_space<vmem>> -> memref<512x64xf32, #tpu.memory_space<vmem>>
      %dma_start3A_149 = arith.constant 384 : i32
      %dma_start3A_150 = arith.constant 0 : i32
      %dma_start3A_151 = tpu.memref_slice %dma_start3A_148[%dma_start3A_149, %dma_start3A_150] : memref<512x64xf32, #tpu.memory_space<vmem>> -> memref<128x64xf32, #tpu.memory_space<vmem>>
      %dma_start3A_152 = arith.constant 0 : i32
      %dma_start3A_153 = tpu.memref_slice %arg5[%add3A_143, %dma_start3A_152] : memref<20x128xi32, #tpu.memory_space<vmem>> -> memref<1x128xi32, #tpu.memory_space<vmem>>
      %dma_start3A_154 = tpu.memref_squeeze %dma_start3A_153 : memref<1x128xi32, #tpu.memory_space<vmem>> -> memref<128xi32, #tpu.memory_space<vmem>>
      %dma_start3A_155 = arith.constant 0 : i32
      %dma_start3A_156 = arith.constant 0 : i32
      %dma_start3A_157 = tpu.memref_slice %arg7[%dma_start3A_155, %dma_start3A_156] : memref<10240x64xf32, #tpu.memory_space<vmem_shared>> -> memref<10240x64xf32, #tpu.memory_space<vmem_shared>>
      tpu.enqueue_indirect_dma source(%dma_start3A_157 : memref<10240x64xf32, #tpu.memory_space<vmem_shared>>) target(%dma_start3A_151 : memref<128x64xf32, #tpu.memory_space<vmem>>) offsets(%dma_start3A_154 : memref<128xi32, #tpu.memory_space<vmem>>) semaphore(%arg9 : memref<!tpu.dma_semaphore, #tpu.memory_space<semaphore_mem>>)
      %dma_wait3A = arith.constant 0 : i32
      %dma_wait3A_158 = arith.constant 0 : i32
      %dma_wait3A_159 = arith.constant 0 : i32
      %dma_wait3A_160 = tpu.memref_slice %arg6[%dma_wait3A, %dma_wait3A_158, %dma_wait3A_159] : memref<2x512x64xf32, #tpu.memory_space<vmem>> -> memref<1x512x64xf32, #tpu.memory_space<vmem>>
      %dma_wait3A_161 = tpu.memref_squeeze %dma_wait3A_160 : memref<1x512x64xf32, #tpu.memory_space<vmem>> -> memref<512x64xf32, #tpu.memory_space<vmem>>
      %dma_wait3A_162 = arith.constant 0 : i32
      %dma_wait3A_163 = arith.constant 0 : i32
      %dma_wait3A_164 = tpu.memref_slice %dma_wait3A_161[%dma_wait3A_162, %dma_wait3A_163] : memref<512x64xf32, #tpu.memory_space<vmem>> -> memref<128x64xf32, #tpu.memory_space<vmem>>
      %dma_wait3A_165 = arith.constant 0 : i32
      %dma_wait3A_166 = tpu.memref_slice %arg5[%add3A_18, %dma_wait3A_165] : memref<20x128xi32, #tpu.memory_space<vmem>> -> memref<1x128xi32, #tpu.memory_space<vmem>>
      %dma_wait3A_167 = tpu.memref_squeeze %dma_wait3A_166 : memref<1x128xi32, #tpu.memory_space<vmem>> -> memref<128xi32, #tpu.memory_space<vmem>>
      %dma_wait3A_168 = arith.constant 0 : i32
      %dma_wait3A_169 = arith.constant 0 : i32
      %dma_wait3A_170 = tpu.memref_slice %arg7[%dma_wait3A_168, %dma_wait3A_169] : memref<10240x64xf32, #tpu.memory_space<vmem_shared>> -> memref<10240x64xf32, #tpu.memory_space<vmem_shared>>
      tpu.wait_indirect_dma semaphore(%arg8 : memref<!tpu.dma_semaphore, #tpu.memory_space<semaphore_mem>>) src(%dma_wait3A_170 : memref<10240x64xf32, #tpu.memory_space<vmem_shared>>) dst(%dma_wait3A_164 : memref<128x64xf32, #tpu.memory_space<vmem>>)
      %dma_wait3A_171 = arith.constant 0 : i32
      %dma_wait3A_172 = arith.constant 0 : i32
      %dma_wait3A_173 = arith.constant 0 : i32
      %dma_wait3A_174 = tpu.memref_slice %arg6[%dma_wait3A_171, %dma_wait3A_172, %dma_wait3A_173] : memref<2x512x64xf32, #tpu.memory_space<vmem>> -> memref<1x512x64xf32, #tpu.memory_space<vmem>>
      %dma_wait3A_175 = tpu.memref_squeeze %dma_wait3A_174 : memref<1x512x64xf32, #tpu.memory_space<vmem>> -> memref<512x64xf32, #tpu.memory_space<vmem>>
      %dma_wait3A_176 = arith.constant 128 : i32
      %dma_wait3A_177 = arith.constant 0 : i32
      %dma_wait3A_178 = tpu.memref_slice %dma_wait3A_175[%dma_wait3A_176, %dma_wait3A_177] : memref<512x64xf32, #tpu.memory_space<vmem>> -> memref<128x64xf32, #tpu.memory_space<vmem>>
      %dma_wait3A_179 = arith.constant 0 : i32
      %dma_wait3A_180 = tpu.memref_slice %arg5[%add3A_35, %dma_wait3A_179] : memref<20x128xi32, #tpu.memory_space<vmem>> -> memref<1x128xi32, #tpu.memory_space<vmem>>
      %dma_wait3A_181 = tpu.memref_squeeze %dma_wait3A_180 : memref<1x128xi32, #tpu.memory_space<vmem>> -> memref<128xi32, #tpu.memory_space<vmem>>
      %dma_wait3A_182 = arith.constant 0 : i32
      %dma_wait3A_183 = arith.constant 0 : i32
      %dma_wait3A_184 = tpu.memref_slice %arg7[%dma_wait3A_182, %dma_wait3A_183] : memref<10240x64xf32, #tpu.memory_space<vmem_shared>> -> memref<10240x64xf32, #tpu.memory_space<vmem_shared>>
      tpu.wait_indirect_dma semaphore(%arg8 : memref<!tpu.dma_semaphore, #tpu.memory_space<semaphore_mem>>) src(%dma_wait3A_184 : memref<10240x64xf32, #tpu.memory_space<vmem_shared>>) dst(%dma_wait3A_178 : memref<128x64xf32, #tpu.memory_space<vmem>>)
      %dma_wait3A_185 = arith.constant 0 : i32
      %dma_wait3A_186 = arith.constant 0 : i32
      %dma_wait3A_187 = arith.constant 0 : i32
      %dma_wait3A_188 = tpu.memref_slice %arg6[%dma_wait3A_185, %dma_wait3A_186, %dma_wait3A_187] : memref<2x512x64xf32, #tpu.memory_space<vmem>> -> memref<1x512x64xf32, #tpu.memory_space<vmem>>
      %dma_wait3A_189 = tpu.memref_squeeze %dma_wait3A_188 : memref<1x512x64xf32, #tpu.memory_space<vmem>> -> memref<512x64xf32, #tpu.memory_space<vmem>>
      %dma_wait3A_190 = arith.constant 256 : i32
      %dma_wait3A_191 = arith.constant 0 : i32
      %dma_wait3A_192 = tpu.memref_slice %dma_wait3A_189[%dma_wait3A_190, %dma_wait3A_191] : memref<512x64xf32, #tpu.memory_space<vmem>> -> memref<128x64xf32, #tpu.memory_space<vmem>>
      %dma_wait3A_193 = arith.constant 0 : i32
      %dma_wait3A_194 = tpu.memref_slice %arg5[%add3A_53, %dma_wait3A_193] : memref<20x128xi32, #tpu.memory_space<vmem>> -> memref<1x128xi32, #tpu.memory_space<vmem>>
      %dma_wait3A_195 = tpu.memref_squeeze %dma_wait3A_194 : memref<1x128xi32, #tpu.memory_space<vmem>> -> memref<128xi32, #tpu.memory_space<vmem>>
      %dma_wait3A_196 = arith.constant 0 : i32
      %dma_wait3A_197 = arith.constant 0 : i32
      %dma_wait3A_198 = tpu.memref_slice %arg7[%dma_wait3A_196, %dma_wait3A_197] : memref<10240x64xf32, #tpu.memory_space<vmem_shared>> -> memref<10240x64xf32, #tpu.memory_space<vmem_shared>>
      tpu.wait_indirect_dma semaphore(%arg8 : memref<!tpu.dma_semaphore, #tpu.memory_space<semaphore_mem>>) src(%dma_wait3A_198 : memref<10240x64xf32, #tpu.memory_space<vmem_shared>>) dst(%dma_wait3A_192 : memref<128x64xf32, #tpu.memory_space<vmem>>)
      %dma_wait3A_199 = arith.constant 0 : i32
      %dma_wait3A_200 = arith.constant 0 : i32
      %dma_wait3A_201 = arith.constant 0 : i32
      %dma_wait3A_202 = tpu.memref_slice %arg6[%dma_wait3A_199, %dma_wait3A_200, %dma_wait3A_201] : memref<2x512x64xf32, #tpu.memory_space<vmem>> -> memref<1x512x64xf32, #tpu.memory_space<vmem>>
      %dma_wait3A_203 = tpu.memref_squeeze %dma_wait3A_202 : memref<1x512x64xf32, #tpu.memory_space<vmem>> -> memref<512x64xf32, #tpu.memory_space<vmem>>
      %dma_wait3A_204 = arith.constant 384 : i32
      %dma_wait3A_205 = arith.constant 0 : i32
      %dma_wait3A_206 = tpu.memref_slice %dma_wait3A_203[%dma_wait3A_204, %dma_wait3A_205] : memref<512x64xf32, #tpu.memory_space<vmem>> -> memref<128x64xf32, #tpu.memory_space<vmem>>
      %dma_wait3A_207 = arith.constant 0 : i32
      %dma_wait3A_208 = tpu.memref_slice %arg5[%add3A_71, %dma_wait3A_207] : memref<20x128xi32, #tpu.memory_space<vmem>> -> memref<1x128xi32, #tpu.memory_space<vmem>>
      %dma_wait3A_209 = tpu.memref_squeeze %dma_wait3A_208 : memref<1x128xi32, #tpu.memory_space<vmem>> -> memref<128xi32, #tpu.memory_space<vmem>>
      %dma_wait3A_210 = arith.constant 0 : i32
      %dma_wait3A_211 = arith.constant 0 : i32
      %dma_wait3A_212 = tpu.memref_slice %arg7[%dma_wait3A_210, %dma_wait3A_211] : memref<10240x64xf32, #tpu.memory_space<vmem_shared>> -> memref<10240x64xf32, #tpu.memory_space<vmem_shared>>
      tpu.wait_indirect_dma semaphore(%arg8 : memref<!tpu.dma_semaphore, #tpu.memory_space<semaphore_mem>>) src(%dma_wait3A_212 : memref<10240x64xf32, #tpu.memory_space<vmem_shared>>) dst(%dma_wait3A_206 : memref<128x64xf32, #tpu.memory_space<vmem>>)
      %add3A_213 = arith.addi %mul3A_2, %mul3A_14 : i32
      %add3A_214 = arith.constant 0 : i32
      %add3A_215 = arith.addi %add3A_213, %add3A_214 : i32
      %mul3A_216 = arith.constant 128 : i32
      %mul3A_217 = arith.muli %add3A_215, %mul3A_216 : i32
      %dma_start3A_218 = arith.constant 0 : i32
      %dma_start3A_219 = arith.constant 0 : i32
      %dma_start3A_220 = arith.constant 0 : i32
      %dma_start3A_221 = tpu.memref_slice %arg6[%dma_start3A_218, %dma_start3A_219, %dma_start3A_220] : memref<2x512x64xf32, #tpu.memory_space<vmem>> -> memref<1x512x64xf32, #tpu.memory_space<vmem>>
      %dma_start3A_222 = tpu.memref_squeeze %dma_start3A_221 : memref<1x512x64xf32, #tpu.memory_space<vmem>> -> memref<512x64xf32, #tpu.memory_space<vmem>>
      %dma_start3A_223 = arith.constant 0 : i32
      %dma_start3A_224 = tpu.memref_slice %arg4[%mul3A_217, %dma_start3A_223] : memref<81920x64xf32, #tpu.memory_space<hbm>> -> memref<512x64xf32, #tpu.memory_space<hbm>>
      %dma_start3A_225 = arith.constant 0 : i32
      %dma_start3A_226 = tpu.memref_slice %arg4[%mul3A_217, %dma_start3A_225] : memref<81920x64xf32, #tpu.memory_space<hbm>> -> memref<512x64xf32, #tpu.memory_space<hbm>>
      %dma_start3A_227 = arith.constant 0 : i32
      %dma_start3A_228 = arith.constant 0 : i32
      %dma_start3A_229 = tpu.memref_slice %arg6[%dma_start3A_218, %dma_start3A_227, %dma_start3A_228] : memref<2x512x64xf32, #tpu.memory_space<vmem>> -> memref<1x512x64xf32, #tpu.memory_space<vmem>>
      %dma_start3A_230 = tpu.memref_squeeze %dma_start3A_229 : memref<1x512x64xf32, #tpu.memory_space<vmem>> -> memref<512x64xf32, #tpu.memory_space<vmem>>
      tpu.enqueue_dma source(%dma_start3A_230 : memref<512x64xf32, #tpu.memory_space<vmem>>) target(%dma_start3A_226 : memref<512x64xf32, #tpu.memory_space<hbm>>) target_semaphore(%arg10 : memref<!tpu.dma_semaphore, #tpu.memory_space<semaphore_mem>>)
      %dma_wait3A_231 = arith.constant 1 : i32
      %dma_wait3A_232 = arith.constant 0 : i32
      %dma_wait3A_233 = arith.constant 0 : i32
      %dma_wait3A_234 = tpu.memref_slice %arg6[%dma_wait3A_231, %dma_wait3A_232, %dma_wait3A_233] : memref<2x512x64xf32, #tpu.memory_space<vmem>> -> memref<1x512x64xf32, #tpu.memory_space<vmem>>
      %dma_wait3A_235 = tpu.memref_squeeze %dma_wait3A_234 : memref<1x512x64xf32, #tpu.memory_space<vmem>> -> memref<512x64xf32, #tpu.memory_space<vmem>>
      %dma_wait3A_236 = arith.constant 0 : i32
      %dma_wait3A_237 = arith.constant 0 : i32
      %dma_wait3A_238 = tpu.memref_slice %dma_wait3A_235[%dma_wait3A_236, %dma_wait3A_237] : memref<512x64xf32, #tpu.memory_space<vmem>> -> memref<128x64xf32, #tpu.memory_space<vmem>>
      %dma_wait3A_239 = arith.constant 0 : i32
      %dma_wait3A_240 = tpu.memref_slice %arg5[%add3A_89, %dma_wait3A_239] : memref<20x128xi32, #tpu.memory_space<vmem>> -> memref<1x128xi32, #tpu.memory_space<vmem>>
      %dma_wait3A_241 = tpu.memref_squeeze %dma_wait3A_240 : memref<1x128xi32, #tpu.memory_space<vmem>> -> memref<128xi32, #tpu.memory_space<vmem>>
      %dma_wait3A_242 = arith.constant 0 : i32
      %dma_wait3A_243 = arith.constant 0 : i32
      %dma_wait3A_244 = tpu.memref_slice %arg7[%dma_wait3A_242, %dma_wait3A_243] : memref<10240x64xf32, #tpu.memory_space<vmem_shared>> -> memref<10240x64xf32, #tpu.memory_space<vmem_shared>>
      tpu.wait_indirect_dma semaphore(%arg9 : memref<!tpu.dma_semaphore, #tpu.memory_space<semaphore_mem>>) src(%dma_wait3A_244 : memref<10240x64xf32, #tpu.memory_space<vmem_shared>>) dst(%dma_wait3A_238 : memref<128x64xf32, #tpu.memory_space<vmem>>)
      %dma_wait3A_245 = arith.constant 1 : i32
      %dma_wait3A_246 = arith.constant 0 : i32
      %dma_wait3A_247 = arith.constant 0 : i32
      %dma_wait3A_248 = tpu.memref_slice %arg6[%dma_wait3A_245, %dma_wait3A_246, %dma_wait3A_247] : memref<2x512x64xf32, #tpu.memory_space<vmem>> -> memref<1x512x64xf32, #tpu.memory_space<vmem>>
      %dma_wait3A_249 = tpu.memref_squeeze %dma_wait3A_248 : memref<1x512x64xf32, #tpu.memory_space<vmem>> -> memref<512x64xf32, #tpu.memory_space<vmem>>
      %dma_wait3A_250 = arith.constant 128 : i32
      %dma_wait3A_251 = arith.constant 0 : i32
      %dma_wait3A_252 = tpu.memref_slice %dma_wait3A_249[%dma_wait3A_250, %dma_wait3A_251] : memref<512x64xf32, #tpu.memory_space<vmem>> -> memref<128x64xf32, #tpu.memory_space<vmem>>
      %dma_wait3A_253 = arith.constant 0 : i32
      %dma_wait3A_254 = tpu.memref_slice %arg5[%add3A_107, %dma_wait3A_253] : memref<20x128xi32, #tpu.memory_space<vmem>> -> memref<1x128xi32, #tpu.memory_space<vmem>>
      %dma_wait3A_255 = tpu.memref_squeeze %dma_wait3A_254 : memref<1x128xi32, #tpu.memory_space<vmem>> -> memref<128xi32, #tpu.memory_space<vmem>>
      %dma_wait3A_256 = arith.constant 0 : i32
      %dma_wait3A_257 = arith.constant 0 : i32
      %dma_wait3A_258 = tpu.memref_slice %arg7[%dma_wait3A_256, %dma_wait3A_257] : memref<10240x64xf32, #tpu.memory_space<vmem_shared>> -> memref<10240x64xf32, #tpu.memory_space<vmem_shared>>
      tpu.wait_indirect_dma semaphore(%arg9 : memref<!tpu.dma_semaphore, #tpu.memory_space<semaphore_mem>>) src(%dma_wait3A_258 : memref<10240x64xf32, #tpu.memory_space<vmem_shared>>) dst(%dma_wait3A_252 : memref<128x64xf32, #tpu.memory_space<vmem>>)
      %dma_wait3A_259 = arith.constant 1 : i32
      %dma_wait3A_260 = arith.constant 0 : i32
      %dma_wait3A_261 = arith.constant 0 : i32
      %dma_wait3A_262 = tpu.memref_slice %arg6[%dma_wait3A_259, %dma_wait3A_260, %dma_wait3A_261] : memref<2x512x64xf32, #tpu.memory_space<vmem>> -> memref<1x512x64xf32, #tpu.memory_space<vmem>>
      %dma_wait3A_263 = tpu.memref_squeeze %dma_wait3A_262 : memref<1x512x64xf32, #tpu.memory_space<vmem>> -> memref<512x64xf32, #tpu.memory_space<vmem>>
      %dma_wait3A_264 = arith.constant 256 : i32
      %dma_wait3A_265 = arith.constant 0 : i32
      %dma_wait3A_266 = tpu.memref_slice %dma_wait3A_263[%dma_wait3A_264, %dma_wait3A_265] : memref<512x64xf32, #tpu.memory_space<vmem>> -> memref<128x64xf32, #tpu.memory_space<vmem>>
      %dma_wait3A_267 = arith.constant 0 : i32
      %dma_wait3A_268 = tpu.memref_slice %arg5[%add3A_125, %dma_wait3A_267] : memref<20x128xi32, #tpu.memory_space<vmem>> -> memref<1x128xi32, #tpu.memory_space<vmem>>
      %dma_wait3A_269 = tpu.memref_squeeze %dma_wait3A_268 : memref<1x128xi32, #tpu.memory_space<vmem>> -> memref<128xi32, #tpu.memory_space<vmem>>
      %dma_wait3A_270 = arith.constant 0 : i32
      %dma_wait3A_271 = arith.constant 0 : i32
      %dma_wait3A_272 = tpu.memref_slice %arg7[%dma_wait3A_270, %dma_wait3A_271] : memref<10240x64xf32, #tpu.memory_space<vmem_shared>> -> memref<10240x64xf32, #tpu.memory_space<vmem_shared>>
      tpu.wait_indirect_dma semaphore(%arg9 : memref<!tpu.dma_semaphore, #tpu.memory_space<semaphore_mem>>) src(%dma_wait3A_272 : memref<10240x64xf32, #tpu.memory_space<vmem_shared>>) dst(%dma_wait3A_266 : memref<128x64xf32, #tpu.memory_space<vmem>>)
      %dma_wait3A_273 = arith.constant 1 : i32
      %dma_wait3A_274 = arith.constant 0 : i32
      %dma_wait3A_275 = arith.constant 0 : i32
      %dma_wait3A_276 = tpu.memref_slice %arg6[%dma_wait3A_273, %dma_wait3A_274, %dma_wait3A_275] : memref<2x512x64xf32, #tpu.memory_space<vmem>> -> memref<1x512x64xf32, #tpu.memory_space<vmem>>
      %dma_wait3A_277 = tpu.memref_squeeze %dma_wait3A_276 : memref<1x512x64xf32, #tpu.memory_space<vmem>> -> memref<512x64xf32, #tpu.memory_space<vmem>>
      %dma_wait3A_278 = arith.constant 384 : i32
      %dma_wait3A_279 = arith.constant 0 : i32
      %dma_wait3A_280 = tpu.memref_slice %dma_wait3A_277[%dma_wait3A_278, %dma_wait3A_279] : memref<512x64xf32, #tpu.memory_space<vmem>> -> memref<128x64xf32, #tpu.memory_space<vmem>>
      %dma_wait3A_281 = arith.constant 0 : i32
      %dma_wait3A_282 = tpu.memref_slice %arg5[%add3A_143, %dma_wait3A_281] : memref<20x128xi32, #tpu.memory_space<vmem>> -> memref<1x128xi32, #tpu.memory_space<vmem>>
      %dma_wait3A_283 = tpu.memref_squeeze %dma_wait3A_282 : memref<1x128xi32, #tpu.memory_space<vmem>> -> memref<128xi32, #tpu.memory_space<vmem>>
      %dma_wait3A_284 = arith.constant 0 : i32
      %dma_wait3A_285 = arith.constant 0 : i32
      %dma_wait3A_286 = tpu.memref_slice %arg7[%dma_wait3A_284, %dma_wait3A_285] : memref<10240x64xf32, #tpu.memory_space<vmem_shared>> -> memref<10240x64xf32, #tpu.memory_space<vmem_shared>>
      tpu.wait_indirect_dma semaphore(%arg9 : memref<!tpu.dma_semaphore, #tpu.memory_space<semaphore_mem>>) src(%dma_wait3A_286 : memref<10240x64xf32, #tpu.memory_space<vmem_shared>>) dst(%dma_wait3A_280 : memref<128x64xf32, #tpu.memory_space<vmem>>)
      %add3A_287 = arith.addi %mul3A_2, %mul3A_14 : i32
      %add3A_288 = arith.constant 4 : i32
      %add3A_289 = arith.addi %add3A_287, %add3A_288 : i32
      %mul3A_290 = arith.constant 128 : i32
      %mul3A_291 = arith.muli %add3A_289, %mul3A_290 : i32
      %dma_start3A_292 = arith.constant 1 : i32
      %dma_start3A_293 = arith.constant 0 : i32
      %dma_start3A_294 = arith.constant 0 : i32
      %dma_start3A_295 = tpu.memref_slice %arg6[%dma_start3A_292, %dma_start3A_293, %dma_start3A_294] : memref<2x512x64xf32, #tpu.memory_space<vmem>> -> memref<1x512x64xf32, #tpu.memory_space<vmem>>
      %dma_start3A_296 = tpu.memref_squeeze %dma_start3A_295 : memref<1x512x64xf32, #tpu.memory_space<vmem>> -> memref<512x64xf32, #tpu.memory_space<vmem>>
      %dma_start3A_297 = arith.constant 0 : i32
      %dma_start3A_298 = tpu.memref_slice %arg4[%mul3A_291, %dma_start3A_297] : memref<81920x64xf32, #tpu.memory_space<hbm>> -> memref<512x64xf32, #tpu.memory_space<hbm>>
      %dma_start3A_299 = arith.constant 0 : i32
      %dma_start3A_300 = tpu.memref_slice %arg4[%mul3A_291, %dma_start3A_299] : memref<81920x64xf32, #tpu.memory_space<hbm>> -> memref<512x64xf32, #tpu.memory_space<hbm>>
      %dma_start3A_301 = arith.constant 0 : i32
      %dma_start3A_302 = arith.constant 0 : i32
      %dma_start3A_303 = tpu.memref_slice %arg6[%dma_start3A_292, %dma_start3A_301, %dma_start3A_302] : memref<2x512x64xf32, #tpu.memory_space<vmem>> -> memref<1x512x64xf32, #tpu.memory_space<vmem>>
      %dma_start3A_304 = tpu.memref_squeeze %dma_start3A_303 : memref<1x512x64xf32, #tpu.memory_space<vmem>> -> memref<512x64xf32, #tpu.memory_space<vmem>>
      tpu.enqueue_dma source(%dma_start3A_304 : memref<512x64xf32, #tpu.memory_space<vmem>>) target(%dma_start3A_300 : memref<512x64xf32, #tpu.memory_space<hbm>>) target_semaphore(%arg11 : memref<!tpu.dma_semaphore, #tpu.memory_space<semaphore_mem>>)
      %dma_wait3A_305 = arith.constant 0 : i32
      %dma_wait3A_306 = arith.constant 0 : i32
      %dma_wait3A_307 = arith.constant 0 : i32
      %dma_wait3A_308 = tpu.memref_slice %arg6[%dma_wait3A_305, %dma_wait3A_306, %dma_wait3A_307] : memref<2x512x64xf32, #tpu.memory_space<vmem>> -> memref<1x512x64xf32, #tpu.memory_space<vmem>>
      %dma_wait3A_309 = tpu.memref_squeeze %dma_wait3A_308 : memref<1x512x64xf32, #tpu.memory_space<vmem>> -> memref<512x64xf32, #tpu.memory_space<vmem>>
      %dma_wait3A_310 = arith.constant 0 : i32
      %dma_wait3A_311 = tpu.memref_slice %arg4[%mul3A_217, %dma_wait3A_310] : memref<81920x64xf32, #tpu.memory_space<hbm>> -> memref<512x64xf32, #tpu.memory_space<hbm>>
      %dma_wait3A_312 = arith.constant 0 : i32
      %dma_wait3A_313 = tpu.memref_slice %arg4[%mul3A_217, %dma_wait3A_312] : memref<81920x64xf32, #tpu.memory_space<hbm>> -> memref<512x64xf32, #tpu.memory_space<hbm>>
      %dma_wait3A_314 = arith.constant 0 : i32
      %dma_wait3A_315 = arith.constant 0 : i32
      %dma_wait3A_316 = tpu.memref_slice %arg6[%dma_wait3A_305, %dma_wait3A_314, %dma_wait3A_315] : memref<2x512x64xf32, #tpu.memory_space<vmem>> -> memref<1x512x64xf32, #tpu.memory_space<vmem>>
      %dma_wait3A_317 = tpu.memref_squeeze %dma_wait3A_316 : memref<1x512x64xf32, #tpu.memory_space<vmem>> -> memref<512x64xf32, #tpu.memory_space<vmem>>
      tpu.wait_dma2 semaphore(%arg10 : memref<!tpu.dma_semaphore, #tpu.memory_space<semaphore_mem>>) src(%dma_wait3A_317 : memref<512x64xf32, #tpu.memory_space<vmem>>) dst(%dma_wait3A_313 : memref<512x64xf32, #tpu.memory_space<hbm>>)
      %dma_wait3A_318 = arith.constant 1 : i32
      %dma_wait3A_319 = arith.constant 0 : i32
      %dma_wait3A_320 = arith.constant 0 : i32
      %dma_wait3A_321 = tpu.memref_slice %arg6[%dma_wait3A_318, %dma_wait3A_319, %dma_wait3A_320] : memref<2x512x64xf32, #tpu.memory_space<vmem>> -> memref<1x512x64xf32, #tpu.memory_space<vmem>>
      %dma_wait3A_322 = tpu.memref_squeeze %dma_wait3A_321 : memref<1x512x64xf32, #tpu.memory_space<vmem>> -> memref<512x64xf32, #tpu.memory_space<vmem>>
      %dma_wait3A_323 = arith.constant 0 : i32
      %dma_wait3A_324 = tpu.memref_slice %arg4[%mul3A_291, %dma_wait3A_323] : memref<81920x64xf32, #tpu.memory_space<hbm>> -> memref<512x64xf32, #tpu.memory_space<hbm>>
      %dma_wait3A_325 = arith.constant 0 : i32
      %dma_wait3A_326 = tpu.memref_slice %arg4[%mul3A_291, %dma_wait3A_325] : memref<81920x64xf32, #tpu.memory_space<hbm>> -> memref<512x64xf32, #tpu.memory_space<hbm>>
      %dma_wait3A_327 = arith.constant 0 : i32
      %dma_wait3A_328 = arith.constant 0 : i32
      %dma_wait3A_329 = tpu.memref_slice %arg6[%dma_wait3A_318, %dma_wait3A_327, %dma_wait3A_328] : memref<2x512x64xf32, #tpu.memory_space<vmem>> -> memref<1x512x64xf32, #tpu.memory_space<vmem>>
      %dma_wait3A_330 = tpu.memref_squeeze %dma_wait3A_329 : memref<1x512x64xf32, #tpu.memory_space<vmem>> -> memref<512x64xf32, #tpu.memory_space<vmem>>
      tpu.wait_dma2 semaphore(%arg11 : memref<!tpu.dma_semaphore, #tpu.memory_space<semaphore_mem>>) src(%dma_wait3A_330 : memref<512x64xf32, #tpu.memory_space<vmem>>) dst(%dma_wait3A_326 : memref<512x64xf32, #tpu.memory_space<hbm>>)
    }
    %scan3A_11 = arith.constant 2 : i32
    return
  }
}

#map = affine_map<(d0, d1) -> (0, 0)>
module attributes {stable_mosaic.version = 14 : i64} {
  func.func @k(%arg0: i32, %arg1: i32, %arg2: memref<10240x64xf32, #tpu.memory_space<hbm>>, %arg3: memref<640x128xi32, #tpu.memory_space<hbm>>, %arg4: memref<81920x64xf32, #tpu.memory_space<hbm>>, %arg5: memref<20x128xi32, #tpu.memory_space<vmem>>, %arg6: memref<2x512x64xf32, #tpu.memory_space<vmem>>, %arg7: memref<10240x64xf32, #tpu.memory_space<vmem_shared>>, %arg8: memref<!tpu.dma_semaphore, #tpu.memory_space<semaphore_mem>>, %arg9: memref<!tpu.dma_semaphore, #tpu.memory_space<semaphore_mem>>, %arg10: memref<!tpu.dma_semaphore, #tpu.memory_space<semaphore_mem>>, %arg11: memref<!tpu.dma_semaphore, #tpu.memory_space<semaphore_mem>>) attributes {dimension_semantics = [#tpu.dimension_semantics<core_parallel>, #tpu.dimension_semantics<subcore_parallel>], iteration_bounds = array<i64: 2, 16>, scalar_prefetch = 0 : i64, scratch_operands = 7 : i64, tpu.core_type = #tpu.core_type<sc_vector_subcore>, window_params = [{transform_indices = #map}, {transform_indices = #map}, {transform_indices = #map}]} {
    %mul3A = arith.constant 2 : i32
    %mul3A_0 = arith.muli %arg1, %mul3A : i32
    %add3A = arith.addi %mul3A_0, %arg0 : i32
    %mul3A_1 = arith.constant 20 : i32
    %mul3A_2 = arith.muli %add3A, %mul3A_1 : i32
    "tpu.region"() ({
      %run_scoped3A = tpu.sem_alloc : memref<!tpu.dma_semaphore, #tpu.memory_space<semaphore_mem>>
      %dma_start3A = arith.constant 0 : i32
      %dma_start3A_12 = tpu.memref_slice %arg3[%mul3A_2, %dma_start3A] : memref<640x128xi32, #tpu.memory_space<hbm>> -> memref<20x128xi32, #tpu.memory_space<hbm>>
      %dma_start3A_13 = arith.constant 0 : i32
      %dma_start3A_14 = tpu.memref_slice %arg3[%mul3A_2, %dma_start3A_13] : memref<640x128xi32, #tpu.memory_space<hbm>> -> memref<20x128xi32, #tpu.memory_space<hbm>>
      tpu.enqueue_dma source(%dma_start3A_14 : memref<20x128xi32, #tpu.memory_space<hbm>>) target(%arg5 : memref<20x128xi32, #tpu.memory_space<vmem>>) target_semaphore(%run_scoped3A : memref<!tpu.dma_semaphore, #tpu.memory_space<semaphore_mem>>)
      %dma_wait3A = arith.constant 0 : i32
      %dma_wait3A_15 = tpu.memref_slice %arg3[%mul3A_2, %dma_wait3A] : memref<640x128xi32, #tpu.memory_space<hbm>> -> memref<20x128xi32, #tpu.memory_space<hbm>>
      %dma_wait3A_16 = arith.constant 0 : i32
      %dma_wait3A_17 = tpu.memref_slice %arg3[%mul3A_2, %dma_wait3A_16] : memref<640x128xi32, #tpu.memory_space<hbm>> -> memref<20x128xi32, #tpu.memory_space<hbm>>
      tpu.wait_dma2 semaphore(%run_scoped3A : memref<!tpu.dma_semaphore, #tpu.memory_space<semaphore_mem>>) src(%dma_wait3A_17 : memref<20x128xi32, #tpu.memory_space<hbm>>) dst(%arg5 : memref<20x128xi32, #tpu.memory_space<vmem>>)
      tpu.yield
    }) : () -> ()
    %mul3A_3 = arith.constant 640 : i32
    %mul3A_4 = arith.muli %arg1, %mul3A_3 : i32
    %mul3A_5 = arith.constant 640 : i32
    %mul3A_6 = arith.muli %arg1, %mul3A_5 : i32
    "tpu.region"() ({
      %run_scoped3A = tpu.sem_alloc : memref<!tpu.dma_semaphore, #tpu.memory_space<semaphore_mem>>
      %dma_start3A = arith.constant 0 : i32
      %dma_start3A_12 = tpu.memref_slice %arg7[%mul3A_6, %dma_start3A] : memref<10240x64xf32, #tpu.memory_space<vmem_shared>> -> memref<640x64xf32, #tpu.memory_space<vmem_shared>>
      %dma_start3A_13 = arith.constant 0 : i32
      %dma_start3A_14 = tpu.memref_slice %arg2[%mul3A_4, %dma_start3A_13] : memref<10240x64xf32, #tpu.memory_space<hbm>> -> memref<640x64xf32, #tpu.memory_space<hbm>>
      tpu.enqueue_dma source(%dma_start3A_14 : memref<640x64xf32, #tpu.memory_space<hbm>>) target(%dma_start3A_12 : memref<640x64xf32, #tpu.memory_space<vmem_shared>>) target_semaphore(%run_scoped3A : memref<!tpu.dma_semaphore, #tpu.memory_space<semaphore_mem>>)
      %dma_wait3A = arith.constant 0 : i32
      %dma_wait3A_15 = tpu.memref_slice %arg7[%mul3A_6, %dma_wait3A] : memref<10240x64xf32, #tpu.memory_space<vmem_shared>> -> memref<640x64xf32, #tpu.memory_space<vmem_shared>>
      %dma_wait3A_16 = arith.constant 0 : i32
      %dma_wait3A_17 = tpu.memref_slice %arg2[%mul3A_4, %dma_wait3A_16] : memref<10240x64xf32, #tpu.memory_space<hbm>> -> memref<640x64xf32, #tpu.memory_space<hbm>>
      tpu.wait_dma2 semaphore(%run_scoped3A : memref<!tpu.dma_semaphore, #tpu.memory_space<semaphore_mem>>) src(%dma_wait3A_17 : memref<640x64xf32, #tpu.memory_space<hbm>>) dst(%dma_wait3A_15 : memref<640x64xf32, #tpu.memory_space<vmem_shared>>)
      tpu.yield
    }) : () -> ()
    %barrier3A = arith.constant 0 : index
    tpu.barrier barrier_id(%barrier3A)
    %scan3A = arith.constant 0 : i32
    %scan3A_7 = arith.constant 0 : i32
    %scan3A_8 = arith.constant 2 : i32
    %scan3A_9 = arith.addi %scan3A_7, %scan3A_8 : i32
    %scan3A_10 = arith.constant 1 : i32
    scf.for %scan3A_12 = %scan3A_7 to %scan3A_9 step %scan3A_10  : i32 {
      %mul3A_13 = arith.constant 8 : i32
      %mul3A_14 = arith.muli %mul3A_13, %scan3A_12 : i32
      %add3A_15 = arith.constant 0 : i32
      %add3A_16 = arith.addi %mul3A_14, %add3A_15 : i32
      %add3A_17 = arith.constant 0 : i32
      %add3A_18 = arith.addi %add3A_16, %add3A_17 : i32
      %dma_start3A = arith.constant 0 : i32
      %dma_start3A_19 = arith.constant 0 : i32
      %dma_start3A_20 = arith.constant 0 : i32
      %dma_start3A_21 = tpu.memref_slice %arg6[%dma_start3A, %dma_start3A_19, %dma_start3A_20] : memref<2x512x64xf32, #tpu.memory_space<vmem>> -> memref<1x512x64xf32, #tpu.memory_space<vmem>>
      %dma_start3A_22 = tpu.memref_squeeze %dma_start3A_21 : memref<1x512x64xf32, #tpu.memory_space<vmem>> -> memref<512x64xf32, #tpu.memory_space<vmem>>
      %dma_start3A_23 = arith.constant 0 : i32
      %dma_start3A_24 = arith.constant 0 : i32
      %dma_start3A_25 = tpu.memref_slice %dma_start3A_22[%dma_start3A_23, %dma_start3A_24] : memref<512x64xf32, #tpu.memory_space<vmem>> -> memref<128x64xf32, #tpu.memory_space<vmem>>
      %dma_start3A_26 = arith.constant 0 : i32
      %dma_start3A_27 = tpu.memref_slice %arg5[%add3A_18, %dma_start3A_26] : memref<20x128xi32, #tpu.memory_space<vmem>> -> memref<1x128xi32, #tpu.memory_space<vmem>>
      %dma_start3A_28 = tpu.memref_squeeze %dma_start3A_27 : memref<1x128xi32, #tpu.memory_space<vmem>> -> memref<128xi32, #tpu.memory_space<vmem>>
      %dma_start3A_29 = arith.constant 0 : i32
      %dma_start3A_30 = arith.constant 0 : i32
      %dma_start3A_31 = tpu.memref_slice %arg7[%dma_start3A_29, %dma_start3A_30] : memref<10240x64xf32, #tpu.memory_space<vmem_shared>> -> memref<10240x64xf32, #tpu.memory_space<vmem_shared>>
      tpu.enqueue_indirect_dma source(%dma_start3A_31 : memref<10240x64xf32, #tpu.memory_space<vmem_shared>>) target(%dma_start3A_25 : memref<128x64xf32, #tpu.memory_space<vmem>>) offsets(%dma_start3A_28 : memref<128xi32, #tpu.memory_space<vmem>>) semaphore(%arg8 : memref<!tpu.dma_semaphore, #tpu.memory_space<semaphore_mem>>)
      %add3A_32 = arith.constant 0 : i32
      %add3A_33 = arith.addi %mul3A_14, %add3A_32 : i32
      %add3A_34 = arith.constant 1 : i32
      %add3A_35 = arith.addi %add3A_33, %add3A_34 : i32
      %dma_start3A_36 = arith.constant 0 : i32
      %dma_start3A_37 = arith.constant 0 : i32
      %dma_start3A_38 = arith.constant 0 : i32
      %dma_start3A_39 = tpu.memref_slice %arg6[%dma_start3A_36, %dma_start3A_37, %dma_start3A_38] : memref<2x512x64xf32, #tpu.memory_space<vmem>> -> memref<1x512x64xf32, #tpu.memory_space<vmem>>
      %dma_start3A_40 = tpu.memref_squeeze %dma_start3A_39 : memref<1x512x64xf32, #tpu.memory_space<vmem>> -> memref<512x64xf32, #tpu.memory_space<vmem>>
      %dma_start3A_41 = arith.constant 128 : i32
      %dma_start3A_42 = arith.constant 0 : i32
      %dma_start3A_43 = tpu.memref_slice %dma_start3A_40[%dma_start3A_41, %dma_start3A_42] : memref<512x64xf32, #tpu.memory_space<vmem>> -> memref<128x64xf32, #tpu.memory_space<vmem>>
      %dma_start3A_44 = arith.constant 0 : i32
      %dma_start3A_45 = tpu.memref_slice %arg5[%add3A_35, %dma_start3A_44] : memref<20x128xi32, #tpu.memory_space<vmem>> -> memref<1x128xi32, #tpu.memory_space<vmem>>
      %dma_start3A_46 = tpu.memref_squeeze %dma_start3A_45 : memref<1x128xi32, #tpu.memory_space<vmem>> -> memref<128xi32, #tpu.memory_space<vmem>>
      %dma_start3A_47 = arith.constant 0 : i32
      %dma_start3A_48 = arith.constant 0 : i32
      %dma_start3A_49 = tpu.memref_slice %arg7[%dma_start3A_47, %dma_start3A_48] : memref<10240x64xf32, #tpu.memory_space<vmem_shared>> -> memref<10240x64xf32, #tpu.memory_space<vmem_shared>>
      tpu.enqueue_indirect_dma source(%dma_start3A_49 : memref<10240x64xf32, #tpu.memory_space<vmem_shared>>) target(%dma_start3A_43 : memref<128x64xf32, #tpu.memory_space<vmem>>) offsets(%dma_start3A_46 : memref<128xi32, #tpu.memory_space<vmem>>) semaphore(%arg8 : memref<!tpu.dma_semaphore, #tpu.memory_space<semaphore_mem>>)
      %add3A_50 = arith.constant 0 : i32
      %add3A_51 = arith.addi %mul3A_14, %add3A_50 : i32
      %add3A_52 = arith.constant 2 : i32
      %add3A_53 = arith.addi %add3A_51, %add3A_52 : i32
      %dma_start3A_54 = arith.constant 0 : i32
      %dma_start3A_55 = arith.constant 0 : i32
      %dma_start3A_56 = arith.constant 0 : i32
      %dma_start3A_57 = tpu.memref_slice %arg6[%dma_start3A_54, %dma_start3A_55, %dma_start3A_56] : memref<2x512x64xf32, #tpu.memory_space<vmem>> -> memref<1x512x64xf32, #tpu.memory_space<vmem>>
      %dma_start3A_58 = tpu.memref_squeeze %dma_start3A_57 : memref<1x512x64xf32, #tpu.memory_space<vmem>> -> memref<512x64xf32, #tpu.memory_space<vmem>>
      %dma_start3A_59 = arith.constant 256 : i32
      %dma_start3A_60 = arith.constant 0 : i32
      %dma_start3A_61 = tpu.memref_slice %dma_start3A_58[%dma_start3A_59, %dma_start3A_60] : memref<512x64xf32, #tpu.memory_space<vmem>> -> memref<128x64xf32, #tpu.memory_space<vmem>>
      %dma_start3A_62 = arith.constant 0 : i32
      %dma_start3A_63 = tpu.memref_slice %arg5[%add3A_53, %dma_start3A_62] : memref<20x128xi32, #tpu.memory_space<vmem>> -> memref<1x128xi32, #tpu.memory_space<vmem>>
      %dma_start3A_64 = tpu.memref_squeeze %dma_start3A_63 : memref<1x128xi32, #tpu.memory_space<vmem>> -> memref<128xi32, #tpu.memory_space<vmem>>
      %dma_start3A_65 = arith.constant 0 : i32
      %dma_start3A_66 = arith.constant 0 : i32
      %dma_start3A_67 = tpu.memref_slice %arg7[%dma_start3A_65, %dma_start3A_66] : memref<10240x64xf32, #tpu.memory_space<vmem_shared>> -> memref<10240x64xf32, #tpu.memory_space<vmem_shared>>
      tpu.enqueue_indirect_dma source(%dma_start3A_67 : memref<10240x64xf32, #tpu.memory_space<vmem_shared>>) target(%dma_start3A_61 : memref<128x64xf32, #tpu.memory_space<vmem>>) offsets(%dma_start3A_64 : memref<128xi32, #tpu.memory_space<vmem>>) semaphore(%arg8 : memref<!tpu.dma_semaphore, #tpu.memory_space<semaphore_mem>>)
      %add3A_68 = arith.constant 0 : i32
      %add3A_69 = arith.addi %mul3A_14, %add3A_68 : i32
      %add3A_70 = arith.constant 3 : i32
      %add3A_71 = arith.addi %add3A_69, %add3A_70 : i32
      %dma_start3A_72 = arith.constant 0 : i32
      %dma_start3A_73 = arith.constant 0 : i32
      %dma_start3A_74 = arith.constant 0 : i32
      %dma_start3A_75 = tpu.memref_slice %arg6[%dma_start3A_72, %dma_start3A_73, %dma_start3A_74] : memref<2x512x64xf32, #tpu.memory_space<vmem>> -> memref<1x512x64xf32, #tpu.memory_space<vmem>>
      %dma_start3A_76 = tpu.memref_squeeze %dma_start3A_75 : memref<1x512x64xf32, #tpu.memory_space<vmem>> -> memref<512x64xf32, #tpu.memory_space<vmem>>
      %dma_start3A_77 = arith.constant 384 : i32
      %dma_start3A_78 = arith.constant 0 : i32
      %dma_start3A_79 = tpu.memref_slice %dma_start3A_76[%dma_start3A_77, %dma_start3A_78] : memref<512x64xf32, #tpu.memory_space<vmem>> -> memref<128x64xf32, #tpu.memory_space<vmem>>
      %dma_start3A_80 = arith.constant 0 : i32
      %dma_start3A_81 = tpu.memref_slice %arg5[%add3A_71, %dma_start3A_80] : memref<20x128xi32, #tpu.memory_space<vmem>> -> memref<1x128xi32, #tpu.memory_space<vmem>>
      %dma_start3A_82 = tpu.memref_squeeze %dma_start3A_81 : memref<1x128xi32, #tpu.memory_space<vmem>> -> memref<128xi32, #tpu.memory_space<vmem>>
      %dma_start3A_83 = arith.constant 0 : i32
      %dma_start3A_84 = arith.constant 0 : i32
      %dma_start3A_85 = tpu.memref_slice %arg7[%dma_start3A_83, %dma_start3A_84] : memref<10240x64xf32, #tpu.memory_space<vmem_shared>> -> memref<10240x64xf32, #tpu.memory_space<vmem_shared>>
      tpu.enqueue_indirect_dma source(%dma_start3A_85 : memref<10240x64xf32, #tpu.memory_space<vmem_shared>>) target(%dma_start3A_79 : memref<128x64xf32, #tpu.memory_space<vmem>>) offsets(%dma_start3A_82 : memref<128xi32, #tpu.memory_space<vmem>>) semaphore(%arg8 : memref<!tpu.dma_semaphore, #tpu.memory_space<semaphore_mem>>)
      %add3A_86 = arith.constant 4 : i32
      %add3A_87 = arith.addi %mul3A_14, %add3A_86 : i32
      %add3A_88 = arith.constant 0 : i32
      %add3A_89 = arith.addi %add3A_87, %add3A_88 : i32
      %dma_start3A_90 = arith.constant 1 : i32
      %dma_start3A_91 = arith.constant 0 : i32
      %dma_start3A_92 = arith.constant 0 : i32
      %dma_start3A_93 = tpu.memref_slice %arg6[%dma_start3A_90, %dma_start3A_91, %dma_start3A_92] : memref<2x512x64xf32, #tpu.memory_space<vmem>> -> memref<1x512x64xf32, #tpu.memory_space<vmem>>
      %dma_start3A_94 = tpu.memref_squeeze %dma_start3A_93 : memref<1x512x64xf32, #tpu.memory_space<vmem>> -> memref<512x64xf32, #tpu.memory_space<vmem>>
      %dma_start3A_95 = arith.constant 0 : i32
      %dma_start3A_96 = arith.constant 0 : i32
      %dma_start3A_97 = tpu.memref_slice %dma_start3A_94[%dma_start3A_95, %dma_start3A_96] : memref<512x64xf32, #tpu.memory_space<vmem>> -> memref<128x64xf32, #tpu.memory_space<vmem>>
      %dma_start3A_98 = arith.constant 0 : i32
      %dma_start3A_99 = tpu.memref_slice %arg5[%add3A_89, %dma_start3A_98] : memref<20x128xi32, #tpu.memory_space<vmem>> -> memref<1x128xi32, #tpu.memory_space<vmem>>
      %dma_start3A_100 = tpu.memref_squeeze %dma_start3A_99 : memref<1x128xi32, #tpu.memory_space<vmem>> -> memref<128xi32, #tpu.memory_space<vmem>>
      %dma_start3A_101 = arith.constant 0 : i32
      %dma_start3A_102 = arith.constant 0 : i32
      %dma_start3A_103 = tpu.memref_slice %arg7[%dma_start3A_101, %dma_start3A_102] : memref<10240x64xf32, #tpu.memory_space<vmem_shared>> -> memref<10240x64xf32, #tpu.memory_space<vmem_shared>>
      tpu.enqueue_indirect_dma source(%dma_start3A_103 : memref<10240x64xf32, #tpu.memory_space<vmem_shared>>) target(%dma_start3A_97 : memref<128x64xf32, #tpu.memory_space<vmem>>) offsets(%dma_start3A_100 : memref<128xi32, #tpu.memory_space<vmem>>) semaphore(%arg9 : memref<!tpu.dma_semaphore, #tpu.memory_space<semaphore_mem>>)
      %add3A_104 = arith.constant 4 : i32
      %add3A_105 = arith.addi %mul3A_14, %add3A_104 : i32
      %add3A_106 = arith.constant 1 : i32
      %add3A_107 = arith.addi %add3A_105, %add3A_106 : i32
      %dma_start3A_108 = arith.constant 1 : i32
      %dma_start3A_109 = arith.constant 0 : i32
      %dma_start3A_110 = arith.constant 0 : i32
      %dma_start3A_111 = tpu.memref_slice %arg6[%dma_start3A_108, %dma_start3A_109, %dma_start3A_110] : memref<2x512x64xf32, #tpu.memory_space<vmem>> -> memref<1x512x64xf32, #tpu.memory_space<vmem>>
      %dma_start3A_112 = tpu.memref_squeeze %dma_start3A_111 : memref<1x512x64xf32, #tpu.memory_space<vmem>> -> memref<512x64xf32, #tpu.memory_space<vmem>>
      %dma_start3A_113 = arith.constant 128 : i32
      %dma_start3A_114 = arith.constant 0 : i32
      %dma_start3A_115 = tpu.memref_slice %dma_start3A_112[%dma_start3A_113, %dma_start3A_114] : memref<512x64xf32, #tpu.memory_space<vmem>> -> memref<128x64xf32, #tpu.memory_space<vmem>>
      %dma_start3A_116 = arith.constant 0 : i32
      %dma_start3A_117 = tpu.memref_slice %arg5[%add3A_107, %dma_start3A_116] : memref<20x128xi32, #tpu.memory_space<vmem>> -> memref<1x128xi32, #tpu.memory_space<vmem>>
      %dma_start3A_118 = tpu.memref_squeeze %dma_start3A_117 : memref<1x128xi32, #tpu.memory_space<vmem>> -> memref<128xi32, #tpu.memory_space<vmem>>
      %dma_start3A_119 = arith.constant 0 : i32
      %dma_start3A_120 = arith.constant 0 : i32
      %dma_start3A_121 = tpu.memref_slice %arg7[%dma_start3A_119, %dma_start3A_120] : memref<10240x64xf32, #tpu.memory_space<vmem_shared>> -> memref<10240x64xf32, #tpu.memory_space<vmem_shared>>
      tpu.enqueue_indirect_dma source(%dma_start3A_121 : memref<10240x64xf32, #tpu.memory_space<vmem_shared>>) target(%dma_start3A_115 : memref<128x64xf32, #tpu.memory_space<vmem>>) offsets(%dma_start3A_118 : memref<128xi32, #tpu.memory_space<vmem>>) semaphore(%arg9 : memref<!tpu.dma_semaphore, #tpu.memory_space<semaphore_mem>>)
      %add3A_122 = arith.constant 4 : i32
      %add3A_123 = arith.addi %mul3A_14, %add3A_122 : i32
      %add3A_124 = arith.constant 2 : i32
      %add3A_125 = arith.addi %add3A_123, %add3A_124 : i32
      %dma_start3A_126 = arith.constant 1 : i32
      %dma_start3A_127 = arith.constant 0 : i32
      %dma_start3A_128 = arith.constant 0 : i32
      %dma_start3A_129 = tpu.memref_slice %arg6[%dma_start3A_126, %dma_start3A_127, %dma_start3A_128] : memref<2x512x64xf32, #tpu.memory_space<vmem>> -> memref<1x512x64xf32, #tpu.memory_space<vmem>>
      %dma_start3A_130 = tpu.memref_squeeze %dma_start3A_129 : memref<1x512x64xf32, #tpu.memory_space<vmem>> -> memref<512x64xf32, #tpu.memory_space<vmem>>
      %dma_start3A_131 = arith.constant 256 : i32
      %dma_start3A_132 = arith.constant 0 : i32
      %dma_start3A_133 = tpu.memref_slice %dma_start3A_130[%dma_start3A_131, %dma_start3A_132] : memref<512x64xf32, #tpu.memory_space<vmem>> -> memref<128x64xf32, #tpu.memory_space<vmem>>
      %dma_start3A_134 = arith.constant 0 : i32
      %dma_start3A_135 = tpu.memref_slice %arg5[%add3A_125, %dma_start3A_134] : memref<20x128xi32, #tpu.memory_space<vmem>> -> memref<1x128xi32, #tpu.memory_space<vmem>>
      %dma_start3A_136 = tpu.memref_squeeze %dma_start3A_135 : memref<1x128xi32, #tpu.memory_space<vmem>> -> memref<128xi32, #tpu.memory_space<vmem>>
      %dma_start3A_137 = arith.constant 0 : i32
      %dma_start3A_138 = arith.constant 0 : i32
      %dma_start3A_139 = tpu.memref_slice %arg7[%dma_start3A_137, %dma_start3A_138] : memref<10240x64xf32, #tpu.memory_space<vmem_shared>> -> memref<10240x64xf32, #tpu.memory_space<vmem_shared>>
      tpu.enqueue_indirect_dma source(%dma_start3A_139 : memref<10240x64xf32, #tpu.memory_space<vmem_shared>>) target(%dma_start3A_133 : memref<128x64xf32, #tpu.memory_space<vmem>>) offsets(%dma_start3A_136 : memref<128xi32, #tpu.memory_space<vmem>>) semaphore(%arg9 : memref<!tpu.dma_semaphore, #tpu.memory_space<semaphore_mem>>)
      %add3A_140 = arith.constant 4 : i32
      %add3A_141 = arith.addi %mul3A_14, %add3A_140 : i32
      %add3A_142 = arith.constant 3 : i32
      %add3A_143 = arith.addi %add3A_141, %add3A_142 : i32
      %dma_start3A_144 = arith.constant 1 : i32
      %dma_start3A_145 = arith.constant 0 : i32
      %dma_start3A_146 = arith.constant 0 : i32
      %dma_start3A_147 = tpu.memref_slice %arg6[%dma_start3A_144, %dma_start3A_145, %dma_start3A_146] : memref<2x512x64xf32, #tpu.memory_space<vmem>> -> memref<1x512x64xf32, #tpu.memory_space<vmem>>
      %dma_start3A_148 = tpu.memref_squeeze %dma_start3A_147 : memref<1x512x64xf32, #tpu.memory_space<vmem>> -> memref<512x64xf32, #tpu.memory_space<vmem>>
      %dma_start3A_149 = arith.constant 384 : i32
      %dma_start3A_150 = arith.constant 0 : i32
      %dma_start3A_151 = tpu.memref_slice %dma_start3A_148[%dma_start3A_149, %dma_start3A_150] : memref<512x64xf32, #tpu.memory_space<vmem>> -> memref<128x64xf32, #tpu.memory_space<vmem>>
      %dma_start3A_152 = arith.constant 0 : i32
      %dma_start3A_153 = tpu.memref_slice %arg5[%add3A_143, %dma_start3A_152] : memref<20x128xi32, #tpu.memory_space<vmem>> -> memref<1x128xi32, #tpu.memory_space<vmem>>
      %dma_start3A_154 = tpu.memref_squeeze %dma_start3A_153 : memref<1x128xi32, #tpu.memory_space<vmem>> -> memref<128xi32, #tpu.memory_space<vmem>>
      %dma_start3A_155 = arith.constant 0 : i32
      %dma_start3A_156 = arith.constant 0 : i32
      %dma_start3A_157 = tpu.memref_slice %arg7[%dma_start3A_155, %dma_start3A_156] : memref<10240x64xf32, #tpu.memory_space<vmem_shared>> -> memref<10240x64xf32, #tpu.memory_space<vmem_shared>>
      tpu.enqueue_indirect_dma source(%dma_start3A_157 : memref<10240x64xf32, #tpu.memory_space<vmem_shared>>) target(%dma_start3A_151 : memref<128x64xf32, #tpu.memory_space<vmem>>) offsets(%dma_start3A_154 : memref<128xi32, #tpu.memory_space<vmem>>) semaphore(%arg9 : memref<!tpu.dma_semaphore, #tpu.memory_space<semaphore_mem>>)
      %dma_wait3A = arith.constant 0 : i32
      %dma_wait3A_158 = arith.constant 0 : i32
      %dma_wait3A_159 = arith.constant 0 : i32
      %dma_wait3A_160 = tpu.memref_slice %arg6[%dma_wait3A, %dma_wait3A_158, %dma_wait3A_159] : memref<2x512x64xf32, #tpu.memory_space<vmem>> -> memref<1x512x64xf32, #tpu.memory_space<vmem>>
      %dma_wait3A_161 = tpu.memref_squeeze %dma_wait3A_160 : memref<1x512x64xf32, #tpu.memory_space<vmem>> -> memref<512x64xf32, #tpu.memory_space<vmem>>
      %dma_wait3A_162 = arith.constant 0 : i32
      %dma_wait3A_163 = arith.constant 0 : i32
      %dma_wait3A_164 = tpu.memref_slice %dma_wait3A_161[%dma_wait3A_162, %dma_wait3A_163] : memref<512x64xf32, #tpu.memory_space<vmem>> -> memref<128x64xf32, #tpu.memory_space<vmem>>
      %dma_wait3A_165 = arith.constant 0 : i32
      %dma_wait3A_166 = tpu.memref_slice %arg5[%add3A_18, %dma_wait3A_165] : memref<20x128xi32, #tpu.memory_space<vmem>> -> memref<1x128xi32, #tpu.memory_space<vmem>>
      %dma_wait3A_167 = tpu.memref_squeeze %dma_wait3A_166 : memref<1x128xi32, #tpu.memory_space<vmem>> -> memref<128xi32, #tpu.memory_space<vmem>>
      %dma_wait3A_168 = arith.constant 0 : i32
      %dma_wait3A_169 = arith.constant 0 : i32
      %dma_wait3A_170 = tpu.memref_slice %arg7[%dma_wait3A_168, %dma_wait3A_169] : memref<10240x64xf32, #tpu.memory_space<vmem_shared>> -> memref<10240x64xf32, #tpu.memory_space<vmem_shared>>
      tpu.wait_indirect_dma semaphore(%arg8 : memref<!tpu.dma_semaphore, #tpu.memory_space<semaphore_mem>>) src(%dma_wait3A_170 : memref<10240x64xf32, #tpu.memory_space<vmem_shared>>) dst(%dma_wait3A_164 : memref<128x64xf32, #tpu.memory_space<vmem>>)
      %dma_wait3A_171 = arith.constant 0 : i32
      %dma_wait3A_172 = arith.constant 0 : i32
      %dma_wait3A_173 = arith.constant 0 : i32
      %dma_wait3A_174 = tpu.memref_slice %arg6[%dma_wait3A_171, %dma_wait3A_172, %dma_wait3A_173] : memref<2x512x64xf32, #tpu.memory_space<vmem>> -> memref<1x512x64xf32, #tpu.memory_space<vmem>>
      %dma_wait3A_175 = tpu.memref_squeeze %dma_wait3A_174 : memref<1x512x64xf32, #tpu.memory_space<vmem>> -> memref<512x64xf32, #tpu.memory_space<vmem>>
      %dma_wait3A_176 = arith.constant 128 : i32
      %dma_wait3A_177 = arith.constant 0 : i32
      %dma_wait3A_178 = tpu.memref_slice %dma_wait3A_175[%dma_wait3A_176, %dma_wait3A_177] : memref<512x64xf32, #tpu.memory_space<vmem>> -> memref<128x64xf32, #tpu.memory_space<vmem>>
      %dma_wait3A_179 = arith.constant 0 : i32
      %dma_wait3A_180 = tpu.memref_slice %arg5[%add3A_35, %dma_wait3A_179] : memref<20x128xi32, #tpu.memory_space<vmem>> -> memref<1x128xi32, #tpu.memory_space<vmem>>
      %dma_wait3A_181 = tpu.memref_squeeze %dma_wait3A_180 : memref<1x128xi32, #tpu.memory_space<vmem>> -> memref<128xi32, #tpu.memory_space<vmem>>
      %dma_wait3A_182 = arith.constant 0 : i32
      %dma_wait3A_183 = arith.constant 0 : i32
      %dma_wait3A_184 = tpu.memref_slice %arg7[%dma_wait3A_182, %dma_wait3A_183] : memref<10240x64xf32, #tpu.memory_space<vmem_shared>> -> memref<10240x64xf32, #tpu.memory_space<vmem_shared>>
      tpu.wait_indirect_dma semaphore(%arg8 : memref<!tpu.dma_semaphore, #tpu.memory_space<semaphore_mem>>) src(%dma_wait3A_184 : memref<10240x64xf32, #tpu.memory_space<vmem_shared>>) dst(%dma_wait3A_178 : memref<128x64xf32, #tpu.memory_space<vmem>>)
      %dma_wait3A_185 = arith.constant 0 : i32
      %dma_wait3A_186 = arith.constant 0 : i32
      %dma_wait3A_187 = arith.constant 0 : i32
      %dma_wait3A_188 = tpu.memref_slice %arg6[%dma_wait3A_185, %dma_wait3A_186, %dma_wait3A_187] : memref<2x512x64xf32, #tpu.memory_space<vmem>> -> memref<1x512x64xf32, #tpu.memory_space<vmem>>
      %dma_wait3A_189 = tpu.memref_squeeze %dma_wait3A_188 : memref<1x512x64xf32, #tpu.memory_space<vmem>> -> memref<512x64xf32, #tpu.memory_space<vmem>>
      %dma_wait3A_190 = arith.constant 256 : i32
      %dma_wait3A_191 = arith.constant 0 : i32
      %dma_wait3A_192 = tpu.memref_slice %dma_wait3A_189[%dma_wait3A_190, %dma_wait3A_191] : memref<512x64xf32, #tpu.memory_space<vmem>> -> memref<128x64xf32, #tpu.memory_space<vmem>>
      %dma_wait3A_193 = arith.constant 0 : i32
      %dma_wait3A_194 = tpu.memref_slice %arg5[%add3A_53, %dma_wait3A_193] : memref<20x128xi32, #tpu.memory_space<vmem>> -> memref<1x128xi32, #tpu.memory_space<vmem>>
      %dma_wait3A_195 = tpu.memref_squeeze %dma_wait3A_194 : memref<1x128xi32, #tpu.memory_space<vmem>> -> memref<128xi32, #tpu.memory_space<vmem>>
      %dma_wait3A_196 = arith.constant 0 : i32
      %dma_wait3A_197 = arith.constant 0 : i32
      %dma_wait3A_198 = tpu.memref_slice %arg7[%dma_wait3A_196, %dma_wait3A_197] : memref<10240x64xf32, #tpu.memory_space<vmem_shared>> -> memref<10240x64xf32, #tpu.memory_space<vmem_shared>>
      tpu.wait_indirect_dma semaphore(%arg8 : memref<!tpu.dma_semaphore, #tpu.memory_space<semaphore_mem>>) src(%dma_wait3A_198 : memref<10240x64xf32, #tpu.memory_space<vmem_shared>>) dst(%dma_wait3A_192 : memref<128x64xf32, #tpu.memory_space<vmem>>)
      %dma_wait3A_199 = arith.constant 0 : i32
      %dma_wait3A_200 = arith.constant 0 : i32
      %dma_wait3A_201 = arith.constant 0 : i32
      %dma_wait3A_202 = tpu.memref_slice %arg6[%dma_wait3A_199, %dma_wait3A_200, %dma_wait3A_201] : memref<2x512x64xf32, #tpu.memory_space<vmem>> -> memref<1x512x64xf32, #tpu.memory_space<vmem>>
      %dma_wait3A_203 = tpu.memref_squeeze %dma_wait3A_202 : memref<1x512x64xf32, #tpu.memory_space<vmem>> -> memref<512x64xf32, #tpu.memory_space<vmem>>
      %dma_wait3A_204 = arith.constant 384 : i32
      %dma_wait3A_205 = arith.constant 0 : i32
      %dma_wait3A_206 = tpu.memref_slice %dma_wait3A_203[%dma_wait3A_204, %dma_wait3A_205] : memref<512x64xf32, #tpu.memory_space<vmem>> -> memref<128x64xf32, #tpu.memory_space<vmem>>
      %dma_wait3A_207 = arith.constant 0 : i32
      %dma_wait3A_208 = tpu.memref_slice %arg5[%add3A_71, %dma_wait3A_207] : memref<20x128xi32, #tpu.memory_space<vmem>> -> memref<1x128xi32, #tpu.memory_space<vmem>>
      %dma_wait3A_209 = tpu.memref_squeeze %dma_wait3A_208 : memref<1x128xi32, #tpu.memory_space<vmem>> -> memref<128xi32, #tpu.memory_space<vmem>>
      %dma_wait3A_210 = arith.constant 0 : i32
      %dma_wait3A_211 = arith.constant 0 : i32
      %dma_wait3A_212 = tpu.memref_slice %arg7[%dma_wait3A_210, %dma_wait3A_211] : memref<10240x64xf32, #tpu.memory_space<vmem_shared>> -> memref<10240x64xf32, #tpu.memory_space<vmem_shared>>
      tpu.wait_indirect_dma semaphore(%arg8 : memref<!tpu.dma_semaphore, #tpu.memory_space<semaphore_mem>>) src(%dma_wait3A_212 : memref<10240x64xf32, #tpu.memory_space<vmem_shared>>) dst(%dma_wait3A_206 : memref<128x64xf32, #tpu.memory_space<vmem>>)
      %add3A_213 = arith.addi %mul3A_2, %mul3A_14 : i32
      %add3A_214 = arith.constant 0 : i32
      %add3A_215 = arith.addi %add3A_213, %add3A_214 : i32
      %mul3A_216 = arith.constant 128 : i32
      %mul3A_217 = arith.muli %add3A_215, %mul3A_216 : i32
      %dma_start3A_218 = arith.constant 0 : i32
      %dma_start3A_219 = arith.constant 0 : i32
      %dma_start3A_220 = arith.constant 0 : i32
      %dma_start3A_221 = tpu.memref_slice %arg6[%dma_start3A_218, %dma_start3A_219, %dma_start3A_220] : memref<2x512x64xf32, #tpu.memory_space<vmem>> -> memref<1x512x64xf32, #tpu.memory_space<vmem>>
      %dma_start3A_222 = tpu.memref_squeeze %dma_start3A_221 : memref<1x512x64xf32, #tpu.memory_space<vmem>> -> memref<512x64xf32, #tpu.memory_space<vmem>>
      %dma_start3A_223 = arith.constant 0 : i32
      %dma_start3A_224 = tpu.memref_slice %arg4[%mul3A_217, %dma_start3A_223] : memref<81920x64xf32, #tpu.memory_space<hbm>> -> memref<512x64xf32, #tpu.memory_space<hbm>>
      %dma_start3A_225 = arith.constant 0 : i32
      %dma_start3A_226 = tpu.memref_slice %arg4[%mul3A_217, %dma_start3A_225] : memref<81920x64xf32, #tpu.memory_space<hbm>> -> memref<512x64xf32, #tpu.memory_space<hbm>>
      %dma_start3A_227 = arith.constant 0 : i32
      %dma_start3A_228 = arith.constant 0 : i32
      %dma_start3A_229 = tpu.memref_slice %arg6[%dma_start3A_218, %dma_start3A_227, %dma_start3A_228] : memref<2x512x64xf32, #tpu.memory_space<vmem>> -> memref<1x512x64xf32, #tpu.memory_space<vmem>>
      %dma_start3A_230 = tpu.memref_squeeze %dma_start3A_229 : memref<1x512x64xf32, #tpu.memory_space<vmem>> -> memref<512x64xf32, #tpu.memory_space<vmem>>
      tpu.enqueue_dma source(%dma_start3A_230 : memref<512x64xf32, #tpu.memory_space<vmem>>) target(%dma_start3A_226 : memref<512x64xf32, #tpu.memory_space<hbm>>) target_semaphore(%arg10 : memref<!tpu.dma_semaphore, #tpu.memory_space<semaphore_mem>>)
      %dma_wait3A_231 = arith.constant 1 : i32
      %dma_wait3A_232 = arith.constant 0 : i32
      %dma_wait3A_233 = arith.constant 0 : i32
      %dma_wait3A_234 = tpu.memref_slice %arg6[%dma_wait3A_231, %dma_wait3A_232, %dma_wait3A_233] : memref<2x512x64xf32, #tpu.memory_space<vmem>> -> memref<1x512x64xf32, #tpu.memory_space<vmem>>
      %dma_wait3A_235 = tpu.memref_squeeze %dma_wait3A_234 : memref<1x512x64xf32, #tpu.memory_space<vmem>> -> memref<512x64xf32, #tpu.memory_space<vmem>>
      %dma_wait3A_236 = arith.constant 0 : i32
      %dma_wait3A_237 = arith.constant 0 : i32
      %dma_wait3A_238 = tpu.memref_slice %dma_wait3A_235[%dma_wait3A_236, %dma_wait3A_237] : memref<512x64xf32, #tpu.memory_space<vmem>> -> memref<128x64xf32, #tpu.memory_space<vmem>>
      %dma_wait3A_239 = arith.constant 0 : i32
      %dma_wait3A_240 = tpu.memref_slice %arg5[%add3A_89, %dma_wait3A_239] : memref<20x128xi32, #tpu.memory_space<vmem>> -> memref<1x128xi32, #tpu.memory_space<vmem>>
      %dma_wait3A_241 = tpu.memref_squeeze %dma_wait3A_240 : memref<1x128xi32, #tpu.memory_space<vmem>> -> memref<128xi32, #tpu.memory_space<vmem>>
      %dma_wait3A_242 = arith.constant 0 : i32
      %dma_wait3A_243 = arith.constant 0 : i32
      %dma_wait3A_244 = tpu.memref_slice %arg7[%dma_wait3A_242, %dma_wait3A_243] : memref<10240x64xf32, #tpu.memory_space<vmem_shared>> -> memref<10240x64xf32, #tpu.memory_space<vmem_shared>>
      tpu.wait_indirect_dma semaphore(%arg9 : memref<!tpu.dma_semaphore, #tpu.memory_space<semaphore_mem>>) src(%dma_wait3A_244 : memref<10240x64xf32, #tpu.memory_space<vmem_shared>>) dst(%dma_wait3A_238 : memref<128x64xf32, #tpu.memory_space<vmem>>)
      %dma_wait3A_245 = arith.constant 1 : i32
      %dma_wait3A_246 = arith.constant 0 : i32
      %dma_wait3A_247 = arith.constant 0 : i32
      %dma_wait3A_248 = tpu.memref_slice %arg6[%dma_wait3A_245, %dma_wait3A_246, %dma_wait3A_247] : memref<2x512x64xf32, #tpu.memory_space<vmem>> -> memref<1x512x64xf32, #tpu.memory_space<vmem>>
      %dma_wait3A_249 = tpu.memref_squeeze %dma_wait3A_248 : memref<1x512x64xf32, #tpu.memory_space<vmem>> -> memref<512x64xf32, #tpu.memory_space<vmem>>
      %dma_wait3A_250 = arith.constant 128 : i32
      %dma_wait3A_251 = arith.constant 0 : i32
      %dma_wait3A_252 = tpu.memref_slice %dma_wait3A_249[%dma_wait3A_250, %dma_wait3A_251] : memref<512x64xf32, #tpu.memory_space<vmem>> -> memref<128x64xf32, #tpu.memory_space<vmem>>
      %dma_wait3A_253 = arith.constant 0 : i32
      %dma_wait3A_254 = tpu.memref_slice %arg5[%add3A_107, %dma_wait3A_253] : memref<20x128xi32, #tpu.memory_space<vmem>> -> memref<1x128xi32, #tpu.memory_space<vmem>>
      %dma_wait3A_255 = tpu.memref_squeeze %dma_wait3A_254 : memref<1x128xi32, #tpu.memory_space<vmem>> -> memref<128xi32, #tpu.memory_space<vmem>>
      %dma_wait3A_256 = arith.constant 0 : i32
      %dma_wait3A_257 = arith.constant 0 : i32
      %dma_wait3A_258 = tpu.memref_slice %arg7[%dma_wait3A_256, %dma_wait3A_257] : memref<10240x64xf32, #tpu.memory_space<vmem_shared>> -> memref<10240x64xf32, #tpu.memory_space<vmem_shared>>
      tpu.wait_indirect_dma semaphore(%arg9 : memref<!tpu.dma_semaphore, #tpu.memory_space<semaphore_mem>>) src(%dma_wait3A_258 : memref<10240x64xf32, #tpu.memory_space<vmem_shared>>) dst(%dma_wait3A_252 : memref<128x64xf32, #tpu.memory_space<vmem>>)
      %dma_wait3A_259 = arith.constant 1 : i32
      %dma_wait3A_260 = arith.constant 0 : i32
      %dma_wait3A_261 = arith.constant 0 : i32
      %dma_wait3A_262 = tpu.memref_slice %arg6[%dma_wait3A_259, %dma_wait3A_260, %dma_wait3A_261] : memref<2x512x64xf32, #tpu.memory_space<vmem>> -> memref<1x512x64xf32, #tpu.memory_space<vmem>>
      %dma_wait3A_263 = tpu.memref_squeeze %dma_wait3A_262 : memref<1x512x64xf32, #tpu.memory_space<vmem>> -> memref<512x64xf32, #tpu.memory_space<vmem>>
      %dma_wait3A_264 = arith.constant 256 : i32
      %dma_wait3A_265 = arith.constant 0 : i32
      %dma_wait3A_266 = tpu.memref_slice %dma_wait3A_263[%dma_wait3A_264, %dma_wait3A_265] : memref<512x64xf32, #tpu.memory_space<vmem>> -> memref<128x64xf32, #tpu.memory_space<vmem>>
      %dma_wait3A_267 = arith.constant 0 : i32
      %dma_wait3A_268 = tpu.memref_slice %arg5[%add3A_125, %dma_wait3A_267] : memref<20x128xi32, #tpu.memory_space<vmem>> -> memref<1x128xi32, #tpu.memory_space<vmem>>
      %dma_wait3A_269 = tpu.memref_squeeze %dma_wait3A_268 : memref<1x128xi32, #tpu.memory_space<vmem>> -> memref<128xi32, #tpu.memory_space<vmem>>
      %dma_wait3A_270 = arith.constant 0 : i32
      %dma_wait3A_271 = arith.constant 0 : i32
      %dma_wait3A_272 = tpu.memref_slice %arg7[%dma_wait3A_270, %dma_wait3A_271] : memref<10240x64xf32, #tpu.memory_space<vmem_shared>> -> memref<10240x64xf32, #tpu.memory_space<vmem_shared>>
      tpu.wait_indirect_dma semaphore(%arg9 : memref<!tpu.dma_semaphore, #tpu.memory_space<semaphore_mem>>) src(%dma_wait3A_272 : memref<10240x64xf32, #tpu.memory_space<vmem_shared>>) dst(%dma_wait3A_266 : memref<128x64xf32, #tpu.memory_space<vmem>>)
      %dma_wait3A_273 = arith.constant 1 : i32
      %dma_wait3A_274 = arith.constant 0 : i32
      %dma_wait3A_275 = arith.constant 0 : i32
      %dma_wait3A_276 = tpu.memref_slice %arg6[%dma_wait3A_273, %dma_wait3A_274, %dma_wait3A_275] : memref<2x512x64xf32, #tpu.memory_space<vmem>> -> memref<1x512x64xf32, #tpu.memory_space<vmem>>
      %dma_wait3A_277 = tpu.memref_squeeze %dma_wait3A_276 : memref<1x512x64xf32, #tpu.memory_space<vmem>> -> memref<512x64xf32, #tpu.memory_space<vmem>>
      %dma_wait3A_278 = arith.constant 384 : i32
      %dma_wait3A_279 = arith.constant 0 : i32
      %dma_wait3A_280 = tpu.memref_slice %dma_wait3A_277[%dma_wait3A_278, %dma_wait3A_279] : memref<512x64xf32, #tpu.memory_space<vmem>> -> memref<128x64xf32, #tpu.memory_space<vmem>>
      %dma_wait3A_281 = arith.constant 0 : i32
      %dma_wait3A_282 = tpu.memref_slice %arg5[%add3A_143, %dma_wait3A_281] : memref<20x128xi32, #tpu.memory_space<vmem>> -> memref<1x128xi32, #tpu.memory_space<vmem>>
      %dma_wait3A_283 = tpu.memref_squeeze %dma_wait3A_282 : memref<1x128xi32, #tpu.memory_space<vmem>> -> memref<128xi32, #tpu.memory_space<vmem>>
      %dma_wait3A_284 = arith.constant 0 : i32
      %dma_wait3A_285 = arith.constant 0 : i32
      %dma_wait3A_286 = tpu.memref_slice %arg7[%dma_wait3A_284, %dma_wait3A_285] : memref<10240x64xf32, #tpu.memory_space<vmem_shared>> -> memref<10240x64xf32, #tpu.memory_space<vmem_shared>>
      tpu.wait_indirect_dma semaphore(%arg9 : memref<!tpu.dma_semaphore, #tpu.memory_space<semaphore_mem>>) src(%dma_wait3A_286 : memref<10240x64xf32, #tpu.memory_space<vmem_shared>>) dst(%dma_wait3A_280 : memref<128x64xf32, #tpu.memory_space<vmem>>)
      %add3A_287 = arith.addi %mul3A_2, %mul3A_14 : i32
      %add3A_288 = arith.constant 4 : i32
      %add3A_289 = arith.addi %add3A_287, %add3A_288 : i32
      %mul3A_290 = arith.constant 128 : i32
      %mul3A_291 = arith.muli %add3A_289, %mul3A_290 : i32
      %dma_start3A_292 = arith.constant 1 : i32
      %dma_start3A_293 = arith.constant 0 : i32
      %dma_start3A_294 = arith.constant 0 : i32
      %dma_start3A_295 = tpu.memref_slice %arg6[%dma_start3A_292, %dma_start3A_293, %dma_start3A_294] : memref<2x512x64xf32, #tpu.memory_space<vmem>> -> memref<1x512x64xf32, #tpu.memory_space<vmem>>
      %dma_start3A_296 = tpu.memref_squeeze %dma_start3A_295 : memref<1x512x64xf32, #tpu.memory_space<vmem>> -> memref<512x64xf32, #tpu.memory_space<vmem>>
      %dma_start3A_297 = arith.constant 0 : i32
      %dma_start3A_298 = tpu.memref_slice %arg4[%mul3A_291, %dma_start3A_297] : memref<81920x64xf32, #tpu.memory_space<hbm>> -> memref<512x64xf32, #tpu.memory_space<hbm>>
      %dma_start3A_299 = arith.constant 0 : i32
      %dma_start3A_300 = tpu.memref_slice %arg4[%mul3A_291, %dma_start3A_299] : memref<81920x64xf32, #tpu.memory_space<hbm>> -> memref<512x64xf32, #tpu.memory_space<hbm>>
      %dma_start3A_301 = arith.constant 0 : i32
      %dma_start3A_302 = arith.constant 0 : i32
      %dma_start3A_303 = tpu.memref_slice %arg6[%dma_start3A_292, %dma_start3A_301, %dma_start3A_302] : memref<2x512x64xf32, #tpu.memory_space<vmem>> -> memref<1x512x64xf32, #tpu.memory_space<vmem>>
      %dma_start3A_304 = tpu.memref_squeeze %dma_start3A_303 : memref<1x512x64xf32, #tpu.memory_space<vmem>> -> memref<512x64xf32, #tpu.memory_space<vmem>>
      tpu.enqueue_dma source(%dma_start3A_304 : memref<512x64xf32, #tpu.memory_space<vmem>>) target(%dma_start3A_300 : memref<512x64xf32, #tpu.memory_space<hbm>>) target_semaphore(%arg11 : memref<!tpu.dma_semaphore, #tpu.memory_space<semaphore_mem>>)
      %dma_wait3A_305 = arith.constant 0 : i32
      %dma_wait3A_306 = arith.constant 0 : i32
      %dma_wait3A_307 = arith.constant 0 : i32
      %dma_wait3A_308 = tpu.memref_slice %arg6[%dma_wait3A_305, %dma_wait3A_306, %dma_wait3A_307] : memref<2x512x64xf32, #tpu.memory_space<vmem>> -> memref<1x512x64xf32, #tpu.memory_space<vmem>>
      %dma_wait3A_309 = tpu.memref_squeeze %dma_wait3A_308 : memref<1x512x64xf32, #tpu.memory_space<vmem>> -> memref<512x64xf32, #tpu.memory_space<vmem>>
      %dma_wait3A_310 = arith.constant 0 : i32
      %dma_wait3A_311 = tpu.memref_slice %arg4[%mul3A_217, %dma_wait3A_310] : memref<81920x64xf32, #tpu.memory_space<hbm>> -> memref<512x64xf32, #tpu.memory_space<hbm>>
      %dma_wait3A_312 = arith.constant 0 : i32
      %dma_wait3A_313 = tpu.memref_slice %arg4[%mul3A_217, %dma_wait3A_312] : memref<81920x64xf32, #tpu.memory_space<hbm>> -> memref<512x64xf32, #tpu.memory_space<hbm>>
      %dma_wait3A_314 = arith.constant 0 : i32
      %dma_wait3A_315 = arith.constant 0 : i32
      %dma_wait3A_316 = tpu.memref_slice %arg6[%dma_wait3A_305, %dma_wait3A_314, %dma_wait3A_315] : memref<2x512x64xf32, #tpu.memory_space<vmem>> -> memref<1x512x64xf32, #tpu.memory_space<vmem>>
      %dma_wait3A_317 = tpu.memref_squeeze %dma_wait3A_316 : memref<1x512x64xf32, #tpu.memory_space<vmem>> -> memref<512x64xf32, #tpu.memory_space<vmem>>
      tpu.wait_dma2 semaphore(%arg10 : memref<!tpu.dma_semaphore, #tpu.memory_space<semaphore_mem>>) src(%dma_wait3A_317 : memref<512x64xf32, #tpu.memory_space<vmem>>) dst(%dma_wait3A_313 : memref<512x64xf32, #tpu.memory_space<hbm>>)
      %dma_wait3A_318 = arith.constant 1 : i32
      %dma_wait3A_319 = arith.constant 0 : i32
      %dma_wait3A_320 = arith.constant 0 : i32
      %dma_wait3A_321 = tpu.memref_slice %arg6[%dma_wait3A_318, %dma_wait3A_319, %dma_wait3A_320] : memref<2x512x64xf32, #tpu.memory_space<vmem>> -> memref<1x512x64xf32, #tpu.memory_space<vmem>>
      %dma_wait3A_322 = tpu.memref_squeeze %dma_wait3A_321 : memref<1x512x64xf32, #tpu.memory_space<vmem>> -> memref<512x64xf32, #tpu.memory_space<vmem>>
      %dma_wait3A_323 = arith.constant 0 : i32
      %dma_wait3A_324 = tpu.memref_slice %arg4[%mul3A_291, %dma_wait3A_323] : memref<81920x64xf32, #tpu.memory_space<hbm>> -> memref<512x64xf32, #tpu.memory_space<hbm>>
      %dma_wait3A_325 = arith.constant 0 : i32
      %dma_wait3A_326 = tpu.memref_slice %arg4[%mul3A_291, %dma_wait3A_325] : memref<81920x64xf32, #tpu.memory_space<hbm>> -> memref<512x64xf32, #tpu.memory_space<hbm>>
      %dma_wait3A_327 = arith.constant 0 : i32
      %dma_wait3A_328 = arith.constant 0 : i32
      %dma_wait3A_329 = tpu.memref_slice %arg6[%dma_wait3A_318, %dma_wait3A_327, %dma_wait3A_328] : memref<2x512x64xf32, #tpu.memory_space<vmem>> -> memref<1x512x64xf32, #tpu.memory_space<vmem>>
      %dma_wait3A_330 = tpu.memref_squeeze %dma_wait3A_329 : memref<1x512x64xf32, #tpu.memory_space<vmem>> -> memref<512x64xf32, #tpu.memory_space<vmem>>
      tpu.wait_dma2 semaphore(%arg11 : memref<!tpu.dma_semaphore, #tpu.memory_space<semaphore_mem>>) src(%dma_wait3A_330 : memref<512x64xf32, #tpu.memory_space<vmem>>) dst(%dma_wait3A_326 : memref<512x64xf32, #tpu.memory_space<hbm>>)
    }
    %scan3A_11 = arith.constant 2 : i32
    return
  }
}

#map = affine_map<(d0, d1) -> (0, 0)>
module attributes {stable_mosaic.version = 14 : i64} {
  func.func @k(%arg0: i32, %arg1: i32, %arg2: memref<10240x64xf32, #tpu.memory_space<hbm>>, %arg3: memref<640x128xi32, #tpu.memory_space<hbm>>, %arg4: memref<81920x64xf32, #tpu.memory_space<hbm>>, %arg5: memref<20x128xi32, #tpu.memory_space<vmem>>, %arg6: memref<2x512x64xf32, #tpu.memory_space<vmem>>, %arg7: memref<10240x64xf32, #tpu.memory_space<vmem_shared>>, %arg8: memref<!tpu.dma_semaphore, #tpu.memory_space<semaphore_mem>>, %arg9: memref<!tpu.dma_semaphore, #tpu.memory_space<semaphore_mem>>, %arg10: memref<!tpu.dma_semaphore, #tpu.memory_space<semaphore_mem>>, %arg11: memref<!tpu.dma_semaphore, #tpu.memory_space<semaphore_mem>>) attributes {dimension_semantics = [#tpu.dimension_semantics<core_parallel>, #tpu.dimension_semantics<subcore_parallel>], iteration_bounds = array<i64: 2, 16>, scalar_prefetch = 0 : i64, scratch_operands = 7 : i64, tpu.core_type = #tpu.core_type<sc_vector_subcore>, window_params = [{transform_indices = #map}, {transform_indices = #map}, {transform_indices = #map}]} {
    %mul3A = arith.constant 2 : i32
    %mul3A_0 = arith.muli %arg1, %mul3A : i32
    %add3A = arith.addi %mul3A_0, %arg0 : i32
    %mul3A_1 = arith.constant 20 : i32
    %mul3A_2 = arith.muli %add3A, %mul3A_1 : i32
    "tpu.region"() ({
      %run_scoped3A = tpu.sem_alloc : memref<!tpu.dma_semaphore, #tpu.memory_space<semaphore_mem>>
      %dma_start3A = arith.constant 0 : i32
      %dma_start3A_12 = tpu.memref_slice %arg3[%mul3A_2, %dma_start3A] : memref<640x128xi32, #tpu.memory_space<hbm>> -> memref<20x128xi32, #tpu.memory_space<hbm>>
      %dma_start3A_13 = arith.constant 0 : i32
      %dma_start3A_14 = tpu.memref_slice %arg3[%mul3A_2, %dma_start3A_13] : memref<640x128xi32, #tpu.memory_space<hbm>> -> memref<20x128xi32, #tpu.memory_space<hbm>>
      tpu.enqueue_dma source(%dma_start3A_14 : memref<20x128xi32, #tpu.memory_space<hbm>>) target(%arg5 : memref<20x128xi32, #tpu.memory_space<vmem>>) target_semaphore(%run_scoped3A : memref<!tpu.dma_semaphore, #tpu.memory_space<semaphore_mem>>)
      %dma_wait3A = arith.constant 0 : i32
      %dma_wait3A_15 = tpu.memref_slice %arg3[%mul3A_2, %dma_wait3A] : memref<640x128xi32, #tpu.memory_space<hbm>> -> memref<20x128xi32, #tpu.memory_space<hbm>>
      %dma_wait3A_16 = arith.constant 0 : i32
      %dma_wait3A_17 = tpu.memref_slice %arg3[%mul3A_2, %dma_wait3A_16] : memref<640x128xi32, #tpu.memory_space<hbm>> -> memref<20x128xi32, #tpu.memory_space<hbm>>
      tpu.wait_dma2 semaphore(%run_scoped3A : memref<!tpu.dma_semaphore, #tpu.memory_space<semaphore_mem>>) src(%dma_wait3A_17 : memref<20x128xi32, #tpu.memory_space<hbm>>) dst(%arg5 : memref<20x128xi32, #tpu.memory_space<vmem>>)
      tpu.yield
    }) : () -> ()
    %mul3A_3 = arith.constant 640 : i32
    %mul3A_4 = arith.muli %arg1, %mul3A_3 : i32
    %mul3A_5 = arith.constant 640 : i32
    %mul3A_6 = arith.muli %arg1, %mul3A_5 : i32
    "tpu.region"() ({
      %run_scoped3A = tpu.sem_alloc : memref<!tpu.dma_semaphore, #tpu.memory_space<semaphore_mem>>
      %dma_start3A = arith.constant 0 : i32
      %dma_start3A_12 = tpu.memref_slice %arg7[%mul3A_6, %dma_start3A] : memref<10240x64xf32, #tpu.memory_space<vmem_shared>> -> memref<640x64xf32, #tpu.memory_space<vmem_shared>>
      %dma_start3A_13 = arith.constant 0 : i32
      %dma_start3A_14 = tpu.memref_slice %arg2[%mul3A_4, %dma_start3A_13] : memref<10240x64xf32, #tpu.memory_space<hbm>> -> memref<640x64xf32, #tpu.memory_space<hbm>>
      tpu.enqueue_dma source(%dma_start3A_14 : memref<640x64xf32, #tpu.memory_space<hbm>>) target(%dma_start3A_12 : memref<640x64xf32, #tpu.memory_space<vmem_shared>>) target_semaphore(%run_scoped3A : memref<!tpu.dma_semaphore, #tpu.memory_space<semaphore_mem>>)
      %dma_wait3A = arith.constant 0 : i32
      %dma_wait3A_15 = tpu.memref_slice %arg7[%mul3A_6, %dma_wait3A] : memref<10240x64xf32, #tpu.memory_space<vmem_shared>> -> memref<640x64xf32, #tpu.memory_space<vmem_shared>>
      %dma_wait3A_16 = arith.constant 0 : i32
      %dma_wait3A_17 = tpu.memref_slice %arg2[%mul3A_4, %dma_wait3A_16] : memref<10240x64xf32, #tpu.memory_space<hbm>> -> memref<640x64xf32, #tpu.memory_space<hbm>>
      tpu.wait_dma2 semaphore(%run_scoped3A : memref<!tpu.dma_semaphore, #tpu.memory_space<semaphore_mem>>) src(%dma_wait3A_17 : memref<640x64xf32, #tpu.memory_space<hbm>>) dst(%dma_wait3A_15 : memref<640x64xf32, #tpu.memory_space<vmem_shared>>)
      tpu.yield
    }) : () -> ()
    %barrier3A = arith.constant 0 : index
    tpu.barrier barrier_id(%barrier3A)
    %scan3A = arith.constant 0 : i32
    %scan3A_7 = arith.constant 0 : i32
    %scan3A_8 = arith.constant 2 : i32
    %scan3A_9 = arith.addi %scan3A_7, %scan3A_8 : i32
    %scan3A_10 = arith.constant 1 : i32
    scf.for %scan3A_12 = %scan3A_7 to %scan3A_9 step %scan3A_10  : i32 {
      %mul3A_13 = arith.constant 8 : i32
      %mul3A_14 = arith.muli %mul3A_13, %scan3A_12 : i32
      %add3A_15 = arith.constant 0 : i32
      %add3A_16 = arith.addi %mul3A_14, %add3A_15 : i32
      %add3A_17 = arith.constant 0 : i32
      %add3A_18 = arith.addi %add3A_16, %add3A_17 : i32
      %dma_start3A = arith.constant 0 : i32
      %dma_start3A_19 = arith.constant 0 : i32
      %dma_start3A_20 = arith.constant 0 : i32
      %dma_start3A_21 = tpu.memref_slice %arg6[%dma_start3A, %dma_start3A_19, %dma_start3A_20] : memref<2x512x64xf32, #tpu.memory_space<vmem>> -> memref<1x512x64xf32, #tpu.memory_space<vmem>>
      %dma_start3A_22 = tpu.memref_squeeze %dma_start3A_21 : memref<1x512x64xf32, #tpu.memory_space<vmem>> -> memref<512x64xf32, #tpu.memory_space<vmem>>
      %dma_start3A_23 = arith.constant 0 : i32
      %dma_start3A_24 = arith.constant 0 : i32
      %dma_start3A_25 = tpu.memref_slice %dma_start3A_22[%dma_start3A_23, %dma_start3A_24] : memref<512x64xf32, #tpu.memory_space<vmem>> -> memref<128x64xf32, #tpu.memory_space<vmem>>
      %dma_start3A_26 = arith.constant 0 : i32
      %dma_start3A_27 = tpu.memref_slice %arg5[%add3A_18, %dma_start3A_26] : memref<20x128xi32, #tpu.memory_space<vmem>> -> memref<1x128xi32, #tpu.memory_space<vmem>>
      %dma_start3A_28 = tpu.memref_squeeze %dma_start3A_27 : memref<1x128xi32, #tpu.memory_space<vmem>> -> memref<128xi32, #tpu.memory_space<vmem>>
      %dma_start3A_29 = arith.constant 0 : i32
      %dma_start3A_30 = arith.constant 0 : i32
      %dma_start3A_31 = tpu.memref_slice %arg7[%dma_start3A_29, %dma_start3A_30] : memref<10240x64xf32, #tpu.memory_space<vmem_shared>> -> memref<10240x64xf32, #tpu.memory_space<vmem_shared>>
      tpu.enqueue_indirect_dma source(%dma_start3A_31 : memref<10240x64xf32, #tpu.memory_space<vmem_shared>>) target(%dma_start3A_25 : memref<128x64xf32, #tpu.memory_space<vmem>>) offsets(%dma_start3A_28 : memref<128xi32, #tpu.memory_space<vmem>>) semaphore(%arg8 : memref<!tpu.dma_semaphore, #tpu.memory_space<semaphore_mem>>)
      %add3A_32 = arith.constant 0 : i32
      %add3A_33 = arith.addi %mul3A_14, %add3A_32 : i32
      %add3A_34 = arith.constant 1 : i32
      %add3A_35 = arith.addi %add3A_33, %add3A_34 : i32
      %dma_start3A_36 = arith.constant 0 : i32
      %dma_start3A_37 = arith.constant 0 : i32
      %dma_start3A_38 = arith.constant 0 : i32
      %dma_start3A_39 = tpu.memref_slice %arg6[%dma_start3A_36, %dma_start3A_37, %dma_start3A_38] : memref<2x512x64xf32, #tpu.memory_space<vmem>> -> memref<1x512x64xf32, #tpu.memory_space<vmem>>
      %dma_start3A_40 = tpu.memref_squeeze %dma_start3A_39 : memref<1x512x64xf32, #tpu.memory_space<vmem>> -> memref<512x64xf32, #tpu.memory_space<vmem>>
      %dma_start3A_41 = arith.constant 128 : i32
      %dma_start3A_42 = arith.constant 0 : i32
      %dma_start3A_43 = tpu.memref_slice %dma_start3A_40[%dma_start3A_41, %dma_start3A_42] : memref<512x64xf32, #tpu.memory_space<vmem>> -> memref<128x64xf32, #tpu.memory_space<vmem>>
      %dma_start3A_44 = arith.constant 0 : i32
      %dma_start3A_45 = tpu.memref_slice %arg5[%add3A_35, %dma_start3A_44] : memref<20x128xi32, #tpu.memory_space<vmem>> -> memref<1x128xi32, #tpu.memory_space<vmem>>
      %dma_start3A_46 = tpu.memref_squeeze %dma_start3A_45 : memref<1x128xi32, #tpu.memory_space<vmem>> -> memref<128xi32, #tpu.memory_space<vmem>>
      %dma_start3A_47 = arith.constant 0 : i32
      %dma_start3A_48 = arith.constant 0 : i32
      %dma_start3A_49 = tpu.memref_slice %arg7[%dma_start3A_47, %dma_start3A_48] : memref<10240x64xf32, #tpu.memory_space<vmem_shared>> -> memref<10240x64xf32, #tpu.memory_space<vmem_shared>>
      tpu.enqueue_indirect_dma source(%dma_start3A_49 : memref<10240x64xf32, #tpu.memory_space<vmem_shared>>) target(%dma_start3A_43 : memref<128x64xf32, #tpu.memory_space<vmem>>) offsets(%dma_start3A_46 : memref<128xi32, #tpu.memory_space<vmem>>) semaphore(%arg8 : memref<!tpu.dma_semaphore, #tpu.memory_space<semaphore_mem>>)
      %add3A_50 = arith.constant 0 : i32
      %add3A_51 = arith.addi %mul3A_14, %add3A_50 : i32
      %add3A_52 = arith.constant 2 : i32
      %add3A_53 = arith.addi %add3A_51, %add3A_52 : i32
      %dma_start3A_54 = arith.constant 0 : i32
      %dma_start3A_55 = arith.constant 0 : i32
      %dma_start3A_56 = arith.constant 0 : i32
      %dma_start3A_57 = tpu.memref_slice %arg6[%dma_start3A_54, %dma_start3A_55, %dma_start3A_56] : memref<2x512x64xf32, #tpu.memory_space<vmem>> -> memref<1x512x64xf32, #tpu.memory_space<vmem>>
      %dma_start3A_58 = tpu.memref_squeeze %dma_start3A_57 : memref<1x512x64xf32, #tpu.memory_space<vmem>> -> memref<512x64xf32, #tpu.memory_space<vmem>>
      %dma_start3A_59 = arith.constant 256 : i32
      %dma_start3A_60 = arith.constant 0 : i32
      %dma_start3A_61 = tpu.memref_slice %dma_start3A_58[%dma_start3A_59, %dma_start3A_60] : memref<512x64xf32, #tpu.memory_space<vmem>> -> memref<128x64xf32, #tpu.memory_space<vmem>>
      %dma_start3A_62 = arith.constant 0 : i32
      %dma_start3A_63 = tpu.memref_slice %arg5[%add3A_53, %dma_start3A_62] : memref<20x128xi32, #tpu.memory_space<vmem>> -> memref<1x128xi32, #tpu.memory_space<vmem>>
      %dma_start3A_64 = tpu.memref_squeeze %dma_start3A_63 : memref<1x128xi32, #tpu.memory_space<vmem>> -> memref<128xi32, #tpu.memory_space<vmem>>
      %dma_start3A_65 = arith.constant 0 : i32
      %dma_start3A_66 = arith.constant 0 : i32
      %dma_start3A_67 = tpu.memref_slice %arg7[%dma_start3A_65, %dma_start3A_66] : memref<10240x64xf32, #tpu.memory_space<vmem_shared>> -> memref<10240x64xf32, #tpu.memory_space<vmem_shared>>
      tpu.enqueue_indirect_dma source(%dma_start3A_67 : memref<10240x64xf32, #tpu.memory_space<vmem_shared>>) target(%dma_start3A_61 : memref<128x64xf32, #tpu.memory_space<vmem>>) offsets(%dma_start3A_64 : memref<128xi32, #tpu.memory_space<vmem>>) semaphore(%arg8 : memref<!tpu.dma_semaphore, #tpu.memory_space<semaphore_mem>>)
      %add3A_68 = arith.constant 0 : i32
      %add3A_69 = arith.addi %mul3A_14, %add3A_68 : i32
      %add3A_70 = arith.constant 3 : i32
      %add3A_71 = arith.addi %add3A_69, %add3A_70 : i32
      %dma_start3A_72 = arith.constant 0 : i32
      %dma_start3A_73 = arith.constant 0 : i32
      %dma_start3A_74 = arith.constant 0 : i32
      %dma_start3A_75 = tpu.memref_slice %arg6[%dma_start3A_72, %dma_start3A_73, %dma_start3A_74] : memref<2x512x64xf32, #tpu.memory_space<vmem>> -> memref<1x512x64xf32, #tpu.memory_space<vmem>>
      %dma_start3A_76 = tpu.memref_squeeze %dma_start3A_75 : memref<1x512x64xf32, #tpu.memory_space<vmem>> -> memref<512x64xf32, #tpu.memory_space<vmem>>
      %dma_start3A_77 = arith.constant 384 : i32
      %dma_start3A_78 = arith.constant 0 : i32
      %dma_start3A_79 = tpu.memref_slice %dma_start3A_76[%dma_start3A_77, %dma_start3A_78] : memref<512x64xf32, #tpu.memory_space<vmem>> -> memref<128x64xf32, #tpu.memory_space<vmem>>
      %dma_start3A_80 = arith.constant 0 : i32
      %dma_start3A_81 = tpu.memref_slice %arg5[%add3A_71, %dma_start3A_80] : memref<20x128xi32, #tpu.memory_space<vmem>> -> memref<1x128xi32, #tpu.memory_space<vmem>>
      %dma_start3A_82 = tpu.memref_squeeze %dma_start3A_81 : memref<1x128xi32, #tpu.memory_space<vmem>> -> memref<128xi32, #tpu.memory_space<vmem>>
      %dma_start3A_83 = arith.constant 0 : i32
      %dma_start3A_84 = arith.constant 0 : i32
      %dma_start3A_85 = tpu.memref_slice %arg7[%dma_start3A_83, %dma_start3A_84] : memref<10240x64xf32, #tpu.memory_space<vmem_shared>> -> memref<10240x64xf32, #tpu.memory_space<vmem_shared>>
      tpu.enqueue_indirect_dma source(%dma_start3A_85 : memref<10240x64xf32, #tpu.memory_space<vmem_shared>>) target(%dma_start3A_79 : memref<128x64xf32, #tpu.memory_space<vmem>>) offsets(%dma_start3A_82 : memref<128xi32, #tpu.memory_space<vmem>>) semaphore(%arg8 : memref<!tpu.dma_semaphore, #tpu.memory_space<semaphore_mem>>)
      %add3A_86 = arith.constant 4 : i32
      %add3A_87 = arith.addi %mul3A_14, %add3A_86 : i32
      %add3A_88 = arith.constant 0 : i32
      %add3A_89 = arith.addi %add3A_87, %add3A_88 : i32
      %dma_start3A_90 = arith.constant 1 : i32
      %dma_start3A_91 = arith.constant 0 : i32
      %dma_start3A_92 = arith.constant 0 : i32
      %dma_start3A_93 = tpu.memref_slice %arg6[%dma_start3A_90, %dma_start3A_91, %dma_start3A_92] : memref<2x512x64xf32, #tpu.memory_space<vmem>> -> memref<1x512x64xf32, #tpu.memory_space<vmem>>
      %dma_start3A_94 = tpu.memref_squeeze %dma_start3A_93 : memref<1x512x64xf32, #tpu.memory_space<vmem>> -> memref<512x64xf32, #tpu.memory_space<vmem>>
      %dma_start3A_95 = arith.constant 0 : i32
      %dma_start3A_96 = arith.constant 0 : i32
      %dma_start3A_97 = tpu.memref_slice %dma_start3A_94[%dma_start3A_95, %dma_start3A_96] : memref<512x64xf32, #tpu.memory_space<vmem>> -> memref<128x64xf32, #tpu.memory_space<vmem>>
      %dma_start3A_98 = arith.constant 0 : i32
      %dma_start3A_99 = tpu.memref_slice %arg5[%add3A_89, %dma_start3A_98] : memref<20x128xi32, #tpu.memory_space<vmem>> -> memref<1x128xi32, #tpu.memory_space<vmem>>
      %dma_start3A_100 = tpu.memref_squeeze %dma_start3A_99 : memref<1x128xi32, #tpu.memory_space<vmem>> -> memref<128xi32, #tpu.memory_space<vmem>>
      %dma_start3A_101 = arith.constant 0 : i32
      %dma_start3A_102 = arith.constant 0 : i32
      %dma_start3A_103 = tpu.memref_slice %arg7[%dma_start3A_101, %dma_start3A_102] : memref<10240x64xf32, #tpu.memory_space<vmem_shared>> -> memref<10240x64xf32, #tpu.memory_space<vmem_shared>>
      tpu.enqueue_indirect_dma source(%dma_start3A_103 : memref<10240x64xf32, #tpu.memory_space<vmem_shared>>) target(%dma_start3A_97 : memref<128x64xf32, #tpu.memory_space<vmem>>) offsets(%dma_start3A_100 : memref<128xi32, #tpu.memory_space<vmem>>) semaphore(%arg9 : memref<!tpu.dma_semaphore, #tpu.memory_space<semaphore_mem>>)
      %add3A_104 = arith.constant 4 : i32
      %add3A_105 = arith.addi %mul3A_14, %add3A_104 : i32
      %add3A_106 = arith.constant 1 : i32
      %add3A_107 = arith.addi %add3A_105, %add3A_106 : i32
      %dma_start3A_108 = arith.constant 1 : i32
      %dma_start3A_109 = arith.constant 0 : i32
      %dma_start3A_110 = arith.constant 0 : i32
      %dma_start3A_111 = tpu.memref_slice %arg6[%dma_start3A_108, %dma_start3A_109, %dma_start3A_110] : memref<2x512x64xf32, #tpu.memory_space<vmem>> -> memref<1x512x64xf32, #tpu.memory_space<vmem>>
      %dma_start3A_112 = tpu.memref_squeeze %dma_start3A_111 : memref<1x512x64xf32, #tpu.memory_space<vmem>> -> memref<512x64xf32, #tpu.memory_space<vmem>>
      %dma_start3A_113 = arith.constant 128 : i32
      %dma_start3A_114 = arith.constant 0 : i32
      %dma_start3A_115 = tpu.memref_slice %dma_start3A_112[%dma_start3A_113, %dma_start3A_114] : memref<512x64xf32, #tpu.memory_space<vmem>> -> memref<128x64xf32, #tpu.memory_space<vmem>>
      %dma_start3A_116 = arith.constant 0 : i32
      %dma_start3A_117 = tpu.memref_slice %arg5[%add3A_107, %dma_start3A_116] : memref<20x128xi32, #tpu.memory_space<vmem>> -> memref<1x128xi32, #tpu.memory_space<vmem>>
      %dma_start3A_118 = tpu.memref_squeeze %dma_start3A_117 : memref<1x128xi32, #tpu.memory_space<vmem>> -> memref<128xi32, #tpu.memory_space<vmem>>
      %dma_start3A_119 = arith.constant 0 : i32
      %dma_start3A_120 = arith.constant 0 : i32
      %dma_start3A_121 = tpu.memref_slice %arg7[%dma_start3A_119, %dma_start3A_120] : memref<10240x64xf32, #tpu.memory_space<vmem_shared>> -> memref<10240x64xf32, #tpu.memory_space<vmem_shared>>
      tpu.enqueue_indirect_dma source(%dma_start3A_121 : memref<10240x64xf32, #tpu.memory_space<vmem_shared>>) target(%dma_start3A_115 : memref<128x64xf32, #tpu.memory_space<vmem>>) offsets(%dma_start3A_118 : memref<128xi32, #tpu.memory_space<vmem>>) semaphore(%arg9 : memref<!tpu.dma_semaphore, #tpu.memory_space<semaphore_mem>>)
      %add3A_122 = arith.constant 4 : i32
      %add3A_123 = arith.addi %mul3A_14, %add3A_122 : i32
      %add3A_124 = arith.constant 2 : i32
      %add3A_125 = arith.addi %add3A_123, %add3A_124 : i32
      %dma_start3A_126 = arith.constant 1 : i32
      %dma_start3A_127 = arith.constant 0 : i32
      %dma_start3A_128 = arith.constant 0 : i32
      %dma_start3A_129 = tpu.memref_slice %arg6[%dma_start3A_126, %dma_start3A_127, %dma_start3A_128] : memref<2x512x64xf32, #tpu.memory_space<vmem>> -> memref<1x512x64xf32, #tpu.memory_space<vmem>>
      %dma_start3A_130 = tpu.memref_squeeze %dma_start3A_129 : memref<1x512x64xf32, #tpu.memory_space<vmem>> -> memref<512x64xf32, #tpu.memory_space<vmem>>
      %dma_start3A_131 = arith.constant 256 : i32
      %dma_start3A_132 = arith.constant 0 : i32
      %dma_start3A_133 = tpu.memref_slice %dma_start3A_130[%dma_start3A_131, %dma_start3A_132] : memref<512x64xf32, #tpu.memory_space<vmem>> -> memref<128x64xf32, #tpu.memory_space<vmem>>
      %dma_start3A_134 = arith.constant 0 : i32
      %dma_start3A_135 = tpu.memref_slice %arg5[%add3A_125, %dma_start3A_134] : memref<20x128xi32, #tpu.memory_space<vmem>> -> memref<1x128xi32, #tpu.memory_space<vmem>>
      %dma_start3A_136 = tpu.memref_squeeze %dma_start3A_135 : memref<1x128xi32, #tpu.memory_space<vmem>> -> memref<128xi32, #tpu.memory_space<vmem>>
      %dma_start3A_137 = arith.constant 0 : i32
      %dma_start3A_138 = arith.constant 0 : i32
      %dma_start3A_139 = tpu.memref_slice %arg7[%dma_start3A_137, %dma_start3A_138] : memref<10240x64xf32, #tpu.memory_space<vmem_shared>> -> memref<10240x64xf32, #tpu.memory_space<vmem_shared>>
      tpu.enqueue_indirect_dma source(%dma_start3A_139 : memref<10240x64xf32, #tpu.memory_space<vmem_shared>>) target(%dma_start3A_133 : memref<128x64xf32, #tpu.memory_space<vmem>>) offsets(%dma_start3A_136 : memref<128xi32, #tpu.memory_space<vmem>>) semaphore(%arg9 : memref<!tpu.dma_semaphore, #tpu.memory_space<semaphore_mem>>)
      %add3A_140 = arith.constant 4 : i32
      %add3A_141 = arith.addi %mul3A_14, %add3A_140 : i32
      %add3A_142 = arith.constant 3 : i32
      %add3A_143 = arith.addi %add3A_141, %add3A_142 : i32
      %dma_start3A_144 = arith.constant 1 : i32
      %dma_start3A_145 = arith.constant 0 : i32
      %dma_start3A_146 = arith.constant 0 : i32
      %dma_start3A_147 = tpu.memref_slice %arg6[%dma_start3A_144, %dma_start3A_145, %dma_start3A_146] : memref<2x512x64xf32, #tpu.memory_space<vmem>> -> memref<1x512x64xf32, #tpu.memory_space<vmem>>
      %dma_start3A_148 = tpu.memref_squeeze %dma_start3A_147 : memref<1x512x64xf32, #tpu.memory_space<vmem>> -> memref<512x64xf32, #tpu.memory_space<vmem>>
      %dma_start3A_149 = arith.constant 384 : i32
      %dma_start3A_150 = arith.constant 0 : i32
      %dma_start3A_151 = tpu.memref_slice %dma_start3A_148[%dma_start3A_149, %dma_start3A_150] : memref<512x64xf32, #tpu.memory_space<vmem>> -> memref<128x64xf32, #tpu.memory_space<vmem>>
      %dma_start3A_152 = arith.constant 0 : i32
      %dma_start3A_153 = tpu.memref_slice %arg5[%add3A_143, %dma_start3A_152] : memref<20x128xi32, #tpu.memory_space<vmem>> -> memref<1x128xi32, #tpu.memory_space<vmem>>
      %dma_start3A_154 = tpu.memref_squeeze %dma_start3A_153 : memref<1x128xi32, #tpu.memory_space<vmem>> -> memref<128xi32, #tpu.memory_space<vmem>>
      %dma_start3A_155 = arith.constant 0 : i32
      %dma_start3A_156 = arith.constant 0 : i32
      %dma_start3A_157 = tpu.memref_slice %arg7[%dma_start3A_155, %dma_start3A_156] : memref<10240x64xf32, #tpu.memory_space<vmem_shared>> -> memref<10240x64xf32, #tpu.memory_space<vmem_shared>>
      tpu.enqueue_indirect_dma source(%dma_start3A_157 : memref<10240x64xf32, #tpu.memory_space<vmem_shared>>) target(%dma_start3A_151 : memref<128x64xf32, #tpu.memory_space<vmem>>) offsets(%dma_start3A_154 : memref<128xi32, #tpu.memory_space<vmem>>) semaphore(%arg9 : memref<!tpu.dma_semaphore, #tpu.memory_space<semaphore_mem>>)
      %dma_wait3A = arith.constant 0 : i32
      %dma_wait3A_158 = arith.constant 0 : i32
      %dma_wait3A_159 = arith.constant 0 : i32
      %dma_wait3A_160 = tpu.memref_slice %arg6[%dma_wait3A, %dma_wait3A_158, %dma_wait3A_159] : memref<2x512x64xf32, #tpu.memory_space<vmem>> -> memref<1x512x64xf32, #tpu.memory_space<vmem>>
      %dma_wait3A_161 = tpu.memref_squeeze %dma_wait3A_160 : memref<1x512x64xf32, #tpu.memory_space<vmem>> -> memref<512x64xf32, #tpu.memory_space<vmem>>
      %dma_wait3A_162 = arith.constant 0 : i32
      %dma_wait3A_163 = arith.constant 0 : i32
      %dma_wait3A_164 = tpu.memref_slice %dma_wait3A_161[%dma_wait3A_162, %dma_wait3A_163] : memref<512x64xf32, #tpu.memory_space<vmem>> -> memref<128x64xf32, #tpu.memory_space<vmem>>
      %dma_wait3A_165 = arith.constant 0 : i32
      %dma_wait3A_166 = tpu.memref_slice %arg5[%add3A_18, %dma_wait3A_165] : memref<20x128xi32, #tpu.memory_space<vmem>> -> memref<1x128xi32, #tpu.memory_space<vmem>>
      %dma_wait3A_167 = tpu.memref_squeeze %dma_wait3A_166 : memref<1x128xi32, #tpu.memory_space<vmem>> -> memref<128xi32, #tpu.memory_space<vmem>>
      %dma_wait3A_168 = arith.constant 0 : i32
      %dma_wait3A_169 = arith.constant 0 : i32
      %dma_wait3A_170 = tpu.memref_slice %arg7[%dma_wait3A_168, %dma_wait3A_169] : memref<10240x64xf32, #tpu.memory_space<vmem_shared>> -> memref<10240x64xf32, #tpu.memory_space<vmem_shared>>
      tpu.wait_indirect_dma semaphore(%arg8 : memref<!tpu.dma_semaphore, #tpu.memory_space<semaphore_mem>>) src(%dma_wait3A_170 : memref<10240x64xf32, #tpu.memory_space<vmem_shared>>) dst(%dma_wait3A_164 : memref<128x64xf32, #tpu.memory_space<vmem>>)
      %dma_wait3A_171 = arith.constant 0 : i32
      %dma_wait3A_172 = arith.constant 0 : i32
      %dma_wait3A_173 = arith.constant 0 : i32
      %dma_wait3A_174 = tpu.memref_slice %arg6[%dma_wait3A_171, %dma_wait3A_172, %dma_wait3A_173] : memref<2x512x64xf32, #tpu.memory_space<vmem>> -> memref<1x512x64xf32, #tpu.memory_space<vmem>>
      %dma_wait3A_175 = tpu.memref_squeeze %dma_wait3A_174 : memref<1x512x64xf32, #tpu.memory_space<vmem>> -> memref<512x64xf32, #tpu.memory_space<vmem>>
      %dma_wait3A_176 = arith.constant 128 : i32
      %dma_wait3A_177 = arith.constant 0 : i32
      %dma_wait3A_178 = tpu.memref_slice %dma_wait3A_175[%dma_wait3A_176, %dma_wait3A_177] : memref<512x64xf32, #tpu.memory_space<vmem>> -> memref<128x64xf32, #tpu.memory_space<vmem>>
      %dma_wait3A_179 = arith.constant 0 : i32
      %dma_wait3A_180 = tpu.memref_slice %arg5[%add3A_35, %dma_wait3A_179] : memref<20x128xi32, #tpu.memory_space<vmem>> -> memref<1x128xi32, #tpu.memory_space<vmem>>
      %dma_wait3A_181 = tpu.memref_squeeze %dma_wait3A_180 : memref<1x128xi32, #tpu.memory_space<vmem>> -> memref<128xi32, #tpu.memory_space<vmem>>
      %dma_wait3A_182 = arith.constant 0 : i32
      %dma_wait3A_183 = arith.constant 0 : i32
      %dma_wait3A_184 = tpu.memref_slice %arg7[%dma_wait3A_182, %dma_wait3A_183] : memref<10240x64xf32, #tpu.memory_space<vmem_shared>> -> memref<10240x64xf32, #tpu.memory_space<vmem_shared>>
      tpu.wait_indirect_dma semaphore(%arg8 : memref<!tpu.dma_semaphore, #tpu.memory_space<semaphore_mem>>) src(%dma_wait3A_184 : memref<10240x64xf32, #tpu.memory_space<vmem_shared>>) dst(%dma_wait3A_178 : memref<128x64xf32, #tpu.memory_space<vmem>>)
      %dma_wait3A_185 = arith.constant 0 : i32
      %dma_wait3A_186 = arith.constant 0 : i32
      %dma_wait3A_187 = arith.constant 0 : i32
      %dma_wait3A_188 = tpu.memref_slice %arg6[%dma_wait3A_185, %dma_wait3A_186, %dma_wait3A_187] : memref<2x512x64xf32, #tpu.memory_space<vmem>> -> memref<1x512x64xf32, #tpu.memory_space<vmem>>
      %dma_wait3A_189 = tpu.memref_squeeze %dma_wait3A_188 : memref<1x512x64xf32, #tpu.memory_space<vmem>> -> memref<512x64xf32, #tpu.memory_space<vmem>>
      %dma_wait3A_190 = arith.constant 256 : i32
      %dma_wait3A_191 = arith.constant 0 : i32
      %dma_wait3A_192 = tpu.memref_slice %dma_wait3A_189[%dma_wait3A_190, %dma_wait3A_191] : memref<512x64xf32, #tpu.memory_space<vmem>> -> memref<128x64xf32, #tpu.memory_space<vmem>>
      %dma_wait3A_193 = arith.constant 0 : i32
      %dma_wait3A_194 = tpu.memref_slice %arg5[%add3A_53, %dma_wait3A_193] : memref<20x128xi32, #tpu.memory_space<vmem>> -> memref<1x128xi32, #tpu.memory_space<vmem>>
      %dma_wait3A_195 = tpu.memref_squeeze %dma_wait3A_194 : memref<1x128xi32, #tpu.memory_space<vmem>> -> memref<128xi32, #tpu.memory_space<vmem>>
      %dma_wait3A_196 = arith.constant 0 : i32
      %dma_wait3A_197 = arith.constant 0 : i32
      %dma_wait3A_198 = tpu.memref_slice %arg7[%dma_wait3A_196, %dma_wait3A_197] : memref<10240x64xf32, #tpu.memory_space<vmem_shared>> -> memref<10240x64xf32, #tpu.memory_space<vmem_shared>>
      tpu.wait_indirect_dma semaphore(%arg8 : memref<!tpu.dma_semaphore, #tpu.memory_space<semaphore_mem>>) src(%dma_wait3A_198 : memref<10240x64xf32, #tpu.memory_space<vmem_shared>>) dst(%dma_wait3A_192 : memref<128x64xf32, #tpu.memory_space<vmem>>)
      %dma_wait3A_199 = arith.constant 0 : i32
      %dma_wait3A_200 = arith.constant 0 : i32
      %dma_wait3A_201 = arith.constant 0 : i32
      %dma_wait3A_202 = tpu.memref_slice %arg6[%dma_wait3A_199, %dma_wait3A_200, %dma_wait3A_201] : memref<2x512x64xf32, #tpu.memory_space<vmem>> -> memref<1x512x64xf32, #tpu.memory_space<vmem>>
      %dma_wait3A_203 = tpu.memref_squeeze %dma_wait3A_202 : memref<1x512x64xf32, #tpu.memory_space<vmem>> -> memref<512x64xf32, #tpu.memory_space<vmem>>
      %dma_wait3A_204 = arith.constant 384 : i32
      %dma_wait3A_205 = arith.constant 0 : i32
      %dma_wait3A_206 = tpu.memref_slice %dma_wait3A_203[%dma_wait3A_204, %dma_wait3A_205] : memref<512x64xf32, #tpu.memory_space<vmem>> -> memref<128x64xf32, #tpu.memory_space<vmem>>
      %dma_wait3A_207 = arith.constant 0 : i32
      %dma_wait3A_208 = tpu.memref_slice %arg5[%add3A_71, %dma_wait3A_207] : memref<20x128xi32, #tpu.memory_space<vmem>> -> memref<1x128xi32, #tpu.memory_space<vmem>>
      %dma_wait3A_209 = tpu.memref_squeeze %dma_wait3A_208 : memref<1x128xi32, #tpu.memory_space<vmem>> -> memref<128xi32, #tpu.memory_space<vmem>>
      %dma_wait3A_210 = arith.constant 0 : i32
      %dma_wait3A_211 = arith.constant 0 : i32
      %dma_wait3A_212 = tpu.memref_slice %arg7[%dma_wait3A_210, %dma_wait3A_211] : memref<10240x64xf32, #tpu.memory_space<vmem_shared>> -> memref<10240x64xf32, #tpu.memory_space<vmem_shared>>
      tpu.wait_indirect_dma semaphore(%arg8 : memref<!tpu.dma_semaphore, #tpu.memory_space<semaphore_mem>>) src(%dma_wait3A_212 : memref<10240x64xf32, #tpu.memory_space<vmem_shared>>) dst(%dma_wait3A_206 : memref<128x64xf32, #tpu.memory_space<vmem>>)
      %add3A_213 = arith.addi %mul3A_2, %mul3A_14 : i32
      %add3A_214 = arith.constant 0 : i32
      %add3A_215 = arith.addi %add3A_213, %add3A_214 : i32
      %mul3A_216 = arith.constant 128 : i32
      %mul3A_217 = arith.muli %add3A_215, %mul3A_216 : i32
      %dma_start3A_218 = arith.constant 0 : i32
      %dma_start3A_219 = arith.constant 0 : i32
      %dma_start3A_220 = arith.constant 0 : i32
      %dma_start3A_221 = tpu.memref_slice %arg6[%dma_start3A_218, %dma_start3A_219, %dma_start3A_220] : memref<2x512x64xf32, #tpu.memory_space<vmem>> -> memref<1x512x64xf32, #tpu.memory_space<vmem>>
      %dma_start3A_222 = tpu.memref_squeeze %dma_start3A_221 : memref<1x512x64xf32, #tpu.memory_space<vmem>> -> memref<512x64xf32, #tpu.memory_space<vmem>>
      %dma_start3A_223 = arith.constant 0 : i32
      %dma_start3A_224 = tpu.memref_slice %arg4[%mul3A_217, %dma_start3A_223] : memref<81920x64xf32, #tpu.memory_space<hbm>> -> memref<512x64xf32, #tpu.memory_space<hbm>>
      %dma_start3A_225 = arith.constant 0 : i32
      %dma_start3A_226 = tpu.memref_slice %arg4[%mul3A_217, %dma_start3A_225] : memref<81920x64xf32, #tpu.memory_space<hbm>> -> memref<512x64xf32, #tpu.memory_space<hbm>>
      %dma_start3A_227 = arith.constant 0 : i32
      %dma_start3A_228 = arith.constant 0 : i32
      %dma_start3A_229 = tpu.memref_slice %arg6[%dma_start3A_218, %dma_start3A_227, %dma_start3A_228] : memref<2x512x64xf32, #tpu.memory_space<vmem>> -> memref<1x512x64xf32, #tpu.memory_space<vmem>>
      %dma_start3A_230 = tpu.memref_squeeze %dma_start3A_229 : memref<1x512x64xf32, #tpu.memory_space<vmem>> -> memref<512x64xf32, #tpu.memory_space<vmem>>
      tpu.enqueue_dma source(%dma_start3A_230 : memref<512x64xf32, #tpu.memory_space<vmem>>) target(%dma_start3A_226 : memref<512x64xf32, #tpu.memory_space<hbm>>) target_semaphore(%arg10 : memref<!tpu.dma_semaphore, #tpu.memory_space<semaphore_mem>>)
      %dma_wait3A_231 = arith.constant 1 : i32
      %dma_wait3A_232 = arith.constant 0 : i32
      %dma_wait3A_233 = arith.constant 0 : i32
      %dma_wait3A_234 = tpu.memref_slice %arg6[%dma_wait3A_231, %dma_wait3A_232, %dma_wait3A_233] : memref<2x512x64xf32, #tpu.memory_space<vmem>> -> memref<1x512x64xf32, #tpu.memory_space<vmem>>
      %dma_wait3A_235 = tpu.memref_squeeze %dma_wait3A_234 : memref<1x512x64xf32, #tpu.memory_space<vmem>> -> memref<512x64xf32, #tpu.memory_space<vmem>>
      %dma_wait3A_236 = arith.constant 0 : i32
      %dma_wait3A_237 = arith.constant 0 : i32
      %dma_wait3A_238 = tpu.memref_slice %dma_wait3A_235[%dma_wait3A_236, %dma_wait3A_237] : memref<512x64xf32, #tpu.memory_space<vmem>> -> memref<128x64xf32, #tpu.memory_space<vmem>>
      %dma_wait3A_239 = arith.constant 0 : i32
      %dma_wait3A_240 = tpu.memref_slice %arg5[%add3A_89, %dma_wait3A_239] : memref<20x128xi32, #tpu.memory_space<vmem>> -> memref<1x128xi32, #tpu.memory_space<vmem>>
      %dma_wait3A_241 = tpu.memref_squeeze %dma_wait3A_240 : memref<1x128xi32, #tpu.memory_space<vmem>> -> memref<128xi32, #tpu.memory_space<vmem>>
      %dma_wait3A_242 = arith.constant 0 : i32
      %dma_wait3A_243 = arith.constant 0 : i32
      %dma_wait3A_244 = tpu.memref_slice %arg7[%dma_wait3A_242, %dma_wait3A_243] : memref<10240x64xf32, #tpu.memory_space<vmem_shared>> -> memref<10240x64xf32, #tpu.memory_space<vmem_shared>>
      tpu.wait_indirect_dma semaphore(%arg9 : memref<!tpu.dma_semaphore, #tpu.memory_space<semaphore_mem>>) src(%dma_wait3A_244 : memref<10240x64xf32, #tpu.memory_space<vmem_shared>>) dst(%dma_wait3A_238 : memref<128x64xf32, #tpu.memory_space<vmem>>)
      %dma_wait3A_245 = arith.constant 1 : i32
      %dma_wait3A_246 = arith.constant 0 : i32
      %dma_wait3A_247 = arith.constant 0 : i32
      %dma_wait3A_248 = tpu.memref_slice %arg6[%dma_wait3A_245, %dma_wait3A_246, %dma_wait3A_247] : memref<2x512x64xf32, #tpu.memory_space<vmem>> -> memref<1x512x64xf32, #tpu.memory_space<vmem>>
      %dma_wait3A_249 = tpu.memref_squeeze %dma_wait3A_248 : memref<1x512x64xf32, #tpu.memory_space<vmem>> -> memref<512x64xf32, #tpu.memory_space<vmem>>
      %dma_wait3A_250 = arith.constant 128 : i32
      %dma_wait3A_251 = arith.constant 0 : i32
      %dma_wait3A_252 = tpu.memref_slice %dma_wait3A_249[%dma_wait3A_250, %dma_wait3A_251] : memref<512x64xf32, #tpu.memory_space<vmem>> -> memref<128x64xf32, #tpu.memory_space<vmem>>
      %dma_wait3A_253 = arith.constant 0 : i32
      %dma_wait3A_254 = tpu.memref_slice %arg5[%add3A_107, %dma_wait3A_253] : memref<20x128xi32, #tpu.memory_space<vmem>> -> memref<1x128xi32, #tpu.memory_space<vmem>>
      %dma_wait3A_255 = tpu.memref_squeeze %dma_wait3A_254 : memref<1x128xi32, #tpu.memory_space<vmem>> -> memref<128xi32, #tpu.memory_space<vmem>>
      %dma_wait3A_256 = arith.constant 0 : i32
      %dma_wait3A_257 = arith.constant 0 : i32
      %dma_wait3A_258 = tpu.memref_slice %arg7[%dma_wait3A_256, %dma_wait3A_257] : memref<10240x64xf32, #tpu.memory_space<vmem_shared>> -> memref<10240x64xf32, #tpu.memory_space<vmem_shared>>
      tpu.wait_indirect_dma semaphore(%arg9 : memref<!tpu.dma_semaphore, #tpu.memory_space<semaphore_mem>>) src(%dma_wait3A_258 : memref<10240x64xf32, #tpu.memory_space<vmem_shared>>) dst(%dma_wait3A_252 : memref<128x64xf32, #tpu.memory_space<vmem>>)
      %dma_wait3A_259 = arith.constant 1 : i32
      %dma_wait3A_260 = arith.constant 0 : i32
      %dma_wait3A_261 = arith.constant 0 : i32
      %dma_wait3A_262 = tpu.memref_slice %arg6[%dma_wait3A_259, %dma_wait3A_260, %dma_wait3A_261] : memref<2x512x64xf32, #tpu.memory_space<vmem>> -> memref<1x512x64xf32, #tpu.memory_space<vmem>>
      %dma_wait3A_263 = tpu.memref_squeeze %dma_wait3A_262 : memref<1x512x64xf32, #tpu.memory_space<vmem>> -> memref<512x64xf32, #tpu.memory_space<vmem>>
      %dma_wait3A_264 = arith.constant 256 : i32
      %dma_wait3A_265 = arith.constant 0 : i32
      %dma_wait3A_266 = tpu.memref_slice %dma_wait3A_263[%dma_wait3A_264, %dma_wait3A_265] : memref<512x64xf32, #tpu.memory_space<vmem>> -> memref<128x64xf32, #tpu.memory_space<vmem>>
      %dma_wait3A_267 = arith.constant 0 : i32
      %dma_wait3A_268 = tpu.memref_slice %arg5[%add3A_125, %dma_wait3A_267] : memref<20x128xi32, #tpu.memory_space<vmem>> -> memref<1x128xi32, #tpu.memory_space<vmem>>
      %dma_wait3A_269 = tpu.memref_squeeze %dma_wait3A_268 : memref<1x128xi32, #tpu.memory_space<vmem>> -> memref<128xi32, #tpu.memory_space<vmem>>
      %dma_wait3A_270 = arith.constant 0 : i32
      %dma_wait3A_271 = arith.constant 0 : i32
      %dma_wait3A_272 = tpu.memref_slice %arg7[%dma_wait3A_270, %dma_wait3A_271] : memref<10240x64xf32, #tpu.memory_space<vmem_shared>> -> memref<10240x64xf32, #tpu.memory_space<vmem_shared>>
      tpu.wait_indirect_dma semaphore(%arg9 : memref<!tpu.dma_semaphore, #tpu.memory_space<semaphore_mem>>) src(%dma_wait3A_272 : memref<10240x64xf32, #tpu.memory_space<vmem_shared>>) dst(%dma_wait3A_266 : memref<128x64xf32, #tpu.memory_space<vmem>>)
      %dma_wait3A_273 = arith.constant 1 : i32
      %dma_wait3A_274 = arith.constant 0 : i32
      %dma_wait3A_275 = arith.constant 0 : i32
      %dma_wait3A_276 = tpu.memref_slice %arg6[%dma_wait3A_273, %dma_wait3A_274, %dma_wait3A_275] : memref<2x512x64xf32, #tpu.memory_space<vmem>> -> memref<1x512x64xf32, #tpu.memory_space<vmem>>
      %dma_wait3A_277 = tpu.memref_squeeze %dma_wait3A_276 : memref<1x512x64xf32, #tpu.memory_space<vmem>> -> memref<512x64xf32, #tpu.memory_space<vmem>>
      %dma_wait3A_278 = arith.constant 384 : i32
      %dma_wait3A_279 = arith.constant 0 : i32
      %dma_wait3A_280 = tpu.memref_slice %dma_wait3A_277[%dma_wait3A_278, %dma_wait3A_279] : memref<512x64xf32, #tpu.memory_space<vmem>> -> memref<128x64xf32, #tpu.memory_space<vmem>>
      %dma_wait3A_281 = arith.constant 0 : i32
      %dma_wait3A_282 = tpu.memref_slice %arg5[%add3A_143, %dma_wait3A_281] : memref<20x128xi32, #tpu.memory_space<vmem>> -> memref<1x128xi32, #tpu.memory_space<vmem>>
      %dma_wait3A_283 = tpu.memref_squeeze %dma_wait3A_282 : memref<1x128xi32, #tpu.memory_space<vmem>> -> memref<128xi32, #tpu.memory_space<vmem>>
      %dma_wait3A_284 = arith.constant 0 : i32
      %dma_wait3A_285 = arith.constant 0 : i32
      %dma_wait3A_286 = tpu.memref_slice %arg7[%dma_wait3A_284, %dma_wait3A_285] : memref<10240x64xf32, #tpu.memory_space<vmem_shared>> -> memref<10240x64xf32, #tpu.memory_space<vmem_shared>>
      tpu.wait_indirect_dma semaphore(%arg9 : memref<!tpu.dma_semaphore, #tpu.memory_space<semaphore_mem>>) src(%dma_wait3A_286 : memref<10240x64xf32, #tpu.memory_space<vmem_shared>>) dst(%dma_wait3A_280 : memref<128x64xf32, #tpu.memory_space<vmem>>)
      %add3A_287 = arith.addi %mul3A_2, %mul3A_14 : i32
      %add3A_288 = arith.constant 4 : i32
      %add3A_289 = arith.addi %add3A_287, %add3A_288 : i32
      %mul3A_290 = arith.constant 128 : i32
      %mul3A_291 = arith.muli %add3A_289, %mul3A_290 : i32
      %dma_start3A_292 = arith.constant 1 : i32
      %dma_start3A_293 = arith.constant 0 : i32
      %dma_start3A_294 = arith.constant 0 : i32
      %dma_start3A_295 = tpu.memref_slice %arg6[%dma_start3A_292, %dma_start3A_293, %dma_start3A_294] : memref<2x512x64xf32, #tpu.memory_space<vmem>> -> memref<1x512x64xf32, #tpu.memory_space<vmem>>
      %dma_start3A_296 = tpu.memref_squeeze %dma_start3A_295 : memref<1x512x64xf32, #tpu.memory_space<vmem>> -> memref<512x64xf32, #tpu.memory_space<vmem>>
      %dma_start3A_297 = arith.constant 0 : i32
      %dma_start3A_298 = tpu.memref_slice %arg4[%mul3A_291, %dma_start3A_297] : memref<81920x64xf32, #tpu.memory_space<hbm>> -> memref<512x64xf32, #tpu.memory_space<hbm>>
      %dma_start3A_299 = arith.constant 0 : i32
      %dma_start3A_300 = tpu.memref_slice %arg4[%mul3A_291, %dma_start3A_299] : memref<81920x64xf32, #tpu.memory_space<hbm>> -> memref<512x64xf32, #tpu.memory_space<hbm>>
      %dma_start3A_301 = arith.constant 0 : i32
      %dma_start3A_302 = arith.constant 0 : i32
      %dma_start3A_303 = tpu.memref_slice %arg6[%dma_start3A_292, %dma_start3A_301, %dma_start3A_302] : memref<2x512x64xf32, #tpu.memory_space<vmem>> -> memref<1x512x64xf32, #tpu.memory_space<vmem>>
      %dma_start3A_304 = tpu.memref_squeeze %dma_start3A_303 : memref<1x512x64xf32, #tpu.memory_space<vmem>> -> memref<512x64xf32, #tpu.memory_space<vmem>>
      tpu.enqueue_dma source(%dma_start3A_304 : memref<512x64xf32, #tpu.memory_space<vmem>>) target(%dma_start3A_300 : memref<512x64xf32, #tpu.memory_space<hbm>>) target_semaphore(%arg11 : memref<!tpu.dma_semaphore, #tpu.memory_space<semaphore_mem>>)
      %dma_wait3A_305 = arith.constant 0 : i32
      %dma_wait3A_306 = arith.constant 0 : i32
      %dma_wait3A_307 = arith.constant 0 : i32
      %dma_wait3A_308 = tpu.memref_slice %arg6[%dma_wait3A_305, %dma_wait3A_306, %dma_wait3A_307] : memref<2x512x64xf32, #tpu.memory_space<vmem>> -> memref<1x512x64xf32, #tpu.memory_space<vmem>>
      %dma_wait3A_309 = tpu.memref_squeeze %dma_wait3A_308 : memref<1x512x64xf32, #tpu.memory_space<vmem>> -> memref<512x64xf32, #tpu.memory_space<vmem>>
      %dma_wait3A_310 = arith.constant 0 : i32
      %dma_wait3A_311 = tpu.memref_slice %arg4[%mul3A_217, %dma_wait3A_310] : memref<81920x64xf32, #tpu.memory_space<hbm>> -> memref<512x64xf32, #tpu.memory_space<hbm>>
      %dma_wait3A_312 = arith.constant 0 : i32
      %dma_wait3A_313 = tpu.memref_slice %arg4[%mul3A_217, %dma_wait3A_312] : memref<81920x64xf32, #tpu.memory_space<hbm>> -> memref<512x64xf32, #tpu.memory_space<hbm>>
      %dma_wait3A_314 = arith.constant 0 : i32
      %dma_wait3A_315 = arith.constant 0 : i32
      %dma_wait3A_316 = tpu.memref_slice %arg6[%dma_wait3A_305, %dma_wait3A_314, %dma_wait3A_315] : memref<2x512x64xf32, #tpu.memory_space<vmem>> -> memref<1x512x64xf32, #tpu.memory_space<vmem>>
      %dma_wait3A_317 = tpu.memref_squeeze %dma_wait3A_316 : memref<1x512x64xf32, #tpu.memory_space<vmem>> -> memref<512x64xf32, #tpu.memory_space<vmem>>
      tpu.wait_dma2 semaphore(%arg10 : memref<!tpu.dma_semaphore, #tpu.memory_space<semaphore_mem>>) src(%dma_wait3A_317 : memref<512x64xf32, #tpu.memory_space<vmem>>) dst(%dma_wait3A_313 : memref<512x64xf32, #tpu.memory_space<hbm>>)
      %dma_wait3A_318 = arith.constant 1 : i32
      %dma_wait3A_319 = arith.constant 0 : i32
      %dma_wait3A_320 = arith.constant 0 : i32
      %dma_wait3A_321 = tpu.memref_slice %arg6[%dma_wait3A_318, %dma_wait3A_319, %dma_wait3A_320] : memref<2x512x64xf32, #tpu.memory_space<vmem>> -> memref<1x512x64xf32, #tpu.memory_space<vmem>>
      %dma_wait3A_322 = tpu.memref_squeeze %dma_wait3A_321 : memref<1x512x64xf32, #tpu.memory_space<vmem>> -> memref<512x64xf32, #tpu.memory_space<vmem>>
      %dma_wait3A_323 = arith.constant 0 : i32
      %dma_wait3A_324 = tpu.memref_slice %arg4[%mul3A_291, %dma_wait3A_323] : memref<81920x64xf32, #tpu.memory_space<hbm>> -> memref<512x64xf32, #tpu.memory_space<hbm>>
      %dma_wait3A_325 = arith.constant 0 : i32
      %dma_wait3A_326 = tpu.memref_slice %arg4[%mul3A_291, %dma_wait3A_325] : memref<81920x64xf32, #tpu.memory_space<hbm>> -> memref<512x64xf32, #tpu.memory_space<hbm>>
      %dma_wait3A_327 = arith.constant 0 : i32
      %dma_wait3A_328 = arith.constant 0 : i32
      %dma_wait3A_329 = tpu.memref_slice %arg6[%dma_wait3A_318, %dma_wait3A_327, %dma_wait3A_328] : memref<2x512x64xf32, #tpu.memory_space<vmem>> -> memref<1x512x64xf32, #tpu.memory_space<vmem>>
      %dma_wait3A_330 = tpu.memref_squeeze %dma_wait3A_329 : memref<1x512x64xf32, #tpu.memory_space<vmem>> -> memref<512x64xf32, #tpu.memory_space<vmem>>
      tpu.wait_dma2 semaphore(%arg11 : memref<!tpu.dma_semaphore, #tpu.memory_space<semaphore_mem>>) src(%dma_wait3A_330 : memref<512x64xf32, #tpu.memory_space<vmem>>) dst(%dma_wait3A_326 : memref<512x64xf32, #tpu.memory_space<hbm>>)
    }
    %scan3A_11 = arith.constant 2 : i32
    return
  }
}

#map = affine_map<(d0, d1) -> (0, 0)>
module attributes {stable_mosaic.version = 14 : i64} {
  func.func @k(%arg0: i32, %arg1: i32, %arg2: memref<10240x64xf32, #tpu.memory_space<hbm>>, %arg3: memref<640x128xi32, #tpu.memory_space<hbm>>, %arg4: memref<81920x64xf32, #tpu.memory_space<hbm>>, %arg5: memref<20x128xi32, #tpu.memory_space<vmem>>, %arg6: memref<2x512x64xf32, #tpu.memory_space<vmem>>, %arg7: memref<10240x64xf32, #tpu.memory_space<vmem_shared>>, %arg8: memref<!tpu.dma_semaphore, #tpu.memory_space<semaphore_mem>>, %arg9: memref<!tpu.dma_semaphore, #tpu.memory_space<semaphore_mem>>, %arg10: memref<!tpu.dma_semaphore, #tpu.memory_space<semaphore_mem>>, %arg11: memref<!tpu.dma_semaphore, #tpu.memory_space<semaphore_mem>>) attributes {dimension_semantics = [#tpu.dimension_semantics<core_parallel>, #tpu.dimension_semantics<subcore_parallel>], iteration_bounds = array<i64: 2, 16>, scalar_prefetch = 0 : i64, scratch_operands = 7 : i64, tpu.core_type = #tpu.core_type<sc_vector_subcore>, window_params = [{transform_indices = #map}, {transform_indices = #map}, {transform_indices = #map}]} {
    %mul3A = arith.constant 2 : i32
    %mul3A_0 = arith.muli %arg1, %mul3A : i32
    %add3A = arith.addi %mul3A_0, %arg0 : i32
    %mul3A_1 = arith.constant 20 : i32
    %mul3A_2 = arith.muli %add3A, %mul3A_1 : i32
    "tpu.region"() ({
      %run_scoped3A = tpu.sem_alloc : memref<!tpu.dma_semaphore, #tpu.memory_space<semaphore_mem>>
      %dma_start3A = arith.constant 0 : i32
      %dma_start3A_12 = tpu.memref_slice %arg3[%mul3A_2, %dma_start3A] : memref<640x128xi32, #tpu.memory_space<hbm>> -> memref<20x128xi32, #tpu.memory_space<hbm>>
      %dma_start3A_13 = arith.constant 0 : i32
      %dma_start3A_14 = tpu.memref_slice %arg3[%mul3A_2, %dma_start3A_13] : memref<640x128xi32, #tpu.memory_space<hbm>> -> memref<20x128xi32, #tpu.memory_space<hbm>>
      tpu.enqueue_dma source(%dma_start3A_14 : memref<20x128xi32, #tpu.memory_space<hbm>>) target(%arg5 : memref<20x128xi32, #tpu.memory_space<vmem>>) target_semaphore(%run_scoped3A : memref<!tpu.dma_semaphore, #tpu.memory_space<semaphore_mem>>)
      %dma_wait3A = arith.constant 0 : i32
      %dma_wait3A_15 = tpu.memref_slice %arg3[%mul3A_2, %dma_wait3A] : memref<640x128xi32, #tpu.memory_space<hbm>> -> memref<20x128xi32, #tpu.memory_space<hbm>>
      %dma_wait3A_16 = arith.constant 0 : i32
      %dma_wait3A_17 = tpu.memref_slice %arg3[%mul3A_2, %dma_wait3A_16] : memref<640x128xi32, #tpu.memory_space<hbm>> -> memref<20x128xi32, #tpu.memory_space<hbm>>
      tpu.wait_dma2 semaphore(%run_scoped3A : memref<!tpu.dma_semaphore, #tpu.memory_space<semaphore_mem>>) src(%dma_wait3A_17 : memref<20x128xi32, #tpu.memory_space<hbm>>) dst(%arg5 : memref<20x128xi32, #tpu.memory_space<vmem>>)
      tpu.yield
    }) : () -> ()
    %mul3A_3 = arith.constant 640 : i32
    %mul3A_4 = arith.muli %arg1, %mul3A_3 : i32
    %mul3A_5 = arith.constant 640 : i32
    %mul3A_6 = arith.muli %arg1, %mul3A_5 : i32
    "tpu.region"() ({
      %run_scoped3A = tpu.sem_alloc : memref<!tpu.dma_semaphore, #tpu.memory_space<semaphore_mem>>
      %dma_start3A = arith.constant 0 : i32
      %dma_start3A_12 = tpu.memref_slice %arg7[%mul3A_6, %dma_start3A] : memref<10240x64xf32, #tpu.memory_space<vmem_shared>> -> memref<640x64xf32, #tpu.memory_space<vmem_shared>>
      %dma_start3A_13 = arith.constant 0 : i32
      %dma_start3A_14 = tpu.memref_slice %arg2[%mul3A_4, %dma_start3A_13] : memref<10240x64xf32, #tpu.memory_space<hbm>> -> memref<640x64xf32, #tpu.memory_space<hbm>>
      tpu.enqueue_dma source(%dma_start3A_14 : memref<640x64xf32, #tpu.memory_space<hbm>>) target(%dma_start3A_12 : memref<640x64xf32, #tpu.memory_space<vmem_shared>>) target_semaphore(%run_scoped3A : memref<!tpu.dma_semaphore, #tpu.memory_space<semaphore_mem>>)
      %dma_wait3A = arith.constant 0 : i32
      %dma_wait3A_15 = tpu.memref_slice %arg7[%mul3A_6, %dma_wait3A] : memref<10240x64xf32, #tpu.memory_space<vmem_shared>> -> memref<640x64xf32, #tpu.memory_space<vmem_shared>>
      %dma_wait3A_16 = arith.constant 0 : i32
      %dma_wait3A_17 = tpu.memref_slice %arg2[%mul3A_4, %dma_wait3A_16] : memref<10240x64xf32, #tpu.memory_space<hbm>> -> memref<640x64xf32, #tpu.memory_space<hbm>>
      tpu.wait_dma2 semaphore(%run_scoped3A : memref<!tpu.dma_semaphore, #tpu.memory_space<semaphore_mem>>) src(%dma_wait3A_17 : memref<640x64xf32, #tpu.memory_space<hbm>>) dst(%dma_wait3A_15 : memref<640x64xf32, #tpu.memory_space<vmem_shared>>)
      tpu.yield
    }) : () -> ()
    %barrier3A = arith.constant 0 : index
    tpu.barrier barrier_id(%barrier3A)
    %scan3A = arith.constant 0 : i32
    %scan3A_7 = arith.constant 0 : i32
    %scan3A_8 = arith.constant 2 : i32
    %scan3A_9 = arith.addi %scan3A_7, %scan3A_8 : i32
    %scan3A_10 = arith.constant 1 : i32
    scf.for %scan3A_12 = %scan3A_7 to %scan3A_9 step %scan3A_10  : i32 {
      %mul3A_13 = arith.constant 8 : i32
      %mul3A_14 = arith.muli %mul3A_13, %scan3A_12 : i32
      %add3A_15 = arith.constant 0 : i32
      %add3A_16 = arith.addi %mul3A_14, %add3A_15 : i32
      %add3A_17 = arith.constant 0 : i32
      %add3A_18 = arith.addi %add3A_16, %add3A_17 : i32
      %dma_start3A = arith.constant 0 : i32
      %dma_start3A_19 = arith.constant 0 : i32
      %dma_start3A_20 = arith.constant 0 : i32
      %dma_start3A_21 = tpu.memref_slice %arg6[%dma_start3A, %dma_start3A_19, %dma_start3A_20] : memref<2x512x64xf32, #tpu.memory_space<vmem>> -> memref<1x512x64xf32, #tpu.memory_space<vmem>>
      %dma_start3A_22 = tpu.memref_squeeze %dma_start3A_21 : memref<1x512x64xf32, #tpu.memory_space<vmem>> -> memref<512x64xf32, #tpu.memory_space<vmem>>
      %dma_start3A_23 = arith.constant 0 : i32
      %dma_start3A_24 = arith.constant 0 : i32
      %dma_start3A_25 = tpu.memref_slice %dma_start3A_22[%dma_start3A_23, %dma_start3A_24] : memref<512x64xf32, #tpu.memory_space<vmem>> -> memref<128x64xf32, #tpu.memory_space<vmem>>
      %dma_start3A_26 = arith.constant 0 : i32
      %dma_start3A_27 = tpu.memref_slice %arg5[%add3A_18, %dma_start3A_26] : memref<20x128xi32, #tpu.memory_space<vmem>> -> memref<1x128xi32, #tpu.memory_space<vmem>>
      %dma_start3A_28 = tpu.memref_squeeze %dma_start3A_27 : memref<1x128xi32, #tpu.memory_space<vmem>> -> memref<128xi32, #tpu.memory_space<vmem>>
      %dma_start3A_29 = arith.constant 0 : i32
      %dma_start3A_30 = arith.constant 0 : i32
      %dma_start3A_31 = tpu.memref_slice %arg7[%dma_start3A_29, %dma_start3A_30] : memref<10240x64xf32, #tpu.memory_space<vmem_shared>> -> memref<10240x64xf32, #tpu.memory_space<vmem_shared>>
      tpu.enqueue_indirect_dma source(%dma_start3A_31 : memref<10240x64xf32, #tpu.memory_space<vmem_shared>>) target(%dma_start3A_25 : memref<128x64xf32, #tpu.memory_space<vmem>>) offsets(%dma_start3A_28 : memref<128xi32, #tpu.memory_space<vmem>>) semaphore(%arg8 : memref<!tpu.dma_semaphore, #tpu.memory_space<semaphore_mem>>)
      %add3A_32 = arith.constant 0 : i32
      %add3A_33 = arith.addi %mul3A_14, %add3A_32 : i32
      %add3A_34 = arith.constant 1 : i32
      %add3A_35 = arith.addi %add3A_33, %add3A_34 : i32
      %dma_start3A_36 = arith.constant 0 : i32
      %dma_start3A_37 = arith.constant 0 : i32
      %dma_start3A_38 = arith.constant 0 : i32
      %dma_start3A_39 = tpu.memref_slice %arg6[%dma_start3A_36, %dma_start3A_37, %dma_start3A_38] : memref<2x512x64xf32, #tpu.memory_space<vmem>> -> memref<1x512x64xf32, #tpu.memory_space<vmem>>
      %dma_start3A_40 = tpu.memref_squeeze %dma_start3A_39 : memref<1x512x64xf32, #tpu.memory_space<vmem>> -> memref<512x64xf32, #tpu.memory_space<vmem>>
      %dma_start3A_41 = arith.constant 128 : i32
      %dma_start3A_42 = arith.constant 0 : i32
      %dma_start3A_43 = tpu.memref_slice %dma_start3A_40[%dma_start3A_41, %dma_start3A_42] : memref<512x64xf32, #tpu.memory_space<vmem>> -> memref<128x64xf32, #tpu.memory_space<vmem>>
      %dma_start3A_44 = arith.constant 0 : i32
      %dma_start3A_45 = tpu.memref_slice %arg5[%add3A_35, %dma_start3A_44] : memref<20x128xi32, #tpu.memory_space<vmem>> -> memref<1x128xi32, #tpu.memory_space<vmem>>
      %dma_start3A_46 = tpu.memref_squeeze %dma_start3A_45 : memref<1x128xi32, #tpu.memory_space<vmem>> -> memref<128xi32, #tpu.memory_space<vmem>>
      %dma_start3A_47 = arith.constant 0 : i32
      %dma_start3A_48 = arith.constant 0 : i32
      %dma_start3A_49 = tpu.memref_slice %arg7[%dma_start3A_47, %dma_start3A_48] : memref<10240x64xf32, #tpu.memory_space<vmem_shared>> -> memref<10240x64xf32, #tpu.memory_space<vmem_shared>>
      tpu.enqueue_indirect_dma source(%dma_start3A_49 : memref<10240x64xf32, #tpu.memory_space<vmem_shared>>) target(%dma_start3A_43 : memref<128x64xf32, #tpu.memory_space<vmem>>) offsets(%dma_start3A_46 : memref<128xi32, #tpu.memory_space<vmem>>) semaphore(%arg8 : memref<!tpu.dma_semaphore, #tpu.memory_space<semaphore_mem>>)
      %add3A_50 = arith.constant 0 : i32
      %add3A_51 = arith.addi %mul3A_14, %add3A_50 : i32
      %add3A_52 = arith.constant 2 : i32
      %add3A_53 = arith.addi %add3A_51, %add3A_52 : i32
      %dma_start3A_54 = arith.constant 0 : i32
      %dma_start3A_55 = arith.constant 0 : i32
      %dma_start3A_56 = arith.constant 0 : i32
      %dma_start3A_57 = tpu.memref_slice %arg6[%dma_start3A_54, %dma_start3A_55, %dma_start3A_56] : memref<2x512x64xf32, #tpu.memory_space<vmem>> -> memref<1x512x64xf32, #tpu.memory_space<vmem>>
      %dma_start3A_58 = tpu.memref_squeeze %dma_start3A_57 : memref<1x512x64xf32, #tpu.memory_space<vmem>> -> memref<512x64xf32, #tpu.memory_space<vmem>>
      %dma_start3A_59 = arith.constant 256 : i32
      %dma_start3A_60 = arith.constant 0 : i32
      %dma_start3A_61 = tpu.memref_slice %dma_start3A_58[%dma_start3A_59, %dma_start3A_60] : memref<512x64xf32, #tpu.memory_space<vmem>> -> memref<128x64xf32, #tpu.memory_space<vmem>>
      %dma_start3A_62 = arith.constant 0 : i32
      %dma_start3A_63 = tpu.memref_slice %arg5[%add3A_53, %dma_start3A_62] : memref<20x128xi32, #tpu.memory_space<vmem>> -> memref<1x128xi32, #tpu.memory_space<vmem>>
      %dma_start3A_64 = tpu.memref_squeeze %dma_start3A_63 : memref<1x128xi32, #tpu.memory_space<vmem>> -> memref<128xi32, #tpu.memory_space<vmem>>
      %dma_start3A_65 = arith.constant 0 : i32
      %dma_start3A_66 = arith.constant 0 : i32
      %dma_start3A_67 = tpu.memref_slice %arg7[%dma_start3A_65, %dma_start3A_66] : memref<10240x64xf32, #tpu.memory_space<vmem_shared>> -> memref<10240x64xf32, #tpu.memory_space<vmem_shared>>
      tpu.enqueue_indirect_dma source(%dma_start3A_67 : memref<10240x64xf32, #tpu.memory_space<vmem_shared>>) target(%dma_start3A_61 : memref<128x64xf32, #tpu.memory_space<vmem>>) offsets(%dma_start3A_64 : memref<128xi32, #tpu.memory_space<vmem>>) semaphore(%arg8 : memref<!tpu.dma_semaphore, #tpu.memory_space<semaphore_mem>>)
      %add3A_68 = arith.constant 0 : i32
      %add3A_69 = arith.addi %mul3A_14, %add3A_68 : i32
      %add3A_70 = arith.constant 3 : i32
      %add3A_71 = arith.addi %add3A_69, %add3A_70 : i32
      %dma_start3A_72 = arith.constant 0 : i32
      %dma_start3A_73 = arith.constant 0 : i32
      %dma_start3A_74 = arith.constant 0 : i32
      %dma_start3A_75 = tpu.memref_slice %arg6[%dma_start3A_72, %dma_start3A_73, %dma_start3A_74] : memref<2x512x64xf32, #tpu.memory_space<vmem>> -> memref<1x512x64xf32, #tpu.memory_space<vmem>>
      %dma_start3A_76 = tpu.memref_squeeze %dma_start3A_75 : memref<1x512x64xf32, #tpu.memory_space<vmem>> -> memref<512x64xf32, #tpu.memory_space<vmem>>
      %dma_start3A_77 = arith.constant 384 : i32
      %dma_start3A_78 = arith.constant 0 : i32
      %dma_start3A_79 = tpu.memref_slice %dma_start3A_76[%dma_start3A_77, %dma_start3A_78] : memref<512x64xf32, #tpu.memory_space<vmem>> -> memref<128x64xf32, #tpu.memory_space<vmem>>
      %dma_start3A_80 = arith.constant 0 : i32
      %dma_start3A_81 = tpu.memref_slice %arg5[%add3A_71, %dma_start3A_80] : memref<20x128xi32, #tpu.memory_space<vmem>> -> memref<1x128xi32, #tpu.memory_space<vmem>>
      %dma_start3A_82 = tpu.memref_squeeze %dma_start3A_81 : memref<1x128xi32, #tpu.memory_space<vmem>> -> memref<128xi32, #tpu.memory_space<vmem>>
      %dma_start3A_83 = arith.constant 0 : i32
      %dma_start3A_84 = arith.constant 0 : i32
      %dma_start3A_85 = tpu.memref_slice %arg7[%dma_start3A_83, %dma_start3A_84] : memref<10240x64xf32, #tpu.memory_space<vmem_shared>> -> memref<10240x64xf32, #tpu.memory_space<vmem_shared>>
      tpu.enqueue_indirect_dma source(%dma_start3A_85 : memref<10240x64xf32, #tpu.memory_space<vmem_shared>>) target(%dma_start3A_79 : memref<128x64xf32, #tpu.memory_space<vmem>>) offsets(%dma_start3A_82 : memref<128xi32, #tpu.memory_space<vmem>>) semaphore(%arg8 : memref<!tpu.dma_semaphore, #tpu.memory_space<semaphore_mem>>)
      %add3A_86 = arith.constant 4 : i32
      %add3A_87 = arith.addi %mul3A_14, %add3A_86 : i32
      %add3A_88 = arith.constant 0 : i32
      %add3A_89 = arith.addi %add3A_87, %add3A_88 : i32
      %dma_start3A_90 = arith.constant 1 : i32
      %dma_start3A_91 = arith.constant 0 : i32
      %dma_start3A_92 = arith.constant 0 : i32
      %dma_start3A_93 = tpu.memref_slice %arg6[%dma_start3A_90, %dma_start3A_91, %dma_start3A_92] : memref<2x512x64xf32, #tpu.memory_space<vmem>> -> memref<1x512x64xf32, #tpu.memory_space<vmem>>
      %dma_start3A_94 = tpu.memref_squeeze %dma_start3A_93 : memref<1x512x64xf32, #tpu.memory_space<vmem>> -> memref<512x64xf32, #tpu.memory_space<vmem>>
      %dma_start3A_95 = arith.constant 0 : i32
      %dma_start3A_96 = arith.constant 0 : i32
      %dma_start3A_97 = tpu.memref_slice %dma_start3A_94[%dma_start3A_95, %dma_start3A_96] : memref<512x64xf32, #tpu.memory_space<vmem>> -> memref<128x64xf32, #tpu.memory_space<vmem>>
      %dma_start3A_98 = arith.constant 0 : i32
      %dma_start3A_99 = tpu.memref_slice %arg5[%add3A_89, %dma_start3A_98] : memref<20x128xi32, #tpu.memory_space<vmem>> -> memref<1x128xi32, #tpu.memory_space<vmem>>
      %dma_start3A_100 = tpu.memref_squeeze %dma_start3A_99 : memref<1x128xi32, #tpu.memory_space<vmem>> -> memref<128xi32, #tpu.memory_space<vmem>>
      %dma_start3A_101 = arith.constant 0 : i32
      %dma_start3A_102 = arith.constant 0 : i32
      %dma_start3A_103 = tpu.memref_slice %arg7[%dma_start3A_101, %dma_start3A_102] : memref<10240x64xf32, #tpu.memory_space<vmem_shared>> -> memref<10240x64xf32, #tpu.memory_space<vmem_shared>>
      tpu.enqueue_indirect_dma source(%dma_start3A_103 : memref<10240x64xf32, #tpu.memory_space<vmem_shared>>) target(%dma_start3A_97 : memref<128x64xf32, #tpu.memory_space<vmem>>) offsets(%dma_start3A_100 : memref<128xi32, #tpu.memory_space<vmem>>) semaphore(%arg9 : memref<!tpu.dma_semaphore, #tpu.memory_space<semaphore_mem>>)
      %add3A_104 = arith.constant 4 : i32
      %add3A_105 = arith.addi %mul3A_14, %add3A_104 : i32
      %add3A_106 = arith.constant 1 : i32
      %add3A_107 = arith.addi %add3A_105, %add3A_106 : i32
      %dma_start3A_108 = arith.constant 1 : i32
      %dma_start3A_109 = arith.constant 0 : i32
      %dma_start3A_110 = arith.constant 0 : i32
      %dma_start3A_111 = tpu.memref_slice %arg6[%dma_start3A_108, %dma_start3A_109, %dma_start3A_110] : memref<2x512x64xf32, #tpu.memory_space<vmem>> -> memref<1x512x64xf32, #tpu.memory_space<vmem>>
      %dma_start3A_112 = tpu.memref_squeeze %dma_start3A_111 : memref<1x512x64xf32, #tpu.memory_space<vmem>> -> memref<512x64xf32, #tpu.memory_space<vmem>>
      %dma_start3A_113 = arith.constant 128 : i32
      %dma_start3A_114 = arith.constant 0 : i32
      %dma_start3A_115 = tpu.memref_slice %dma_start3A_112[%dma_start3A_113, %dma_start3A_114] : memref<512x64xf32, #tpu.memory_space<vmem>> -> memref<128x64xf32, #tpu.memory_space<vmem>>
      %dma_start3A_116 = arith.constant 0 : i32
      %dma_start3A_117 = tpu.memref_slice %arg5[%add3A_107, %dma_start3A_116] : memref<20x128xi32, #tpu.memory_space<vmem>> -> memref<1x128xi32, #tpu.memory_space<vmem>>
      %dma_start3A_118 = tpu.memref_squeeze %dma_start3A_117 : memref<1x128xi32, #tpu.memory_space<vmem>> -> memref<128xi32, #tpu.memory_space<vmem>>
      %dma_start3A_119 = arith.constant 0 : i32
      %dma_start3A_120 = arith.constant 0 : i32
      %dma_start3A_121 = tpu.memref_slice %arg7[%dma_start3A_119, %dma_start3A_120] : memref<10240x64xf32, #tpu.memory_space<vmem_shared>> -> memref<10240x64xf32, #tpu.memory_space<vmem_shared>>
      tpu.enqueue_indirect_dma source(%dma_start3A_121 : memref<10240x64xf32, #tpu.memory_space<vmem_shared>>) target(%dma_start3A_115 : memref<128x64xf32, #tpu.memory_space<vmem>>) offsets(%dma_start3A_118 : memref<128xi32, #tpu.memory_space<vmem>>) semaphore(%arg9 : memref<!tpu.dma_semaphore, #tpu.memory_space<semaphore_mem>>)
      %add3A_122 = arith.constant 4 : i32
      %add3A_123 = arith.addi %mul3A_14, %add3A_122 : i32
      %add3A_124 = arith.constant 2 : i32
      %add3A_125 = arith.addi %add3A_123, %add3A_124 : i32
      %dma_start3A_126 = arith.constant 1 : i32
      %dma_start3A_127 = arith.constant 0 : i32
      %dma_start3A_128 = arith.constant 0 : i32
      %dma_start3A_129 = tpu.memref_slice %arg6[%dma_start3A_126, %dma_start3A_127, %dma_start3A_128] : memref<2x512x64xf32, #tpu.memory_space<vmem>> -> memref<1x512x64xf32, #tpu.memory_space<vmem>>
      %dma_start3A_130 = tpu.memref_squeeze %dma_start3A_129 : memref<1x512x64xf32, #tpu.memory_space<vmem>> -> memref<512x64xf32, #tpu.memory_space<vmem>>
      %dma_start3A_131 = arith.constant 256 : i32
      %dma_start3A_132 = arith.constant 0 : i32
      %dma_start3A_133 = tpu.memref_slice %dma_start3A_130[%dma_start3A_131, %dma_start3A_132] : memref<512x64xf32, #tpu.memory_space<vmem>> -> memref<128x64xf32, #tpu.memory_space<vmem>>
      %dma_start3A_134 = arith.constant 0 : i32
      %dma_start3A_135 = tpu.memref_slice %arg5[%add3A_125, %dma_start3A_134] : memref<20x128xi32, #tpu.memory_space<vmem>> -> memref<1x128xi32, #tpu.memory_space<vmem>>
      %dma_start3A_136 = tpu.memref_squeeze %dma_start3A_135 : memref<1x128xi32, #tpu.memory_space<vmem>> -> memref<128xi32, #tpu.memory_space<vmem>>
      %dma_start3A_137 = arith.constant 0 : i32
      %dma_start3A_138 = arith.constant 0 : i32
      %dma_start3A_139 = tpu.memref_slice %arg7[%dma_start3A_137, %dma_start3A_138] : memref<10240x64xf32, #tpu.memory_space<vmem_shared>> -> memref<10240x64xf32, #tpu.memory_space<vmem_shared>>
      tpu.enqueue_indirect_dma source(%dma_start3A_139 : memref<10240x64xf32, #tpu.memory_space<vmem_shared>>) target(%dma_start3A_133 : memref<128x64xf32, #tpu.memory_space<vmem>>) offsets(%dma_start3A_136 : memref<128xi32, #tpu.memory_space<vmem>>) semaphore(%arg9 : memref<!tpu.dma_semaphore, #tpu.memory_space<semaphore_mem>>)
      %add3A_140 = arith.constant 4 : i32
      %add3A_141 = arith.addi %mul3A_14, %add3A_140 : i32
      %add3A_142 = arith.constant 3 : i32
      %add3A_143 = arith.addi %add3A_141, %add3A_142 : i32
      %dma_start3A_144 = arith.constant 1 : i32
      %dma_start3A_145 = arith.constant 0 : i32
      %dma_start3A_146 = arith.constant 0 : i32
      %dma_start3A_147 = tpu.memref_slice %arg6[%dma_start3A_144, %dma_start3A_145, %dma_start3A_146] : memref<2x512x64xf32, #tpu.memory_space<vmem>> -> memref<1x512x64xf32, #tpu.memory_space<vmem>>
      %dma_start3A_148 = tpu.memref_squeeze %dma_start3A_147 : memref<1x512x64xf32, #tpu.memory_space<vmem>> -> memref<512x64xf32, #tpu.memory_space<vmem>>
      %dma_start3A_149 = arith.constant 384 : i32
      %dma_start3A_150 = arith.constant 0 : i32
      %dma_start3A_151 = tpu.memref_slice %dma_start3A_148[%dma_start3A_149, %dma_start3A_150] : memref<512x64xf32, #tpu.memory_space<vmem>> -> memref<128x64xf32, #tpu.memory_space<vmem>>
      %dma_start3A_152 = arith.constant 0 : i32
      %dma_start3A_153 = tpu.memref_slice %arg5[%add3A_143, %dma_start3A_152] : memref<20x128xi32, #tpu.memory_space<vmem>> -> memref<1x128xi32, #tpu.memory_space<vmem>>
      %dma_start3A_154 = tpu.memref_squeeze %dma_start3A_153 : memref<1x128xi32, #tpu.memory_space<vmem>> -> memref<128xi32, #tpu.memory_space<vmem>>
      %dma_start3A_155 = arith.constant 0 : i32
      %dma_start3A_156 = arith.constant 0 : i32
      %dma_start3A_157 = tpu.memref_slice %arg7[%dma_start3A_155, %dma_start3A_156] : memref<10240x64xf32, #tpu.memory_space<vmem_shared>> -> memref<10240x64xf32, #tpu.memory_space<vmem_shared>>
      tpu.enqueue_indirect_dma source(%dma_start3A_157 : memref<10240x64xf32, #tpu.memory_space<vmem_shared>>) target(%dma_start3A_151 : memref<128x64xf32, #tpu.memory_space<vmem>>) offsets(%dma_start3A_154 : memref<128xi32, #tpu.memory_space<vmem>>) semaphore(%arg9 : memref<!tpu.dma_semaphore, #tpu.memory_space<semaphore_mem>>)
      %dma_wait3A = arith.constant 0 : i32
      %dma_wait3A_158 = arith.constant 0 : i32
      %dma_wait3A_159 = arith.constant 0 : i32
      %dma_wait3A_160 = tpu.memref_slice %arg6[%dma_wait3A, %dma_wait3A_158, %dma_wait3A_159] : memref<2x512x64xf32, #tpu.memory_space<vmem>> -> memref<1x512x64xf32, #tpu.memory_space<vmem>>
      %dma_wait3A_161 = tpu.memref_squeeze %dma_wait3A_160 : memref<1x512x64xf32, #tpu.memory_space<vmem>> -> memref<512x64xf32, #tpu.memory_space<vmem>>
      %dma_wait3A_162 = arith.constant 0 : i32
      %dma_wait3A_163 = arith.constant 0 : i32
      %dma_wait3A_164 = tpu.memref_slice %dma_wait3A_161[%dma_wait3A_162, %dma_wait3A_163] : memref<512x64xf32, #tpu.memory_space<vmem>> -> memref<128x64xf32, #tpu.memory_space<vmem>>
      %dma_wait3A_165 = arith.constant 0 : i32
      %dma_wait3A_166 = tpu.memref_slice %arg5[%add3A_18, %dma_wait3A_165] : memref<20x128xi32, #tpu.memory_space<vmem>> -> memref<1x128xi32, #tpu.memory_space<vmem>>
      %dma_wait3A_167 = tpu.memref_squeeze %dma_wait3A_166 : memref<1x128xi32, #tpu.memory_space<vmem>> -> memref<128xi32, #tpu.memory_space<vmem>>
      %dma_wait3A_168 = arith.constant 0 : i32
      %dma_wait3A_169 = arith.constant 0 : i32
      %dma_wait3A_170 = tpu.memref_slice %arg7[%dma_wait3A_168, %dma_wait3A_169] : memref<10240x64xf32, #tpu.memory_space<vmem_shared>> -> memref<10240x64xf32, #tpu.memory_space<vmem_shared>>
      tpu.wait_indirect_dma semaphore(%arg8 : memref<!tpu.dma_semaphore, #tpu.memory_space<semaphore_mem>>) src(%dma_wait3A_170 : memref<10240x64xf32, #tpu.memory_space<vmem_shared>>) dst(%dma_wait3A_164 : memref<128x64xf32, #tpu.memory_space<vmem>>)
      %dma_wait3A_171 = arith.constant 0 : i32
      %dma_wait3A_172 = arith.constant 0 : i32
      %dma_wait3A_173 = arith.constant 0 : i32
      %dma_wait3A_174 = tpu.memref_slice %arg6[%dma_wait3A_171, %dma_wait3A_172, %dma_wait3A_173] : memref<2x512x64xf32, #tpu.memory_space<vmem>> -> memref<1x512x64xf32, #tpu.memory_space<vmem>>
      %dma_wait3A_175 = tpu.memref_squeeze %dma_wait3A_174 : memref<1x512x64xf32, #tpu.memory_space<vmem>> -> memref<512x64xf32, #tpu.memory_space<vmem>>
      %dma_wait3A_176 = arith.constant 128 : i32
      %dma_wait3A_177 = arith.constant 0 : i32
      %dma_wait3A_178 = tpu.memref_slice %dma_wait3A_175[%dma_wait3A_176, %dma_wait3A_177] : memref<512x64xf32, #tpu.memory_space<vmem>> -> memref<128x64xf32, #tpu.memory_space<vmem>>
      %dma_wait3A_179 = arith.constant 0 : i32
      %dma_wait3A_180 = tpu.memref_slice %arg5[%add3A_35, %dma_wait3A_179] : memref<20x128xi32, #tpu.memory_space<vmem>> -> memref<1x128xi32, #tpu.memory_space<vmem>>
      %dma_wait3A_181 = tpu.memref_squeeze %dma_wait3A_180 : memref<1x128xi32, #tpu.memory_space<vmem>> -> memref<128xi32, #tpu.memory_space<vmem>>
      %dma_wait3A_182 = arith.constant 0 : i32
      %dma_wait3A_183 = arith.constant 0 : i32
      %dma_wait3A_184 = tpu.memref_slice %arg7[%dma_wait3A_182, %dma_wait3A_183] : memref<10240x64xf32, #tpu.memory_space<vmem_shared>> -> memref<10240x64xf32, #tpu.memory_space<vmem_shared>>
      tpu.wait_indirect_dma semaphore(%arg8 : memref<!tpu.dma_semaphore, #tpu.memory_space<semaphore_mem>>) src(%dma_wait3A_184 : memref<10240x64xf32, #tpu.memory_space<vmem_shared>>) dst(%dma_wait3A_178 : memref<128x64xf32, #tpu.memory_space<vmem>>)
      %dma_wait3A_185 = arith.constant 0 : i32
      %dma_wait3A_186 = arith.constant 0 : i32
      %dma_wait3A_187 = arith.constant 0 : i32
      %dma_wait3A_188 = tpu.memref_slice %arg6[%dma_wait3A_185, %dma_wait3A_186, %dma_wait3A_187] : memref<2x512x64xf32, #tpu.memory_space<vmem>> -> memref<1x512x64xf32, #tpu.memory_space<vmem>>
      %dma_wait3A_189 = tpu.memref_squeeze %dma_wait3A_188 : memref<1x512x64xf32, #tpu.memory_space<vmem>> -> memref<512x64xf32, #tpu.memory_space<vmem>>
      %dma_wait3A_190 = arith.constant 256 : i32
      %dma_wait3A_191 = arith.constant 0 : i32
      %dma_wait3A_192 = tpu.memref_slice %dma_wait3A_189[%dma_wait3A_190, %dma_wait3A_191] : memref<512x64xf32, #tpu.memory_space<vmem>> -> memref<128x64xf32, #tpu.memory_space<vmem>>
      %dma_wait3A_193 = arith.constant 0 : i32
      %dma_wait3A_194 = tpu.memref_slice %arg5[%add3A_53, %dma_wait3A_193] : memref<20x128xi32, #tpu.memory_space<vmem>> -> memref<1x128xi32, #tpu.memory_space<vmem>>
      %dma_wait3A_195 = tpu.memref_squeeze %dma_wait3A_194 : memref<1x128xi32, #tpu.memory_space<vmem>> -> memref<128xi32, #tpu.memory_space<vmem>>
      %dma_wait3A_196 = arith.constant 0 : i32
      %dma_wait3A_197 = arith.constant 0 : i32
      %dma_wait3A_198 = tpu.memref_slice %arg7[%dma_wait3A_196, %dma_wait3A_197] : memref<10240x64xf32, #tpu.memory_space<vmem_shared>> -> memref<10240x64xf32, #tpu.memory_space<vmem_shared>>
      tpu.wait_indirect_dma semaphore(%arg8 : memref<!tpu.dma_semaphore, #tpu.memory_space<semaphore_mem>>) src(%dma_wait3A_198 : memref<10240x64xf32, #tpu.memory_space<vmem_shared>>) dst(%dma_wait3A_192 : memref<128x64xf32, #tpu.memory_space<vmem>>)
      %dma_wait3A_199 = arith.constant 0 : i32
      %dma_wait3A_200 = arith.constant 0 : i32
      %dma_wait3A_201 = arith.constant 0 : i32
      %dma_wait3A_202 = tpu.memref_slice %arg6[%dma_wait3A_199, %dma_wait3A_200, %dma_wait3A_201] : memref<2x512x64xf32, #tpu.memory_space<vmem>> -> memref<1x512x64xf32, #tpu.memory_space<vmem>>
      %dma_wait3A_203 = tpu.memref_squeeze %dma_wait3A_202 : memref<1x512x64xf32, #tpu.memory_space<vmem>> -> memref<512x64xf32, #tpu.memory_space<vmem>>
      %dma_wait3A_204 = arith.constant 384 : i32
      %dma_wait3A_205 = arith.constant 0 : i32
      %dma_wait3A_206 = tpu.memref_slice %dma_wait3A_203[%dma_wait3A_204, %dma_wait3A_205] : memref<512x64xf32, #tpu.memory_space<vmem>> -> memref<128x64xf32, #tpu.memory_space<vmem>>
      %dma_wait3A_207 = arith.constant 0 : i32
      %dma_wait3A_208 = tpu.memref_slice %arg5[%add3A_71, %dma_wait3A_207] : memref<20x128xi32, #tpu.memory_space<vmem>> -> memref<1x128xi32, #tpu.memory_space<vmem>>
      %dma_wait3A_209 = tpu.memref_squeeze %dma_wait3A_208 : memref<1x128xi32, #tpu.memory_space<vmem>> -> memref<128xi32, #tpu.memory_space<vmem>>
      %dma_wait3A_210 = arith.constant 0 : i32
      %dma_wait3A_211 = arith.constant 0 : i32
      %dma_wait3A_212 = tpu.memref_slice %arg7[%dma_wait3A_210, %dma_wait3A_211] : memref<10240x64xf32, #tpu.memory_space<vmem_shared>> -> memref<10240x64xf32, #tpu.memory_space<vmem_shared>>
      tpu.wait_indirect_dma semaphore(%arg8 : memref<!tpu.dma_semaphore, #tpu.memory_space<semaphore_mem>>) src(%dma_wait3A_212 : memref<10240x64xf32, #tpu.memory_space<vmem_shared>>) dst(%dma_wait3A_206 : memref<128x64xf32, #tpu.memory_space<vmem>>)
      %add3A_213 = arith.addi %mul3A_2, %mul3A_14 : i32
      %add3A_214 = arith.constant 0 : i32
      %add3A_215 = arith.addi %add3A_213, %add3A_214 : i32
      %mul3A_216 = arith.constant 128 : i32
      %mul3A_217 = arith.muli %add3A_215, %mul3A_216 : i32
      %dma_start3A_218 = arith.constant 0 : i32
      %dma_start3A_219 = arith.constant 0 : i32
      %dma_start3A_220 = arith.constant 0 : i32
      %dma_start3A_221 = tpu.memref_slice %arg6[%dma_start3A_218, %dma_start3A_219, %dma_start3A_220] : memref<2x512x64xf32, #tpu.memory_space<vmem>> -> memref<1x512x64xf32, #tpu.memory_space<vmem>>
      %dma_start3A_222 = tpu.memref_squeeze %dma_start3A_221 : memref<1x512x64xf32, #tpu.memory_space<vmem>> -> memref<512x64xf32, #tpu.memory_space<vmem>>
      %dma_start3A_223 = arith.constant 0 : i32
      %dma_start3A_224 = tpu.memref_slice %arg4[%mul3A_217, %dma_start3A_223] : memref<81920x64xf32, #tpu.memory_space<hbm>> -> memref<512x64xf32, #tpu.memory_space<hbm>>
      %dma_start3A_225 = arith.constant 0 : i32
      %dma_start3A_226 = tpu.memref_slice %arg4[%mul3A_217, %dma_start3A_225] : memref<81920x64xf32, #tpu.memory_space<hbm>> -> memref<512x64xf32, #tpu.memory_space<hbm>>
      %dma_start3A_227 = arith.constant 0 : i32
      %dma_start3A_228 = arith.constant 0 : i32
      %dma_start3A_229 = tpu.memref_slice %arg6[%dma_start3A_218, %dma_start3A_227, %dma_start3A_228] : memref<2x512x64xf32, #tpu.memory_space<vmem>> -> memref<1x512x64xf32, #tpu.memory_space<vmem>>
      %dma_start3A_230 = tpu.memref_squeeze %dma_start3A_229 : memref<1x512x64xf32, #tpu.memory_space<vmem>> -> memref<512x64xf32, #tpu.memory_space<vmem>>
      tpu.enqueue_dma source(%dma_start3A_230 : memref<512x64xf32, #tpu.memory_space<vmem>>) target(%dma_start3A_226 : memref<512x64xf32, #tpu.memory_space<hbm>>) target_semaphore(%arg10 : memref<!tpu.dma_semaphore, #tpu.memory_space<semaphore_mem>>)
      %dma_wait3A_231 = arith.constant 1 : i32
      %dma_wait3A_232 = arith.constant 0 : i32
      %dma_wait3A_233 = arith.constant 0 : i32
      %dma_wait3A_234 = tpu.memref_slice %arg6[%dma_wait3A_231, %dma_wait3A_232, %dma_wait3A_233] : memref<2x512x64xf32, #tpu.memory_space<vmem>> -> memref<1x512x64xf32, #tpu.memory_space<vmem>>
      %dma_wait3A_235 = tpu.memref_squeeze %dma_wait3A_234 : memref<1x512x64xf32, #tpu.memory_space<vmem>> -> memref<512x64xf32, #tpu.memory_space<vmem>>
      %dma_wait3A_236 = arith.constant 0 : i32
      %dma_wait3A_237 = arith.constant 0 : i32
      %dma_wait3A_238 = tpu.memref_slice %dma_wait3A_235[%dma_wait3A_236, %dma_wait3A_237] : memref<512x64xf32, #tpu.memory_space<vmem>> -> memref<128x64xf32, #tpu.memory_space<vmem>>
      %dma_wait3A_239 = arith.constant 0 : i32
      %dma_wait3A_240 = tpu.memref_slice %arg5[%add3A_89, %dma_wait3A_239] : memref<20x128xi32, #tpu.memory_space<vmem>> -> memref<1x128xi32, #tpu.memory_space<vmem>>
      %dma_wait3A_241 = tpu.memref_squeeze %dma_wait3A_240 : memref<1x128xi32, #tpu.memory_space<vmem>> -> memref<128xi32, #tpu.memory_space<vmem>>
      %dma_wait3A_242 = arith.constant 0 : i32
      %dma_wait3A_243 = arith.constant 0 : i32
      %dma_wait3A_244 = tpu.memref_slice %arg7[%dma_wait3A_242, %dma_wait3A_243] : memref<10240x64xf32, #tpu.memory_space<vmem_shared>> -> memref<10240x64xf32, #tpu.memory_space<vmem_shared>>
      tpu.wait_indirect_dma semaphore(%arg9 : memref<!tpu.dma_semaphore, #tpu.memory_space<semaphore_mem>>) src(%dma_wait3A_244 : memref<10240x64xf32, #tpu.memory_space<vmem_shared>>) dst(%dma_wait3A_238 : memref<128x64xf32, #tpu.memory_space<vmem>>)
      %dma_wait3A_245 = arith.constant 1 : i32
      %dma_wait3A_246 = arith.constant 0 : i32
      %dma_wait3A_247 = arith.constant 0 : i32
      %dma_wait3A_248 = tpu.memref_slice %arg6[%dma_wait3A_245, %dma_wait3A_246, %dma_wait3A_247] : memref<2x512x64xf32, #tpu.memory_space<vmem>> -> memref<1x512x64xf32, #tpu.memory_space<vmem>>
      %dma_wait3A_249 = tpu.memref_squeeze %dma_wait3A_248 : memref<1x512x64xf32, #tpu.memory_space<vmem>> -> memref<512x64xf32, #tpu.memory_space<vmem>>
      %dma_wait3A_250 = arith.constant 128 : i32
      %dma_wait3A_251 = arith.constant 0 : i32
      %dma_wait3A_252 = tpu.memref_slice %dma_wait3A_249[%dma_wait3A_250, %dma_wait3A_251] : memref<512x64xf32, #tpu.memory_space<vmem>> -> memref<128x64xf32, #tpu.memory_space<vmem>>
      %dma_wait3A_253 = arith.constant 0 : i32
      %dma_wait3A_254 = tpu.memref_slice %arg5[%add3A_107, %dma_wait3A_253] : memref<20x128xi32, #tpu.memory_space<vmem>> -> memref<1x128xi32, #tpu.memory_space<vmem>>
      %dma_wait3A_255 = tpu.memref_squeeze %dma_wait3A_254 : memref<1x128xi32, #tpu.memory_space<vmem>> -> memref<128xi32, #tpu.memory_space<vmem>>
      %dma_wait3A_256 = arith.constant 0 : i32
      %dma_wait3A_257 = arith.constant 0 : i32
      %dma_wait3A_258 = tpu.memref_slice %arg7[%dma_wait3A_256, %dma_wait3A_257] : memref<10240x64xf32, #tpu.memory_space<vmem_shared>> -> memref<10240x64xf32, #tpu.memory_space<vmem_shared>>
      tpu.wait_indirect_dma semaphore(%arg9 : memref<!tpu.dma_semaphore, #tpu.memory_space<semaphore_mem>>) src(%dma_wait3A_258 : memref<10240x64xf32, #tpu.memory_space<vmem_shared>>) dst(%dma_wait3A_252 : memref<128x64xf32, #tpu.memory_space<vmem>>)
      %dma_wait3A_259 = arith.constant 1 : i32
      %dma_wait3A_260 = arith.constant 0 : i32
      %dma_wait3A_261 = arith.constant 0 : i32
      %dma_wait3A_262 = tpu.memref_slice %arg6[%dma_wait3A_259, %dma_wait3A_260, %dma_wait3A_261] : memref<2x512x64xf32, #tpu.memory_space<vmem>> -> memref<1x512x64xf32, #tpu.memory_space<vmem>>
      %dma_wait3A_263 = tpu.memref_squeeze %dma_wait3A_262 : memref<1x512x64xf32, #tpu.memory_space<vmem>> -> memref<512x64xf32, #tpu.memory_space<vmem>>
      %dma_wait3A_264 = arith.constant 256 : i32
      %dma_wait3A_265 = arith.constant 0 : i32
      %dma_wait3A_266 = tpu.memref_slice %dma_wait3A_263[%dma_wait3A_264, %dma_wait3A_265] : memref<512x64xf32, #tpu.memory_space<vmem>> -> memref<128x64xf32, #tpu.memory_space<vmem>>
      %dma_wait3A_267 = arith.constant 0 : i32
      %dma_wait3A_268 = tpu.memref_slice %arg5[%add3A_125, %dma_wait3A_267] : memref<20x128xi32, #tpu.memory_space<vmem>> -> memref<1x128xi32, #tpu.memory_space<vmem>>
      %dma_wait3A_269 = tpu.memref_squeeze %dma_wait3A_268 : memref<1x128xi32, #tpu.memory_space<vmem>> -> memref<128xi32, #tpu.memory_space<vmem>>
      %dma_wait3A_270 = arith.constant 0 : i32
      %dma_wait3A_271 = arith.constant 0 : i32
      %dma_wait3A_272 = tpu.memref_slice %arg7[%dma_wait3A_270, %dma_wait3A_271] : memref<10240x64xf32, #tpu.memory_space<vmem_shared>> -> memref<10240x64xf32, #tpu.memory_space<vmem_shared>>
      tpu.wait_indirect_dma semaphore(%arg9 : memref<!tpu.dma_semaphore, #tpu.memory_space<semaphore_mem>>) src(%dma_wait3A_272 : memref<10240x64xf32, #tpu.memory_space<vmem_shared>>) dst(%dma_wait3A_266 : memref<128x64xf32, #tpu.memory_space<vmem>>)
      %dma_wait3A_273 = arith.constant 1 : i32
      %dma_wait3A_274 = arith.constant 0 : i32
      %dma_wait3A_275 = arith.constant 0 : i32
      %dma_wait3A_276 = tpu.memref_slice %arg6[%dma_wait3A_273, %dma_wait3A_274, %dma_wait3A_275] : memref<2x512x64xf32, #tpu.memory_space<vmem>> -> memref<1x512x64xf32, #tpu.memory_space<vmem>>
      %dma_wait3A_277 = tpu.memref_squeeze %dma_wait3A_276 : memref<1x512x64xf32, #tpu.memory_space<vmem>> -> memref<512x64xf32, #tpu.memory_space<vmem>>
      %dma_wait3A_278 = arith.constant 384 : i32
      %dma_wait3A_279 = arith.constant 0 : i32
      %dma_wait3A_280 = tpu.memref_slice %dma_wait3A_277[%dma_wait3A_278, %dma_wait3A_279] : memref<512x64xf32, #tpu.memory_space<vmem>> -> memref<128x64xf32, #tpu.memory_space<vmem>>
      %dma_wait3A_281 = arith.constant 0 : i32
      %dma_wait3A_282 = tpu.memref_slice %arg5[%add3A_143, %dma_wait3A_281] : memref<20x128xi32, #tpu.memory_space<vmem>> -> memref<1x128xi32, #tpu.memory_space<vmem>>
      %dma_wait3A_283 = tpu.memref_squeeze %dma_wait3A_282 : memref<1x128xi32, #tpu.memory_space<vmem>> -> memref<128xi32, #tpu.memory_space<vmem>>
      %dma_wait3A_284 = arith.constant 0 : i32
      %dma_wait3A_285 = arith.constant 0 : i32
      %dma_wait3A_286 = tpu.memref_slice %arg7[%dma_wait3A_284, %dma_wait3A_285] : memref<10240x64xf32, #tpu.memory_space<vmem_shared>> -> memref<10240x64xf32, #tpu.memory_space<vmem_shared>>
      tpu.wait_indirect_dma semaphore(%arg9 : memref<!tpu.dma_semaphore, #tpu.memory_space<semaphore_mem>>) src(%dma_wait3A_286 : memref<10240x64xf32, #tpu.memory_space<vmem_shared>>) dst(%dma_wait3A_280 : memref<128x64xf32, #tpu.memory_space<vmem>>)
      %add3A_287 = arith.addi %mul3A_2, %mul3A_14 : i32
      %add3A_288 = arith.constant 4 : i32
      %add3A_289 = arith.addi %add3A_287, %add3A_288 : i32
      %mul3A_290 = arith.constant 128 : i32
      %mul3A_291 = arith.muli %add3A_289, %mul3A_290 : i32
      %dma_start3A_292 = arith.constant 1 : i32
      %dma_start3A_293 = arith.constant 0 : i32
      %dma_start3A_294 = arith.constant 0 : i32
      %dma_start3A_295 = tpu.memref_slice %arg6[%dma_start3A_292, %dma_start3A_293, %dma_start3A_294] : memref<2x512x64xf32, #tpu.memory_space<vmem>> -> memref<1x512x64xf32, #tpu.memory_space<vmem>>
      %dma_start3A_296 = tpu.memref_squeeze %dma_start3A_295 : memref<1x512x64xf32, #tpu.memory_space<vmem>> -> memref<512x64xf32, #tpu.memory_space<vmem>>
      %dma_start3A_297 = arith.constant 0 : i32
      %dma_start3A_298 = tpu.memref_slice %arg4[%mul3A_291, %dma_start3A_297] : memref<81920x64xf32, #tpu.memory_space<hbm>> -> memref<512x64xf32, #tpu.memory_space<hbm>>
      %dma_start3A_299 = arith.constant 0 : i32
      %dma_start3A_300 = tpu.memref_slice %arg4[%mul3A_291, %dma_start3A_299] : memref<81920x64xf32, #tpu.memory_space<hbm>> -> memref<512x64xf32, #tpu.memory_space<hbm>>
      %dma_start3A_301 = arith.constant 0 : i32
      %dma_start3A_302 = arith.constant 0 : i32
      %dma_start3A_303 = tpu.memref_slice %arg6[%dma_start3A_292, %dma_start3A_301, %dma_start3A_302] : memref<2x512x64xf32, #tpu.memory_space<vmem>> -> memref<1x512x64xf32, #tpu.memory_space<vmem>>
      %dma_start3A_304 = tpu.memref_squeeze %dma_start3A_303 : memref<1x512x64xf32, #tpu.memory_space<vmem>> -> memref<512x64xf32, #tpu.memory_space<vmem>>
      tpu.enqueue_dma source(%dma_start3A_304 : memref<512x64xf32, #tpu.memory_space<vmem>>) target(%dma_start3A_300 : memref<512x64xf32, #tpu.memory_space<hbm>>) target_semaphore(%arg11 : memref<!tpu.dma_semaphore, #tpu.memory_space<semaphore_mem>>)
      %dma_wait3A_305 = arith.constant 0 : i32
      %dma_wait3A_306 = arith.constant 0 : i32
      %dma_wait3A_307 = arith.constant 0 : i32
      %dma_wait3A_308 = tpu.memref_slice %arg6[%dma_wait3A_305, %dma_wait3A_306, %dma_wait3A_307] : memref<2x512x64xf32, #tpu.memory_space<vmem>> -> memref<1x512x64xf32, #tpu.memory_space<vmem>>
      %dma_wait3A_309 = tpu.memref_squeeze %dma_wait3A_308 : memref<1x512x64xf32, #tpu.memory_space<vmem>> -> memref<512x64xf32, #tpu.memory_space<vmem>>
      %dma_wait3A_310 = arith.constant 0 : i32
      %dma_wait3A_311 = tpu.memref_slice %arg4[%mul3A_217, %dma_wait3A_310] : memref<81920x64xf32, #tpu.memory_space<hbm>> -> memref<512x64xf32, #tpu.memory_space<hbm>>
      %dma_wait3A_312 = arith.constant 0 : i32
      %dma_wait3A_313 = tpu.memref_slice %arg4[%mul3A_217, %dma_wait3A_312] : memref<81920x64xf32, #tpu.memory_space<hbm>> -> memref<512x64xf32, #tpu.memory_space<hbm>>
      %dma_wait3A_314 = arith.constant 0 : i32
      %dma_wait3A_315 = arith.constant 0 : i32
      %dma_wait3A_316 = tpu.memref_slice %arg6[%dma_wait3A_305, %dma_wait3A_314, %dma_wait3A_315] : memref<2x512x64xf32, #tpu.memory_space<vmem>> -> memref<1x512x64xf32, #tpu.memory_space<vmem>>
      %dma_wait3A_317 = tpu.memref_squeeze %dma_wait3A_316 : memref<1x512x64xf32, #tpu.memory_space<vmem>> -> memref<512x64xf32, #tpu.memory_space<vmem>>
      tpu.wait_dma2 semaphore(%arg10 : memref<!tpu.dma_semaphore, #tpu.memory_space<semaphore_mem>>) src(%dma_wait3A_317 : memref<512x64xf32, #tpu.memory_space<vmem>>) dst(%dma_wait3A_313 : memref<512x64xf32, #tpu.memory_space<hbm>>)
      %dma_wait3A_318 = arith.constant 1 : i32
      %dma_wait3A_319 = arith.constant 0 : i32
      %dma_wait3A_320 = arith.constant 0 : i32
      %dma_wait3A_321 = tpu.memref_slice %arg6[%dma_wait3A_318, %dma_wait3A_319, %dma_wait3A_320] : memref<2x512x64xf32, #tpu.memory_space<vmem>> -> memref<1x512x64xf32, #tpu.memory_space<vmem>>
      %dma_wait3A_322 = tpu.memref_squeeze %dma_wait3A_321 : memref<1x512x64xf32, #tpu.memory_space<vmem>> -> memref<512x64xf32, #tpu.memory_space<vmem>>
      %dma_wait3A_323 = arith.constant 0 : i32
      %dma_wait3A_324 = tpu.memref_slice %arg4[%mul3A_291, %dma_wait3A_323] : memref<81920x64xf32, #tpu.memory_space<hbm>> -> memref<512x64xf32, #tpu.memory_space<hbm>>
      %dma_wait3A_325 = arith.constant 0 : i32
      %dma_wait3A_326 = tpu.memref_slice %arg4[%mul3A_291, %dma_wait3A_325] : memref<81920x64xf32, #tpu.memory_space<hbm>> -> memref<512x64xf32, #tpu.memory_space<hbm>>
      %dma_wait3A_327 = arith.constant 0 : i32
      %dma_wait3A_328 = arith.constant 0 : i32
      %dma_wait3A_329 = tpu.memref_slice %arg6[%dma_wait3A_318, %dma_wait3A_327, %dma_wait3A_328] : memref<2x512x64xf32, #tpu.memory_space<vmem>> -> memref<1x512x64xf32, #tpu.memory_space<vmem>>
      %dma_wait3A_330 = tpu.memref_squeeze %dma_wait3A_329 : memref<1x512x64xf32, #tpu.memory_space<vmem>> -> memref<512x64xf32, #tpu.memory_space<vmem>>
      tpu.wait_dma2 semaphore(%arg11 : memref<!tpu.dma_semaphore, #tpu.memory_space<semaphore_mem>>) src(%dma_wait3A_330 : memref<512x64xf32, #tpu.memory_space<vmem>>) dst(%dma_wait3A_326 : memref<512x64xf32, #tpu.memory_space<hbm>>)
    }
    %scan3A_11 = arith.constant 2 : i32
    return
  }
}

module attributes {stable_mosaic.version = 14 : i64} {
  func.func @body(%arg0: i32, %arg1: memref<128x1024xf32, #tpu.memory_space<vmem>>, %arg2: memref<3x1024xf32, #tpu.memory_space<vmem>>, %arg3: memref<64x128xf32, #tpu.memory_space<vmem>>, %arg4: memref<64x64xf32, #tpu.memory_space<vmem>>, %arg5: memref<64x3xf32, #tpu.memory_space<vmem>>, %arg6: memref<64x8xf32, #tpu.memory_space<vmem>>, %arg7: memref<1024x512xf32, #tpu.memory_space<vmem>>, %arg8: memref<1024x512xf32, #tpu.memory_space<vmem>>, %arg9: memref<512x128xf32, #tpu.memory_space<vmem>>) attributes {dimension_semantics = [#tpu.dimension_semantics<arbitrary>], iteration_bounds = array<i64: 10>, scalar_prefetch = 0 : i64, scratch_operands = 0 : i64, tpu.core_type = #tpu.core_type<tc>, window_params = [{transform_indices = @transform_0, window_bounds = array<i64: 128, 1024>}, {transform_indices = @transform_1, window_bounds = array<i64: 3, 1024>}, {pipeline_mode = #tpu.pipeline_mode<synchronous>, transform_indices = @transform_2, window_bounds = array<i64: 64, 128>}, {pipeline_mode = #tpu.pipeline_mode<synchronous>, transform_indices = @transform_3, window_bounds = array<i64: 64, 64>}, {pipeline_mode = #tpu.pipeline_mode<synchronous>, transform_indices = @transform_4, window_bounds = array<i64: 64, 3>}, {pipeline_mode = #tpu.pipeline_mode<synchronous>, transform_indices = @transform_5, window_bounds = array<i64: 64, 8>}, {pipeline_mode = #tpu.pipeline_mode<synchronous>, transform_indices = @transform_6, window_bounds = array<i64: 1024, 512>}, {pipeline_mode = #tpu.pipeline_mode<synchronous>, transform_indices = @transform_7, window_bounds = array<i64: 1024, 512>}, {transform_indices = @transform_8, window_bounds = array<i64: 512, 128>}]} {
    %get3A = arith.constant 0 : index
    %get3A_0 = arith.constant 0 : index
    %get3A_1 = vector.load %arg6[%get3A, %get3A_0] : memref<64x8xf32, #tpu.memory_space<vmem>>, vector<64x1xf32>
    %get3A_2 = arith.constant 0 : index
    %get3A_3 = arith.constant 0 : index
    %get3A_4 = vector.load %arg3[%get3A_2, %get3A_3] : memref<64x128xf32, #tpu.memory_space<vmem>>, vector<64x128xf32>
    %get3A_5 = arith.constant 0 : index
    %get3A_6 = arith.constant 0 : index
    %get3A_7 = vector.load %arg1[%get3A_5, %get3A_6] : memref<128x1024xf32, #tpu.memory_space<vmem>>, vector<128x1024xf32>
    %dot_general3A = arith.constant dense<0.000000e+00> : vector<64x1024xf32>
    %dot_general3A_8 = tpu.matmul %get3A_4, %get3A_7, %dot_general3A {dimension_numbers = #tpu.dot_dimension_numbers<[1], [0], [0], [1], [0, 0, 1, 1], [], []>, transpose_lhs_hint = false} : vector<64x128xf32>, vector<128x1024xf32>, vector<64x1024xf32> -> vector<64x1024xf32>
    %add3A = vector.broadcast %get3A_1 : vector<64x1xf32> to vector<64x1024xf32>
    %add3A_9 = arith.addf %add3A, %dot_general3A_8 : vector<64x1024xf32>
    %max3A = arith.constant 0.000000e+00 : f32
    %max3A_10 = vector.broadcast %max3A : f32 to vector<64x1024xf32>
    %max3A_11 = arith.maximumf %add3A_9, %max3A_10 : vector<64x1024xf32>
    %get3A_12 = arith.constant 0 : index
    %get3A_13 = arith.constant 0 : index
    %get3A_14 = vector.load %arg4[%get3A_12, %get3A_13] : memref<64x64xf32, #tpu.memory_space<vmem>>, vector<64x64xf32>
    %dot_general3A_15 = arith.constant dense<0.000000e+00> : vector<64x1024xf32>
    %dot_general3A_16 = tpu.matmul %get3A_14, %max3A_11, %dot_general3A_15 {dimension_numbers = #tpu.dot_dimension_numbers<[1], [0], [0], [1], [0, 0, 1, 1], [], []>, transpose_lhs_hint = false} : vector<64x64xf32>, vector<64x1024xf32>, vector<64x1024xf32> -> vector<64x1024xf32>
    %get3A_17 = arith.constant 0 : index
    %get3A_18 = arith.constant 1 : index
    %get3A_19 = vector.load %arg6[%get3A_17, %get3A_18] : memref<64x8xf32, #tpu.memory_space<vmem>>, vector<64x1xf32>
    %add3A_20 = vector.broadcast %get3A_19 : vector<64x1xf32> to vector<64x1024xf32>
    %add3A_21 = arith.addf %dot_general3A_16, %add3A_20 : vector<64x1024xf32>
    %max3A_22 = arith.constant 0.000000e+00 : f32
    %max3A_23 = vector.broadcast %max3A_22 : f32 to vector<64x1024xf32>
    %max3A_24 = arith.maximumf %add3A_21, %max3A_23 : vector<64x1024xf32>
    %get3A_25 = arith.constant 0 : index
    %get3A_26 = arith.constant 0 : index
    %get3A_27 = vector.load %arg5[%get3A_25, %get3A_26] : memref<64x3xf32, #tpu.memory_space<vmem>>, vector<64x3xf32>
    %get3A_28 = arith.constant 0 : index
    %get3A_29 = arith.constant 0 : index
    %get3A_30 = vector.load %arg2[%get3A_28, %get3A_29] : memref<3x1024xf32, #tpu.memory_space<vmem>>, vector<3x1024xf32>
    %dot_general3A_31 = arith.constant dense<0.000000e+00> : vector<64x1024xf32>
    %dot_general3A_32 = tpu.matmul %get3A_27, %get3A_30, %dot_general3A_31 {dimension_numbers = #tpu.dot_dimension_numbers<[1], [0], [0], [1], [0, 0, 1, 1], [], []>, transpose_lhs_hint = false} : vector<64x3xf32>, vector<3x1024xf32>, vector<64x1024xf32> -> vector<64x1024xf32>
    %get3A_33 = arith.constant 0 : index
    %get3A_34 = arith.constant 0 : index
    %get3A_35 = vector.load %arg7[%get3A_33, %get3A_34] : memref<1024x512xf32, #tpu.memory_space<vmem>>, vector<1024x512xf32>
    %get3A_36 = arith.constant 0 : index
    %get3A_37 = arith.constant 0 : index
    %get3A_38 = vector.load %arg8[%get3A_36, %get3A_37] : memref<1024x512xf32, #tpu.memory_space<vmem>>, vector<1024x512xf32>
    %dot_general3A_39 = arith.constant dense<0.000000e+00> : vector<64x512xf32>
    %dot_general3A_40 = tpu.matmul %max3A_24, %get3A_35, %dot_general3A_39 {dimension_numbers = #tpu.dot_dimension_numbers<[1], [0], [0], [1], [0, 0, 1, 1], [], []>, transpose_lhs_hint = false} : vector<64x1024xf32>, vector<1024x512xf32>, vector<64x512xf32> -> vector<64x512xf32>
    %transpose3A = tpu.transpose %dot_general3A_40, [1, 0] : vector<64x512xf32> -> vector<512x64xf32>
    %dot_general3A_41 = arith.constant dense<0.000000e+00> : vector<64x512xf32>
    %dot_general3A_42 = tpu.matmul %max3A_24, %get3A_38, %dot_general3A_41 {dimension_numbers = #tpu.dot_dimension_numbers<[1], [0], [0], [1], [0, 0, 1, 1], [], []>, transpose_lhs_hint = false} : vector<64x1024xf32>, vector<1024x512xf32>, vector<64x512xf32> -> vector<64x512xf32>
    %transpose3A_43 = tpu.transpose %dot_general3A_42, [1, 0] : vector<64x512xf32> -> vector<512x64xf32>
    %dot_general3A_44 = arith.constant dense<0.000000e+00> : vector<64x512xf32>
    %dot_general3A_45 = tpu.matmul %dot_general3A_32, %get3A_35, %dot_general3A_44 {dimension_numbers = #tpu.dot_dimension_numbers<[1], [0], [0], [1], [0, 0, 1, 1], [], []>, transpose_lhs_hint = false} : vector<64x1024xf32>, vector<1024x512xf32>, vector<64x512xf32> -> vector<64x512xf32>
    %transpose3A_46 = tpu.transpose %dot_general3A_45, [1, 0] : vector<64x512xf32> -> vector<512x64xf32>
    %dot_general3A_47 = arith.constant dense<0.000000e+00> : vector<64x512xf32>
    %dot_general3A_48 = tpu.matmul %dot_general3A_32, %get3A_38, %dot_general3A_47 {dimension_numbers = #tpu.dot_dimension_numbers<[1], [0], [0], [1], [0, 0, 1, 1], [], []>, transpose_lhs_hint = false} : vector<64x1024xf32>, vector<1024x512xf32>, vector<64x512xf32> -> vector<64x512xf32>
    %transpose3A_49 = tpu.transpose %dot_general3A_48, [1, 0] : vector<64x512xf32> -> vector<512x64xf32>
    %convert_element_type3A = arith.truncf %transpose3A : vector<512x64xf32> to vector<512x64xbf16>
    %bitcast_convert_type3A = tpu.bitcast %convert_element_type3A : vector<512x64xbf16> -> vector<512x64xi16>
    %convert_element_type3A_50 = arith.extui %bitcast_convert_type3A : vector<512x64xi16> to vector<512x64xi32>
    %convert_element_type3A_51 = arith.truncf %transpose3A_46 : vector<512x64xf32> to vector<512x64xbf16>
    %bitcast_convert_type3A_52 = tpu.bitcast %convert_element_type3A_51 : vector<512x64xbf16> -> vector<512x64xi16>
    %convert_element_type3A_53 = arith.extui %bitcast_convert_type3A_52 : vector<512x64xi16> to vector<512x64xi32>
    %shift_left3A = arith.constant 16 : i32
    %shift_left3A_54 = vector.broadcast %shift_left3A : i32 to vector<512x64xi32>
    %shift_left3A_55 = arith.shli %convert_element_type3A_53, %shift_left3A_54 : vector<512x64xi32>
    %or3A = arith.ori %convert_element_type3A_50, %shift_left3A_55 : vector<512x64xi32>
    %bitcast_convert_type3A_56 = tpu.bitcast %or3A : vector<512x64xi32> -> vector<512x64xf32>
    %convert_element_type3A_57 = arith.truncf %transpose3A_43 : vector<512x64xf32> to vector<512x64xbf16>
    %bitcast_convert_type3A_58 = tpu.bitcast %convert_element_type3A_57 : vector<512x64xbf16> -> vector<512x64xi16>
    %convert_element_type3A_59 = arith.extui %bitcast_convert_type3A_58 : vector<512x64xi16> to vector<512x64xi32>
    %convert_element_type3A_60 = arith.truncf %transpose3A_49 : vector<512x64xf32> to vector<512x64xbf16>
    %bitcast_convert_type3A_61 = tpu.bitcast %convert_element_type3A_60 : vector<512x64xbf16> -> vector<512x64xi16>
    %convert_element_type3A_62 = arith.extui %bitcast_convert_type3A_61 : vector<512x64xi16> to vector<512x64xi32>
    %shift_left3A_63 = arith.constant 16 : i32
    %shift_left3A_64 = vector.broadcast %shift_left3A_63 : i32 to vector<512x64xi32>
    %shift_left3A_65 = arith.shli %convert_element_type3A_62, %shift_left3A_64 : vector<512x64xi32>
    %or3A_66 = arith.ori %convert_element_type3A_59, %shift_left3A_65 : vector<512x64xi32>
    %bitcast_convert_type3A_67 = tpu.bitcast %or3A_66 : vector<512x64xi32> -> vector<512x64xf32>
    %concatenate3A = tpu.concatenate %bitcast_convert_type3A_56, %bitcast_convert_type3A_67 in 1 : vector<512x64xf32>, vector<512x64xf32> -> vector<512x128xf32>
    %swap3A = arith.constant 0 : index
    %swap3A_68 = arith.constant 0 : index
    %swap3A_69 = vector.load %arg9[%swap3A, %swap3A_68] : memref<512x128xf32, #tpu.memory_space<vmem>>, vector<512x128xf32>
    tpu.vector_store %arg9[%swap3A, %swap3A_68], %concatenate3A {strides = array<i32>} : memref<512x128xf32, #tpu.memory_space<vmem>>, vector<512x128xf32>,
    return
  }
  func.func @transform_0(%arg0: i32) -> (i32, i32) {
    %c0_i32 = arith.constant 0 : i32
    %c0_i32_0 = arith.constant 0 : i32
    return %c0_i32, %arg0 : i32, i32
  }
  func.func @transform_1(%arg0: i32) -> (i32, i32) {
    %c0_i32 = arith.constant 0 : i32
    %c0_i32_0 = arith.constant 0 : i32
    return %c0_i32, %arg0 : i32, i32
  }
  func.func @transform_2(%arg0: i32) -> (i32, i32) {
    %c0_i32 = arith.constant 0 : i32
    %c0_i32_0 = arith.constant 0 : i32
    %c0_i32_1 = arith.constant 0 : i32
    return %c0_i32, %c0_i32_0 : i32, i32
  }
  func.func @transform_3(%arg0: i32) -> (i32, i32) {
    %c0_i32 = arith.constant 0 : i32
    %c0_i32_0 = arith.constant 0 : i32
    %c0_i32_1 = arith.constant 0 : i32
    return %c0_i32, %c0_i32_0 : i32, i32
  }
  func.func @transform_4(%arg0: i32) -> (i32, i32) {
    %c0_i32 = arith.constant 0 : i32
    %c0_i32_0 = arith.constant 0 : i32
    %c0_i32_1 = arith.constant 0 : i32
    return %c0_i32, %c0_i32_0 : i32, i32
  }
  func.func @transform_5(%arg0: i32) -> (i32, i32) {
    %c0_i32 = arith.constant 0 : i32
    %c0_i32_0 = arith.constant 0 : i32
    %c0_i32_1 = arith.constant 0 : i32
    return %c0_i32, %c0_i32_0 : i32, i32
  }
  func.func @transform_6(%arg0: i32) -> (i32, i32) {
    %c0_i32 = arith.constant 0 : i32
    %c0_i32_0 = arith.constant 0 : i32
    %c0_i32_1 = arith.constant 0 : i32
    return %c0_i32, %c0_i32_0 : i32, i32
  }
  func.func @transform_7(%arg0: i32) -> (i32, i32) {
    %c0_i32 = arith.constant 0 : i32
    %c0_i32_0 = arith.constant 0 : i32
    %c0_i32_1 = arith.constant 0 : i32
    return %c0_i32, %c0_i32_0 : i32, i32
  }
  func.func @transform_8(%arg0: i32) -> (i32, i32) {
    %c0_i32 = arith.constant 0 : i32
    %c0_i32_0 = arith.constant 0 : i32
    return %arg0, %c0_i32 : i32, i32
  }
}

module attributes {stable_mosaic.version = 14 : i64} {
  func.func @body(%arg0: i32, %arg1: memref<8x256x128xf32, #tpu.memory_space<vmem>>, %arg2: memref<256x128xf32, #tpu.memory_space<vmem>>, %arg3: memref<128x128xf32, #tpu.memory_space<vmem>>, %arg4: memref<8x128xf32, #tpu.memory_space<vmem>>, %arg5: memref<256x128xf32, #tpu.memory_space<vmem>>) attributes {dimension_semantics = [#tpu.dimension_semantics<arbitrary>], iteration_bounds = array<i64: 20>, scalar_prefetch = 0 : i64, scratch_operands = 0 : i64, tpu.core_type = #tpu.core_type<tc>, window_params = [{transform_indices = @transform_0, window_bounds = array<i64: 8, 256, 128>}, {transform_indices = @transform_1, window_bounds = array<i64: 256, 128>}, {pipeline_mode = #tpu.pipeline_mode<synchronous>, transform_indices = @transform_2, window_bounds = array<i64: 128, 128>}, {pipeline_mode = #tpu.pipeline_mode<synchronous>, transform_indices = @transform_3, window_bounds = array<i64: 8, 128>}, {transform_indices = @transform_4, window_bounds = array<i64: 256, 128>}]} {
    %broadcast_in_dim3A = arith.constant 0.000000e+00 : f32
    %broadcast_in_dim3A_0 = vector.broadcast %broadcast_in_dim3A : f32 to vector<256x128xf32>
    %get3A = arith.constant 0 : index
    %get3A_1 = arith.constant 0 : index
    %get3A_2 = vector.load %arg2[%get3A, %get3A_1] : memref<256x128xf32, #tpu.memory_space<vmem>>, vector<256x128xf32>
    %bitcast_convert_type3A = tpu.bitcast %get3A_2 : vector<256x128xf32> -> vector<256x128xi32>
    %and3A = arith.constant -65536 : i32
    %and3A_3 = vector.broadcast %and3A : i32 to vector<256x128xi32>
    %and3A_4 = arith.andi %bitcast_convert_type3A, %and3A_3 : vector<256x128xi32>
    %bitcast_convert_type3A_5 = tpu.bitcast %and3A_4 : vector<256x128xi32> -> vector<256x128xf32>
    %get3A_6 = arith.constant 0 : index
    %get3A_7 = arith.constant 0 : index
    %get3A_8 = vector.load %arg4[%get3A_6, %get3A_7] : memref<8x128xf32, #tpu.memory_space<vmem>>, vector<1x128xf32>
    %sub3A = vector.broadcast %get3A_8 : vector<1x128xf32> to vector<256x128xf32>
    %sub3A_9 = arith.subf %bitcast_convert_type3A_5, %sub3A : vector<256x128xf32>
    %get3A_10 = arith.constant 1 : index
    %get3A_11 = arith.constant 0 : index
    %get3A_12 = vector.load %arg4[%get3A_10, %get3A_11] : memref<8x128xf32, #tpu.memory_space<vmem>>, vector<1x128xf32>
    %get3A_13 = arith.constant 0 : index
    %get3A_14 = arith.constant 0 : index
    %get3A_15 = vector.load %arg3[%get3A_13, %get3A_14] : memref<128x128xf32, #tpu.memory_space<vmem>>, vector<128x128xf32>
    %get3A_16 = arith.constant 0 : index
    %get3A_17 = arith.constant 0 : index
    %get3A_18 = arith.constant 0 : index
    %get3A_19 = vector.load %arg1[%get3A_16, %get3A_17, %get3A_18] : memref<8x256x128xf32, #tpu.memory_space<vmem>>, vector<1x256x128xf32>
    %get3A_20 = vector.shape_cast %get3A_19 : vector<1x256x128xf32> to vector<256x128xf32>
    %bitcast_convert_type3A_21 = tpu.bitcast %get3A_20 : vector<256x128xf32> -> vector<256x128xi32>
    %shift_left3A = arith.constant 16 : i32
    %shift_left3A_22 = vector.broadcast %shift_left3A : i32 to vector<256x128xi32>
    %shift_left3A_23 = arith.shli %bitcast_convert_type3A_21, %shift_left3A_22 : vector<256x128xi32>
    %bitcast_convert_type3A_24 = tpu.bitcast %shift_left3A_23 : vector<256x128xi32> -> vector<256x128xf32>
    %bitcast_convert_type3A_25 = tpu.bitcast %get3A_20 : vector<256x128xf32> -> vector<256x128xi32>
    %and3A_26 = arith.constant -65536 : i32
    %and3A_27 = vector.broadcast %and3A_26 : i32 to vector<256x128xi32>
    %and3A_28 = arith.andi %bitcast_convert_type3A_25, %and3A_27 : vector<256x128xi32>
    %bitcast_convert_type3A_29 = tpu.bitcast %and3A_28 : vector<256x128xi32> -> vector<256x128xf32>
    %sub3A_30 = arith.subf %bitcast_convert_type3A_29, %sub3A_9 : vector<256x128xf32>
    %max3A = arith.constant 0.000000e+00 : f32
    %max3A_31 = vector.broadcast %max3A : f32 to vector<256x128xf32>
    %max3A_32 = arith.maximumf %sub3A_30, %max3A_31 : vector<256x128xf32>
    %mul3A = arith.mulf %max3A_32, %bitcast_convert_type3A_24 : vector<256x128xf32>
    %dot_general3A = arith.constant dense<0.000000e+00> : vector<256x128xf32>
    %dot_general3A_33 = tpu.matmul %mul3A, %get3A_15, %dot_general3A {dimension_numbers = #tpu.dot_dimension_numbers<[1], [0], [0], [1], [0, 0, 1, 1], [], []>, transpose_lhs_hint = false} : vector<256x128xf32>, vector<128x128xf32>, vector<256x128xf32> -> vector<256x128xf32>
    %add3A = vector.broadcast %get3A_12 : vector<1x128xf32> to vector<256x128xf32>
    %add3A_34 = arith.addf %dot_general3A_33, %add3A : vector<256x128xf32>
    %max3A_35 = arith.constant 0.000000e+00 : f32
    %max3A_36 = vector.broadcast %max3A_35 : f32 to vector<256x128xf32>
    %max3A_37 = arith.maximumf %add3A_34, %max3A_36 : vector<256x128xf32>
    %add3A_38 = arith.addf %broadcast_in_dim3A_0, %max3A_37 : vector<256x128xf32>
    %get3A_39 = arith.constant 1 : index
    %get3A_40 = arith.constant 0 : index
    %get3A_41 = arith.constant 0 : index
    %get3A_42 = vector.load %arg1[%get3A_39, %get3A_40, %get3A_41] : memref<8x256x128xf32, #tpu.memory_space<vmem>>, vector<1x256x128xf32>
    %get3A_43 = vector.shape_cast %get3A_42 : vector<1x256x128xf32> to vector<256x128xf32>
    %bitcast_convert_type3A_44 = tpu.bitcast %get3A_43 : vector<256x128xf32> -> vector<256x128xi32>
    %shift_left3A_45 = arith.constant 16 : i32
    %shift_left3A_46 = vector.broadcast %shift_left3A_45 : i32 to vector<256x128xi32>
    %shift_left3A_47 = arith.shli %bitcast_convert_type3A_44, %shift_left3A_46 : vector<256x128xi32>
    %bitcast_convert_type3A_48 = tpu.bitcast %shift_left3A_47 : vector<256x128xi32> -> vector<256x128xf32>
    %bitcast_convert_type3A_49 = tpu.bitcast %get3A_43 : vector<256x128xf32> -> vector<256x128xi32>
    %and3A_50 = arith.constant -65536 : i32
    %and3A_51 = vector.broadcast %and3A_50 : i32 to vector<256x128xi32>
    %and3A_52 = arith.andi %bitcast_convert_type3A_49, %and3A_51 : vector<256x128xi32>
    %bitcast_convert_type3A_53 = tpu.bitcast %and3A_52 : vector<256x128xi32> -> vector<256x128xf32>
    %sub3A_54 = arith.subf %bitcast_convert_type3A_53, %sub3A_9 : vector<256x128xf32>
    %max3A_55 = arith.constant 0.000000e+00 : f32
    %max3A_56 = vector.broadcast %max3A_55 : f32 to vector<256x128xf32>
    %max3A_57 = arith.maximumf %sub3A_54, %max3A_56 : vector<256x128xf32>
    %mul3A_58 = arith.mulf %max3A_57, %bitcast_convert_type3A_48 : vector<256x128xf32>
    %dot_general3A_59 = arith.constant dense<0.000000e+00> : vector<256x128xf32>
    %dot_general3A_60 = tpu.matmul %mul3A_58, %get3A_15, %dot_general3A_59 {dimension_numbers = #tpu.dot_dimension_numbers<[1], [0], [0], [1], [0, 0, 1, 1], [], []>, transpose_lhs_hint = false} : vector<256x128xf32>, vector<128x128xf32>, vector<256x128xf32> -> vector<256x128xf32>
    %add3A_61 = vector.broadcast %get3A_12 : vector<1x128xf32> to vector<256x128xf32>
    %add3A_62 = arith.addf %dot_general3A_60, %add3A_61 : vector<256x128xf32>
    %max3A_63 = arith.constant 0.000000e+00 : f32
    %max3A_64 = vector.broadcast %max3A_63 : f32 to vector<256x128xf32>
    %max3A_65 = arith.maximumf %add3A_62, %max3A_64 : vector<256x128xf32>
    %add3A_66 = arith.addf %add3A_38, %max3A_65 : vector<256x128xf32>
    %get3A_67 = arith.constant 2 : index
    %get3A_68 = arith.constant 0 : index
    %get3A_69 = arith.constant 0 : index
    %get3A_70 = vector.load %arg1[%get3A_67, %get3A_68, %get3A_69] : memref<8x256x128xf32, #tpu.memory_space<vmem>>, vector<1x256x128xf32>
    %get3A_71 = vector.shape_cast %get3A_70 : vector<1x256x128xf32> to vector<256x128xf32>
    %bitcast_convert_type3A_72 = tpu.bitcast %get3A_71 : vector<256x128xf32> -> vector<256x128xi32>
    %shift_left3A_73 = arith.constant 16 : i32
    %shift_left3A_74 = vector.broadcast %shift_left3A_73 : i32 to vector<256x128xi32>
    %shift_left3A_75 = arith.shli %bitcast_convert_type3A_72, %shift_left3A_74 : vector<256x128xi32>
    %bitcast_convert_type3A_76 = tpu.bitcast %shift_left3A_75 : vector<256x128xi32> -> vector<256x128xf32>
    %bitcast_convert_type3A_77 = tpu.bitcast %get3A_71 : vector<256x128xf32> -> vector<256x128xi32>
    %and3A_78 = arith.constant -65536 : i32
    %and3A_79 = vector.broadcast %and3A_78 : i32 to vector<256x128xi32>
    %and3A_80 = arith.andi %bitcast_convert_type3A_77, %and3A_79 : vector<256x128xi32>
    %bitcast_convert_type3A_81 = tpu.bitcast %and3A_80 : vector<256x128xi32> -> vector<256x128xf32>
    %sub3A_82 = arith.subf %bitcast_convert_type3A_81, %sub3A_9 : vector<256x128xf32>
    %max3A_83 = arith.constant 0.000000e+00 : f32
    %max3A_84 = vector.broadcast %max3A_83 : f32 to vector<256x128xf32>
    %max3A_85 = arith.maximumf %sub3A_82, %max3A_84 : vector<256x128xf32>
    %mul3A_86 = arith.mulf %max3A_85, %bitcast_convert_type3A_76 : vector<256x128xf32>
    %dot_general3A_87 = arith.constant dense<0.000000e+00> : vector<256x128xf32>
    %dot_general3A_88 = tpu.matmul %mul3A_86, %get3A_15, %dot_general3A_87 {dimension_numbers = #tpu.dot_dimension_numbers<[1], [0], [0], [1], [0, 0, 1, 1], [], []>, transpose_lhs_hint = false} : vector<256x128xf32>, vector<128x128xf32>, vector<256x128xf32> -> vector<256x128xf32>
    %add3A_89 = vector.broadcast %get3A_12 : vector<1x128xf32> to vector<256x128xf32>
    %add3A_90 = arith.addf %dot_general3A_88, %add3A_89 : vector<256x128xf32>
    %max3A_91 = arith.constant 0.000000e+00 : f32
    %max3A_92 = vector.broadcast %max3A_91 : f32 to vector<256x128xf32>
    %max3A_93 = arith.maximumf %add3A_90, %max3A_92 : vector<256x128xf32>
    %add3A_94 = arith.addf %add3A_66, %max3A_93 : vector<256x128xf32>
    %get3A_95 = arith.constant 3 : index
    %get3A_96 = arith.constant 0 : index
    %get3A_97 = arith.constant 0 : index
    %get3A_98 = vector.load %arg1[%get3A_95, %get3A_96, %get3A_97] : memref<8x256x128xf32, #tpu.memory_space<vmem>>, vector<1x256x128xf32>
    %get3A_99 = vector.shape_cast %get3A_98 : vector<1x256x128xf32> to vector<256x128xf32>
    %bitcast_convert_type3A_100 = tpu.bitcast %get3A_99 : vector<256x128xf32> -> vector<256x128xi32>
    %shift_left3A_101 = arith.constant 16 : i32
    %shift_left3A_102 = vector.broadcast %shift_left3A_101 : i32 to vector<256x128xi32>
    %shift_left3A_103 = arith.shli %bitcast_convert_type3A_100, %shift_left3A_102 : vector<256x128xi32>
    %bitcast_convert_type3A_104 = tpu.bitcast %shift_left3A_103 : vector<256x128xi32> -> vector<256x128xf32>
    %bitcast_convert_type3A_105 = tpu.bitcast %get3A_99 : vector<256x128xf32> -> vector<256x128xi32>
    %and3A_106 = arith.constant -65536 : i32
    %and3A_107 = vector.broadcast %and3A_106 : i32 to vector<256x128xi32>
    %and3A_108 = arith.andi %bitcast_convert_type3A_105, %and3A_107 : vector<256x128xi32>
    %bitcast_convert_type3A_109 = tpu.bitcast %and3A_108 : vector<256x128xi32> -> vector<256x128xf32>
    %sub3A_110 = arith.subf %bitcast_convert_type3A_109, %sub3A_9 : vector<256x128xf32>
    %max3A_111 = arith.constant 0.000000e+00 : f32
    %max3A_112 = vector.broadcast %max3A_111 : f32 to vector<256x128xf32>
    %max3A_113 = arith.maximumf %sub3A_110, %max3A_112 : vector<256x128xf32>
    %mul3A_114 = arith.mulf %max3A_113, %bitcast_convert_type3A_104 : vector<256x128xf32>
    %dot_general3A_115 = arith.constant dense<0.000000e+00> : vector<256x128xf32>
    %dot_general3A_116 = tpu.matmul %mul3A_114, %get3A_15, %dot_general3A_115 {dimension_numbers = #tpu.dot_dimension_numbers<[1], [0], [0], [1], [0, 0, 1, 1], [], []>, transpose_lhs_hint = false} : vector<256x128xf32>, vector<128x128xf32>, vector<256x128xf32> -> vector<256x128xf32>
    %add3A_117 = vector.broadcast %get3A_12 : vector<1x128xf32> to vector<256x128xf32>
    %add3A_118 = arith.addf %dot_general3A_116, %add3A_117 : vector<256x128xf32>
    %max3A_119 = arith.constant 0.000000e+00 : f32
    %max3A_120 = vector.broadcast %max3A_119 : f32 to vector<256x128xf32>
    %max3A_121 = arith.maximumf %add3A_118, %max3A_120 : vector<256x128xf32>
    %add3A_122 = arith.addf %add3A_94, %max3A_121 : vector<256x128xf32>
    %get3A_123 = arith.constant 4 : index
    %get3A_124 = arith.constant 0 : index
    %get3A_125 = arith.constant 0 : index
    %get3A_126 = vector.load %arg1[%get3A_123, %get3A_124, %get3A_125] : memref<8x256x128xf32, #tpu.memory_space<vmem>>, vector<1x256x128xf32>
    %get3A_127 = vector.shape_cast %get3A_126 : vector<1x256x128xf32> to vector<256x128xf32>
    %bitcast_convert_type3A_128 = tpu.bitcast %get3A_127 : vector<256x128xf32> -> vector<256x128xi32>
    %shift_left3A_129 = arith.constant 16 : i32
    %shift_left3A_130 = vector.broadcast %shift_left3A_129 : i32 to vector<256x128xi32>
    %shift_left3A_131 = arith.shli %bitcast_convert_type3A_128, %shift_left3A_130 : vector<256x128xi32>
    %bitcast_convert_type3A_132 = tpu.bitcast %shift_left3A_131 : vector<256x128xi32> -> vector<256x128xf32>
    %bitcast_convert_type3A_133 = tpu.bitcast %get3A_127 : vector<256x128xf32> -> vector<256x128xi32>
    %and3A_134 = arith.constant -65536 : i32
    %and3A_135 = vector.broadcast %and3A_134 : i32 to vector<256x128xi32>
    %and3A_136 = arith.andi %bitcast_convert_type3A_133, %and3A_135 : vector<256x128xi32>
    %bitcast_convert_type3A_137 = tpu.bitcast %and3A_136 : vector<256x128xi32> -> vector<256x128xf32>
    %sub3A_138 = arith.subf %bitcast_convert_type3A_137, %sub3A_9 : vector<256x128xf32>
    %max3A_139 = arith.constant 0.000000e+00 : f32
    %max3A_140 = vector.broadcast %max3A_139 : f32 to vector<256x128xf32>
    %max3A_141 = arith.maximumf %sub3A_138, %max3A_140 : vector<256x128xf32>
    %mul3A_142 = arith.mulf %max3A_141, %bitcast_convert_type3A_132 : vector<256x128xf32>
    %dot_general3A_143 = arith.constant dense<0.000000e+00> : vector<256x128xf32>
    %dot_general3A_144 = tpu.matmul %mul3A_142, %get3A_15, %dot_general3A_143 {dimension_numbers = #tpu.dot_dimension_numbers<[1], [0], [0], [1], [0, 0, 1, 1], [], []>, transpose_lhs_hint = false} : vector<256x128xf32>, vector<128x128xf32>, vector<256x128xf32> -> vector<256x128xf32>
    %add3A_145 = vector.broadcast %get3A_12 : vector<1x128xf32> to vector<256x128xf32>
    %add3A_146 = arith.addf %dot_general3A_144, %add3A_145 : vector<256x128xf32>
    %max3A_147 = arith.constant 0.000000e+00 : f32
    %max3A_148 = vector.broadcast %max3A_147 : f32 to vector<256x128xf32>
    %max3A_149 = arith.maximumf %add3A_146, %max3A_148 : vector<256x128xf32>
    %add3A_150 = arith.addf %add3A_122, %max3A_149 : vector<256x128xf32>
    %get3A_151 = arith.constant 5 : index
    %get3A_152 = arith.constant 0 : index
    %get3A_153 = arith.constant 0 : index
    %get3A_154 = vector.load %arg1[%get3A_151, %get3A_152, %get3A_153] : memref<8x256x128xf32, #tpu.memory_space<vmem>>, vector<1x256x128xf32>
    %get3A_155 = vector.shape_cast %get3A_154 : vector<1x256x128xf32> to vector<256x128xf32>
    %bitcast_convert_type3A_156 = tpu.bitcast %get3A_155 : vector<256x128xf32> -> vector<256x128xi32>
    %shift_left3A_157 = arith.constant 16 : i32
    %shift_left3A_158 = vector.broadcast %shift_left3A_157 : i32 to vector<256x128xi32>
    %shift_left3A_159 = arith.shli %bitcast_convert_type3A_156, %shift_left3A_158 : vector<256x128xi32>
    %bitcast_convert_type3A_160 = tpu.bitcast %shift_left3A_159 : vector<256x128xi32> -> vector<256x128xf32>
    %bitcast_convert_type3A_161 = tpu.bitcast %get3A_155 : vector<256x128xf32> -> vector<256x128xi32>
    %and3A_162 = arith.constant -65536 : i32
    %and3A_163 = vector.broadcast %and3A_162 : i32 to vector<256x128xi32>
    %and3A_164 = arith.andi %bitcast_convert_type3A_161, %and3A_163 : vector<256x128xi32>
    %bitcast_convert_type3A_165 = tpu.bitcast %and3A_164 : vector<256x128xi32> -> vector<256x128xf32>
    %sub3A_166 = arith.subf %bitcast_convert_type3A_165, %sub3A_9 : vector<256x128xf32>
    %max3A_167 = arith.constant 0.000000e+00 : f32
    %max3A_168 = vector.broadcast %max3A_167 : f32 to vector<256x128xf32>
    %max3A_169 = arith.maximumf %sub3A_166, %max3A_168 : vector<256x128xf32>
    %mul3A_170 = arith.mulf %max3A_169, %bitcast_convert_type3A_160 : vector<256x128xf32>
    %dot_general3A_171 = arith.constant dense<0.000000e+00> : vector<256x128xf32>
    %dot_general3A_172 = tpu.matmul %mul3A_170, %get3A_15, %dot_general3A_171 {dimension_numbers = #tpu.dot_dimension_numbers<[1], [0], [0], [1], [0, 0, 1, 1], [], []>, transpose_lhs_hint = false} : vector<256x128xf32>, vector<128x128xf32>, vector<256x128xf32> -> vector<256x128xf32>
    %add3A_173 = vector.broadcast %get3A_12 : vector<1x128xf32> to vector<256x128xf32>
    %add3A_174 = arith.addf %dot_general3A_172, %add3A_173 : vector<256x128xf32>
    %max3A_175 = arith.constant 0.000000e+00 : f32
    %max3A_176 = vector.broadcast %max3A_175 : f32 to vector<256x128xf32>
    %max3A_177 = arith.maximumf %add3A_174, %max3A_176 : vector<256x128xf32>
    %add3A_178 = arith.addf %add3A_150, %max3A_177 : vector<256x128xf32>
    %get3A_179 = arith.constant 6 : index
    %get3A_180 = arith.constant 0 : index
    %get3A_181 = arith.constant 0 : index
    %get3A_182 = vector.load %arg1[%get3A_179, %get3A_180, %get3A_181] : memref<8x256x128xf32, #tpu.memory_space<vmem>>, vector<1x256x128xf32>
    %get3A_183 = vector.shape_cast %get3A_182 : vector<1x256x128xf32> to vector<256x128xf32>
    %bitcast_convert_type3A_184 = tpu.bitcast %get3A_183 : vector<256x128xf32> -> vector<256x128xi32>
    %shift_left3A_185 = arith.constant 16 : i32
    %shift_left3A_186 = vector.broadcast %shift_left3A_185 : i32 to vector<256x128xi32>
    %shift_left3A_187 = arith.shli %bitcast_convert_type3A_184, %shift_left3A_186 : vector<256x128xi32>
    %bitcast_convert_type3A_188 = tpu.bitcast %shift_left3A_187 : vector<256x128xi32> -> vector<256x128xf32>
    %bitcast_convert_type3A_189 = tpu.bitcast %get3A_183 : vector<256x128xf32> -> vector<256x128xi32>
    %and3A_190 = arith.constant -65536 : i32
    %and3A_191 = vector.broadcast %and3A_190 : i32 to vector<256x128xi32>
    %and3A_192 = arith.andi %bitcast_convert_type3A_189, %and3A_191 : vector<256x128xi32>
    %bitcast_convert_type3A_193 = tpu.bitcast %and3A_192 : vector<256x128xi32> -> vector<256x128xf32>
    %sub3A_194 = arith.subf %bitcast_convert_type3A_193, %sub3A_9 : vector<256x128xf32>
    %max3A_195 = arith.constant 0.000000e+00 : f32
    %max3A_196 = vector.broadcast %max3A_195 : f32 to vector<256x128xf32>
    %max3A_197 = arith.maximumf %sub3A_194, %max3A_196 : vector<256x128xf32>
    %mul3A_198 = arith.mulf %max3A_197, %bitcast_convert_type3A_188 : vector<256x128xf32>
    %dot_general3A_199 = arith.constant dense<0.000000e+00> : vector<256x128xf32>
    %dot_general3A_200 = tpu.matmul %mul3A_198, %get3A_15, %dot_general3A_199 {dimension_numbers = #tpu.dot_dimension_numbers<[1], [0], [0], [1], [0, 0, 1, 1], [], []>, transpose_lhs_hint = false} : vector<256x128xf32>, vector<128x128xf32>, vector<256x128xf32> -> vector<256x128xf32>
    %add3A_201 = vector.broadcast %get3A_12 : vector<1x128xf32> to vector<256x128xf32>
    %add3A_202 = arith.addf %dot_general3A_200, %add3A_201 : vector<256x128xf32>
    %max3A_203 = arith.constant 0.000000e+00 : f32
    %max3A_204 = vector.broadcast %max3A_203 : f32 to vector<256x128xf32>
    %max3A_205 = arith.maximumf %add3A_202, %max3A_204 : vector<256x128xf32>
    %add3A_206 = arith.addf %add3A_178, %max3A_205 : vector<256x128xf32>
    %get3A_207 = arith.constant 7 : index
    %get3A_208 = arith.constant 0 : index
    %get3A_209 = arith.constant 0 : index
    %get3A_210 = vector.load %arg1[%get3A_207, %get3A_208, %get3A_209] : memref<8x256x128xf32, #tpu.memory_space<vmem>>, vector<1x256x128xf32>
    %get3A_211 = vector.shape_cast %get3A_210 : vector<1x256x128xf32> to vector<256x128xf32>
    %bitcast_convert_type3A_212 = tpu.bitcast %get3A_211 : vector<256x128xf32> -> vector<256x128xi32>
    %shift_left3A_213 = arith.constant 16 : i32
    %shift_left3A_214 = vector.broadcast %shift_left3A_213 : i32 to vector<256x128xi32>
    %shift_left3A_215 = arith.shli %bitcast_convert_type3A_212, %shift_left3A_214 : vector<256x128xi32>
    %bitcast_convert_type3A_216 = tpu.bitcast %shift_left3A_215 : vector<256x128xi32> -> vector<256x128xf32>
    %bitcast_convert_type3A_217 = tpu.bitcast %get3A_211 : vector<256x128xf32> -> vector<256x128xi32>
    %and3A_218 = arith.constant -65536 : i32
    %and3A_219 = vector.broadcast %and3A_218 : i32 to vector<256x128xi32>
    %and3A_220 = arith.andi %bitcast_convert_type3A_217, %and3A_219 : vector<256x128xi32>
    %bitcast_convert_type3A_221 = tpu.bitcast %and3A_220 : vector<256x128xi32> -> vector<256x128xf32>
    %sub3A_222 = arith.subf %bitcast_convert_type3A_221, %sub3A_9 : vector<256x128xf32>
    %max3A_223 = arith.constant 0.000000e+00 : f32
    %max3A_224 = vector.broadcast %max3A_223 : f32 to vector<256x128xf32>
    %max3A_225 = arith.maximumf %sub3A_222, %max3A_224 : vector<256x128xf32>
    %mul3A_226 = arith.mulf %max3A_225, %bitcast_convert_type3A_216 : vector<256x128xf32>
    %dot_general3A_227 = arith.constant dense<0.000000e+00> : vector<256x128xf32>
    %dot_general3A_228 = tpu.matmul %mul3A_226, %get3A_15, %dot_general3A_227 {dimension_numbers = #tpu.dot_dimension_numbers<[1], [0], [0], [1], [0, 0, 1, 1], [], []>, transpose_lhs_hint = false} : vector<256x128xf32>, vector<128x128xf32>, vector<256x128xf32> -> vector<256x128xf32>
    %add3A_229 = vector.broadcast %get3A_12 : vector<1x128xf32> to vector<256x128xf32>
    %add3A_230 = arith.addf %dot_general3A_228, %add3A_229 : vector<256x128xf32>
    %max3A_231 = arith.constant 0.000000e+00 : f32
    %max3A_232 = vector.broadcast %max3A_231 : f32 to vector<256x128xf32>
    %max3A_233 = arith.maximumf %add3A_230, %max3A_232 : vector<256x128xf32>
    %add3A_234 = arith.addf %add3A_206, %max3A_233 : vector<256x128xf32>
    %swap3A = arith.constant 0 : index
    %swap3A_235 = arith.constant 0 : index
    %swap3A_236 = vector.load %arg5[%swap3A, %swap3A_235] : memref<256x128xf32, #tpu.memory_space<vmem>>, vector<256x128xf32>
    tpu.vector_store %arg5[%swap3A, %swap3A_235], %add3A_234 {strides = array<i32>} : memref<256x128xf32, #tpu.memory_space<vmem>>, vector<256x128xf32>,
    return
  }
  func.func @transform_0(%arg0: i32) -> (i32, i32, i32) {
    %c0_i32 = arith.constant 0 : i32
    %c0_i32_0 = arith.constant 0 : i32
    %c0_i32_1 = arith.constant 0 : i32
    return %c0_i32, %arg0, %c0_i32_0 : i32, i32, i32
  }
  func.func @transform_1(%arg0: i32) -> (i32, i32) {
    %c0_i32 = arith.constant 0 : i32
    %c0_i32_0 = arith.constant 0 : i32
    return %arg0, %c0_i32 : i32, i32
  }
  func.func @transform_2(%arg0: i32) -> (i32, i32) {
    %c0_i32 = arith.constant 0 : i32
    %c0_i32_0 = arith.constant 0 : i32
    %c0_i32_1 = arith.constant 0 : i32
    return %c0_i32, %c0_i32_0 : i32, i32
  }
  func.func @transform_3(%arg0: i32) -> (i32, i32) {
    %c0_i32 = arith.constant 0 : i32
    %c0_i32_0 = arith.constant 0 : i32
    %c0_i32_1 = arith.constant 0 : i32
    return %c0_i32, %c0_i32_0 : i32, i32
  }
  func.func @transform_4(%arg0: i32) -> (i32, i32) {
    %c0_i32 = arith.constant 0 : i32
    %c0_i32_0 = arith.constant 0 : i32
    return %arg0, %c0_i32 : i32, i32
  }
}

module attributes {stable_mosaic.version = 14 : i64} {
  func.func @body(%arg0: i32, %arg1: memref<128x1024xf32, #tpu.memory_space<vmem>>, %arg2: memref<64x1024xf32, #tpu.memory_space<vmem>>, %arg3: memref<3x1024xf32, #tpu.memory_space<vmem>>, %arg4: memref<64x128xf32, #tpu.memory_space<vmem>>, %arg5: memref<64x64xf32, #tpu.memory_space<vmem>>, %arg6: memref<64x64xf32, #tpu.memory_space<vmem>>, %arg7: memref<64x3xf32, #tpu.memory_space<vmem>>, %arg8: memref<64x8xf32, #tpu.memory_space<vmem>>, %arg9: memref<1024x512xf32, #tpu.memory_space<vmem>>, %arg10: memref<1024x512xf32, #tpu.memory_space<vmem>>, %arg11: memref<512x128xf32, #tpu.memory_space<vmem>>) attributes {dimension_semantics = [#tpu.dimension_semantics<arbitrary>], iteration_bounds = array<i64: 10>, scalar_prefetch = 0 : i64, scratch_operands = 0 : i64, tpu.core_type = #tpu.core_type<tc>, window_params = [{transform_indices = @transform_0, window_bounds = array<i64: 128, 1024>}, {transform_indices = @transform_1, window_bounds = array<i64: 64, 1024>}, {transform_indices = @transform_2, window_bounds = array<i64: 3, 1024>}, {pipeline_mode = #tpu.pipeline_mode<synchronous>, transform_indices = @transform_3, window_bounds = array<i64: 64, 128>}, {pipeline_mode = #tpu.pipeline_mode<synchronous>, transform_indices = @transform_4, window_bounds = array<i64: 64, 64>}, {pipeline_mode = #tpu.pipeline_mode<synchronous>, transform_indices = @transform_5, window_bounds = array<i64: 64, 64>}, {pipeline_mode = #tpu.pipeline_mode<synchronous>, transform_indices = @transform_6, window_bounds = array<i64: 64, 3>}, {pipeline_mode = #tpu.pipeline_mode<synchronous>, transform_indices = @transform_7, window_bounds = array<i64: 64, 8>}, {pipeline_mode = #tpu.pipeline_mode<synchronous>, transform_indices = @transform_8, window_bounds = array<i64: 1024, 512>}, {pipeline_mode = #tpu.pipeline_mode<synchronous>, transform_indices = @transform_9, window_bounds = array<i64: 1024, 512>}, {transform_indices = @transform_10, window_bounds = array<i64: 512, 128>}]} {
    %get3A = arith.constant 0 : index
    %get3A_0 = arith.constant 0 : index
    %get3A_1 = vector.load %arg8[%get3A, %get3A_0] : memref<64x8xf32, #tpu.memory_space<vmem>>, vector<64x1xf32>
    %get3A_2 = arith.constant 0 : index
    %get3A_3 = arith.constant 0 : index
    %get3A_4 = vector.load %arg4[%get3A_2, %get3A_3] : memref<64x128xf32, #tpu.memory_space<vmem>>, vector<64x128xf32>
    %get3A_5 = arith.constant 0 : index
    %get3A_6 = arith.constant 0 : index
    %get3A_7 = vector.load %arg1[%get3A_5, %get3A_6] : memref<128x1024xf32, #tpu.memory_space<vmem>>, vector<128x1024xf32>
    %dot_general3A = arith.constant dense<0.000000e+00> : vector<64x1024xf32>
    %dot_general3A_8 = tpu.matmul %get3A_4, %get3A_7, %dot_general3A {dimension_numbers = #tpu.dot_dimension_numbers<[1], [0], [0], [1], [0, 0, 1, 1], [], []>, transpose_lhs_hint = false} : vector<64x128xf32>, vector<128x1024xf32>, vector<64x1024xf32> -> vector<64x1024xf32>
    %add3A = vector.broadcast %get3A_1 : vector<64x1xf32> to vector<64x1024xf32>
    %add3A_9 = arith.addf %add3A, %dot_general3A_8 : vector<64x1024xf32>
    %get3A_10 = arith.constant 0 : index
    %get3A_11 = arith.constant 0 : index
    %get3A_12 = vector.load %arg5[%get3A_10, %get3A_11] : memref<64x64xf32, #tpu.memory_space<vmem>>, vector<64x64xf32>
    %get3A_13 = arith.constant 0 : index
    %get3A_14 = arith.constant 0 : index
    %get3A_15 = vector.load %arg2[%get3A_13, %get3A_14] : memref<64x1024xf32, #tpu.memory_space<vmem>>, vector<64x1024xf32>
    %dot_general3A_16 = arith.constant dense<0.000000e+00> : vector<64x1024xf32>
    %dot_general3A_17 = tpu.matmul %get3A_12, %get3A_15, %dot_general3A_16 {dimension_numbers = #tpu.dot_dimension_numbers<[1], [0], [0], [1], [0, 0, 1, 1], [], []>, transpose_lhs_hint = false} : vector<64x64xf32>, vector<64x1024xf32>, vector<64x1024xf32> -> vector<64x1024xf32>
    %add3A_18 = arith.addf %add3A_9, %dot_general3A_17 : vector<64x1024xf32>
    %max3A = arith.constant 0.000000e+00 : f32
    %max3A_19 = vector.broadcast %max3A : f32 to vector<64x1024xf32>
    %max3A_20 = arith.maximumf %add3A_18, %max3A_19 : vector<64x1024xf32>
    %get3A_21 = arith.constant 0 : index
    %get3A_22 = arith.constant 0 : index
    %get3A_23 = vector.load %arg6[%get3A_21, %get3A_22] : memref<64x64xf32, #tpu.memory_space<vmem>>, vector<64x64xf32>
    %dot_general3A_24 = arith.constant dense<0.000000e+00> : vector<64x1024xf32>
    %dot_general3A_25 = tpu.matmul %get3A_23, %max3A_20, %dot_general3A_24 {dimension_numbers = #tpu.dot_dimension_numbers<[1], [0], [0], [1], [0, 0, 1, 1], [], []>, transpose_lhs_hint = false} : vector<64x64xf32>, vector<64x1024xf32>, vector<64x1024xf32> -> vector<64x1024xf32>
    %get3A_26 = arith.constant 0 : index
    %get3A_27 = arith.constant 1 : index
    %get3A_28 = vector.load %arg8[%get3A_26, %get3A_27] : memref<64x8xf32, #tpu.memory_space<vmem>>, vector<64x1xf32>
    %add3A_29 = vector.broadcast %get3A_28 : vector<64x1xf32> to vector<64x1024xf32>
    %add3A_30 = arith.addf %dot_general3A_25, %add3A_29 : vector<64x1024xf32>
    %max3A_31 = arith.constant 0.000000e+00 : f32
    %max3A_32 = vector.broadcast %max3A_31 : f32 to vector<64x1024xf32>
    %max3A_33 = arith.maximumf %add3A_30, %max3A_32 : vector<64x1024xf32>
    %get3A_34 = arith.constant 0 : index
    %get3A_35 = arith.constant 0 : index
    %get3A_36 = vector.load %arg7[%get3A_34, %get3A_35] : memref<64x3xf32, #tpu.memory_space<vmem>>, vector<64x3xf32>
    %get3A_37 = arith.constant 0 : index
    %get3A_38 = arith.constant 0 : index
    %get3A_39 = vector.load %arg3[%get3A_37, %get3A_38] : memref<3x1024xf32, #tpu.memory_space<vmem>>, vector<3x1024xf32>
    %dot_general3A_40 = arith.constant dense<0.000000e+00> : vector<64x1024xf32>
    %dot_general3A_41 = tpu.matmul %get3A_36, %get3A_39, %dot_general3A_40 {dimension_numbers = #tpu.dot_dimension_numbers<[1], [0], [0], [1], [0, 0, 1, 1], [], []>, transpose_lhs_hint = false} : vector<64x3xf32>, vector<3x1024xf32>, vector<64x1024xf32> -> vector<64x1024xf32>
    %get3A_42 = arith.constant 0 : index
    %get3A_43 = arith.constant 0 : index
    %get3A_44 = vector.load %arg9[%get3A_42, %get3A_43] : memref<1024x512xf32, #tpu.memory_space<vmem>>, vector<1024x512xf32>
    %get3A_45 = arith.constant 0 : index
    %get3A_46 = arith.constant 0 : index
    %get3A_47 = vector.load %arg10[%get3A_45, %get3A_46] : memref<1024x512xf32, #tpu.memory_space<vmem>>, vector<1024x512xf32>
    %dot_general3A_48 = arith.constant dense<0.000000e+00> : vector<64x512xf32>
    %dot_general3A_49 = tpu.matmul %max3A_33, %get3A_44, %dot_general3A_48 {dimension_numbers = #tpu.dot_dimension_numbers<[1], [0], [0], [1], [0, 0, 1, 1], [], []>, transpose_lhs_hint = false} : vector<64x1024xf32>, vector<1024x512xf32>, vector<64x512xf32> -> vector<64x512xf32>
    %transpose3A = tpu.transpose %dot_general3A_49, [1, 0] : vector<64x512xf32> -> vector<512x64xf32>
    %dot_general3A_50 = arith.constant dense<0.000000e+00> : vector<64x512xf32>
    %dot_general3A_51 = tpu.matmul %max3A_33, %get3A_47, %dot_general3A_50 {dimension_numbers = #tpu.dot_dimension_numbers<[1], [0], [0], [1], [0, 0, 1, 1], [], []>, transpose_lhs_hint = false} : vector<64x1024xf32>, vector<1024x512xf32>, vector<64x512xf32> -> vector<64x512xf32>
    %transpose3A_52 = tpu.transpose %dot_general3A_51, [1, 0] : vector<64x512xf32> -> vector<512x64xf32>
    %dot_general3A_53 = arith.constant dense<0.000000e+00> : vector<64x512xf32>
    %dot_general3A_54 = tpu.matmul %dot_general3A_41, %get3A_44, %dot_general3A_53 {dimension_numbers = #tpu.dot_dimension_numbers<[1], [0], [0], [1], [0, 0, 1, 1], [], []>, transpose_lhs_hint = false} : vector<64x1024xf32>, vector<1024x512xf32>, vector<64x512xf32> -> vector<64x512xf32>
    %transpose3A_55 = tpu.transpose %dot_general3A_54, [1, 0] : vector<64x512xf32> -> vector<512x64xf32>
    %dot_general3A_56 = arith.constant dense<0.000000e+00> : vector<64x512xf32>
    %dot_general3A_57 = tpu.matmul %dot_general3A_41, %get3A_47, %dot_general3A_56 {dimension_numbers = #tpu.dot_dimension_numbers<[1], [0], [0], [1], [0, 0, 1, 1], [], []>, transpose_lhs_hint = false} : vector<64x1024xf32>, vector<1024x512xf32>, vector<64x512xf32> -> vector<64x512xf32>
    %transpose3A_58 = tpu.transpose %dot_general3A_57, [1, 0] : vector<64x512xf32> -> vector<512x64xf32>
    %convert_element_type3A = arith.truncf %transpose3A : vector<512x64xf32> to vector<512x64xbf16>
    %bitcast_convert_type3A = tpu.bitcast %convert_element_type3A : vector<512x64xbf16> -> vector<512x64xi16>
    %convert_element_type3A_59 = arith.extui %bitcast_convert_type3A : vector<512x64xi16> to vector<512x64xi32>
    %convert_element_type3A_60 = arith.truncf %transpose3A_55 : vector<512x64xf32> to vector<512x64xbf16>
    %bitcast_convert_type3A_61 = tpu.bitcast %convert_element_type3A_60 : vector<512x64xbf16> -> vector<512x64xi16>
    %convert_element_type3A_62 = arith.extui %bitcast_convert_type3A_61 : vector<512x64xi16> to vector<512x64xi32>
    %shift_left3A = arith.constant 16 : i32
    %shift_left3A_63 = vector.broadcast %shift_left3A : i32 to vector<512x64xi32>
    %shift_left3A_64 = arith.shli %convert_element_type3A_62, %shift_left3A_63 : vector<512x64xi32>
    %or3A = arith.ori %convert_element_type3A_59, %shift_left3A_64 : vector<512x64xi32>
    %bitcast_convert_type3A_65 = tpu.bitcast %or3A : vector<512x64xi32> -> vector<512x64xf32>
    %convert_element_type3A_66 = arith.truncf %transpose3A_52 : vector<512x64xf32> to vector<512x64xbf16>
    %bitcast_convert_type3A_67 = tpu.bitcast %convert_element_type3A_66 : vector<512x64xbf16> -> vector<512x64xi16>
    %convert_element_type3A_68 = arith.extui %bitcast_convert_type3A_67 : vector<512x64xi16> to vector<512x64xi32>
    %convert_element_type3A_69 = arith.truncf %transpose3A_58 : vector<512x64xf32> to vector<512x64xbf16>
    %bitcast_convert_type3A_70 = tpu.bitcast %convert_element_type3A_69 : vector<512x64xbf16> -> vector<512x64xi16>
    %convert_element_type3A_71 = arith.extui %bitcast_convert_type3A_70 : vector<512x64xi16> to vector<512x64xi32>
    %shift_left3A_72 = arith.constant 16 : i32
    %shift_left3A_73 = vector.broadcast %shift_left3A_72 : i32 to vector<512x64xi32>
    %shift_left3A_74 = arith.shli %convert_element_type3A_71, %shift_left3A_73 : vector<512x64xi32>
    %or3A_75 = arith.ori %convert_element_type3A_68, %shift_left3A_74 : vector<512x64xi32>
    %bitcast_convert_type3A_76 = tpu.bitcast %or3A_75 : vector<512x64xi32> -> vector<512x64xf32>
    %concatenate3A = tpu.concatenate %bitcast_convert_type3A_65, %bitcast_convert_type3A_76 in 1 : vector<512x64xf32>, vector<512x64xf32> -> vector<512x128xf32>
    %swap3A = arith.constant 0 : index
    %swap3A_77 = arith.constant 0 : index
    %swap3A_78 = vector.load %arg11[%swap3A, %swap3A_77] : memref<512x128xf32, #tpu.memory_space<vmem>>, vector<512x128xf32>
    tpu.vector_store %arg11[%swap3A, %swap3A_77], %concatenate3A {strides = array<i32>} : memref<512x128xf32, #tpu.memory_space<vmem>>, vector<512x128xf32>,
    return
  }
  func.func @transform_0(%arg0: i32) -> (i32, i32) {
    %c0_i32 = arith.constant 0 : i32
    %c0_i32_0 = arith.constant 0 : i32
    return %c0_i32, %arg0 : i32, i32
  }
  func.func @transform_1(%arg0: i32) -> (i32, i32) {
    %c0_i32 = arith.constant 0 : i32
    %c0_i32_0 = arith.constant 0 : i32
    return %c0_i32, %arg0 : i32, i32
  }
  func.func @transform_2(%arg0: i32) -> (i32, i32) {
    %c0_i32 = arith.constant 0 : i32
    %c0_i32_0 = arith.constant 0 : i32
    return %c0_i32, %arg0 : i32, i32
  }
  func.func @transform_3(%arg0: i32) -> (i32, i32) {
    %c0_i32 = arith.constant 0 : i32
    %c0_i32_0 = arith.constant 0 : i32
    %c0_i32_1 = arith.constant 0 : i32
    return %c0_i32, %c0_i32_0 : i32, i32
  }
  func.func @transform_4(%arg0: i32) -> (i32, i32) {
    %c0_i32 = arith.constant 0 : i32
    %c0_i32_0 = arith.constant 0 : i32
    %c0_i32_1 = arith.constant 0 : i32
    return %c0_i32, %c0_i32_0 : i32, i32
  }
  func.func @transform_5(%arg0: i32) -> (i32, i32) {
    %c0_i32 = arith.constant 0 : i32
    %c0_i32_0 = arith.constant 0 : i32
    %c0_i32_1 = arith.constant 0 : i32
    return %c0_i32, %c0_i32_0 : i32, i32
  }
  func.func @transform_6(%arg0: i32) -> (i32, i32) {
    %c0_i32 = arith.constant 0 : i32
    %c0_i32_0 = arith.constant 0 : i32
    %c0_i32_1 = arith.constant 0 : i32
    return %c0_i32, %c0_i32_0 : i32, i32
  }
  func.func @transform_7(%arg0: i32) -> (i32, i32) {
    %c0_i32 = arith.constant 0 : i32
    %c0_i32_0 = arith.constant 0 : i32
    %c0_i32_1 = arith.constant 0 : i32
    return %c0_i32, %c0_i32_0 : i32, i32
  }
  func.func @transform_8(%arg0: i32) -> (i32, i32) {
    %c0_i32 = arith.constant 0 : i32
    %c0_i32_0 = arith.constant 0 : i32
    %c0_i32_1 = arith.constant 0 : i32
    return %c0_i32, %c0_i32_0 : i32, i32
  }
  func.func @transform_9(%arg0: i32) -> (i32, i32) {
    %c0_i32 = arith.constant 0 : i32
    %c0_i32_0 = arith.constant 0 : i32
    %c0_i32_1 = arith.constant 0 : i32
    return %c0_i32, %c0_i32_0 : i32, i32
  }
  func.func @transform_10(%arg0: i32) -> (i32, i32) {
    %c0_i32 = arith.constant 0 : i32
    %c0_i32_0 = arith.constant 0 : i32
    return %arg0, %c0_i32 : i32, i32
  }
}

module attributes {stable_mosaic.version = 14 : i64} {
  func.func @body(%arg0: i32, %arg1: memref<8x256x128xf32, #tpu.memory_space<vmem>>, %arg2: memref<256x128xf32, #tpu.memory_space<vmem>>, %arg3: memref<128x128xf32, #tpu.memory_space<vmem>>, %arg4: memref<8x128xf32, #tpu.memory_space<vmem>>, %arg5: memref<256x128xf32, #tpu.memory_space<vmem>>, %arg6: memref<256x512xf32, #tpu.memory_space<vmem>>, %arg7: memref<256x512xf32, #tpu.memory_space<vmem>>, %arg8: memref<64x512xf32, #tpu.memory_space<vmem>>) attributes {dimension_semantics = [#tpu.dimension_semantics<arbitrary>], iteration_bounds = array<i64: 20>, scalar_prefetch = 0 : i64, scratch_operands = 0 : i64, tpu.core_type = #tpu.core_type<tc>, window_params = [{transform_indices = @transform_0, window_bounds = array<i64: 8, 256, 128>}, {transform_indices = @transform_1, window_bounds = array<i64: 256, 128>}, {pipeline_mode = #tpu.pipeline_mode<synchronous>, transform_indices = @transform_2, window_bounds = array<i64: 128, 128>}, {pipeline_mode = #tpu.pipeline_mode<synchronous>, transform_indices = @transform_3, window_bounds = array<i64: 8, 128>}, {transform_indices = @transform_4, window_bounds = array<i64: 256, 128>}, {pipeline_mode = #tpu.pipeline_mode<synchronous>, transform_indices = @transform_5, window_bounds = array<i64: 256, 512>}, {pipeline_mode = #tpu.pipeline_mode<synchronous>, transform_indices = @transform_6, window_bounds = array<i64: 256, 512>}, {transform_indices = @transform_7, window_bounds = array<i64: 64, 512>}]} {
    %get3A = arith.constant 0 : index
    %get3A_0 = arith.constant 0 : index
    %get3A_1 = vector.load %arg5[%get3A, %get3A_0] : memref<256x128xf32, #tpu.memory_space<vmem>>, vector<256x128xf32>
    %get3A_2 = arith.constant 0 : index
    %get3A_3 = arith.constant 0 : index
    %get3A_4 = vector.load %arg2[%get3A_2, %get3A_3] : memref<256x128xf32, #tpu.memory_space<vmem>>, vector<256x128xf32>
    %bitcast_convert_type3A = tpu.bitcast %get3A_4 : vector<256x128xf32> -> vector<256x128xi32>
    %and3A = arith.constant -65536 : i32
    %and3A_5 = vector.broadcast %and3A : i32 to vector<256x128xi32>
    %and3A_6 = arith.andi %bitcast_convert_type3A, %and3A_5 : vector<256x128xi32>
    %bitcast_convert_type3A_7 = tpu.bitcast %and3A_6 : vector<256x128xi32> -> vector<256x128xf32>
    %get3A_8 = arith.constant 0 : index
    %get3A_9 = arith.constant 0 : index
    %get3A_10 = vector.load %arg4[%get3A_8, %get3A_9] : memref<8x128xf32, #tpu.memory_space<vmem>>, vector<1x128xf32>
    %sub3A = vector.broadcast %get3A_10 : vector<1x128xf32> to vector<256x128xf32>
    %sub3A_11 = arith.subf %bitcast_convert_type3A_7, %sub3A : vector<256x128xf32>
    %get3A_12 = arith.constant 1 : index
    %get3A_13 = arith.constant 0 : index
    %get3A_14 = vector.load %arg4[%get3A_12, %get3A_13] : memref<8x128xf32, #tpu.memory_space<vmem>>, vector<1x128xf32>
    %get3A_15 = arith.constant 0 : index
    %get3A_16 = arith.constant 0 : index
    %get3A_17 = vector.load %arg3[%get3A_15, %get3A_16] : memref<128x128xf32, #tpu.memory_space<vmem>>, vector<128x128xf32>
    %get3A_18 = arith.constant 0 : index
    %get3A_19 = arith.constant 0 : index
    %get3A_20 = arith.constant 0 : index
    %get3A_21 = vector.load %arg1[%get3A_18, %get3A_19, %get3A_20] : memref<8x256x128xf32, #tpu.memory_space<vmem>>, vector<1x256x128xf32>
    %get3A_22 = vector.shape_cast %get3A_21 : vector<1x256x128xf32> to vector<256x128xf32>
    %bitcast_convert_type3A_23 = tpu.bitcast %get3A_22 : vector<256x128xf32> -> vector<256x128xi32>
    %shift_left3A = arith.constant 16 : i32
    %shift_left3A_24 = vector.broadcast %shift_left3A : i32 to vector<256x128xi32>
    %shift_left3A_25 = arith.shli %bitcast_convert_type3A_23, %shift_left3A_24 : vector<256x128xi32>
    %bitcast_convert_type3A_26 = tpu.bitcast %shift_left3A_25 : vector<256x128xi32> -> vector<256x128xf32>
    %bitcast_convert_type3A_27 = tpu.bitcast %get3A_22 : vector<256x128xf32> -> vector<256x128xi32>
    %and3A_28 = arith.constant -65536 : i32
    %and3A_29 = vector.broadcast %and3A_28 : i32 to vector<256x128xi32>
    %and3A_30 = arith.andi %bitcast_convert_type3A_27, %and3A_29 : vector<256x128xi32>
    %bitcast_convert_type3A_31 = tpu.bitcast %and3A_30 : vector<256x128xi32> -> vector<256x128xf32>
    %sub3A_32 = arith.subf %bitcast_convert_type3A_31, %sub3A_11 : vector<256x128xf32>
    %max3A = arith.constant 0.000000e+00 : f32
    %max3A_33 = vector.broadcast %max3A : f32 to vector<256x128xf32>
    %max3A_34 = arith.maximumf %sub3A_32, %max3A_33 : vector<256x128xf32>
    %mul3A = arith.mulf %max3A_34, %bitcast_convert_type3A_26 : vector<256x128xf32>
    %dot_general3A = arith.constant dense<0.000000e+00> : vector<256x128xf32>
    %dot_general3A_35 = tpu.matmul %mul3A, %get3A_17, %dot_general3A {dimension_numbers = #tpu.dot_dimension_numbers<[1], [0], [0], [1], [0, 0, 1, 1], [], []>, transpose_lhs_hint = false} : vector<256x128xf32>, vector<128x128xf32>, vector<256x128xf32> -> vector<256x128xf32>
    %add3A = vector.broadcast %get3A_14 : vector<1x128xf32> to vector<256x128xf32>
    %add3A_36 = arith.addf %dot_general3A_35, %add3A : vector<256x128xf32>
    %max3A_37 = arith.constant 0.000000e+00 : f32
    %max3A_38 = vector.broadcast %max3A_37 : f32 to vector<256x128xf32>
    %max3A_39 = arith.maximumf %add3A_36, %max3A_38 : vector<256x128xf32>
    %add3A_40 = arith.addf %get3A_1, %max3A_39 : vector<256x128xf32>
    %get3A_41 = arith.constant 1 : index
    %get3A_42 = arith.constant 0 : index
    %get3A_43 = arith.constant 0 : index
    %get3A_44 = vector.load %arg1[%get3A_41, %get3A_42, %get3A_43] : memref<8x256x128xf32, #tpu.memory_space<vmem>>, vector<1x256x128xf32>
    %get3A_45 = vector.shape_cast %get3A_44 : vector<1x256x128xf32> to vector<256x128xf32>
    %bitcast_convert_type3A_46 = tpu.bitcast %get3A_45 : vector<256x128xf32> -> vector<256x128xi32>
    %shift_left3A_47 = arith.constant 16 : i32
    %shift_left3A_48 = vector.broadcast %shift_left3A_47 : i32 to vector<256x128xi32>
    %shift_left3A_49 = arith.shli %bitcast_convert_type3A_46, %shift_left3A_48 : vector<256x128xi32>
    %bitcast_convert_type3A_50 = tpu.bitcast %shift_left3A_49 : vector<256x128xi32> -> vector<256x128xf32>
    %bitcast_convert_type3A_51 = tpu.bitcast %get3A_45 : vector<256x128xf32> -> vector<256x128xi32>
    %and3A_52 = arith.constant -65536 : i32
    %and3A_53 = vector.broadcast %and3A_52 : i32 to vector<256x128xi32>
    %and3A_54 = arith.andi %bitcast_convert_type3A_51, %and3A_53 : vector<256x128xi32>
    %bitcast_convert_type3A_55 = tpu.bitcast %and3A_54 : vector<256x128xi32> -> vector<256x128xf32>
    %sub3A_56 = arith.subf %bitcast_convert_type3A_55, %sub3A_11 : vector<256x128xf32>
    %max3A_57 = arith.constant 0.000000e+00 : f32
    %max3A_58 = vector.broadcast %max3A_57 : f32 to vector<256x128xf32>
    %max3A_59 = arith.maximumf %sub3A_56, %max3A_58 : vector<256x128xf32>
    %mul3A_60 = arith.mulf %max3A_59, %bitcast_convert_type3A_50 : vector<256x128xf32>
    %dot_general3A_61 = arith.constant dense<0.000000e+00> : vector<256x128xf32>
    %dot_general3A_62 = tpu.matmul %mul3A_60, %get3A_17, %dot_general3A_61 {dimension_numbers = #tpu.dot_dimension_numbers<[1], [0], [0], [1], [0, 0, 1, 1], [], []>, transpose_lhs_hint = false} : vector<256x128xf32>, vector<128x128xf32>, vector<256x128xf32> -> vector<256x128xf32>
    %add3A_63 = vector.broadcast %get3A_14 : vector<1x128xf32> to vector<256x128xf32>
    %add3A_64 = arith.addf %dot_general3A_62, %add3A_63 : vector<256x128xf32>
    %max3A_65 = arith.constant 0.000000e+00 : f32
    %max3A_66 = vector.broadcast %max3A_65 : f32 to vector<256x128xf32>
    %max3A_67 = arith.maximumf %add3A_64, %max3A_66 : vector<256x128xf32>
    %add3A_68 = arith.addf %add3A_40, %max3A_67 : vector<256x128xf32>
    %get3A_69 = arith.constant 2 : index
    %get3A_70 = arith.constant 0 : index
    %get3A_71 = arith.constant 0 : index
    %get3A_72 = vector.load %arg1[%get3A_69, %get3A_70, %get3A_71] : memref<8x256x128xf32, #tpu.memory_space<vmem>>, vector<1x256x128xf32>
    %get3A_73 = vector.shape_cast %get3A_72 : vector<1x256x128xf32> to vector<256x128xf32>
    %bitcast_convert_type3A_74 = tpu.bitcast %get3A_73 : vector<256x128xf32> -> vector<256x128xi32>
    %shift_left3A_75 = arith.constant 16 : i32
    %shift_left3A_76 = vector.broadcast %shift_left3A_75 : i32 to vector<256x128xi32>
    %shift_left3A_77 = arith.shli %bitcast_convert_type3A_74, %shift_left3A_76 : vector<256x128xi32>
    %bitcast_convert_type3A_78 = tpu.bitcast %shift_left3A_77 : vector<256x128xi32> -> vector<256x128xf32>
    %bitcast_convert_type3A_79 = tpu.bitcast %get3A_73 : vector<256x128xf32> -> vector<256x128xi32>
    %and3A_80 = arith.constant -65536 : i32
    %and3A_81 = vector.broadcast %and3A_80 : i32 to vector<256x128xi32>
    %and3A_82 = arith.andi %bitcast_convert_type3A_79, %and3A_81 : vector<256x128xi32>
    %bitcast_convert_type3A_83 = tpu.bitcast %and3A_82 : vector<256x128xi32> -> vector<256x128xf32>
    %sub3A_84 = arith.subf %bitcast_convert_type3A_83, %sub3A_11 : vector<256x128xf32>
    %max3A_85 = arith.constant 0.000000e+00 : f32
    %max3A_86 = vector.broadcast %max3A_85 : f32 to vector<256x128xf32>
    %max3A_87 = arith.maximumf %sub3A_84, %max3A_86 : vector<256x128xf32>
    %mul3A_88 = arith.mulf %max3A_87, %bitcast_convert_type3A_78 : vector<256x128xf32>
    %dot_general3A_89 = arith.constant dense<0.000000e+00> : vector<256x128xf32>
    %dot_general3A_90 = tpu.matmul %mul3A_88, %get3A_17, %dot_general3A_89 {dimension_numbers = #tpu.dot_dimension_numbers<[1], [0], [0], [1], [0, 0, 1, 1], [], []>, transpose_lhs_hint = false} : vector<256x128xf32>, vector<128x128xf32>, vector<256x128xf32> -> vector<256x128xf32>
    %add3A_91 = vector.broadcast %get3A_14 : vector<1x128xf32> to vector<256x128xf32>
    %add3A_92 = arith.addf %dot_general3A_90, %add3A_91 : vector<256x128xf32>
    %max3A_93 = arith.constant 0.000000e+00 : f32
    %max3A_94 = vector.broadcast %max3A_93 : f32 to vector<256x128xf32>
    %max3A_95 = arith.maximumf %add3A_92, %max3A_94 : vector<256x128xf32>
    %add3A_96 = arith.addf %add3A_68, %max3A_95 : vector<256x128xf32>
    %get3A_97 = arith.constant 3 : index
    %get3A_98 = arith.constant 0 : index
    %get3A_99 = arith.constant 0 : index
    %get3A_100 = vector.load %arg1[%get3A_97, %get3A_98, %get3A_99] : memref<8x256x128xf32, #tpu.memory_space<vmem>>, vector<1x256x128xf32>
    %get3A_101 = vector.shape_cast %get3A_100 : vector<1x256x128xf32> to vector<256x128xf32>
    %bitcast_convert_type3A_102 = tpu.bitcast %get3A_101 : vector<256x128xf32> -> vector<256x128xi32>
    %shift_left3A_103 = arith.constant 16 : i32
    %shift_left3A_104 = vector.broadcast %shift_left3A_103 : i32 to vector<256x128xi32>
    %shift_left3A_105 = arith.shli %bitcast_convert_type3A_102, %shift_left3A_104 : vector<256x128xi32>
    %bitcast_convert_type3A_106 = tpu.bitcast %shift_left3A_105 : vector<256x128xi32> -> vector<256x128xf32>
    %bitcast_convert_type3A_107 = tpu.bitcast %get3A_101 : vector<256x128xf32> -> vector<256x128xi32>
    %and3A_108 = arith.constant -65536 : i32
    %and3A_109 = vector.broadcast %and3A_108 : i32 to vector<256x128xi32>
    %and3A_110 = arith.andi %bitcast_convert_type3A_107, %and3A_109 : vector<256x128xi32>
    %bitcast_convert_type3A_111 = tpu.bitcast %and3A_110 : vector<256x128xi32> -> vector<256x128xf32>
    %sub3A_112 = arith.subf %bitcast_convert_type3A_111, %sub3A_11 : vector<256x128xf32>
    %max3A_113 = arith.constant 0.000000e+00 : f32
    %max3A_114 = vector.broadcast %max3A_113 : f32 to vector<256x128xf32>
    %max3A_115 = arith.maximumf %sub3A_112, %max3A_114 : vector<256x128xf32>
    %mul3A_116 = arith.mulf %max3A_115, %bitcast_convert_type3A_106 : vector<256x128xf32>
    %dot_general3A_117 = arith.constant dense<0.000000e+00> : vector<256x128xf32>
    %dot_general3A_118 = tpu.matmul %mul3A_116, %get3A_17, %dot_general3A_117 {dimension_numbers = #tpu.dot_dimension_numbers<[1], [0], [0], [1], [0, 0, 1, 1], [], []>, transpose_lhs_hint = false} : vector<256x128xf32>, vector<128x128xf32>, vector<256x128xf32> -> vector<256x128xf32>
    %add3A_119 = vector.broadcast %get3A_14 : vector<1x128xf32> to vector<256x128xf32>
    %add3A_120 = arith.addf %dot_general3A_118, %add3A_119 : vector<256x128xf32>
    %max3A_121 = arith.constant 0.000000e+00 : f32
    %max3A_122 = vector.broadcast %max3A_121 : f32 to vector<256x128xf32>
    %max3A_123 = arith.maximumf %add3A_120, %max3A_122 : vector<256x128xf32>
    %add3A_124 = arith.addf %add3A_96, %max3A_123 : vector<256x128xf32>
    %get3A_125 = arith.constant 4 : index
    %get3A_126 = arith.constant 0 : index
    %get3A_127 = arith.constant 0 : index
    %get3A_128 = vector.load %arg1[%get3A_125, %get3A_126, %get3A_127] : memref<8x256x128xf32, #tpu.memory_space<vmem>>, vector<1x256x128xf32>
    %get3A_129 = vector.shape_cast %get3A_128 : vector<1x256x128xf32> to vector<256x128xf32>
    %bitcast_convert_type3A_130 = tpu.bitcast %get3A_129 : vector<256x128xf32> -> vector<256x128xi32>
    %shift_left3A_131 = arith.constant 16 : i32
    %shift_left3A_132 = vector.broadcast %shift_left3A_131 : i32 to vector<256x128xi32>
    %shift_left3A_133 = arith.shli %bitcast_convert_type3A_130, %shift_left3A_132 : vector<256x128xi32>
    %bitcast_convert_type3A_134 = tpu.bitcast %shift_left3A_133 : vector<256x128xi32> -> vector<256x128xf32>
    %bitcast_convert_type3A_135 = tpu.bitcast %get3A_129 : vector<256x128xf32> -> vector<256x128xi32>
    %and3A_136 = arith.constant -65536 : i32
    %and3A_137 = vector.broadcast %and3A_136 : i32 to vector<256x128xi32>
    %and3A_138 = arith.andi %bitcast_convert_type3A_135, %and3A_137 : vector<256x128xi32>
    %bitcast_convert_type3A_139 = tpu.bitcast %and3A_138 : vector<256x128xi32> -> vector<256x128xf32>
    %sub3A_140 = arith.subf %bitcast_convert_type3A_139, %sub3A_11 : vector<256x128xf32>
    %max3A_141 = arith.constant 0.000000e+00 : f32
    %max3A_142 = vector.broadcast %max3A_141 : f32 to vector<256x128xf32>
    %max3A_143 = arith.maximumf %sub3A_140, %max3A_142 : vector<256x128xf32>
    %mul3A_144 = arith.mulf %max3A_143, %bitcast_convert_type3A_134 : vector<256x128xf32>
    %dot_general3A_145 = arith.constant dense<0.000000e+00> : vector<256x128xf32>
    %dot_general3A_146 = tpu.matmul %mul3A_144, %get3A_17, %dot_general3A_145 {dimension_numbers = #tpu.dot_dimension_numbers<[1], [0], [0], [1], [0, 0, 1, 1], [], []>, transpose_lhs_hint = false} : vector<256x128xf32>, vector<128x128xf32>, vector<256x128xf32> -> vector<256x128xf32>
    %add3A_147 = vector.broadcast %get3A_14 : vector<1x128xf32> to vector<256x128xf32>
    %add3A_148 = arith.addf %dot_general3A_146, %add3A_147 : vector<256x128xf32>
    %max3A_149 = arith.constant 0.000000e+00 : f32
    %max3A_150 = vector.broadcast %max3A_149 : f32 to vector<256x128xf32>
    %max3A_151 = arith.maximumf %add3A_148, %max3A_150 : vector<256x128xf32>
    %add3A_152 = arith.addf %add3A_124, %max3A_151 : vector<256x128xf32>
    %get3A_153 = arith.constant 5 : index
    %get3A_154 = arith.constant 0 : index
    %get3A_155 = arith.constant 0 : index
    %get3A_156 = vector.load %arg1[%get3A_153, %get3A_154, %get3A_155] : memref<8x256x128xf32, #tpu.memory_space<vmem>>, vector<1x256x128xf32>
    %get3A_157 = vector.shape_cast %get3A_156 : vector<1x256x128xf32> to vector<256x128xf32>
    %bitcast_convert_type3A_158 = tpu.bitcast %get3A_157 : vector<256x128xf32> -> vector<256x128xi32>
    %shift_left3A_159 = arith.constant 16 : i32
    %shift_left3A_160 = vector.broadcast %shift_left3A_159 : i32 to vector<256x128xi32>
    %shift_left3A_161 = arith.shli %bitcast_convert_type3A_158, %shift_left3A_160 : vector<256x128xi32>
    %bitcast_convert_type3A_162 = tpu.bitcast %shift_left3A_161 : vector<256x128xi32> -> vector<256x128xf32>
    %bitcast_convert_type3A_163 = tpu.bitcast %get3A_157 : vector<256x128xf32> -> vector<256x128xi32>
    %and3A_164 = arith.constant -65536 : i32
    %and3A_165 = vector.broadcast %and3A_164 : i32 to vector<256x128xi32>
    %and3A_166 = arith.andi %bitcast_convert_type3A_163, %and3A_165 : vector<256x128xi32>
    %bitcast_convert_type3A_167 = tpu.bitcast %and3A_166 : vector<256x128xi32> -> vector<256x128xf32>
    %sub3A_168 = arith.subf %bitcast_convert_type3A_167, %sub3A_11 : vector<256x128xf32>
    %max3A_169 = arith.constant 0.000000e+00 : f32
    %max3A_170 = vector.broadcast %max3A_169 : f32 to vector<256x128xf32>
    %max3A_171 = arith.maximumf %sub3A_168, %max3A_170 : vector<256x128xf32>
    %mul3A_172 = arith.mulf %max3A_171, %bitcast_convert_type3A_162 : vector<256x128xf32>
    %dot_general3A_173 = arith.constant dense<0.000000e+00> : vector<256x128xf32>
    %dot_general3A_174 = tpu.matmul %mul3A_172, %get3A_17, %dot_general3A_173 {dimension_numbers = #tpu.dot_dimension_numbers<[1], [0], [0], [1], [0, 0, 1, 1], [], []>, transpose_lhs_hint = false} : vector<256x128xf32>, vector<128x128xf32>, vector<256x128xf32> -> vector<256x128xf32>
    %add3A_175 = vector.broadcast %get3A_14 : vector<1x128xf32> to vector<256x128xf32>
    %add3A_176 = arith.addf %dot_general3A_174, %add3A_175 : vector<256x128xf32>
    %max3A_177 = arith.constant 0.000000e+00 : f32
    %max3A_178 = vector.broadcast %max3A_177 : f32 to vector<256x128xf32>
    %max3A_179 = arith.maximumf %add3A_176, %max3A_178 : vector<256x128xf32>
    %add3A_180 = arith.addf %add3A_152, %max3A_179 : vector<256x128xf32>
    %get3A_181 = arith.constant 6 : index
    %get3A_182 = arith.constant 0 : index
    %get3A_183 = arith.constant 0 : index
    %get3A_184 = vector.load %arg1[%get3A_181, %get3A_182, %get3A_183] : memref<8x256x128xf32, #tpu.memory_space<vmem>>, vector<1x256x128xf32>
    %get3A_185 = vector.shape_cast %get3A_184 : vector<1x256x128xf32> to vector<256x128xf32>
    %bitcast_convert_type3A_186 = tpu.bitcast %get3A_185 : vector<256x128xf32> -> vector<256x128xi32>
    %shift_left3A_187 = arith.constant 16 : i32
    %shift_left3A_188 = vector.broadcast %shift_left3A_187 : i32 to vector<256x128xi32>
    %shift_left3A_189 = arith.shli %bitcast_convert_type3A_186, %shift_left3A_188 : vector<256x128xi32>
    %bitcast_convert_type3A_190 = tpu.bitcast %shift_left3A_189 : vector<256x128xi32> -> vector<256x128xf32>
    %bitcast_convert_type3A_191 = tpu.bitcast %get3A_185 : vector<256x128xf32> -> vector<256x128xi32>
    %and3A_192 = arith.constant -65536 : i32
    %and3A_193 = vector.broadcast %and3A_192 : i32 to vector<256x128xi32>
    %and3A_194 = arith.andi %bitcast_convert_type3A_191, %and3A_193 : vector<256x128xi32>
    %bitcast_convert_type3A_195 = tpu.bitcast %and3A_194 : vector<256x128xi32> -> vector<256x128xf32>
    %sub3A_196 = arith.subf %bitcast_convert_type3A_195, %sub3A_11 : vector<256x128xf32>
    %max3A_197 = arith.constant 0.000000e+00 : f32
    %max3A_198 = vector.broadcast %max3A_197 : f32 to vector<256x128xf32>
    %max3A_199 = arith.maximumf %sub3A_196, %max3A_198 : vector<256x128xf32>
    %mul3A_200 = arith.mulf %max3A_199, %bitcast_convert_type3A_190 : vector<256x128xf32>
    %dot_general3A_201 = arith.constant dense<0.000000e+00> : vector<256x128xf32>
    %dot_general3A_202 = tpu.matmul %mul3A_200, %get3A_17, %dot_general3A_201 {dimension_numbers = #tpu.dot_dimension_numbers<[1], [0], [0], [1], [0, 0, 1, 1], [], []>, transpose_lhs_hint = false} : vector<256x128xf32>, vector<128x128xf32>, vector<256x128xf32> -> vector<256x128xf32>
    %add3A_203 = vector.broadcast %get3A_14 : vector<1x128xf32> to vector<256x128xf32>
    %add3A_204 = arith.addf %dot_general3A_202, %add3A_203 : vector<256x128xf32>
    %max3A_205 = arith.constant 0.000000e+00 : f32
    %max3A_206 = vector.broadcast %max3A_205 : f32 to vector<256x128xf32>
    %max3A_207 = arith.maximumf %add3A_204, %max3A_206 : vector<256x128xf32>
    %add3A_208 = arith.addf %add3A_180, %max3A_207 : vector<256x128xf32>
    %get3A_209 = arith.constant 7 : index
    %get3A_210 = arith.constant 0 : index
    %get3A_211 = arith.constant 0 : index
    %get3A_212 = vector.load %arg1[%get3A_209, %get3A_210, %get3A_211] : memref<8x256x128xf32, #tpu.memory_space<vmem>>, vector<1x256x128xf32>
    %get3A_213 = vector.shape_cast %get3A_212 : vector<1x256x128xf32> to vector<256x128xf32>
    %bitcast_convert_type3A_214 = tpu.bitcast %get3A_213 : vector<256x128xf32> -> vector<256x128xi32>
    %shift_left3A_215 = arith.constant 16 : i32
    %shift_left3A_216 = vector.broadcast %shift_left3A_215 : i32 to vector<256x128xi32>
    %shift_left3A_217 = arith.shli %bitcast_convert_type3A_214, %shift_left3A_216 : vector<256x128xi32>
    %bitcast_convert_type3A_218 = tpu.bitcast %shift_left3A_217 : vector<256x128xi32> -> vector<256x128xf32>
    %bitcast_convert_type3A_219 = tpu.bitcast %get3A_213 : vector<256x128xf32> -> vector<256x128xi32>
    %and3A_220 = arith.constant -65536 : i32
    %and3A_221 = vector.broadcast %and3A_220 : i32 to vector<256x128xi32>
    %and3A_222 = arith.andi %bitcast_convert_type3A_219, %and3A_221 : vector<256x128xi32>
    %bitcast_convert_type3A_223 = tpu.bitcast %and3A_222 : vector<256x128xi32> -> vector<256x128xf32>
    %sub3A_224 = arith.subf %bitcast_convert_type3A_223, %sub3A_11 : vector<256x128xf32>
    %max3A_225 = arith.constant 0.000000e+00 : f32
    %max3A_226 = vector.broadcast %max3A_225 : f32 to vector<256x128xf32>
    %max3A_227 = arith.maximumf %sub3A_224, %max3A_226 : vector<256x128xf32>
    %mul3A_228 = arith.mulf %max3A_227, %bitcast_convert_type3A_218 : vector<256x128xf32>
    %dot_general3A_229 = arith.constant dense<0.000000e+00> : vector<256x128xf32>
    %dot_general3A_230 = tpu.matmul %mul3A_228, %get3A_17, %dot_general3A_229 {dimension_numbers = #tpu.dot_dimension_numbers<[1], [0], [0], [1], [0, 0, 1, 1], [], []>, transpose_lhs_hint = false} : vector<256x128xf32>, vector<128x128xf32>, vector<256x128xf32> -> vector<256x128xf32>
    %add3A_231 = vector.broadcast %get3A_14 : vector<1x128xf32> to vector<256x128xf32>
    %add3A_232 = arith.addf %dot_general3A_230, %add3A_231 : vector<256x128xf32>
    %max3A_233 = arith.constant 0.000000e+00 : f32
    %max3A_234 = vector.broadcast %max3A_233 : f32 to vector<256x128xf32>
    %max3A_235 = arith.maximumf %add3A_232, %max3A_234 : vector<256x128xf32>
    %add3A_236 = arith.addf %add3A_208, %max3A_235 : vector<256x128xf32>
    %transpose3A = tpu.transpose %add3A_236, [1, 0] : vector<256x128xf32> -> vector<128x256xf32>
    %slice3A = vector.extract_strided_slice %transpose3A {offsets = [0, 0], sizes = [64, 256], strides = [1, 1]} : vector<128x256xf32> to vector<64x256xf32>
    %get3A_237 = arith.constant 0 : index
    %get3A_238 = arith.constant 0 : index
    %get3A_239 = vector.load %arg6[%get3A_237, %get3A_238] : memref<256x512xf32, #tpu.memory_space<vmem>>, vector<256x512xf32>
    %dot_general3A_240 = arith.constant dense<0.000000e+00> : vector<64x512xf32>
    %dot_general3A_241 = tpu.matmul %slice3A, %get3A_239, %dot_general3A_240 {dimension_numbers = #tpu.dot_dimension_numbers<[1], [0], [0], [1], [0, 0, 1, 1], [], []>, transpose_lhs_hint = false} : vector<64x256xf32>, vector<256x512xf32>, vector<64x512xf32> -> vector<64x512xf32>
    %slice3A_242 = vector.extract_strided_slice %transpose3A {offsets = [64, 0], sizes = [64, 256], strides = [1, 1]} : vector<128x256xf32> to vector<64x256xf32>
    %get3A_243 = arith.constant 0 : index
    %get3A_244 = arith.constant 0 : index
    %get3A_245 = vector.load %arg7[%get3A_243, %get3A_244] : memref<256x512xf32, #tpu.memory_space<vmem>>, vector<256x512xf32>
    %dot_general3A_246 = arith.constant dense<0.000000e+00> : vector<64x512xf32>
    %dot_general3A_247 = tpu.matmul %slice3A_242, %get3A_245, %dot_general3A_246 {dimension_numbers = #tpu.dot_dimension_numbers<[1], [0], [0], [1], [0, 0, 1, 1], [], []>, transpose_lhs_hint = false} : vector<64x256xf32>, vector<256x512xf32>, vector<64x512xf32> -> vector<64x512xf32>
    %add3A_248 = arith.addf %dot_general3A_241, %dot_general3A_247 : vector<64x512xf32>
    %swap3A = arith.constant 0 : index
    %swap3A_249 = arith.constant 0 : index
    %swap3A_250 = vector.load %arg8[%swap3A, %swap3A_249] : memref<64x512xf32, #tpu.memory_space<vmem>>, vector<64x512xf32>
    tpu.vector_store %arg8[%swap3A, %swap3A_249], %add3A_248 {strides = array<i32>} : memref<64x512xf32, #tpu.memory_space<vmem>>, vector<64x512xf32>,
    return
  }
  func.func @transform_0(%arg0: i32) -> (i32, i32, i32) {
    %c0_i32 = arith.constant 0 : i32
    %c0_i32_0 = arith.constant 0 : i32
    %c0_i32_1 = arith.constant 0 : i32
    return %c0_i32, %arg0, %c0_i32_0 : i32, i32, i32
  }
  func.func @transform_1(%arg0: i32) -> (i32, i32) {
    %c0_i32 = arith.constant 0 : i32
    %c0_i32_0 = arith.constant 0 : i32
    return %arg0, %c0_i32 : i32, i32
  }
  func.func @transform_2(%arg0: i32) -> (i32, i32) {
    %c0_i32 = arith.constant 0 : i32
    %c0_i32_0 = arith.constant 0 : i32
    %c0_i32_1 = arith.constant 0 : i32
    return %c0_i32, %c0_i32_0 : i32, i32
  }
  func.func @transform_3(%arg0: i32) -> (i32, i32) {
    %c0_i32 = arith.constant 0 : i32
    %c0_i32_0 = arith.constant 0 : i32
    %c0_i32_1 = arith.constant 0 : i32
    return %c0_i32, %c0_i32_0 : i32, i32
  }
  func.func @transform_4(%arg0: i32) -> (i32, i32) {
    %c0_i32 = arith.constant 0 : i32
    %c0_i32_0 = arith.constant 0 : i32
    return %arg0, %c0_i32 : i32, i32
  }
  func.func @transform_5(%arg0: i32) -> (i32, i32) {
    %c0_i32 = arith.constant 0 : i32
    %c0_i32_0 = arith.constant 0 : i32
    %c0_i32_1 = arith.constant 0 : i32
    return %c0_i32, %c0_i32_0 : i32, i32
  }
  func.func @transform_6(%arg0: i32) -> (i32, i32) {
    %c0_i32 = arith.constant 0 : i32
    %c0_i32_0 = arith.constant 0 : i32
    %c0_i32_1 = arith.constant 0 : i32
    return %c0_i32, %c0_i32_0 : i32, i32
  }
  func.func @transform_7(%arg0: i32) -> (i32, i32) {
    %c0_i32 = arith.constant 0 : i32
    %c0_i32_0 = arith.constant 0 : i32
    return %c0_i32, %arg0 : i32, i32
  }
}

module attributes {stable_mosaic.version = 14 : i64} {
  func.func @body(%arg0: i32, %arg1: memref<128x1024xf32, #tpu.memory_space<vmem>>, %arg2: memref<64x1024xf32, #tpu.memory_space<vmem>>, %arg3: memref<64x1024xf32, #tpu.memory_space<vmem>>, %arg4: memref<3x1024xf32, #tpu.memory_space<vmem>>, %arg5: memref<64x128xf32, #tpu.memory_space<vmem>>, %arg6: memref<64x64xf32, #tpu.memory_space<vmem>>, %arg7: memref<64x64xf32, #tpu.memory_space<vmem>>, %arg8: memref<64x64xf32, #tpu.memory_space<vmem>>, %arg9: memref<64x3xf32, #tpu.memory_space<vmem>>, %arg10: memref<64x8xf32, #tpu.memory_space<vmem>>, %arg11: memref<1024x512xf32, #tpu.memory_space<vmem>>, %arg12: memref<1024x512xf32, #tpu.memory_space<vmem>>, %arg13: memref<512x128xf32, #tpu.memory_space<vmem>>) attributes {dimension_semantics = [#tpu.dimension_semantics<arbitrary>], iteration_bounds = array<i64: 10>, scalar_prefetch = 0 : i64, scratch_operands = 0 : i64, tpu.core_type = #tpu.core_type<tc>, window_params = [{transform_indices = @transform_0, window_bounds = array<i64: 128, 1024>}, {transform_indices = @transform_1, window_bounds = array<i64: 64, 1024>}, {transform_indices = @transform_2, window_bounds = array<i64: 64, 1024>}, {transform_indices = @transform_3, window_bounds = array<i64: 3, 1024>}, {pipeline_mode = #tpu.pipeline_mode<synchronous>, transform_indices = @transform_4, window_bounds = array<i64: 64, 128>}, {pipeline_mode = #tpu.pipeline_mode<synchronous>, transform_indices = @transform_5, window_bounds = array<i64: 64, 64>}, {pipeline_mode = #tpu.pipeline_mode<synchronous>, transform_indices = @transform_6, window_bounds = array<i64: 64, 64>}, {pipeline_mode = #tpu.pipeline_mode<synchronous>, transform_indices = @transform_7, window_bounds = array<i64: 64, 64>}, {pipeline_mode = #tpu.pipeline_mode<synchronous>, transform_indices = @transform_8, window_bounds = array<i64: 64, 3>}, {pipeline_mode = #tpu.pipeline_mode<synchronous>, transform_indices = @transform_9, window_bounds = array<i64: 64, 8>}, {pipeline_mode = #tpu.pipeline_mode<synchronous>, transform_indices = @transform_10, window_bounds = array<i64: 1024, 512>}, {pipeline_mode = #tpu.pipeline_mode<synchronous>, transform_indices = @transform_11, window_bounds = array<i64: 1024, 512>}, {transform_indices = @transform_12, window_bounds = array<i64: 512, 128>}]} {
    %get3A = arith.constant 0 : index
    %get3A_0 = arith.constant 0 : index
    %get3A_1 = vector.load %arg10[%get3A, %get3A_0] : memref<64x8xf32, #tpu.memory_space<vmem>>, vector<64x1xf32>
    %get3A_2 = arith.constant 0 : index
    %get3A_3 = arith.constant 0 : index
    %get3A_4 = vector.load %arg5[%get3A_2, %get3A_3] : memref<64x128xf32, #tpu.memory_space<vmem>>, vector<64x128xf32>
    %get3A_5 = arith.constant 0 : index
    %get3A_6 = arith.constant 0 : index
    %get3A_7 = vector.load %arg1[%get3A_5, %get3A_6] : memref<128x1024xf32, #tpu.memory_space<vmem>>, vector<128x1024xf32>
    %dot_general3A = arith.constant dense<0.000000e+00> : vector<64x1024xf32>
    %dot_general3A_8 = tpu.matmul %get3A_4, %get3A_7, %dot_general3A {dimension_numbers = #tpu.dot_dimension_numbers<[1], [0], [0], [1], [0, 0, 1, 1], [], []>, transpose_lhs_hint = false} : vector<64x128xf32>, vector<128x1024xf32>, vector<64x1024xf32> -> vector<64x1024xf32>
    %add3A = vector.broadcast %get3A_1 : vector<64x1xf32> to vector<64x1024xf32>
    %add3A_9 = arith.addf %add3A, %dot_general3A_8 : vector<64x1024xf32>
    %get3A_10 = arith.constant 0 : index
    %get3A_11 = arith.constant 0 : index
    %get3A_12 = vector.load %arg6[%get3A_10, %get3A_11] : memref<64x64xf32, #tpu.memory_space<vmem>>, vector<64x64xf32>
    %get3A_13 = arith.constant 0 : index
    %get3A_14 = arith.constant 0 : index
    %get3A_15 = vector.load %arg2[%get3A_13, %get3A_14] : memref<64x1024xf32, #tpu.memory_space<vmem>>, vector<64x1024xf32>
    %dot_general3A_16 = arith.constant dense<0.000000e+00> : vector<64x1024xf32>
    %dot_general3A_17 = tpu.matmul %get3A_12, %get3A_15, %dot_general3A_16 {dimension_numbers = #tpu.dot_dimension_numbers<[1], [0], [0], [1], [0, 0, 1, 1], [], []>, transpose_lhs_hint = false} : vector<64x64xf32>, vector<64x1024xf32>, vector<64x1024xf32> -> vector<64x1024xf32>
    %add3A_18 = arith.addf %add3A_9, %dot_general3A_17 : vector<64x1024xf32>
    %get3A_19 = arith.constant 0 : index
    %get3A_20 = arith.constant 0 : index
    %get3A_21 = vector.load %arg7[%get3A_19, %get3A_20] : memref<64x64xf32, #tpu.memory_space<vmem>>, vector<64x64xf32>
    %get3A_22 = arith.constant 0 : index
    %get3A_23 = arith.constant 0 : index
    %get3A_24 = vector.load %arg3[%get3A_22, %get3A_23] : memref<64x1024xf32, #tpu.memory_space<vmem>>, vector<64x1024xf32>
    %dot_general3A_25 = arith.constant dense<0.000000e+00> : vector<64x1024xf32>
    %dot_general3A_26 = tpu.matmul %get3A_21, %get3A_24, %dot_general3A_25 {dimension_numbers = #tpu.dot_dimension_numbers<[1], [0], [0], [1], [0, 0, 1, 1], [], []>, transpose_lhs_hint = false} : vector<64x64xf32>, vector<64x1024xf32>, vector<64x1024xf32> -> vector<64x1024xf32>
    %add3A_27 = arith.addf %add3A_18, %dot_general3A_26 : vector<64x1024xf32>
    %max3A = arith.constant 0.000000e+00 : f32
    %max3A_28 = vector.broadcast %max3A : f32 to vector<64x1024xf32>
    %max3A_29 = arith.maximumf %add3A_27, %max3A_28 : vector<64x1024xf32>
    %get3A_30 = arith.constant 0 : index
    %get3A_31 = arith.constant 0 : index
    %get3A_32 = vector.load %arg8[%get3A_30, %get3A_31] : memref<64x64xf32, #tpu.memory_space<vmem>>, vector<64x64xf32>
    %dot_general3A_33 = arith.constant dense<0.000000e+00> : vector<64x1024xf32>
    %dot_general3A_34 = tpu.matmul %get3A_32, %max3A_29, %dot_general3A_33 {dimension_numbers = #tpu.dot_dimension_numbers<[1], [0], [0], [1], [0, 0, 1, 1], [], []>, transpose_lhs_hint = false} : vector<64x64xf32>, vector<64x1024xf32>, vector<64x1024xf32> -> vector<64x1024xf32>
    %get3A_35 = arith.constant 0 : index
    %get3A_36 = arith.constant 1 : index
    %get3A_37 = vector.load %arg10[%get3A_35, %get3A_36] : memref<64x8xf32, #tpu.memory_space<vmem>>, vector<64x1xf32>
    %add3A_38 = vector.broadcast %get3A_37 : vector<64x1xf32> to vector<64x1024xf32>
    %add3A_39 = arith.addf %dot_general3A_34, %add3A_38 : vector<64x1024xf32>
    %max3A_40 = arith.constant 0.000000e+00 : f32
    %max3A_41 = vector.broadcast %max3A_40 : f32 to vector<64x1024xf32>
    %max3A_42 = arith.maximumf %add3A_39, %max3A_41 : vector<64x1024xf32>
    %get3A_43 = arith.constant 0 : index
    %get3A_44 = arith.constant 0 : index
    %get3A_45 = vector.load %arg9[%get3A_43, %get3A_44] : memref<64x3xf32, #tpu.memory_space<vmem>>, vector<64x3xf32>
    %get3A_46 = arith.constant 0 : index
    %get3A_47 = arith.constant 0 : index
    %get3A_48 = vector.load %arg4[%get3A_46, %get3A_47] : memref<3x1024xf32, #tpu.memory_space<vmem>>, vector<3x1024xf32>
    %dot_general3A_49 = arith.constant dense<0.000000e+00> : vector<64x1024xf32>
    %dot_general3A_50 = tpu.matmul %get3A_45, %get3A_48, %dot_general3A_49 {dimension_numbers = #tpu.dot_dimension_numbers<[1], [0], [0], [1], [0, 0, 1, 1], [], []>, transpose_lhs_hint = false} : vector<64x3xf32>, vector<3x1024xf32>, vector<64x1024xf32> -> vector<64x1024xf32>
    %get3A_51 = arith.constant 0 : index
    %get3A_52 = arith.constant 0 : index
    %get3A_53 = vector.load %arg11[%get3A_51, %get3A_52] : memref<1024x512xf32, #tpu.memory_space<vmem>>, vector<1024x512xf32>
    %get3A_54 = arith.constant 0 : index
    %get3A_55 = arith.constant 0 : index
    %get3A_56 = vector.load %arg12[%get3A_54, %get3A_55] : memref<1024x512xf32, #tpu.memory_space<vmem>>, vector<1024x512xf32>
    %dot_general3A_57 = arith.constant dense<0.000000e+00> : vector<64x512xf32>
    %dot_general3A_58 = tpu.matmul %max3A_42, %get3A_53, %dot_general3A_57 {dimension_numbers = #tpu.dot_dimension_numbers<[1], [0], [0], [1], [0, 0, 1, 1], [], []>, transpose_lhs_hint = false} : vector<64x1024xf32>, vector<1024x512xf32>, vector<64x512xf32> -> vector<64x512xf32>
    %transpose3A = tpu.transpose %dot_general3A_58, [1, 0] : vector<64x512xf32> -> vector<512x64xf32>
    %dot_general3A_59 = arith.constant dense<0.000000e+00> : vector<64x512xf32>
    %dot_general3A_60 = tpu.matmul %max3A_42, %get3A_56, %dot_general3A_59 {dimension_numbers = #tpu.dot_dimension_numbers<[1], [0], [0], [1], [0, 0, 1, 1], [], []>, transpose_lhs_hint = false} : vector<64x1024xf32>, vector<1024x512xf32>, vector<64x512xf32> -> vector<64x512xf32>
    %transpose3A_61 = tpu.transpose %dot_general3A_60, [1, 0] : vector<64x512xf32> -> vector<512x64xf32>
    %dot_general3A_62 = arith.constant dense<0.000000e+00> : vector<64x512xf32>
    %dot_general3A_63 = tpu.matmul %dot_general3A_50, %get3A_53, %dot_general3A_62 {dimension_numbers = #tpu.dot_dimension_numbers<[1], [0], [0], [1], [0, 0, 1, 1], [], []>, transpose_lhs_hint = false} : vector<64x1024xf32>, vector<1024x512xf32>, vector<64x512xf32> -> vector<64x512xf32>
    %transpose3A_64 = tpu.transpose %dot_general3A_63, [1, 0] : vector<64x512xf32> -> vector<512x64xf32>
    %dot_general3A_65 = arith.constant dense<0.000000e+00> : vector<64x512xf32>
    %dot_general3A_66 = tpu.matmul %dot_general3A_50, %get3A_56, %dot_general3A_65 {dimension_numbers = #tpu.dot_dimension_numbers<[1], [0], [0], [1], [0, 0, 1, 1], [], []>, transpose_lhs_hint = false} : vector<64x1024xf32>, vector<1024x512xf32>, vector<64x512xf32> -> vector<64x512xf32>
    %transpose3A_67 = tpu.transpose %dot_general3A_66, [1, 0] : vector<64x512xf32> -> vector<512x64xf32>
    %convert_element_type3A = arith.truncf %transpose3A : vector<512x64xf32> to vector<512x64xbf16>
    %bitcast_convert_type3A = tpu.bitcast %convert_element_type3A : vector<512x64xbf16> -> vector<512x64xi16>
    %convert_element_type3A_68 = arith.extui %bitcast_convert_type3A : vector<512x64xi16> to vector<512x64xi32>
    %convert_element_type3A_69 = arith.truncf %transpose3A_64 : vector<512x64xf32> to vector<512x64xbf16>
    %bitcast_convert_type3A_70 = tpu.bitcast %convert_element_type3A_69 : vector<512x64xbf16> -> vector<512x64xi16>
    %convert_element_type3A_71 = arith.extui %bitcast_convert_type3A_70 : vector<512x64xi16> to vector<512x64xi32>
    %shift_left3A = arith.constant 16 : i32
    %shift_left3A_72 = vector.broadcast %shift_left3A : i32 to vector<512x64xi32>
    %shift_left3A_73 = arith.shli %convert_element_type3A_71, %shift_left3A_72 : vector<512x64xi32>
    %or3A = arith.ori %convert_element_type3A_68, %shift_left3A_73 : vector<512x64xi32>
    %bitcast_convert_type3A_74 = tpu.bitcast %or3A : vector<512x64xi32> -> vector<512x64xf32>
    %convert_element_type3A_75 = arith.truncf %transpose3A_61 : vector<512x64xf32> to vector<512x64xbf16>
    %bitcast_convert_type3A_76 = tpu.bitcast %convert_element_type3A_75 : vector<512x64xbf16> -> vector<512x64xi16>
    %convert_element_type3A_77 = arith.extui %bitcast_convert_type3A_76 : vector<512x64xi16> to vector<512x64xi32>
    %convert_element_type3A_78 = arith.truncf %transpose3A_67 : vector<512x64xf32> to vector<512x64xbf16>
    %bitcast_convert_type3A_79 = tpu.bitcast %convert_element_type3A_78 : vector<512x64xbf16> -> vector<512x64xi16>
    %convert_element_type3A_80 = arith.extui %bitcast_convert_type3A_79 : vector<512x64xi16> to vector<512x64xi32>
    %shift_left3A_81 = arith.constant 16 : i32
    %shift_left3A_82 = vector.broadcast %shift_left3A_81 : i32 to vector<512x64xi32>
    %shift_left3A_83 = arith.shli %convert_element_type3A_80, %shift_left3A_82 : vector<512x64xi32>
    %or3A_84 = arith.ori %convert_element_type3A_77, %shift_left3A_83 : vector<512x64xi32>
    %bitcast_convert_type3A_85 = tpu.bitcast %or3A_84 : vector<512x64xi32> -> vector<512x64xf32>
    %concatenate3A = tpu.concatenate %bitcast_convert_type3A_74, %bitcast_convert_type3A_85 in 1 : vector<512x64xf32>, vector<512x64xf32> -> vector<512x128xf32>
    %swap3A = arith.constant 0 : index
    %swap3A_86 = arith.constant 0 : index
    %swap3A_87 = vector.load %arg13[%swap3A, %swap3A_86] : memref<512x128xf32, #tpu.memory_space<vmem>>, vector<512x128xf32>
    tpu.vector_store %arg13[%swap3A, %swap3A_86], %concatenate3A {strides = array<i32>} : memref<512x128xf32, #tpu.memory_space<vmem>>, vector<512x128xf32>,
    return
  }
  func.func @transform_0(%arg0: i32) -> (i32, i32) {
    %c0_i32 = arith.constant 0 : i32
    %c0_i32_0 = arith.constant 0 : i32
    return %c0_i32, %arg0 : i32, i32
  }
  func.func @transform_1(%arg0: i32) -> (i32, i32) {
    %c0_i32 = arith.constant 0 : i32
    %c0_i32_0 = arith.constant 0 : i32
    return %c0_i32, %arg0 : i32, i32
  }
  func.func @transform_2(%arg0: i32) -> (i32, i32) {
    %c0_i32 = arith.constant 0 : i32
    %c0_i32_0 = arith.constant 0 : i32
    return %c0_i32, %arg0 : i32, i32
  }
  func.func @transform_3(%arg0: i32) -> (i32, i32) {
    %c0_i32 = arith.constant 0 : i32
    %c0_i32_0 = arith.constant 0 : i32
    return %c0_i32, %arg0 : i32, i32
  }
  func.func @transform_4(%arg0: i32) -> (i32, i32) {
    %c0_i32 = arith.constant 0 : i32
    %c0_i32_0 = arith.constant 0 : i32
    %c0_i32_1 = arith.constant 0 : i32
    return %c0_i32, %c0_i32_0 : i32, i32
  }
  func.func @transform_5(%arg0: i32) -> (i32, i32) {
    %c0_i32 = arith.constant 0 : i32
    %c0_i32_0 = arith.constant 0 : i32
    %c0_i32_1 = arith.constant 0 : i32
    return %c0_i32, %c0_i32_0 : i32, i32
  }
  func.func @transform_6(%arg0: i32) -> (i32, i32) {
    %c0_i32 = arith.constant 0 : i32
    %c0_i32_0 = arith.constant 0 : i32
    %c0_i32_1 = arith.constant 0 : i32
    return %c0_i32, %c0_i32_0 : i32, i32
  }
  func.func @transform_7(%arg0: i32) -> (i32, i32) {
    %c0_i32 = arith.constant 0 : i32
    %c0_i32_0 = arith.constant 0 : i32
    %c0_i32_1 = arith.constant 0 : i32
    return %c0_i32, %c0_i32_0 : i32, i32
  }
  func.func @transform_8(%arg0: i32) -> (i32, i32) {
    %c0_i32 = arith.constant 0 : i32
    %c0_i32_0 = arith.constant 0 : i32
    %c0_i32_1 = arith.constant 0 : i32
    return %c0_i32, %c0_i32_0 : i32, i32
  }
  func.func @transform_9(%arg0: i32) -> (i32, i32) {
    %c0_i32 = arith.constant 0 : i32
    %c0_i32_0 = arith.constant 0 : i32
    %c0_i32_1 = arith.constant 0 : i32
    return %c0_i32, %c0_i32_0 : i32, i32
  }
  func.func @transform_10(%arg0: i32) -> (i32, i32) {
    %c0_i32 = arith.constant 0 : i32
    %c0_i32_0 = arith.constant 0 : i32
    %c0_i32_1 = arith.constant 0 : i32
    return %c0_i32, %c0_i32_0 : i32, i32
  }
  func.func @transform_11(%arg0: i32) -> (i32, i32) {
    %c0_i32 = arith.constant 0 : i32
    %c0_i32_0 = arith.constant 0 : i32
    %c0_i32_1 = arith.constant 0 : i32
    return %c0_i32, %c0_i32_0 : i32, i32
  }
  func.func @transform_12(%arg0: i32) -> (i32, i32) {
    %c0_i32 = arith.constant 0 : i32
    %c0_i32_0 = arith.constant 0 : i32
    return %arg0, %c0_i32 : i32, i32
  }
}

</mosaic_0001>

<sc_bundles>
// kernel: kernel.17.cloned.1.call-start
scs
__scs_entry_jumppad:
0x0: {  	(pc) =	sbr.rel $0x88, $3  }
0x1: {  	(tag) =	ssettag $0x0;
	lr =	simm.s32 $0x1  }
0x2: {  	[smem:$0x3F6E] =	sst lr;
	_ =	strace $0xD0000000  }
0x3: {  	_ = 	snop  }
0x4: {  	_ = 	snop  }
0x5: {  	_ = 	snop  }
0x6: {  	_ = 	snop  }
0x7: {  	_ = 	snop  }
__scs_overlays_trampoline_lowered:
0x8: {  	[smem:$0x3F7D] =	sst s0  }
0x9: {  	[smem:$0x3F7E] =	sst s1  }
0xa: {  	[smem:$0x3F7F] =	sst s2  }
0xb: {  	[smem:$0x3F80] =	sst s3  }
0xc: {  	[smem:$0x3F81] =	sst s4  }
0xd: {  	[smem:$0x3F82] =	sst s5  }
0xe: {  	[smem:$0x3F83] =	sst s6  }
0xf: {  	[smem:$0x3F84] =	sst s7  }
0x10: {  	[smem:$0x3F85] =	sst s8  }
0x11: {  	[smem:$0x3F86] =	sst s9;
	s0 =	simm.s32 @!p0 $0x0  }
0x12: {  	s1 =	sld [smem:$0x3F6C];
	s0 =	simm.s32 @p0 $0x1  }
0x13: {  	[smem:$0x3F87] =	sst s0;
	s0 =	simm.s32 @!p1 $0x0  }
0x14: {  	s2 =	sld [smem:$0x3F6B];
	s0 =	simm.s32 @p1 $0x1  }
0x15: {  	[smem:$0x3F88] =	sst s0;
	s0 =	simm.s32 @!p2 $0x0  }
0x16: {  	s3 =	sld [smem:$0x3FDB];
	s0 =	simm.s32 @p2 $0x1  }
0x17: {  	s4 =	simm.s32 $0x1BF5;
	[smem:$0x3F8A] =	sst s0  }
0x18: {  	s0 =	sld [smem:$0x3F6D];
	_ =	swait.ge [sflag:s4], $0x0  }
0x19: {  	s7 =	sld [smem:$0x3F6E]  }
0x1a: {  	s8 =	sadd.s32 $0xFFFFE003, lr  }
0x1b: {  	s9 =	sadd.s32 $0xFFFFFEF7, lr;
	s5 =	simm.s32 $0xFFFFFFFF;
	p2 =	slt.u32 s8, $0xFFFFF086  }
0x1c: {  	p1 =	slt.u32 s9, $0xF7A;
	s5 =	simm.s32 @!p2 $0x0  }
0x1d: {  	s5 =	simm.s32 @p1 $0x1;
	p0 =	seq.s32 s7, s2  }
0x1e: {  	s7 =	smul.u32 @!p0 $0xF7A, s2;
	p2 =	seq.s32 @!p0 s5, $0x0  }
0x1f: {  	s9 =	smul.u32 $0xF7A, s1;
	s8 =	simm.s32 @!p0 $0x1BF5;
	p2 =	por !p2, p0  }
0x20: {  	[sflag:s8] =	ssyncset.s32 @!p0 $0xFFFFF086;
	s6 =	sadd.s32 @!p0 s3, s7;
	s7 =	simm.s32 @!p0 $0x108  }
0x21: {  	s3 =	sadd.s32 s3, s9;
	s6 =	sadd.s32 @!p0 $0x88, s6;
	s7 =	simm.s32 @p2 $0x1082  }
0x22: {  	[simem:s7], [sflag:s8] =	dma.local @!p0 [hbm:s6], $0xF7A  }
0x23: {  	s9 =	sor.u32 $0xD0000000, s2;
	s6 =	simm.s32 $0x108;
	_ =	swait.ge @!p0 [sflag:s8], $0x0  }
0x24: {  	s3 =	sadd.s32 $0x88, s3;
	s6 =	simm.s32 @!p1 $0x1082;
	[sflag:s4] =	ssyncset.s32 $0xFFFFF086  }
0x25: {  	[simem:s6], [sflag:s4] =	dma.local [hbm:s3], $0xF7A  }
0x26: {  	[smem:$0x3F6E] =	sst s1;
	(tag) =	ssettag s2;
	_ =	strace s9  }
0x27: {  	s1 =	sld [smem:$0x3F7E]  }
0x28: {  	s2 =	sld [smem:$0x3F7F]  }
0x29: {  	s4 =	sld [smem:$0x3F81]  }
0x2a: {  	p0 =	seq.s32 s5, $0x0;
	s5 =	sld [smem:$0x3F82]  }
0x2b: {  	s6 =	sld [smem:$0x3F83]  }
0x2c: {  	s7 =	sld [smem:$0x3F84]  }
0x2d: {  	s3 =	simm.s32 $0x108;
	s8 =	sld [smem:$0x3F85]  }
0x2e: {  	s3 =	simm.s32 @!p0 $0x1082;
	s9 =	sld [smem:$0x3F86]  }
0x2f: {  	lr =	sadd.s32 s0, s3;
	s0 =	sld [smem:$0x3F7D]  }
0x30: {  	s3 =	sld [smem:$0x3F80]  }
0x31: {  	[smem:$0x3F89] =	sst s10  }
0x32: {  	s10 =	sld [smem:$0x3F87];
	_ =	sdelay $0x3  }
0x33: {  	p0 =	seq.s32 s10, $0x1;
	s10 =	sld [smem:$0x3F89];
	_ =	sdelay $0x3  }
0x34: {  	[smem:$0x3F89] =	sst s10  }
0x35: {  	s10 =	sld [smem:$0x3F88];
	_ =	sdelay $0x3  }
0x36: {  	p1 =	seq.s32 s10, $0x1;
	s10 =	sld [smem:$0x3F89];
	_ =	sdelay $0x3  }
0x37: {  	[smem:$0x3F89] =	sst s10  }
0x38: {  	s10 =	sld [smem:$0x3F8A]  }
0x39: {  	_ = 	snop;
	(pc) =	sbr.ind lr, $3  }
0x3a: {  	_ = 	snop  }
0x3b: {  	_ = 	snop  }
0x3c: {  	p2 =	seq.s32 s10, $0x1;
	s10 =	sld [smem:$0x3F89]  }
0x3d: {  	_ =	shalt  }
0x3e: {  	_ =	shalt  }
0x3f: {  	_ =	shalt  }
0x40: {  	_ =	shalt  }
0x41: {  	_ =	shalt  }
0x42: {  	_ =	shalt  }
0x43: {  	_ =	shalt  }
0x44: {  	_ =	shalt  }
0x45: {  	_ =	shalt  }
0x46: {  	_ =	shalt  }
0x47: {  	_ =	shalt  }
0x48: {  	_ =	shalt  }
0x49: {  	_ =	shalt  }
0x4a: {  	_ =	shalt  }
0x4b: {  	_ =	shalt  }
0x4c: {  	_ =	shalt  }
0x4d: {  	_ =	shalt  }
0x4e: {  	_ =	shalt  }
0x4f: {  	_ =	shalt  }
0x50: {  	_ =	shalt  }
0x51: {  	_ =	shalt  }
0x52: {  	_ =	shalt  }
0x53: {  	_ =	shalt  }
0x54: {  	_ =	shalt  }
0x55: {  	_ =	shalt  }
0x56: {  	_ =	shalt  }
0x57: {  	_ =	shalt  }
0x58: {  	_ =	shalt  }
0x59: {  	_ =	shalt  }
0x5a: {  	_ =	shalt  }
0x5b: {  	_ =	shalt  }
0x5c: {  	_ =	shalt  }
0x5d: {  	_ =	shalt  }
0x5e: {  	_ =	shalt  }
0x5f: {  	_ =	shalt  }
0x60: {  	_ =	shalt  }
0x61: {  	_ =	shalt  }
0x62: {  	_ =	shalt  }
0x63: {  	_ =	shalt  }
0x64: {  	_ =	shalt  }
0x65: {  	_ =	shalt  }
0x66: {  	_ =	shalt  }
0x67: {  	_ =	shalt  }
0x68: {  	_ =	shalt  }
0x69: {  	_ =	shalt  }
0x6a: {  	_ =	shalt  }
0x6b: {  	_ =	shalt  }
0x6c: {  	_ =	shalt  }
0x6d: {  	_ =	shalt  }
0x6e: {  	_ =	shalt  }
0x6f: {  	_ =	shalt  }
0x70: {  	_ =	shalt  }
0x71: {  	_ =	shalt  }
0x72: {  	_ =	shalt  }
0x73: {  	_ =	shalt  }
0x74: {  	_ =	shalt  }
0x75: {  	_ =	shalt  }
0x76: {  	_ =	shalt  }
0x77: {  	_ =	shalt  }
0x78: {  	_ =	shalt  }
0x79: {  	_ =	shalt  }
0x7a: {  	_ =	shalt  }
0x7b: {  	_ =	shalt  }
0x7c: {  	_ =	shalt  }
0x7d: {  	_ =	shalt  }
0x7e: {  	_ =	shalt  }
0x7f: {  	_ =	shalt  }
0x80: {  	_ =	shalt  }
0x81: {  	_ =	shalt  }
0x82: {  	_ =	shalt  }
0x83: {  	_ =	shalt  }
0x84: {  	_ =	shalt  }
0x85: {  	_ =	shalt  }
0x86: {  	_ =	shalt  }
0x87: {  	_ =	shalt  }
.Lfunc_end0:
.L_simem_size_0:
called_computation_lowered:
.L_overlay_start_0:
0x88: {  	s2 =	sld [smem:$0x3FD9]  }
0x89: {  	s3 =	sld [smem:$0x3FFE];
	_ =	sdelay $0x1  }
0x8a: {  	s1 =	srdreg.scid  }
0x8b: {  	s0 =	sand.u32 $0x1, s1  }
0x8c: {  	s16 =	sshll.u32 s0, $0xA;
	s2 =	sadd.s32 s3, s2  }
0x8d: {  	s2 =	sadd.s32 s2, s16  }
0x8e: {  	[smem:$0x3F95] =	sst s2  }
0x8f: {  	_ = 	snop  }
0x90: {  	(tm) =	ssettm $0x1  }
0x91: {  	s17 =	sld [smem:$0x3FFB];
	_ =	sdelay $0x3  }
0x92: {  	_ =	strace s17  }
0x93: {  	s2 =	sld [smem:$0x3FFC];
	_ =	sdelay $0x3  }
0x94: {  	_ =	strace s2  }
0x95: {  	s2 =	sld [smem:$0x3FFD];
	_ =	sdelay $0x3  }
0x96: {  	_ =	strace s2  }
0x97: {  	_ =	strace $0x8FFFFFFF  }
0x98: {  	s18 =	sld [smem:$0x3FDB];
	_ =	sdelay $0x1  }
0x99: {  	s19 =	simm.s32 $_scs_section_size  }
0x9a: {  	s4 =	simm.s32 $_size__tile_overlayer_lowered;
	s5 =	simm.s32 $_tile_overlayer_lowered  }
0x9b: {  	s22 =	simm.s32 $0x1BFF;
	s21 =	sshll.u32 s5, $0x1;
	s2 =	sadd.s32 s19, s18  }
0x9c: {  	s6 =	simm.s32 $0x0;
	s20 =	sshll.u32 s4, $0x1;
	s4 =	sadd.s32 s21, s2  }
0x9d: {  	[timem:s6], [sflag:s22] =	dma.local [hbm:s4], s20  }
0x9e: {  	_ =	swait.ge [sflag:s22], s20  }
0x9f: {  	s3 =	ssub.s32 $0x0, s20;
	[sflag:s22] =	ssyncset.done $0x0  }
0xa0: {  	[sflag:s22] =	ssyncadd.s32 s3;
	_ =	sdelay $0x1  }
0xa1: {  	s23 =	simm.s32 $0x1B8B  }
0xa2: {  	_ =	swait.ge [sflag:s23], $0x1  }
0xa3: {  	[sflag:s23] =	ssyncset.done $0x0  }
0xa4: {  	s25 =	simm.s32 $0x1B8E;
	s24 =	sld [smem:$0x3FFE];
	[sflag:s23] =	ssyncadd.s32 $0xFFFFFFFF  }
0xa5: {  	s26 =	simm.s32 $execute0_lowered;
	[smem:$0x3FD2] =	sst s25  }
0xa6: {  	s4 =	sshll.u32 s26, $0x1;
	_ =	strace $0x80000046;
	[dreg:$0x1] =	wrdreg $0xFFFFFFFF  }
0xa7: {  	s28 =	simm.s32 $_size_execute0_lowered;
	s2 =	sadd.s32 s2, s4;
	[dreg:$0x0] =	wrdreg $0x0  }
0xa8: {  	s4 =	sshll.u32 s28, $0x1;
	[dreg:$0x2] =	wrdreg s2  }
0xa9: {  	[dreg:$0x3] =	wrdreg s4  }
0xaa: {  	[dreg:$0x4] =	wrdreg $0xC0  }
0xab: {  	_ =	task [dreg:s6], $0x5FFFF  }
0xac: {  	[dreg:$0x1] =	wrdreg $0xFFFFFFFF  }
0xad: {  	[dreg:$0x0] =	wrdreg $0x60  }
0xae: {  	[dreg:$0x2] =	wrdreg s24  }
0xaf: {  	[dreg:$0x3] =	wrdreg $0x10A000  }
0xb0: {  	[dreg:$0x4] =	wrdreg $0x9  }
0xb1: {  	_ =	task.clear_ibuf [dreg:s6], $0x5FFFF;
	_ =	strace $0x90000046  }
0xb2: {  	s29 =	simm.s32 $0x9;
	_ =	strace $0x80000048  }
0xb3: {  	_ =	swait.ge [sflag:s29], $0x1  }
0xb4: {  	[sflag:s29] =	ssyncadd.s32 $0xFFFFFFFF  }
0xb5: {  	_ =	strace $0x90000048  }
0xb6: {  	_ =	sfence  }
0xb7: {  	s30 =	sld [smem:$0x0];
	_ =	sdelay $0x2  }
0xb8: {  	s31 =	sshll.u32 s1, $0xD;
	s1 =	sshrl.u32 s1, $0x2  }
0xb9: {  	s3 =	sand.u32 $0x4000, s31;
	s1 =	sadd.s32 s1, s30  }
0xba: {  	s0 =	sor.u32 s3, s0;
	s1 =	sshll.u32 s1, $0x11  }
0xbb: {  	s0 =	sor.u32 s1, s0  }
0xbc: {  	s0 =	sadd.s32 $0x8F2B, s0  }
0xbd: {  	[sflag:s0] =	ssyncadd.remote.s32 $0x1  }
0xbe: {  	_ =	sfence.sel $0xFFFF  }
0xbf: {  	[dreg:$0x0] =	wrdreg $0xFFFFFFFF;
	(pc) =	sbr.abs _section_cstart, $3  }
0xc0: {  	[dreg:$0x1] =	wrdreg $0xFFFFFFFF  }
0xc1: {  	_ =	task.clear_ibuf [dreg:s6], $0x2FFFF;
	_ =	strace $0x9FFFFFFF  }
0xc2: {  	(tm) =	ssettm $0x7FFFFFFF  }
0xc3: {  	_ =	shalt  }
tec
execute0_lowered:
.L_overlay_start_1:
0x0: {  	(tag) =	ssettag $0x1  }
0x1: {  	s0 =	stileid.u32;
	s4 =	rddreg [dreg:$0x0]  }
0x2: {  	s1 =	srdreg.scid;
	s2 =	rddreg [dreg:$0x1]  }
0x3: {  	s21 =	simm.s32 $0x100;
	s1 =	sand.u32 $0x1, s1;
	s3 =	sshll.u32 s0, $0x1  }
0x4: {  	s5 =	smul.u32 $0xA000, s0;
	s17 =	sshll.u32 s0, $0x6;
	s6 =	sor.u32 s1, s3  }
0x5: {  	s3 =	simm.s32 $0x0;
	s18 =	sor.u32 $0x1C05, s17;
	s7 =	smul.u32 $0x140, s6  }
0x6: {  	[smem:$0x7FF] =	sst s3;
	s8 =	sshrl.u32 s5, $0x3;
	s6 =	smul.u32 $0x5000, s6  }
0x7: {  	s5 =	sadd.s32 s5, s2;
	_ =	strace $0x80000047;
	[dreg:$0x9] =	wrdreg s18  }
0x8: {  	s8 =	sadd.s32 s8, s4;
	s19 =	sshrl.u32 s5, $0x3;
	[dreg:$0xb] =	wrdreg s21  }
0x9: {  	s9 =	sadd.s32 $0x20600, s4;
	s13 =	sadd.s32 $0xC600, s8;
	[dreg:$0xa] =	wrdreg s19  }
0xa: {  	s7 =	sadd.s32 s7, s4;
	s14 =	sadd.s32 s9, s6;
	[dreg:$0x4] =	wrdreg s13  }
0xb: {  	s4 =	sadd.s32 $0x21600, s4;
	s7 =	sadd.s32 $0x9E00, s7;
	[dreg:$0x5] =	wrdreg s14  }
0xc: {  	s15 =	sadd.s32 s6, s4;
	s6 =	sadd.s32 $0x2000, s6;
	[dreg:$0x3] =	wrdreg s7  }
0xd: {  	[dreg:$0x6] =	wrdreg s15;
	s16 =	sadd.s32 s9, s6  }
0xe: {  	s4 =	sadd.s32 s6, s4;
	[dreg:$0x7] =	wrdreg s16  }
0xf: {  	[dreg:$0x8] =	wrdreg s4  }
0x10: {  	s20 =	rddreg [dreg:$0x3];
	s4 =	simm.s32 $0x5  }
0x11: {  	[tilespmem:s3], [sflag:$0x5] =	stream.linear.gather [hbm4b:s20+s3], $0xA00, $0x38;
	[tilespmem:$0x1AA00] =	vst v63  }
0x12: {  	_ =	swait.ge [sflag:s4], $0xA00  }
0x13: {  	s22 =	rddreg [dreg:$0xa]  }
0x14: {  	s23 =	rddreg [dreg:$0x4];
	[sflag:s4] =	ssyncset.done $0x0  }
0x15: {  	s24 =	rddreg [dreg:$0x9];
	[sflag:s4] =	ssyncadd.s32 $0xFFFFF600  }
0x16: {  	[spmem:s22], [sflag:s24] =	dma.local [hbm:s23], $0x1400  }
0x17: {  	_ =	swait.ge [sflag:s4], $0x1400  }
0x18: {  	[sflag:s4] =	ssyncset.done $0x0  }
0x19: {  	[sflag:s4] =	ssyncadd.s32 $0xFFFFEC00  }
0x1a: {  	s5 =	simm.s32 $0x80;
	s6 =	simm.s32 $0xA00;
	[bflag:$0x0] =	sbarrier.arrive $0xFFFF  }
0x1b: {  	[tilespmem:s6], [sflag:$0x1] =	stream.indirect.gather [spmem:s2], $0x40, s3, s5, $0xb8;
	[tilespmem:$0x1AA00] =	vst v63  }
0x1c: {  	s7 =	simm.s32 $0x2A00  }
0x1d: {  	[tilespmem:s7], [sflag:$0x1] =	stream.indirect.gather [spmem:s2], $0x40, s5, s5, $0xb8;
	[tilespmem:$0x1AA00] =	vst v63  }
0x1e: {  	s8 =	simm.s32 $0x4A00;
	s25 =	rddreg [dreg:$0xb]  }
0x1f: {  	[tilespmem:s8], [sflag:$0x1] =	stream.indirect.gather [spmem:s2], $0x40, s25, s5, $0xb8;
	[tilespmem:$0x1AA00] =	vst v63  }
0x20: {  	s26 =	simm.s32 $0x180;
	s10 =	simm.s32 $0x6A00  }
0x21: {  	[tilespmem:s10], [sflag:$0x1] =	stream.indirect.gather [spmem:s2], $0x40, s26, s5, $0xb8;
	[tilespmem:$0x1AA00] =	vst v63  }
0x22: {  	s12 =	simm.s32 $0x8A00;
	s9 =	simm.s32 $0x200  }
0x23: {  	[tilespmem:s12], [sflag:$0x2] =	stream.indirect.gather [spmem:s2], $0x40, s9, s5, $0xb8;
	[tilespmem:$0x1AA00] =	vst v63  }
0x24: {  	s13 =	simm.s32 $0x280;
	s14 =	simm.s32 $0xAA00  }
0x25: {  	[tilespmem:s14], [sflag:$0x2] =	stream.indirect.gather [spmem:s2], $0x40, s13, s5, $0xb8;
	[tilespmem:$0x1AA00] =	vst v63  }
0x26: {  	s15 =	simm.s32 $0x300;
	s16 =	simm.s32 $0xCA00  }
0x27: {  	[tilespmem:s16], [sflag:$0x2] =	stream.indirect.gather [spmem:s2], $0x40, s15, s5, $0xb8;
	[tilespmem:$0x1AA00] =	vst v63  }
0x28: {  	s17 =	simm.s32 $0x380;
	s18 =	simm.s32 $0xEA00;
	s19 =	simm.s32 $0x1  }
0x29: {  	[tilespmem:s18], [sflag:$0x2] =	stream.indirect.gather [spmem:s2], $0x40, s17, s5, $0xb8;
	[tilespmem:$0x1AA00] =	vst v63  }
0x2a: {  	_ =	swait.ge [sflag:s19], $0x2000  }
0x2b: {  	[sflag:s19] =	ssyncset.done $0x0  }
0x2c: {  	[sflag:s19] =	ssyncadd.s32 $0xFFFFE000  }
0x2d: {  	_ =	swait.ge [sflag:s19], $0x2000  }
0x2e: {  	[sflag:s19] =	ssyncset.done $0x0  }
0x2f: {  	[sflag:s19] =	ssyncadd.s32 $0xFFFFE000  }
0x30: {  	_ =	swait.ge [sflag:s19], $0x2000  }
0x31: {  	[sflag:s19] =	ssyncset.done $0x0  }
0x32: {  	[sflag:s19] =	ssyncadd.s32 $0xFFFFE000  }
0x33: {  	_ =	swait.ge [sflag:s19], $0x2000  }
0x34: {  	[sflag:s19] =	ssyncset.done $0x0  }
0x35: {  	s20 =	simm.s32 $0x2;
	s21 =	rddreg [dreg:$0x5];
	[sflag:s19] =	ssyncadd.s32 $0xFFFFE000  }
0x36: {  	[hbm4b:s21+s3] =	stream.linear.scatter [tilespmem:s6], [sflag:$0x3], $0x8000, $0x38;
	[tilespmem:$0x1AA00] =	vst v63  }
0x37: {  	_ =	swait.ge [sflag:s20], $0x2000  }
0x38: {  	[sflag:s20] =	ssyncset.done $0x0  }
0x39: {  	[sflag:s20] =	ssyncadd.s32 $0xFFFFE000  }
0x3a: {  	_ =	swait.ge [sflag:s20], $0x2000  }
0x3b: {  	[sflag:s20] =	ssyncset.done $0x0  }
0x3c: {  	[sflag:s20] =	ssyncadd.s32 $0xFFFFE000  }
0x3d: {  	_ =	swait.ge [sflag:s20], $0x2000  }
0x3e: {  	[sflag:s20] =	ssyncset.done $0x0  }
0x3f: {  	[sflag:s20] =	ssyncadd.s32 $0xFFFFE000  }
0x40: {  	_ =	swait.ge [sflag:s20], $0x2000  }
0x41: {  	[sflag:s20] =	ssyncset.done $0x0  }
0x42: {  	s21 =	simm.s32 $0x3;
	s22 =	rddreg [dreg:$0x6];
	[sflag:s20] =	ssyncadd.s32 $0xFFFFE000  }
0x43: {  	[hbm4b:s22+s3] =	stream.linear.scatter [tilespmem:s12], [sflag:$0x4], $0x8000, $0x38;
	[tilespmem:$0x1AA00] =	vst v63  }
0x44: {  	_ =	swait.ge [sflag:s21], $0x8000  }
0x45: {  	[sflag:s21] =	ssyncset.done $0x0  }
0x46: {  	s22 =	simm.s32 $0x4;
	[sflag:s21] =	ssyncadd.s32 $0xFFFF8000  }
0x47: {  	_ =	swait.ge [sflag:s22], $0x8000  }
0x48: {  	[sflag:s22] =	ssyncset.done $0x0  }
0x49: {  	s23 =	simm.s32 $0x400;
	[sflag:s22] =	ssyncadd.s32 $0xFFFF8000  }
0x4a: {  	[tilespmem:s6], [sflag:$0x1] =	stream.indirect.gather [spmem:s2], $0x40, s23, s5, $0xb8;
	[tilespmem:$0x1AA00] =	vst v63  }
0x4b: {  	s24 =	simm.s32 $0x480  }
0x4c: {  	[tilespmem:s7], [sflag:$0x1] =	stream.indirect.gather [spmem:s2], $0x40, s24, s5, $0xb8;
	[tilespmem:$0x1AA00] =	vst v63  }
0x4d: {  	s25 =	simm.s32 $0x500  }
0x4e: {  	[tilespmem:s8], [sflag:$0x1] =	stream.indirect.gather [spmem:s2], $0x40, s25, s5, $0xb8;
	[tilespmem:$0x1AA00] =	vst v63  }
0x4f: {  	s26 =	simm.s32 $0x580  }
0x50: {  	[tilespmem:s10], [sflag:$0x1] =	stream.indirect.gather [spmem:s2], $0x40, s26, s5, $0xb8;
	[tilespmem:$0x1AA00] =	vst v63  }
0x51: {  	s28 =	simm.s32 $0x600  }
0x52: {  	[tilespmem:s12], [sflag:$0x2] =	stream.indirect.gather [spmem:s2], $0x40, s28, s5, $0xb8;
	[tilespmem:$0x1AA00] =	vst v63  }
0x53: {  	s29 =	simm.s32 $0x680  }
0x54: {  	[tilespmem:s14], [sflag:$0x2] =	stream.indirect.gather [spmem:s2], $0x40, s29, s5, $0xb8;
	[tilespmem:$0x1AA00] =	vst v63  }
0x55: {  	s30 =	simm.s32 $0x700  }
0x56: {  	[tilespmem:s16], [sflag:$0x2] =	stream.indirect.gather [spmem:s2], $0x40, s30, s5, $0xb8;
	[tilespmem:$0x1AA00] =	vst v63  }
0x57: {  	s31 =	simm.s32 $0x780  }
0x58: {  	[tilespmem:s18], [sflag:$0x2] =	stream.indirect.gather [spmem:s2], $0x40, s31, s5, $0xb8;
	[tilespmem:$0x1AA00] =	vst v63  }
0x59: {  	_ =	swait.ge [sflag:s19], $0x2000  }
0x5a: {  	[sflag:s19] =	ssyncset.done $0x0  }
0x5b: {  	[sflag:s19] =	ssyncadd.s32 $0xFFFFE000  }
0x5c: {  	_ =	swait.ge [sflag:s19], $0x2000  }
0x5d: {  	[sflag:s19] =	ssyncset.done $0x0  }
0x5e: {  	[sflag:s19] =	ssyncadd.s32 $0xFFFFE000  }
0x5f: {  	_ =	swait.ge [sflag:s19], $0x2000  }
0x60: {  	[sflag:s19] =	ssyncset.done $0x0  }
0x61: {  	[sflag:s19] =	ssyncadd.s32 $0xFFFFE000  }
0x62: {  	_ =	swait.ge [sflag:s19], $0x2000  }
0x63: {  	[sflag:s19] =	ssyncset.done $0x0  }
0x64: {  	s11 =	rddreg [dreg:$0x7];
	[sflag:s19] =	ssyncadd.s32 $0xFFFFE000  }
0x65: {  	[hbm4b:s11+s3] =	stream.linear.scatter [tilespmem:s6], [sflag:$0x3], $0x8000, $0x38;
	[tilespmem:$0x1AA00] =	vst v63  }
0x66: {  	_ =	swait.ge [sflag:s20], $0x2000  }
0x67: {  	[sflag:s20] =	ssyncset.done $0x0  }
0x68: {  	[sflag:s20] =	ssyncadd.s32 $0xFFFFE000  }
0x69: {  	_ =	swait.ge [sflag:s20], $0x2000  }
0x6a: {  	[sflag:s20] =	ssyncset.done $0x0  }
0x6b: {  	[sflag:s20] =	ssyncadd.s32 $0xFFFFE000  }
0x6c: {  	s9 =	ssub.s32 $0x2, s1;
	_ =	swait.ge [sflag:s20], $0x2000  }
0x6d: {  	s1 =	sshrl.u32 s9, $0x1;
	[sflag:s20] =	ssyncset.done $0x0  }
0x6e: {  	s0 =	ssub.s32 s9, s1;
	[sflag:s20] =	ssyncadd.s32 $0xFFFFE000  }
0x6f: {  	s0 =	smax.u32 s0, $0x1;
	_ =	swait.ge [sflag:s20], $0x2000  }
0x70: {  	p0 =	sne.s32 s0, $0x1;
	[sflag:s20] =	ssyncset.done $0x0  }
.Ltmp0:
0x71: {  	s11 =	rddreg [dreg:$0x8];
	[sflag:s20] =	ssyncadd.s32 $0xFFFFE000;
	(pc) =	sbr.rel @!p0 .LBB2_2-.Ltmp0, $4  }
0x72: {  	[hbm4b:s11+s3] =	stream.linear.scatter [tilespmem:s12], [sflag:$0x4], $0x8000, $0x38;
	[tilespmem:$0x1AA00] =	vst v63  }
0x73: {  	_ =	swait.ge [sflag:s21], $0x8000  }
0x74: {  	[sflag:s21] =	ssyncset.done $0x0  }
0x75: {  	s1 =	sadd.s32 $0xFFFFFFFF, s0;
	[sflag:s21] =	ssyncadd.s32 $0xFFFF8000  }
.LBB2_1:
0x76: {  	_ =	swait.ge [sflag:s22], $0x8000  }
0x77: {  	[sflag:s22] =	ssyncset.done $0x0  }
0x78: {  	s0 =	rddreg [dreg:$0x3];
	[sflag:s22] =	ssyncadd.s32 $0xFFFF8000  }
0x79: {  	[tilespmem:s3], [sflag:$0x5] =	stream.linear.gather [hbm4b:s0+s3], $0xA00, $0x38;
	[tilespmem:$0x1AA00] =	vst v63  }
0x7a: {  	_ =	swait.ge [sflag:s4], $0xA00  }
0x7b: {  	s0 =	rddreg [dreg:$0xa]  }
0x7c: {  	[sflag:s4] =	ssyncset.done $0x0;
	s9 =	rddreg [dreg:$0x4]  }
0x7d: {  	s11 =	rddreg [dreg:$0x9];
	[sflag:s4] =	ssyncadd.s32 $0xFFFFF600  }
0x7e: {  	[spmem:s0], [sflag:s11] =	dma.local [hbm:s9], $0x1400  }
0x7f: {  	_ =	swait.ge [sflag:s4], $0x1400  }
0x80: {  	[sflag:s4] =	ssyncset.done $0x0  }
0x81: {  	[sflag:s4] =	ssyncadd.s32 $0xFFFFEC00  }
0x82: {  	[bflag:$0x0] =	sbarrier.arrive $0xFFFF  }
0x83: {  	[tilespmem:s6], [sflag:$0x1] =	stream.indirect.gather [spmem:s2], $0x40, s3, s5, $0xb8;
	[tilespmem:$0x1AA00] =	vst v63  }
0x84: {  	_ = 	snop  }
0x85: {  	[tilespmem:s7], [sflag:$0x1] =	stream.indirect.gather [spmem:s2], $0x40, s5, s5, $0xb8;
	[tilespmem:$0x1AA00] =	vst v63  }
0x86: {  	s11 =	rddreg [dreg:$0xb]  }
0x87: {  	[tilespmem:s8], [sflag:$0x1] =	stream.indirect.gather [spmem:s2], $0x40, s11, s5, $0xb8;
	[tilespmem:$0x1AA00] =	vst v63  }
0x88: {  	s9 =	simm.s32 $0x180  }
0x89: {  	[tilespmem:s10], [sflag:$0x1] =	stream.indirect.gather [spmem:s2], $0x40, s9, s5, $0xb8;
	[tilespmem:$0x1AA00] =	vst v63  }
0x8a: {  	s11 =	simm.s32 $0x200  }
0x8b: {  	[tilespmem:s12], [sflag:$0x2] =	stream.indirect.gather [spmem:s2], $0x40, s11, s5, $0xb8;
	[tilespmem:$0x1AA00] =	vst v63  }
0x8c: {  	_ = 	snop  }
0x8d: {  	[tilespmem:s14], [sflag:$0x2] =	stream.indirect.gather [spmem:s2], $0x40, s13, s5, $0xb8;
	[tilespmem:$0x1AA00] =	vst v63  }
0x8e: {  	_ = 	snop  }
0x8f: {  	[tilespmem:s16], [sflag:$0x2] =	stream.indirect.gather [spmem:s2], $0x40, s15, s5, $0xb8;
	[tilespmem:$0x1AA00] =	vst v63  }
0x90: {  	_ = 	snop  }
0x91: {  	[tilespmem:s18], [sflag:$0x2] =	stream.indirect.gather [spmem:s2], $0x40, s17, s5, $0xb8;
	[tilespmem:$0x1AA00] =	vst v63  }
0x92: {  	_ =	swait.ge [sflag:s19], $0x2000  }
0x93: {  	[sflag:s19] =	ssyncset.done $0x0  }
0x94: {  	[sflag:s19] =	ssyncadd.s32 $0xFFFFE000  }
0x95: {  	_ =	swait.ge [sflag:s19], $0x2000  }
0x96: {  	[sflag:s19] =	ssyncset.done $0x0  }
0x97: {  	[sflag:s19] =	ssyncadd.s32 $0xFFFFE000  }
0x98: {  	_ =	swait.ge [sflag:s19], $0x2000  }
0x99: {  	[sflag:s19] =	ssyncset.done $0x0  }
0x9a: {  	[sflag:s19] =	ssyncadd.s32 $0xFFFFE000  }
0x9b: {  	_ =	swait.ge [sflag:s19], $0x2000  }
0x9c: {  	[sflag:s19] =	ssyncset.done $0x0  }
0x9d: {  	s9 =	rddreg [dreg:$0x5];
	[sflag:s19] =	ssyncadd.s32 $0xFFFFE000  }
0x9e: {  	[hbm4b:s9+s3] =	stream.linear.scatter [tilespmem:s6], [sflag:$0x3], $0x8000, $0x38;
	[tilespmem:$0x1AA00] =	vst v63  }
0x9f: {  	_ =	swait.ge [sflag:s20], $0x2000  }
0xa0: {  	[sflag:s20] =	ssyncset.done $0x0  }
0xa1: {  	[sflag:s20] =	ssyncadd.s32 $0xFFFFE000  }
0xa2: {  	_ =	swait.ge [sflag:s20], $0x2000  }
0xa3: {  	[sflag:s20] =	ssyncset.done $0x0  }
0xa4: {  	[sflag:s20] =	ssyncadd.s32 $0xFFFFE000  }
0xa5: {  	_ =	swait.ge [sflag:s20], $0x2000  }
0xa6: {  	[sflag:s20] =	ssyncset.done $0x0  }
0xa7: {  	[sflag:s20] =	ssyncadd.s32 $0xFFFFE000  }
0xa8: {  	_ =	swait.ge [sflag:s20], $0x2000  }
0xa9: {  	[sflag:s20] =	ssyncset.done $0x0  }
0xaa: {  	s11 =	rddreg [dreg:$0x6];
	[sflag:s20] =	ssyncadd.s32 $0xFFFFE000  }
0xab: {  	[hbm4b:s11+s3] =	stream.linear.scatter [tilespmem:s12], [sflag:$0x4], $0x8000, $0x38;
	[tilespmem:$0x1AA00] =	vst v63  }
0xac: {  	_ =	swait.ge [sflag:s21], $0x8000  }
0xad: {  	[sflag:s21] =	ssyncset.done $0x0  }
0xae: {  	[sflag:s21] =	ssyncadd.s32 $0xFFFF8000  }
0xaf: {  	_ =	swait.ge [sflag:s22], $0x8000  }
0xb0: {  	[sflag:s22] =	ssyncset.done $0x0  }
0xb1: {  	[sflag:s22] =	ssyncadd.s32 $0xFFFF8000  }
0xb2: {  	[tilespmem:s6], [sflag:$0x1] =	stream.indirect.gather [spmem:s2], $0x40, s23, s5, $0xb8;
	[tilespmem:$0x1AA00] =	vst v63  }
0xb3: {  	_ = 	snop  }
0xb4: {  	[tilespmem:s7], [sflag:$0x1] =	stream.indirect.gather [spmem:s2], $0x40, s24, s5, $0xb8;
	[tilespmem:$0x1AA00] =	vst v63  }
0xb5: {  	_ = 	snop  }
0xb6: {  	[tilespmem:s8], [sflag:$0x1] =	stream.indirect.gather [spmem:s2], $0x40, s25, s5, $0xb8;
	[tilespmem:$0x1AA00] =	vst v63  }
0xb7: {  	_ = 	snop  }
0xb8: {  	[tilespmem:s10], [sflag:$0x1] =	stream.indirect.gather [spmem:s2], $0x40, s26, s5, $0xb8;
	[tilespmem:$0x1AA00] =	vst v63  }
0xb9: {  	_ = 	snop  }
0xba: {  	[tilespmem:s12], [sflag:$0x2] =	stream.indirect.gather [spmem:s2], $0x40, s28, s5, $0xb8;
	[tilespmem:$0x1AA00] =	vst v63  }
0xbb: {  	_ = 	snop  }
0xbc: {  	[tilespmem:s14], [sflag:$0x2] =	stream.indirect.gather [spmem:s2], $0x40, s29, s5, $0xb8;
	[tilespmem:$0x1AA00] =	vst v63  }
0xbd: {  	_ = 	snop  }
0xbe: {  	[tilespmem:s16], [sflag:$0x2] =	stream.indirect.gather [spmem:s2], $0x40, s30, s5, $0xb8;
	[tilespmem:$0x1AA00] =	vst v63  }
0xbf: {  	_ = 	snop  }
0xc0: {  	[tilespmem:s18], [sflag:$0x2] =	stream.indirect.gather [spmem:s2], $0x40, s31, s5, $0xb8;
	[tilespmem:$0x1AA00] =	vst v63  }
0xc1: {  	_ =	swait.ge [sflag:s19], $0x2000  }
0xc2: {  	[sflag:s19] =	ssyncset.done $0x0  }
0xc3: {  	[sflag:s19] =	ssyncadd.s32 $0xFFFFE000  }
0xc4: {  	_ =	swait.ge [sflag:s19], $0x2000  }
0xc5: {  	[sflag:s19] =	ssyncset.done $0x0  }
0xc6: {  	[sflag:s19] =	ssyncadd.s32 $0xFFFFE000  }
0xc7: {  	_ =	swait.ge [sflag:s19], $0x2000  }
0xc8: {  	[sflag:s19] =	ssyncset.done $0x0  }
0xc9: {  	[sflag:s19] =	ssyncadd.s32 $0xFFFFE000  }
0xca: {  	_ =	swait.ge [sflag:s19], $0x2000  }
0xcb: {  	[sflag:s19] =	ssyncset.done $0x0  }
0xcc: {  	s9 =	rddreg [dreg:$0x7];
	[sflag:s19] =	ssyncadd.s32 $0xFFFFE000  }
0xcd: {  	[hbm4b:s9+s3] =	stream.linear.scatter [tilespmem:s6], [sflag:$0x3], $0x8000, $0x38;
	[tilespmem:$0x1AA00] =	vst v63  }
0xce: {  	_ =	swait.ge [sflag:s20], $0x2000  }
0xcf: {  	[sflag:s20] =	ssyncset.done $0x0  }
0xd0: {  	[sflag:s20] =	ssyncadd.s32 $0xFFFFE000  }
0xd1: {  	_ =	swait.ge [sflag:s20], $0x2000  }
0xd2: {  	[sflag:s20] =	ssyncset.done $0x0  }
0xd3: {  	[sflag:s20] =	ssyncadd.s32 $0xFFFFE000  }
0xd4: {  	_ =	swait.ge [sflag:s20], $0x2000  }
0xd5: {  	[sflag:s20] =	ssyncset.done $0x0  }
0xd6: {  	[sflag:s20] =	ssyncadd.s32 $0xFFFFE000  }
0xd7: {  	_ =	swait.ge [sflag:s20], $0x2000  }
0xd8: {  	p0 =	sne.s32 s1, $0x1;
	[sflag:s20] =	ssyncset.done $0x0  }
.Ltmp1:
0xd9: {  	s11 =	rddreg [dreg:$0x8];
	[sflag:s20] =	ssyncadd.s32 $0xFFFFE000;
	(pc) =	sbr.rel @p0 .LBB2_1-.Ltmp1, $4  }
0xda: {  	[hbm4b:s11+s3] =	stream.linear.scatter [tilespmem:s12], [sflag:$0x4], $0x8000, $0x38;
	[tilespmem:$0x1AA00] =	vst v63  }
0xdb: {  	_ =	swait.ge [sflag:s21], $0x8000  }
0xdc: {  	[sflag:s21] =	ssyncset.done $0x0  }
0xdd: {  	s1 =	sadd.s32 $0xFFFFFFFF, s1;
	[sflag:s21] =	ssyncadd.s32 $0xFFFF8000  }
.LBB2_2:
0xde: {  	_ =	swait.ge [sflag:s22], $0x8000  }
0xdf: {  	[sflag:s22] =	ssyncset.done $0x0  }
0xe0: {  	[sflag:s22] =	ssyncadd.s32 $0xFFFF8000  }
0xe1: {  	_ =	sfence.sel $0x180000  }
0xe2: {  	[bflag:$0x0] =	sbarrier.arrive $0xFFFF  }
0xe3: {  	_ =	strace $0x90000047  }
0xe4: {  	s0 =	stileid.u32;
	[bflag:$0x2] =	sbarrier.arrive $0xFFFF  }
0xe5: {  	p0 =	sne.s32 s0, $0x0;
	s0 =	rddreg [dreg:$0x2]  }
0xe6: {  	s0 =	sadd.s32 @!p0 $0x100000, s0  }
0xe7: {  	[sflag:s0] =	ssyncadd.tile.s32 @!p0 $0x1;
	_ =	shalt  }
.Lfunc_end2:
_tile_overlayer_lowered:
.L_overlay_start_2:
0xe8: {  	(tag) =	ssettag $0x2  }
0xe9: {  	s0 =	rddreg [dreg:$0x0];
	s2 =	stileid.u32  }
0xea: {  	s1 =	rddreg [dreg:$0x1];
	p0 =	sne.s32 s2, $0x0  }
0xeb: {  	s3 =	rddreg [dreg:$0x2];
	[bflag:$0x3] =	sbarrier.arrive $0xFFFF;
	s2 =	simm.s32 @!p0 $0x1C05  }
0xec: {  	[timem:s3], [sflag:s2] =	dma.local @!p0 [hbm:s0], s1  }
0xed: {  	s0 =	simm.s32 @!p0 $0x5  }
0xee: {  	_ =	swait.ge @!p0 [sflag:s0], s1  }
0xef: {  	s1 =	ssub.s32 @!p0 $0x0, s1;
	[sflag:s0] =	ssyncset.done @!p0 $0x0  }
0xf0: {  	[sflag:s0] =	ssyncadd.s32 @!p0 s1  }
0xf1: {  	[bflag:$0x3] =	sbarrier.arrive $0xFFFF  }
0xf2: {  	_ =	shalt  }

// kernel: kernel.20.cloned.1.call-start
scs
__scs_entry_jumppad:
0x0: {  	(pc) =	sbr.rel $0x88, $3  }
0x1: {  	(tag) =	ssettag $0x0;
	lr =	simm.s32 $0x1  }
0x2: {  	[smem:$0x3F6E] =	sst lr;
	_ =	strace $0xD0000000  }
0x3: {  	_ = 	snop  }
0x4: {  	_ = 	snop  }
0x5: {  	_ = 	snop  }
0x6: {  	_ = 	snop  }
0x7: {  	_ = 	snop  }
__scs_overlays_trampoline_lowered:
0x8: {  	[smem:$0x3F7D] =	sst s0  }
0x9: {  	[smem:$0x3F7E] =	sst s1  }
0xa: {  	[smem:$0x3F7F] =	sst s2  }
0xb: {  	[smem:$0x3F80] =	sst s3  }
0xc: {  	[smem:$0x3F81] =	sst s4  }
0xd: {  	[smem:$0x3F82] =	sst s5  }
0xe: {  	[smem:$0x3F83] =	sst s6  }
0xf: {  	[smem:$0x3F84] =	sst s7  }
0x10: {  	[smem:$0x3F85] =	sst s8  }
0x11: {  	[smem:$0x3F86] =	sst s9;
	s0 =	simm.s32 @!p0 $0x0  }
0x12: {  	s1 =	sld [smem:$0x3F6C];
	s0 =	simm.s32 @p0 $0x1  }
0x13: {  	[smem:$0x3F87] =	sst s0;
	s0 =	simm.s32 @!p1 $0x0  }
0x14: {  	s2 =	sld [smem:$0x3F6B];
	s0 =	simm.s32 @p1 $0x1  }
0x15: {  	[smem:$0x3F88] =	sst s0;
	s0 =	simm.s32 @!p2 $0x0  }
0x16: {  	s3 =	sld [smem:$0x3FDB];
	s0 =	simm.s32 @p2 $0x1  }
0x17: {  	s4 =	simm.s32 $0x1BF5;
	[smem:$0x3F8A] =	sst s0  }
0x18: {  	s0 =	sld [smem:$0x3F6D];
	_ =	swait.ge [sflag:s4], $0x0  }
0x19: {  	s7 =	sld [smem:$0x3F6E]  }
0x1a: {  	s8 =	sadd.s32 $0xFFFFE003, lr  }
0x1b: {  	s9 =	sadd.s32 $0xFFFFFEF7, lr;
	s5 =	simm.s32 $0xFFFFFFFF;
	p2 =	slt.u32 s8, $0xFFFFF086  }
0x1c: {  	p1 =	slt.u32 s9, $0xF7A;
	s5 =	simm.s32 @!p2 $0x0  }
0x1d: {  	s5 =	simm.s32 @p1 $0x1;
	p0 =	seq.s32 s7, s2  }
0x1e: {  	s7 =	smul.u32 @!p0 $0xF7A, s2;
	p2 =	seq.s32 @!p0 s5, $0x0  }
0x1f: {  	s9 =	smul.u32 $0xF7A, s1;
	s8 =	simm.s32 @!p0 $0x1BF5;
	p2 =	por !p2, p0  }
0x20: {  	[sflag:s8] =	ssyncset.s32 @!p0 $0xFFFFF086;
	s6 =	sadd.s32 @!p0 s3, s7;
	s7 =	simm.s32 @!p0 $0x108  }
0x21: {  	s3 =	sadd.s32 s3, s9;
	s6 =	sadd.s32 @!p0 $0x88, s6;
	s7 =	simm.s32 @p2 $0x1082  }
0x22: {  	[simem:s7], [sflag:s8] =	dma.local @!p0 [hbm:s6], $0xF7A  }
0x23: {  	s9 =	sor.u32 $0xD0000000, s2;
	s6 =	simm.s32 $0x108;
	_ =	swait.ge @!p0 [sflag:s8], $0x0  }
0x24: {  	s3 =	sadd.s32 $0x88, s3;
	s6 =	simm.s32 @!p1 $0x1082;
	[sflag:s4] =	ssyncset.s32 $0xFFFFF086  }
0x25: {  	[simem:s6], [sflag:s4] =	dma.local [hbm:s3], $0xF7A  }
0x26: {  	[smem:$0x3F6E] =	sst s1;
	(tag) =	ssettag s2;
	_ =	strace s9  }
0x27: {  	s1 =	sld [smem:$0x3F7E]  }
0x28: {  	s2 =	sld [smem:$0x3F7F]  }
0x29: {  	s4 =	sld [smem:$0x3F81]  }
0x2a: {  	p0 =	seq.s32 s5, $0x0;
	s5 =	sld [smem:$0x3F82]  }
0x2b: {  	s6 =	sld [smem:$0x3F83]  }
0x2c: {  	s7 =	sld [smem:$0x3F84]  }
0x2d: {  	s3 =	simm.s32 $0x108;
	s8 =	sld [smem:$0x3F85]  }
0x2e: {  	s3 =	simm.s32 @!p0 $0x1082;
	s9 =	sld [smem:$0x3F86]  }
0x2f: {  	lr =	sadd.s32 s0, s3;
	s0 =	sld [smem:$0x3F7D]  }
0x30: {  	s3 =	sld [smem:$0x3F80]  }
0x31: {  	[smem:$0x3F89] =	sst s10  }
0x32: {  	s10 =	sld [smem:$0x3F87];
	_ =	sdelay $0x3  }
0x33: {  	p0 =	seq.s32 s10, $0x1;
	s10 =	sld [smem:$0x3F89];
	_ =	sdelay $0x3  }
0x34: {  	[smem:$0x3F89] =	sst s10  }
0x35: {  	s10 =	sld [smem:$0x3F88];
	_ =	sdelay $0x3  }
0x36: {  	p1 =	seq.s32 s10, $0x1;
	s10 =	sld [smem:$0x3F89];
	_ =	sdelay $0x3  }
0x37: {  	[smem:$0x3F89] =	sst s10  }
0x38: {  	s10 =	sld [smem:$0x3F8A]  }
0x39: {  	_ = 	snop;
	(pc) =	sbr.ind lr, $3  }
0x3a: {  	_ = 	snop  }
0x3b: {  	_ = 	snop  }
0x3c: {  	p2 =	seq.s32 s10, $0x1;
	s10 =	sld [smem:$0x3F89]  }
0x3d: {  	_ =	shalt  }
0x3e: {  	_ =	shalt  }
0x3f: {  	_ =	shalt  }
0x40: {  	_ =	shalt  }
0x41: {  	_ =	shalt  }
0x42: {  	_ =	shalt  }
0x43: {  	_ =	shalt  }
0x44: {  	_ =	shalt  }
0x45: {  	_ =	shalt  }
0x46: {  	_ =	shalt  }
0x47: {  	_ =	shalt  }
0x48: {  	_ =	shalt  }
0x49: {  	_ =	shalt  }
0x4a: {  	_ =	shalt  }
0x4b: {  	_ =	shalt  }
0x4c: {  	_ =	shalt  }
0x4d: {  	_ =	shalt  }
0x4e: {  	_ =	shalt  }
0x4f: {  	_ =	shalt  }
0x50: {  	_ =	shalt  }
0x51: {  	_ =	shalt  }
0x52: {  	_ =	shalt  }
0x53: {  	_ =	shalt  }
0x54: {  	_ =	shalt  }
0x55: {  	_ =	shalt  }
0x56: {  	_ =	shalt  }
0x57: {  	_ =	shalt  }
0x58: {  	_ =	shalt  }
0x59: {  	_ =	shalt  }
0x5a: {  	_ =	shalt  }
0x5b: {  	_ =	shalt  }
0x5c: {  	_ =	shalt  }
0x5d: {  	_ =	shalt  }
0x5e: {  	_ =	shalt  }
0x5f: {  	_ =	shalt  }
0x60: {  	_ =	shalt  }
0x61: {  	_ =	shalt  }
0x62: {  	_ =	shalt  }
0x63: {  	_ =	shalt  }
0x64: {  	_ =	shalt  }
0x65: {  	_ =	shalt  }
0x66: {  	_ =	shalt  }
0x67: {  	_ =	shalt  }
0x68: {  	_ =	shalt  }
0x69: {  	_ =	shalt  }
0x6a: {  	_ =	shalt  }
0x6b: {  	_ =	shalt  }
0x6c: {  	_ =	shalt  }
0x6d: {  	_ =	shalt  }
0x6e: {  	_ =	shalt  }
0x6f: {  	_ =	shalt  }
0x70: {  	_ =	shalt  }
0x71: {  	_ =	shalt  }
0x72: {  	_ =	shalt  }
0x73: {  	_ =	shalt  }
0x74: {  	_ =	shalt  }
0x75: {  	_ =	shalt  }
0x76: {  	_ =	shalt  }
0x77: {  	_ =	shalt  }
0x78: {  	_ =	shalt  }
0x79: {  	_ =	shalt  }
0x7a: {  	_ =	shalt  }
0x7b: {  	_ =	shalt  }
0x7c: {  	_ =	shalt  }
0x7d: {  	_ =	shalt  }
0x7e: {  	_ =	shalt  }
0x7f: {  	_ =	shalt  }
0x80: {  	_ =	shalt  }
0x81: {  	_ =	shalt  }
0x82: {  	_ =	shalt  }
0x83: {  	_ =	shalt  }
0x84: {  	_ =	shalt  }
0x85: {  	_ =	shalt  }
0x86: {  	_ =	shalt  }
0x87: {  	_ =	shalt  }
.Lfunc_end0:
.L_simem_size_0:
called_computation.1_lowered:
.L_overlay_start_0:
0x88: {  	s2 =	sld [smem:$0x3FD9]  }
0x89: {  	s3 =	sld [smem:$0x3FFE];
	_ =	sdelay $0x1  }
0x8a: {  	s1 =	srdreg.scid  }
0x8b: {  	s0 =	sand.u32 $0x1, s1  }
0x8c: {  	s17 =	sshll.u32 s0, $0xA;
	s2 =	sadd.s32 s3, s2  }
0x8d: {  	s2 =	sadd.s32 s2, s17  }
0x8e: {  	[smem:$0x3F95] =	sst s2  }
0x8f: {  	_ = 	snop  }
0x90: {  	(tm) =	ssettm $0x1  }
0x91: {  	s18 =	sld [smem:$0x3FFB];
	_ =	sdelay $0x3  }
0x92: {  	_ =	strace s18  }
0x93: {  	s2 =	sld [smem:$0x3FFC];
	_ =	sdelay $0x3  }
0x94: {  	_ =	strace s2  }
0x95: {  	s2 =	sld [smem:$0x3FFD];
	_ =	sdelay $0x3  }
0x96: {  	_ =	strace s2  }
0x97: {  	_ =	strace $0x8FFFFFFF  }
0x98: {  	s19 =	sld [smem:$0x3FDB];
	_ =	sdelay $0x1  }
0x99: {  	s20 =	simm.s32 $_scs_section_size  }
0x9a: {  	s4 =	simm.s32 $_size__tile_overlayer_lowered;
	s5 =	simm.s32 $_tile_overlayer_lowered  }
0x9b: {  	s6 =	simm.s32 $0x1BFF;
	s21 =	sshll.u32 s5, $0x1;
	s3 =	sadd.s32 s20, s19  }
0x9c: {  	s22 =	simm.s32 $0x0;
	s4 =	sshll.u32 s4, $0x1;
	s5 =	sadd.s32 s21, s3  }
0x9d: {  	[timem:s22], [sflag:s6] =	dma.local [hbm:s5], s4  }
0x9e: {  	_ =	swait.ge [sflag:s6], s4  }
0x9f: {  	s4 =	ssub.s32 $0x0, s4;
	[sflag:s6] =	ssyncset.done $0x0  }
0xa0: {  	[sflag:s6] =	ssyncadd.s32 s4;
	_ =	sdelay $0x1  }
0xa1: {  	s23 =	simm.s32 $0x1B8B  }
0xa2: {  	_ =	swait.ge [sflag:s23], $0x1  }
0xa3: {  	[sflag:s23] =	ssyncset.done $0x0  }
0xa4: {  	[sflag:s23] =	ssyncadd.s32 $0xFFFFFFFF  }
0xa5: {  	s4 =	sld [smem:$0x0]  }
0xa6: {  	s5 =	sand.u32 $0xFFFFFFFE, s1  }
0xa7: {  	p0 =	sne.s32 s1, s5  }
0xa8: {  	s5 =	sshll.u32 @p0 s5, $0xE  }
0xa9: {  	s5 =	sadd.s32 @p0 $0x11B8D, s5;
	s6 =	sshll.u32 @p0 s4, $0x11  }
0xaa: {  	s5 =	sor.u32 @p0 s6, s5  }
0xab: {  	[sflag:s5] =	ssyncadd.remote.s32 @p0 $0x1;
	_ =	sdelay $0x1  }
0xac: {  	s5 =	simm.s32 @p0 $0x1B8D  }
0xad: {  	_ =	swait.eq @p0 [sflag:s5], $0x1  }
0xae: {  	[sflag:s5] =	ssyncadd.s32 @p0 $0xFFFFFFFF  }
0xaf: {  	s6 =	sshll.u32 @!p0 s1, $0xE  }
0xb0: {  	s6 =	sor.u32 @!p0 $0x4000, s6;
	s5 =	simm.s32 @!p0 $0x1B8D  }
0xb1: {  	s4 =	sshll.u32 @!p0 s4, $0x11;
	s6 =	sadd.s32 @!p0 $0x11B8D, s6;
	_ =	swait.eq @!p0 [sflag:s5], $0x1  }
0xb2: {  	s4 =	sor.u32 @!p0 s4, s6;
	[sflag:s5] =	ssyncadd.s32 @!p0 $0xFFFFFFFF  }
0xb3: {  	s25 =	simm.s32 $0x1B8E;
	s24 =	sld [smem:$0x3FFE];
	[sflag:s4] =	ssyncadd.remote.s32 @!p0 $0x1  }
0xb4: {  	s26 =	simm.s32 $execute0_lowered;
	[smem:$0x3FD2] =	sst s25  }
0xb5: {  	s5 =	sshll.u32 s26, $0x1;
	_ =	strace $0x80000049;
	[dreg:$0x1] =	wrdreg $0xFFFFFFFF  }
0xb6: {  	s28 =	simm.s32 $_size_execute0_lowered;
	s3 =	sadd.s32 s3, s5;
	[dreg:$0x0] =	wrdreg $0x0  }
0xb7: {  	s5 =	sshll.u32 s28, $0x1;
	[dreg:$0x2] =	wrdreg s3  }
0xb8: {  	[dreg:$0x3] =	wrdreg s5  }
0xb9: {  	[dreg:$0x4] =	wrdreg $0xC0  }
0xba: {  	_ =	task [dreg:s22], $0x5FFFF  }
0xbb: {  	[dreg:$0x1] =	wrdreg $0xFFFFFFFF  }
0xbc: {  	[dreg:$0x0] =	wrdreg $0x60  }
0xbd: {  	[dreg:$0x2] =	wrdreg s24  }
0xbe: {  	[dreg:$0x3] =	wrdreg $0x10A000  }
0xbf: {  	[dreg:$0x4] =	wrdreg $0xA  }
0xc0: {  	_ =	task.clear_ibuf [dreg:s22], $0x5FFFF;
	_ =	strace $0x90000049  }
0xc1: {  	s29 =	simm.s32 $0xA;
	_ =	strace $0x8000004B  }
0xc2: {  	_ =	swait.ge [sflag:s29], $0x1  }
0xc3: {  	[sflag:s29] =	ssyncadd.s32 $0xFFFFFFFF  }
0xc4: {  	_ =	strace $0x9000004B  }
0xc5: {  	_ =	sfence  }
0xc6: {  	s30 =	sld [smem:$0x0];
	_ =	sdelay $0x2  }
0xc7: {  	s31 =	sshll.u32 s1, $0xD;
	s1 =	sshrl.u32 s1, $0x2  }
0xc8: {  	s4 =	sand.u32 $0x4000, s31;
	s1 =	sadd.s32 s1, s30  }
0xc9: {  	s0 =	sor.u32 s4, s0;
	s1 =	sshll.u32 s1, $0x11  }
0xca: {  	s0 =	sor.u32 s1, s0  }
0xcb: {  	s0 =	sadd.s32 $0x8F2B, s0  }
0xcc: {  	[sflag:s0] =	ssyncadd.remote.s32 $0x1  }
0xcd: {  	_ =	sfence.sel $0xFFFF  }
0xce: {  	[dreg:$0x0] =	wrdreg $0xFFFFFFFF;
	(pc) =	sbr.abs _section_cstart, $3  }
0xcf: {  	[dreg:$0x1] =	wrdreg $0xFFFFFFFF  }
0xd0: {  	_ =	task.clear_ibuf [dreg:s22], $0x2FFFF;
	_ =	strace $0x9FFFFFFF  }
0xd1: {  	(tm) =	ssettm $0x7FFFFFFF  }
tec
execute0_lowered:
.L_overlay_start_1:
0x0: {  	(tag) =	ssettag $0x1  }
0x1: {  	s0 =	stileid.u32;
	s4 =	rddreg [dreg:$0x0]  }
0x2: {  	s1 =	srdreg.scid;
	s2 =	rddreg [dreg:$0x1]  }
0x3: {  	s21 =	simm.s32 $0x100;
	s1 =	sand.u32 $0x1, s1;
	s3 =	sshll.u32 s0, $0x1  }
0x4: {  	s5 =	smul.u32 $0xA000, s0;
	s17 =	sshll.u32 s0, $0x6;
	s6 =	sor.u32 s1, s3  }
0x5: {  	s3 =	simm.s32 $0x0;
	s18 =	sor.u32 $0x1C05, s17;
	s7 =	smul.u32 $0x140, s6  }
0x6: {  	[smem:$0x7FF] =	sst s3;
	s8 =	sshrl.u32 s5, $0x3;
	s6 =	smul.u32 $0x5000, s6  }
0x7: {  	s5 =	sadd.s32 s5, s2;
	_ =	strace $0x8000004A;
	[dreg:$0x9] =	wrdreg s18  }
0x8: {  	s8 =	sadd.s32 s8, s4;
	s19 =	sshrl.u32 s5, $0x3;
	[dreg:$0xb] =	wrdreg s21  }
0x9: {  	s9 =	sadd.s32 $0xC2E00, s4;
	s13 =	sadd.s32 $0xC600, s8;
	[dreg:$0xa] =	wrdreg s19  }
0xa: {  	s7 =	sadd.s32 s7, s4;
	s14 =	sadd.s32 s9, s6;
	[dreg:$0x4] =	wrdreg s13  }
0xb: {  	s4 =	sadd.s32 $0xC3E00, s4;
	s7 =	sadd.s32 $0xC0600, s7;
	[dreg:$0x5] =	wrdreg s14  }
0xc: {  	s15 =	sadd.s32 s6, s4;
	s6 =	sadd.s32 $0x2000, s6;
	[dreg:$0x3] =	wrdreg s7  }
0xd: {  	[dreg:$0x6] =	wrdreg s15;
	s16 =	sadd.s32 s9, s6  }
0xe: {  	s4 =	sadd.s32 s6, s4;
	[dreg:$0x7] =	wrdreg s16  }
0xf: {  	[dreg:$0x8] =	wrdreg s4  }
0x10: {  	s20 =	rddreg [dreg:$0x3];
	s4 =	simm.s32 $0x5  }
0x11: {  	[tilespmem:s3], [sflag:$0x5] =	stream.linear.gather [hbm4b:s20+s3], $0xA00, $0x38;
	[tilespmem:$0x1AA00] =	vst v63  }
0x12: {  	_ =	swait.ge [sflag:s4], $0xA00  }
0x13: {  	s22 =	rddreg [dreg:$0xa]  }
0x14: {  	s23 =	rddreg [dreg:$0x4];
	[sflag:s4] =	ssyncset.done $0x0  }
0x15: {  	s24 =	rddreg [dreg:$0x9];
	[sflag:s4] =	ssyncadd.s32 $0xFFFFF600  }
0x16: {  	[spmem:s22], [sflag:s24] =	dma.local [hbm:s23], $0x1400  }
0x17: {  	_ =	swait.ge [sflag:s4], $0x1400  }
0x18: {  	[sflag:s4] =	ssyncset.done $0x0  }
0x19: {  	[sflag:s4] =	ssyncadd.s32 $0xFFFFEC00  }
0x1a: {  	s5 =	simm.s32 $0x80;
	s6 =	simm.s32 $0xA00;
	[bflag:$0x0] =	sbarrier.arrive $0xFFFF  }
0x1b: {  	[tilespmem:s6], [sflag:$0x1] =	stream.indirect.gather [spmem:s2], $0x40, s3, s5, $0xb8;
	[tilespmem:$0x1AA00] =	vst v63  }
0x1c: {  	s7 =	simm.s32 $0x2A00  }
0x1d: {  	[tilespmem:s7], [sflag:$0x1] =	stream.indirect.gather [spmem:s2], $0x40, s5, s5, $0xb8;
	[tilespmem:$0x1AA00] =	vst v63  }
0x1e: {  	s8 =	simm.s32 $0x4A00;
	s25 =	rddreg [dreg:$0xb]  }
0x1f: {  	[tilespmem:s8], [sflag:$0x1] =	stream.indirect.gather [spmem:s2], $0x40, s25, s5, $0xb8;
	[tilespmem:$0x1AA00] =	vst v63  }
0x20: {  	s26 =	simm.s32 $0x180;
	s10 =	simm.s32 $0x6A00  }
0x21: {  	[tilespmem:s10], [sflag:$0x1] =	stream.indirect.gather [spmem:s2], $0x40, s26, s5, $0xb8;
	[tilespmem:$0x1AA00] =	vst v63  }
0x22: {  	s12 =	simm.s32 $0x8A00;
	s9 =	simm.s32 $0x200  }
0x23: {  	[tilespmem:s12], [sflag:$0x2] =	stream.indirect.gather [spmem:s2], $0x40, s9, s5, $0xb8;
	[tilespmem:$0x1AA00] =	vst v63  }
0x24: {  	s13 =	simm.s32 $0x280;
	s14 =	simm.s32 $0xAA00  }
0x25: {  	[tilespmem:s14], [sflag:$0x2] =	stream.indirect.gather [spmem:s2], $0x40, s13, s5, $0xb8;
	[tilespmem:$0x1AA00] =	vst v63  }
0x26: {  	s15 =	simm.s32 $0x300;
	s16 =	simm.s32 $0xCA00  }
0x27: {  	[tilespmem:s16], [sflag:$0x2] =	stream.indirect.gather [spmem:s2], $0x40, s15, s5, $0xb8;
	[tilespmem:$0x1AA00] =	vst v63  }
0x28: {  	s17 =	simm.s32 $0x380;
	s18 =	simm.s32 $0xEA00;
	s19 =	simm.s32 $0x1  }
0x29: {  	[tilespmem:s18], [sflag:$0x2] =	stream.indirect.gather [spmem:s2], $0x40, s17, s5, $0xb8;
	[tilespmem:$0x1AA00] =	vst v63  }
0x2a: {  	_ =	swait.ge [sflag:s19], $0x2000  }
0x2b: {  	[sflag:s19] =	ssyncset.done $0x0  }
0x2c: {  	[sflag:s19] =	ssyncadd.s32 $0xFFFFE000  }
0x2d: {  	_ =	swait.ge [sflag:s19], $0x2000  }
0x2e: {  	[sflag:s19] =	ssyncset.done $0x0  }
0x2f: {  	[sflag:s19] =	ssyncadd.s32 $0xFFFFE000  }
0x30: {  	_ =	swait.ge [sflag:s19], $0x2000  }
0x31: {  	[sflag:s19] =	ssyncset.done $0x0  }
0x32: {  	[sflag:s19] =	ssyncadd.s32 $0xFFFFE000  }
0x33: {  	_ =	swait.ge [sflag:s19], $0x2000  }
0x34: {  	[sflag:s19] =	ssyncset.done $0x0  }
0x35: {  	s20 =	simm.s32 $0x2;
	s21 =	rddreg [dreg:$0x5];
	[sflag:s19] =	ssyncadd.s32 $0xFFFFE000  }
0x36: {  	[hbm4b:s21+s3] =	stream.linear.scatter [tilespmem:s6], [sflag:$0x3], $0x8000, $0x38;
	[tilespmem:$0x1AA00] =	vst v63  }
0x37: {  	_ =	swait.ge [sflag:s20], $0x2000  }
0x38: {  	[sflag:s20] =	ssyncset.done $0x0  }
0x39: {  	[sflag:s20] =	ssyncadd.s32 $0xFFFFE000  }
0x3a: {  	_ =	swait.ge [sflag:s20], $0x2000  }
0x3b: {  	[sflag:s20] =	ssyncset.done $0x0  }
0x3c: {  	[sflag:s20] =	ssyncadd.s32 $0xFFFFE000  }
0x3d: {  	_ =	swait.ge [sflag:s20], $0x2000  }
0x3e: {  	[sflag:s20] =	ssyncset.done $0x0  }
0x3f: {  	[sflag:s20] =	ssyncadd.s32 $0xFFFFE000  }
0x40: {  	_ =	swait.ge [sflag:s20], $0x2000  }
0x41: {  	[sflag:s20] =	ssyncset.done $0x0  }
0x42: {  	s21 =	simm.s32 $0x3;
	s22 =	rddreg [dreg:$0x6];
	[sflag:s20] =	ssyncadd.s32 $0xFFFFE000  }
0x43: {  	[hbm4b:s22+s3] =	stream.linear.scatter [tilespmem:s12], [sflag:$0x4], $0x8000, $0x38;
	[tilespmem:$0x1AA00] =	vst v63  }
0x44: {  	_ =	swait.ge [sflag:s21], $0x8000  }
0x45: {  	[sflag:s21] =	ssyncset.done $0x0  }
0x46: {  	s22 =	simm.s32 $0x4;
	[sflag:s21] =	ssyncadd.s32 $0xFFFF8000  }
0x47: {  	_ =	swait.ge [sflag:s22], $0x8000  }
0x48: {  	[sflag:s22] =	ssyncset.done $0x0  }
0x49: {  	s23 =	simm.s32 $0x400;
	[sflag:s22] =	ssyncadd.s32 $0xFFFF8000  }
0x4a: {  	[tilespmem:s6], [sflag:$0x1] =	stream.indirect.gather [spmem:s2], $0x40, s23, s5, $0xb8;
	[tilespmem:$0x1AA00] =	vst v63  }
0x4b: {  	s24 =	simm.s32 $0x480  }
0x4c: {  	[tilespmem:s7], [sflag:$0x1] =	stream.indirect.gather [spmem:s2], $0x40, s24, s5, $0xb8;
	[tilespmem:$0x1AA00] =	vst v63  }
0x4d: {  	s25 =	simm.s32 $0x500  }
0x4e: {  	[tilespmem:s8], [sflag:$0x1] =	stream.indirect.gather [spmem:s2], $0x40, s25, s5, $0xb8;
	[tilespmem:$0x1AA00] =	vst v63  }
0x4f: {  	s26 =	simm.s32 $0x580  }
0x50: {  	[tilespmem:s10], [sflag:$0x1] =	stream.indirect.gather [spmem:s2], $0x40, s26, s5, $0xb8;
	[tilespmem:$0x1AA00] =	vst v63  }
0x51: {  	s28 =	simm.s32 $0x600  }
0x52: {  	[tilespmem:s12], [sflag:$0x2] =	stream.indirect.gather [spmem:s2], $0x40, s28, s5, $0xb8;
	[tilespmem:$0x1AA00] =	vst v63  }
0x53: {  	s29 =	simm.s32 $0x680  }
0x54: {  	[tilespmem:s14], [sflag:$0x2] =	stream.indirect.gather [spmem:s2], $0x40, s29, s5, $0xb8;
	[tilespmem:$0x1AA00] =	vst v63  }
0x55: {  	s30 =	simm.s32 $0x700  }
0x56: {  	[tilespmem:s16], [sflag:$0x2] =	stream.indirect.gather [spmem:s2], $0x40, s30, s5, $0xb8;
	[tilespmem:$0x1AA00] =	vst v63  }
0x57: {  	s31 =	simm.s32 $0x780  }
0x58: {  	[tilespmem:s18], [sflag:$0x2] =	stream.indirect.gather [spmem:s2], $0x40, s31, s5, $0xb8;
	[tilespmem:$0x1AA00] =	vst v63  }
0x59: {  	_ =	swait.ge [sflag:s19], $0x2000  }
0x5a: {  	[sflag:s19] =	ssyncset.done $0x0  }
0x5b: {  	[sflag:s19] =	ssyncadd.s32 $0xFFFFE000  }
0x5c: {  	_ =	swait.ge [sflag:s19], $0x2000  }
0x5d: {  	[sflag:s19] =	ssyncset.done $0x0  }
0x5e: {  	[sflag:s19] =	ssyncadd.s32 $0xFFFFE000  }
0x5f: {  	_ =	swait.ge [sflag:s19], $0x2000  }
0x60: {  	[sflag:s19] =	ssyncset.done $0x0  }
0x61: {  	[sflag:s19] =	ssyncadd.s32 $0xFFFFE000  }
0x62: {  	_ =	swait.ge [sflag:s19], $0x2000  }
0x63: {  	[sflag:s19] =	ssyncset.done $0x0  }
0x64: {  	s11 =	rddreg [dreg:$0x7];
	[sflag:s19] =	ssyncadd.s32 $0xFFFFE000  }
0x65: {  	[hbm4b:s11+s3] =	stream.linear.scatter [tilespmem:s6], [sflag:$0x3], $0x8000, $0x38;
	[tilespmem:$0x1AA00] =	vst v63  }
0x66: {  	_ =	swait.ge [sflag:s20], $0x2000  }
0x67: {  	[sflag:s20] =	ssyncset.done $0x0  }
0x68: {  	[sflag:s20] =	ssyncadd.s32 $0xFFFFE000  }
0x69: {  	_ =	swait.ge [sflag:s20], $0x2000  }
0x6a: {  	[sflag:s20] =	ssyncset.done $0x0  }
0x6b: {  	[sflag:s20] =	ssyncadd.s32 $0xFFFFE000  }
0x6c: {  	s9 =	ssub.s32 $0x2, s1;
	_ =	swait.ge [sflag:s20], $0x2000  }
0x6d: {  	s1 =	sshrl.u32 s9, $0x1;
	[sflag:s20] =	ssyncset.done $0x0  }
0x6e: {  	s0 =	ssub.s32 s9, s1;
	[sflag:s20] =	ssyncadd.s32 $0xFFFFE000  }
0x6f: {  	s0 =	smax.u32 s0, $0x1;
	_ =	swait.ge [sflag:s20], $0x2000  }
0x70: {  	p0 =	sne.s32 s0, $0x1;
	[sflag:s20] =	ssyncset.done $0x0  }
.Ltmp0:
0x71: {  	s11 =	rddreg [dreg:$0x8];
	[sflag:s20] =	ssyncadd.s32 $0xFFFFE000;
	(pc) =	sbr.rel @!p0 .LBB2_2-.Ltmp0, $4  }
0x72: {  	[hbm4b:s11+s3] =	stream.linear.scatter [tilespmem:s12], [sflag:$0x4], $0x8000, $0x38;
	[tilespmem:$0x1AA00] =	vst v63  }
0x73: {  	_ =	swait.ge [sflag:s21], $0x8000  }
0x74: {  	[sflag:s21] =	ssyncset.done $0x0  }
0x75: {  	s1 =	sadd.s32 $0xFFFFFFFF, s0;
	[sflag:s21] =	ssyncadd.s32 $0xFFFF8000  }
.LBB2_1:
0x76: {  	_ =	swait.ge [sflag:s22], $0x8000  }
0x77: {  	[sflag:s22] =	ssyncset.done $0x0  }
0x78: {  	s0 =	rddreg [dreg:$0x3];
	[sflag:s22] =	ssyncadd.s32 $0xFFFF8000  }
0x79: {  	[tilespmem:s3], [sflag:$0x5] =	stream.linear.gather [hbm4b:s0+s3], $0xA00, $0x38;
	[tilespmem:$0x1AA00] =	vst v63  }
0x7a: {  	_ =	swait.ge [sflag:s4], $0xA00  }
0x7b: {  	s0 =	rddreg [dreg:$0xa]  }
0x7c: {  	[sflag:s4] =	ssyncset.done $0x0;
	s9 =	rddreg [dreg:$0x4]  }
0x7d: {  	s11 =	rddreg [dreg:$0x9];
	[sflag:s4] =	ssyncadd.s32 $0xFFFFF600  }
0x7e: {  	[spmem:s0], [sflag:s11] =	dma.local [hbm:s9], $0x1400  }
0x7f: {  	_ =	swait.ge [sflag:s4], $0x1400  }
0x80: {  	[sflag:s4] =	ssyncset.done $0x0  }
0x81: {  	[sflag:s4] =	ssyncadd.s32 $0xFFFFEC00  }
0x82: {  	[bflag:$0x0] =	sbarrier.arrive $0xFFFF  }
0x83: {  	[tilespmem:s6], [sflag:$0x1] =	stream.indirect.gather [spmem:s2], $0x40, s3, s5, $0xb8;
	[tilespmem:$0x1AA00] =	vst v63  }
0x84: {  	_ = 	snop  }
0x85: {  	[tilespmem:s7], [sflag:$0x1] =	stream.indirect.gather [spmem:s2], $0x40, s5, s5, $0xb8;
	[tilespmem:$0x1AA00] =	vst v63  }
0x86: {  	s11 =	rddreg [dreg:$0xb]  }
0x87: {  	[tilespmem:s8], [sflag:$0x1] =	stream.indirect.gather [spmem:s2], $0x40, s11, s5, $0xb8;
	[tilespmem:$0x1AA00] =	vst v63  }
0x88: {  	s9 =	simm.s32 $0x180  }
0x89: {  	[tilespmem:s10], [sflag:$0x1] =	stream.indirect.gather [spmem:s2], $0x40, s9, s5, $0xb8;
	[tilespmem:$0x1AA00] =	vst v63  }
0x8a: {  	s11 =	simm.s32 $0x200  }
0x8b: {  	[tilespmem:s12], [sflag:$0x2] =	stream.indirect.gather [spmem:s2], $0x40, s11, s5, $0xb8;
	[tilespmem:$0x1AA00] =	vst v63  }
0x8c: {  	_ = 	snop  }
0x8d: {  	[tilespmem:s14], [sflag:$0x2] =	stream.indirect.gather [spmem:s2], $0x40, s13, s5, $0xb8;
	[tilespmem:$0x1AA00] =	vst v63  }
0x8e: {  	_ = 	snop  }
0x8f: {  	[tilespmem:s16], [sflag:$0x2] =	stream.indirect.gather [spmem:s2], $0x40, s15, s5, $0xb8;
	[tilespmem:$0x1AA00] =	vst v63  }
0x90: {  	_ = 	snop  }
0x91: {  	[tilespmem:s18], [sflag:$0x2] =	stream.indirect.gather [spmem:s2], $0x40, s17, s5, $0xb8;
	[tilespmem:$0x1AA00] =	vst v63  }
0x92: {  	_ =	swait.ge [sflag:s19], $0x2000  }
0x93: {  	[sflag:s19] =	ssyncset.done $0x0  }
0x94: {  	[sflag:s19] =	ssyncadd.s32 $0xFFFFE000  }
0x95: {  	_ =	swait.ge [sflag:s19], $0x2000  }
0x96: {  	[sflag:s19] =	ssyncset.done $0x0  }
0x97: {  	[sflag:s19] =	ssyncadd.s32 $0xFFFFE000  }
0x98: {  	_ =	swait.ge [sflag:s19], $0x2000  }
0x99: {  	[sflag:s19] =	ssyncset.done $0x0  }
0x9a: {  	[sflag:s19] =	ssyncadd.s32 $0xFFFFE000  }
0x9b: {  	_ =	swait.ge [sflag:s19], $0x2000  }
0x9c: {  	[sflag:s19] =	ssyncset.done $0x0  }
0x9d: {  	s9 =	rddreg [dreg:$0x5];
	[sflag:s19] =	ssyncadd.s32 $0xFFFFE000  }
0x9e: {  	[hbm4b:s9+s3] =	stream.linear.scatter [tilespmem:s6], [sflag:$0x3], $0x8000, $0x38;
	[tilespmem:$0x1AA00] =	vst v63  }
0x9f: {  	_ =	swait.ge [sflag:s20], $0x2000  }
0xa0: {  	[sflag:s20] =	ssyncset.done $0x0  }
0xa1: {  	[sflag:s20] =	ssyncadd.s32 $0xFFFFE000  }
0xa2: {  	_ =	swait.ge [sflag:s20], $0x2000  }
0xa3: {  	[sflag:s20] =	ssyncset.done $0x0  }
0xa4: {  	[sflag:s20] =	ssyncadd.s32 $0xFFFFE000  }
0xa5: {  	_ =	swait.ge [sflag:s20], $0x2000  }
0xa6: {  	[sflag:s20] =	ssyncset.done $0x0  }
0xa7: {  	[sflag:s20] =	ssyncadd.s32 $0xFFFFE000  }
0xa8: {  	_ =	swait.ge [sflag:s20], $0x2000  }
0xa9: {  	[sflag:s20] =	ssyncset.done $0x0  }
0xaa: {  	s11 =	rddreg [dreg:$0x6];
	[sflag:s20] =	ssyncadd.s32 $0xFFFFE000  }
0xab: {  	[hbm4b:s11+s3] =	stream.linear.scatter [tilespmem:s12], [sflag:$0x4], $0x8000, $0x38;
	[tilespmem:$0x1AA00] =	vst v63  }
0xac: {  	_ =	swait.ge [sflag:s21], $0x8000  }
0xad: {  	[sflag:s21] =	ssyncset.done $0x0  }
0xae: {  	[sflag:s21] =	ssyncadd.s32 $0xFFFF8000  }
0xaf: {  	_ =	swait.ge [sflag:s22], $0x8000  }
0xb0: {  	[sflag:s22] =	ssyncset.done $0x0  }
0xb1: {  	[sflag:s22] =	ssyncadd.s32 $0xFFFF8000  }
0xb2: {  	[tilespmem:s6], [sflag:$0x1] =	stream.indirect.gather [spmem:s2], $0x40, s23, s5, $0xb8;
	[tilespmem:$0x1AA00] =	vst v63  }
0xb3: {  	_ = 	snop  }
0xb4: {  	[tilespmem:s7], [sflag:$0x1] =	stream.indirect.gather [spmem:s2], $0x40, s24, s5, $0xb8;
	[tilespmem:$0x1AA00] =	vst v63  }
0xb5: {  	_ = 	snop  }
0xb6: {  	[tilespmem:s8], [sflag:$0x1] =	stream.indirect.gather [spmem:s2], $0x40, s25, s5, $0xb8;
	[tilespmem:$0x1AA00] =	vst v63  }
0xb7: {  	_ = 	snop  }
0xb8: {  	[tilespmem:s10], [sflag:$0x1] =	stream.indirect.gather [spmem:s2], $0x40, s26, s5, $0xb8;
	[tilespmem:$0x1AA00] =	vst v63  }
0xb9: {  	_ = 	snop  }
0xba: {  	[tilespmem:s12], [sflag:$0x2] =	stream.indirect.gather [spmem:s2], $0x40, s28, s5, $0xb8;
	[tilespmem:$0x1AA00] =	vst v63  }
0xbb: {  	_ = 	snop  }
0xbc: {  	[tilespmem:s14], [sflag:$0x2] =	stream.indirect.gather [spmem:s2], $0x40, s29, s5, $0xb8;
	[tilespmem:$0x1AA00] =	vst v63  }
0xbd: {  	_ = 	snop  }
0xbe: {  	[tilespmem:s16], [sflag:$0x2] =	stream.indirect.gather [spmem:s2], $0x40, s30, s5, $0xb8;
	[tilespmem:$0x1AA00] =	vst v63  }
0xbf: {  	_ = 	snop  }
0xc0: {  	[tilespmem:s18], [sflag:$0x2] =	stream.indirect.gather [spmem:s2], $0x40, s31, s5, $0xb8;
	[tilespmem:$0x1AA00] =	vst v63  }
0xc1: {  	_ =	swait.ge [sflag:s19], $0x2000  }
0xc2: {  	[sflag:s19] =	ssyncset.done $0x0  }
0xc3: {  	[sflag:s19] =	ssyncadd.s32 $0xFFFFE000  }
0xc4: {  	_ =	swait.ge [sflag:s19], $0x2000  }
0xc5: {  	[sflag:s19] =	ssyncset.done $0x0  }
0xc6: {  	[sflag:s19] =	ssyncadd.s32 $0xFFFFE000  }
0xc7: {  	_ =	swait.ge [sflag:s19], $0x2000  }
0xc8: {  	[sflag:s19] =	ssyncset.done $0x0  }
0xc9: {  	[sflag:s19] =	ssyncadd.s32 $0xFFFFE000  }
0xca: {  	_ =	swait.ge [sflag:s19], $0x2000  }
0xcb: {  	[sflag:s19] =	ssyncset.done $0x0  }
0xcc: {  	s9 =	rddreg [dreg:$0x7];
	[sflag:s19] =	ssyncadd.s32 $0xFFFFE000  }
0xcd: {  	[hbm4b:s9+s3] =	stream.linear.scatter [tilespmem:s6], [sflag:$0x3], $0x8000, $0x38;
	[tilespmem:$0x1AA00] =	vst v63  }
0xce: {  	_ =	swait.ge [sflag:s20], $0x2000  }
0xcf: {  	[sflag:s20] =	ssyncset.done $0x0  }
0xd0: {  	[sflag:s20] =	ssyncadd.s32 $0xFFFFE000  }
0xd1: {  	_ =	swait.ge [sflag:s20], $0x2000  }
0xd2: {  	[sflag:s20] =	ssyncset.done $0x0  }
0xd3: {  	[sflag:s20] =	ssyncadd.s32 $0xFFFFE000  }
0xd4: {  	_ =	swait.ge [sflag:s20], $0x2000  }
0xd5: {  	[sflag:s20] =	ssyncset.done $0x0  }
0xd6: {  	[sflag:s20] =	ssyncadd.s32 $0xFFFFE000  }
0xd7: {  	_ =	swait.ge [sflag:s20], $0x2000  }
0xd8: {  	p0 =	sne.s32 s1, $0x1;
	[sflag:s20] =	ssyncset.done $0x0  }
.Ltmp1:
0xd9: {  	s11 =	rddreg [dreg:$0x8];
	[sflag:s20] =	ssyncadd.s32 $0xFFFFE000;
	(pc) =	sbr.rel @p0 .LBB2_1-.Ltmp1, $4  }
0xda: {  	[hbm4b:s11+s3] =	stream.linear.scatter [tilespmem:s12], [sflag:$0x4], $0x8000, $0x38;
	[tilespmem:$0x1AA00] =	vst v63  }
0xdb: {  	_ =	swait.ge [sflag:s21], $0x8000  }
0xdc: {  	[sflag:s21] =	ssyncset.done $0x0  }
0xdd: {  	s1 =	sadd.s32 $0xFFFFFFFF, s1;
	[sflag:s21] =	ssyncadd.s32 $0xFFFF8000  }
.LBB2_2:
0xde: {  	_ =	swait.ge [sflag:s22], $0x8000  }
0xdf: {  	[sflag:s22] =	ssyncset.done $0x0  }
0xe0: {  	[sflag:s22] =	ssyncadd.s32 $0xFFFF8000  }
0xe1: {  	_ =	sfence.sel $0x180000  }
0xe2: {  	[bflag:$0x0] =	sbarrier.arrive $0xFFFF  }
0xe3: {  	_ =	strace $0x9000004A  }
0xe4: {  	s0 =	stileid.u32;
	[bflag:$0x2] =	sbarrier.arrive $0xFFFF  }
0xe5: {  	p0 =	sne.s32 s0, $0x0;
	s0 =	rddreg [dreg:$0x2]  }
0xe6: {  	s0 =	sadd.s32 @!p0 $0x100000, s0  }
0xe7: {  	[sflag:s0] =	ssyncadd.tile.s32 @!p0 $0x1;
	_ =	shalt  }
.Lfunc_end2:
_tile_overlayer_lowered:
.L_overlay_start_2:
0xe8: {  	(tag) =	ssettag $0x2  }
0xe9: {  	s0 =	rddreg [dreg:$0x0];
	s2 =	stileid.u32  }
0xea: {  	s1 =	rddreg [dreg:$0x1];
	p0 =	sne.s32 s2, $0x0  }
0xeb: {  	s3 =	rddreg [dreg:$0x2];
	[bflag:$0x3] =	sbarrier.arrive $0xFFFF;
	s2 =	simm.s32 @!p0 $0x1C05  }
0xec: {  	[timem:s3], [sflag:s2] =	dma.local @!p0 [hbm:s0], s1  }
0xed: {  	s0 =	simm.s32 @!p0 $0x5  }
0xee: {  	_ =	swait.ge @!p0 [sflag:s0], s1  }
0xef: {  	s1 =	ssub.s32 @!p0 $0x0, s1;
	[sflag:s0] =	ssyncset.done @!p0 $0x0  }
0xf0: {  	[sflag:s0] =	ssyncadd.s32 @!p0 s1  }
0xf1: {  	[bflag:$0x3] =	sbarrier.arrive $0xFFFF  }
0xf2: {  	_ =	shalt  }

// kernel: kernel.23.cloned.1.call-start
scs
__scs_entry_jumppad:
0x0: {  	(pc) =	sbr.rel $0x88, $3  }
0x1: {  	(tag) =	ssettag $0x0;
	lr =	simm.s32 $0x1  }
0x2: {  	[smem:$0x3F6E] =	sst lr;
	_ =	strace $0xD0000000  }
0x3: {  	_ = 	snop  }
0x4: {  	_ = 	snop  }
0x5: {  	_ = 	snop  }
0x6: {  	_ = 	snop  }
0x7: {  	_ = 	snop  }
__scs_overlays_trampoline_lowered:
0x8: {  	[smem:$0x3F7D] =	sst s0  }
0x9: {  	[smem:$0x3F7E] =	sst s1  }
0xa: {  	[smem:$0x3F7F] =	sst s2  }
0xb: {  	[smem:$0x3F80] =	sst s3  }
0xc: {  	[smem:$0x3F81] =	sst s4  }
0xd: {  	[smem:$0x3F82] =	sst s5  }
0xe: {  	[smem:$0x3F83] =	sst s6  }
0xf: {  	[smem:$0x3F84] =	sst s7  }
0x10: {  	[smem:$0x3F85] =	sst s8  }
0x11: {  	[smem:$0x3F86] =	sst s9;
	s0 =	simm.s32 @!p0 $0x0  }
0x12: {  	s1 =	sld [smem:$0x3F6C];
	s0 =	simm.s32 @p0 $0x1  }
0x13: {  	[smem:$0x3F87] =	sst s0;
	s0 =	simm.s32 @!p1 $0x0  }
0x14: {  	s2 =	sld [smem:$0x3F6B];
	s0 =	simm.s32 @p1 $0x1  }
0x15: {  	[smem:$0x3F88] =	sst s0;
	s0 =	simm.s32 @!p2 $0x0  }
0x16: {  	s3 =	sld [smem:$0x3FDB];
	s0 =	simm.s32 @p2 $0x1  }
0x17: {  	s4 =	simm.s32 $0x1BF5;
	[smem:$0x3F8A] =	sst s0  }
0x18: {  	s0 =	sld [smem:$0x3F6D];
	_ =	swait.ge [sflag:s4], $0x0  }
0x19: {  	s7 =	sld [smem:$0x3F6E]  }
0x1a: {  	s8 =	sadd.s32 $0xFFFFE003, lr  }
0x1b: {  	s9 =	sadd.s32 $0xFFFFFEF7, lr;
	s5 =	simm.s32 $0xFFFFFFFF;
	p2 =	slt.u32 s8, $0xFFFFF086  }
0x1c: {  	p1 =	slt.u32 s9, $0xF7A;
	s5 =	simm.s32 @!p2 $0x0  }
0x1d: {  	s5 =	simm.s32 @p1 $0x1;
	p0 =	seq.s32 s7, s2  }
0x1e: {  	s7 =	smul.u32 @!p0 $0xF7A, s2;
	p2 =	seq.s32 @!p0 s5, $0x0  }
0x1f: {  	s9 =	smul.u32 $0xF7A, s1;
	s8 =	simm.s32 @!p0 $0x1BF5;
	p2 =	por !p2, p0  }
0x20: {  	[sflag:s8] =	ssyncset.s32 @!p0 $0xFFFFF086;
	s6 =	sadd.s32 @!p0 s3, s7;
	s7 =	simm.s32 @!p0 $0x108  }
0x21: {  	s3 =	sadd.s32 s3, s9;
	s6 =	sadd.s32 @!p0 $0x88, s6;
	s7 =	simm.s32 @p2 $0x1082  }
0x22: {  	[simem:s7], [sflag:s8] =	dma.local @!p0 [hbm:s6], $0xF7A  }
0x23: {  	s9 =	sor.u32 $0xD0000000, s2;
	s6 =	simm.s32 $0x108;
	_ =	swait.ge @!p0 [sflag:s8], $0x0  }
0x24: {  	s3 =	sadd.s32 $0x88, s3;
	s6 =	simm.s32 @!p1 $0x1082;
	[sflag:s4] =	ssyncset.s32 $0xFFFFF086  }
0x25: {  	[simem:s6], [sflag:s4] =	dma.local [hbm:s3], $0xF7A  }
0x26: {  	[smem:$0x3F6E] =	sst s1;
	(tag) =	ssettag s2;
	_ =	strace s9  }
0x27: {  	s1 =	sld [smem:$0x3F7E]  }
0x28: {  	s2 =	sld [smem:$0x3F7F]  }
0x29: {  	s4 =	sld [smem:$0x3F81]  }
0x2a: {  	p0 =	seq.s32 s5, $0x0;
	s5 =	sld [smem:$0x3F82]  }
0x2b: {  	s6 =	sld [smem:$0x3F83]  }
0x2c: {  	s7 =	sld [smem:$0x3F84]  }
0x2d: {  	s3 =	simm.s32 $0x108;
	s8 =	sld [smem:$0x3F85]  }
0x2e: {  	s3 =	simm.s32 @!p0 $0x1082;
	s9 =	sld [smem:$0x3F86]  }
0x2f: {  	lr =	sadd.s32 s0, s3;
	s0 =	sld [smem:$0x3F7D]  }
0x30: {  	s3 =	sld [smem:$0x3F80]  }
0x31: {  	[smem:$0x3F89] =	sst s10  }
0x32: {  	s10 =	sld [smem:$0x3F87];
	_ =	sdelay $0x3  }
0x33: {  	p0 =	seq.s32 s10, $0x1;
	s10 =	sld [smem:$0x3F89];
	_ =	sdelay $0x3  }
0x34: {  	[smem:$0x3F89] =	sst s10  }
0x35: {  	s10 =	sld [smem:$0x3F88];
	_ =	sdelay $0x3  }
0x36: {  	p1 =	seq.s32 s10, $0x1;
	s10 =	sld [smem:$0x3F89];
	_ =	sdelay $0x3  }
0x37: {  	[smem:$0x3F89] =	sst s10  }
0x38: {  	s10 =	sld [smem:$0x3F8A]  }
0x39: {  	_ = 	snop;
	(pc) =	sbr.ind lr, $3  }
0x3a: {  	_ = 	snop  }
0x3b: {  	_ = 	snop  }
0x3c: {  	p2 =	seq.s32 s10, $0x1;
	s10 =	sld [smem:$0x3F89]  }
0x3d: {  	_ =	shalt  }
0x3e: {  	_ =	shalt  }
0x3f: {  	_ =	shalt  }
0x40: {  	_ =	shalt  }
0x41: {  	_ =	shalt  }
0x42: {  	_ =	shalt  }
0x43: {  	_ =	shalt  }
0x44: {  	_ =	shalt  }
0x45: {  	_ =	shalt  }
0x46: {  	_ =	shalt  }
0x47: {  	_ =	shalt  }
0x48: {  	_ =	shalt  }
0x49: {  	_ =	shalt  }
0x4a: {  	_ =	shalt  }
0x4b: {  	_ =	shalt  }
0x4c: {  	_ =	shalt  }
0x4d: {  	_ =	shalt  }
0x4e: {  	_ =	shalt  }
0x4f: {  	_ =	shalt  }
0x50: {  	_ =	shalt  }
0x51: {  	_ =	shalt  }
0x52: {  	_ =	shalt  }
0x53: {  	_ =	shalt  }
0x54: {  	_ =	shalt  }
0x55: {  	_ =	shalt  }
0x56: {  	_ =	shalt  }
0x57: {  	_ =	shalt  }
0x58: {  	_ =	shalt  }
0x59: {  	_ =	shalt  }
0x5a: {  	_ =	shalt  }
0x5b: {  	_ =	shalt  }
0x5c: {  	_ =	shalt  }
0x5d: {  	_ =	shalt  }
0x5e: {  	_ =	shalt  }
0x5f: {  	_ =	shalt  }
0x60: {  	_ =	shalt  }
0x61: {  	_ =	shalt  }
0x62: {  	_ =	shalt  }
0x63: {  	_ =	shalt  }
0x64: {  	_ =	shalt  }
0x65: {  	_ =	shalt  }
0x66: {  	_ =	shalt  }
0x67: {  	_ =	shalt  }
0x68: {  	_ =	shalt  }
0x69: {  	_ =	shalt  }
0x6a: {  	_ =	shalt  }
0x6b: {  	_ =	shalt  }
0x6c: {  	_ =	shalt  }
0x6d: {  	_ =	shalt  }
0x6e: {  	_ =	shalt  }
0x6f: {  	_ =	shalt  }
0x70: {  	_ =	shalt  }
0x71: {  	_ =	shalt  }
0x72: {  	_ =	shalt  }
0x73: {  	_ =	shalt  }
0x74: {  	_ =	shalt  }
0x75: {  	_ =	shalt  }
0x76: {  	_ =	shalt  }
0x77: {  	_ =	shalt  }
0x78: {  	_ =	shalt  }
0x79: {  	_ =	shalt  }
0x7a: {  	_ =	shalt  }
0x7b: {  	_ =	shalt  }
0x7c: {  	_ =	shalt  }
0x7d: {  	_ =	shalt  }
0x7e: {  	_ =	shalt  }
0x7f: {  	_ =	shalt  }
0x80: {  	_ =	shalt  }
0x81: {  	_ =	shalt  }
0x82: {  	_ =	shalt  }
0x83: {  	_ =	shalt  }
0x84: {  	_ =	shalt  }
0x85: {  	_ =	shalt  }
0x86: {  	_ =	shalt  }
0x87: {  	_ =	shalt  }
.Lfunc_end0:
.L_simem_size_0:
called_computation.2_lowered:
.L_overlay_start_0:
0x88: {  	s2 =	sld [smem:$0x3FD9]  }
0x89: {  	s3 =	sld [smem:$0x3FFE];
	_ =	sdelay $0x1  }
0x8a: {  	s1 =	srdreg.scid  }
0x8b: {  	s0 =	sand.u32 $0x1, s1  }
0x8c: {  	s16 =	sshll.u32 s0, $0xA;
	s2 =	sadd.s32 s3, s2  }
0x8d: {  	s2 =	sadd.s32 s2, s16  }
0x8e: {  	[smem:$0x3F95] =	sst s2  }
0x8f: {  	_ = 	snop  }
0x90: {  	(tm) =	ssettm $0x1  }
0x91: {  	s17 =	sld [smem:$0x3FFB];
	_ =	sdelay $0x3  }
0x92: {  	_ =	strace s17  }
0x93: {  	s2 =	sld [smem:$0x3FFC];
	_ =	sdelay $0x3  }
0x94: {  	_ =	strace s2  }
0x95: {  	s2 =	sld [smem:$0x3FFD];
	_ =	sdelay $0x3  }
0x96: {  	_ =	strace s2  }
0x97: {  	_ =	strace $0x8FFFFFFF  }
0x98: {  	s18 =	sld [smem:$0x3FDB];
	_ =	sdelay $0x1  }
0x99: {  	s19 =	simm.s32 $_scs_section_size  }
0x9a: {  	s4 =	simm.s32 $_size__tile_overlayer_lowered;
	s5 =	simm.s32 $_tile_overlayer_lowered  }
0x9b: {  	s22 =	simm.s32 $0x1BFF;
	s21 =	sshll.u32 s5, $0x1;
	s2 =	sadd.s32 s19, s18  }
0x9c: {  	s6 =	simm.s32 $0x0;
	s20 =	sshll.u32 s4, $0x1;
	s4 =	sadd.s32 s21, s2  }
0x9d: {  	[timem:s6], [sflag:s22] =	dma.local [hbm:s4], s20  }
0x9e: {  	_ =	swait.ge [sflag:s22], s20  }
0x9f: {  	s3 =	ssub.s32 $0x0, s20;
	[sflag:s22] =	ssyncset.done $0x0  }
0xa0: {  	[sflag:s22] =	ssyncadd.s32 s3;
	_ =	sdelay $0x1  }
0xa1: {  	s23 =	simm.s32 $0x1B8B  }
0xa2: {  	_ =	swait.ge [sflag:s23], $0x1  }
0xa3: {  	[sflag:s23] =	ssyncset.done $0x0  }
0xa4: {  	s25 =	simm.s32 $0x1B8E;
	s24 =	sld [smem:$0x3FFE];
	[sflag:s23] =	ssyncadd.s32 $0xFFFFFFFF  }
0xa5: {  	s26 =	simm.s32 $execute0_lowered;
	[smem:$0x3FD2] =	sst s25  }
0xa6: {  	s4 =	sshll.u32 s26, $0x1;
	_ =	strace $0x8000004C;
	[dreg:$0x1] =	wrdreg $0xFFFFFFFF  }
0xa7: {  	s28 =	simm.s32 $_size_execute0_lowered;
	s2 =	sadd.s32 s2, s4;
	[dreg:$0x0] =	wrdreg $0x0  }
0xa8: {  	s4 =	sshll.u32 s28, $0x1;
	[dreg:$0x2] =	wrdreg s2  }
0xa9: {  	[dreg:$0x3] =	wrdreg s4  }
0xaa: {  	[dreg:$0x4] =	wrdreg $0xC0  }
0xab: {  	_ =	task [dreg:s6], $0x5FFFF  }
0xac: {  	[dreg:$0x1] =	wrdreg $0xFFFFFFFF  }
0xad: {  	[dreg:$0x0] =	wrdreg $0x60  }
0xae: {  	[dreg:$0x2] =	wrdreg s24  }
0xaf: {  	[dreg:$0x3] =	wrdreg $0x10A000  }
0xb0: {  	[dreg:$0x4] =	wrdreg $0x9  }
0xb1: {  	_ =	task.clear_ibuf [dreg:s6], $0x5FFFF;
	_ =	strace $0x9000004C  }
0xb2: {  	s29 =	simm.s32 $0x9;
	_ =	strace $0x8000004E  }
0xb3: {  	_ =	swait.ge [sflag:s29], $0x1  }
0xb4: {  	[sflag:s29] =	ssyncadd.s32 $0xFFFFFFFF  }
0xb5: {  	_ =	strace $0x9000004E  }
0xb6: {  	_ =	sfence  }
0xb7: {  	s30 =	sld [smem:$0x0];
	_ =	sdelay $0x2  }
0xb8: {  	s31 =	sshll.u32 s1, $0xD;
	s1 =	sshrl.u32 s1, $0x2  }
0xb9: {  	s3 =	sand.u32 $0x4000, s31;
	s1 =	sadd.s32 s1, s30  }
0xba: {  	s0 =	sor.u32 s3, s0;
	s1 =	sshll.u32 s1, $0x11  }
0xbb: {  	s0 =	sor.u32 s1, s0  }
0xbc: {  	s0 =	sadd.s32 $0x8F2B, s0  }
0xbd: {  	[sflag:s0] =	ssyncadd.remote.s32 $0x1  }
0xbe: {  	_ =	sfence.sel $0xFFFF  }
0xbf: {  	[dreg:$0x0] =	wrdreg $0xFFFFFFFF;
	(pc) =	sbr.abs _section_cstart, $3  }
0xc0: {  	[dreg:$0x1] =	wrdreg $0xFFFFFFFF  }
0xc1: {  	_ =	task.clear_ibuf [dreg:s6], $0x2FFFF;
	_ =	strace $0x9FFFFFFF  }
0xc2: {  	(tm) =	ssettm $0x7FFFFFFF  }
0xc3: {  	_ =	shalt  }
tec
execute0_lowered:
.L_overlay_start_1:
0x0: {  	(tag) =	ssettag $0x1  }
0x1: {  	s0 =	stileid.u32;
	s4 =	rddreg [dreg:$0x0]  }
0x2: {  	s1 =	srdreg.scid;
	s2 =	rddreg [dreg:$0x1]  }
0x3: {  	s21 =	simm.s32 $0x100;
	s1 =	sand.u32 $0x1, s1;
	s3 =	sshll.u32 s0, $0x1  }
0x4: {  	s5 =	smul.u32 $0xA000, s0;
	s17 =	sshll.u32 s0, $0x6;
	s6 =	sor.u32 s1, s3  }
0x5: {  	s3 =	simm.s32 $0x0;
	s18 =	sor.u32 $0x1C05, s17;
	s7 =	smul.u32 $0x140, s6  }
0x6: {  	[smem:$0x7FF] =	sst s3;
	s8 =	sshrl.u32 s5, $0x3;
	s6 =	smul.u32 $0x5000, s6  }
0x7: {  	s5 =	sadd.s32 s5, s2;
	_ =	strace $0x8000004D;
	[dreg:$0x9] =	wrdreg s18  }
0x8: {  	s8 =	sadd.s32 s8, s4;
	s19 =	sshrl.u32 s5, $0x3;
	[dreg:$0xb] =	wrdreg s21  }
0x9: {  	s9 =	sadd.s32 $0x20600, s4;
	s13 =	sadd.s32 $0xC600, s8;
	[dreg:$0xa] =	wrdreg s19  }
0xa: {  	s7 =	sadd.s32 s7, s4;
	s14 =	sadd.s32 s9, s6;
	[dreg:$0x4] =	wrdreg s13  }
0xb: {  	s4 =	sadd.s32 $0x21600, s4;
	s7 =	sadd.s32 $0x9E00, s7;
	[dreg:$0x5] =	wrdreg s14  }
0xc: {  	s15 =	sadd.s32 s6, s4;
	s6 =	sadd.s32 $0x2000, s6;
	[dreg:$0x3] =	wrdreg s7  }
0xd: {  	[dreg:$0x6] =	wrdreg s15;
	s16 =	sadd.s32 s9, s6  }
0xe: {  	s4 =	sadd.s32 s6, s4;
	[dreg:$0x7] =	wrdreg s16  }
0xf: {  	[dreg:$0x8] =	wrdreg s4  }
0x10: {  	s20 =	rddreg [dreg:$0x3];
	s4 =	simm.s32 $0x5  }
0x11: {  	[tilespmem:s3], [sflag:$0x5] =	stream.linear.gather [hbm4b:s20+s3], $0xA00, $0x38;
	[tilespmem:$0x1AA00] =	vst v63  }
0x12: {  	_ =	swait.ge [sflag:s4], $0xA00  }
0x13: {  	s22 =	rddreg [dreg:$0xa]  }
0x14: {  	s23 =	rddreg [dreg:$0x4];
	[sflag:s4] =	ssyncset.done $0x0  }
0x15: {  	s24 =	rddreg [dreg:$0x9];
	[sflag:s4] =	ssyncadd.s32 $0xFFFFF600  }
0x16: {  	[spmem:s22], [sflag:s24] =	dma.local [hbm:s23], $0x1400  }
0x17: {  	_ =	swait.ge [sflag:s4], $0x1400  }
0x18: {  	[sflag:s4] =	ssyncset.done $0x0  }
0x19: {  	[sflag:s4] =	ssyncadd.s32 $0xFFFFEC00  }
0x1a: {  	s5 =	simm.s32 $0x80;
	s6 =	simm.s32 $0xA00;
	[bflag:$0x0] =	sbarrier.arrive $0xFFFF  }
0x1b: {  	[tilespmem:s6], [sflag:$0x1] =	stream.indirect.gather [spmem:s2], $0x40, s3, s5, $0xb8;
	[tilespmem:$0x1AA00] =	vst v63  }
0x1c: {  	s7 =	simm.s32 $0x2A00  }
0x1d: {  	[tilespmem:s7], [sflag:$0x1] =	stream.indirect.gather [spmem:s2], $0x40, s5, s5, $0xb8;
	[tilespmem:$0x1AA00] =	vst v63  }
0x1e: {  	s8 =	simm.s32 $0x4A00;
	s25 =	rddreg [dreg:$0xb]  }
0x1f: {  	[tilespmem:s8], [sflag:$0x1] =	stream.indirect.gather [spmem:s2], $0x40, s25, s5, $0xb8;
	[tilespmem:$0x1AA00] =	vst v63  }
0x20: {  	s26 =	simm.s32 $0x180;
	s10 =	simm.s32 $0x6A00  }
0x21: {  	[tilespmem:s10], [sflag:$0x1] =	stream.indirect.gather [spmem:s2], $0x40, s26, s5, $0xb8;
	[tilespmem:$0x1AA00] =	vst v63  }
0x22: {  	s12 =	simm.s32 $0x8A00;
	s9 =	simm.s32 $0x200  }
0x23: {  	[tilespmem:s12], [sflag:$0x2] =	stream.indirect.gather [spmem:s2], $0x40, s9, s5, $0xb8;
	[tilespmem:$0x1AA00] =	vst v63  }
0x24: {  	s13 =	simm.s32 $0x280;
	s14 =	simm.s32 $0xAA00  }
0x25: {  	[tilespmem:s14], [sflag:$0x2] =	stream.indirect.gather [spmem:s2], $0x40, s13, s5, $0xb8;
	[tilespmem:$0x1AA00] =	vst v63  }
0x26: {  	s15 =	simm.s32 $0x300;
	s16 =	simm.s32 $0xCA00  }
0x27: {  	[tilespmem:s16], [sflag:$0x2] =	stream.indirect.gather [spmem:s2], $0x40, s15, s5, $0xb8;
	[tilespmem:$0x1AA00] =	vst v63  }
0x28: {  	s17 =	simm.s32 $0x380;
	s18 =	simm.s32 $0xEA00;
	s19 =	simm.s32 $0x1  }
0x29: {  	[tilespmem:s18], [sflag:$0x2] =	stream.indirect.gather [spmem:s2], $0x40, s17, s5, $0xb8;
	[tilespmem:$0x1AA00] =	vst v63  }
0x2a: {  	_ =	swait.ge [sflag:s19], $0x2000  }
0x2b: {  	[sflag:s19] =	ssyncset.done $0x0  }
0x2c: {  	[sflag:s19] =	ssyncadd.s32 $0xFFFFE000  }
0x2d: {  	_ =	swait.ge [sflag:s19], $0x2000  }
0x2e: {  	[sflag:s19] =	ssyncset.done $0x0  }
0x2f: {  	[sflag:s19] =	ssyncadd.s32 $0xFFFFE000  }
0x30: {  	_ =	swait.ge [sflag:s19], $0x2000  }
0x31: {  	[sflag:s19] =	ssyncset.done $0x0  }
0x32: {  	[sflag:s19] =	ssyncadd.s32 $0xFFFFE000  }
0x33: {  	_ =	swait.ge [sflag:s19], $0x2000  }
0x34: {  	[sflag:s19] =	ssyncset.done $0x0  }
0x35: {  	s20 =	simm.s32 $0x2;
	s21 =	rddreg [dreg:$0x5];
	[sflag:s19] =	ssyncadd.s32 $0xFFFFE000  }
0x36: {  	[hbm4b:s21+s3] =	stream.linear.scatter [tilespmem:s6], [sflag:$0x3], $0x8000, $0x38;
	[tilespmem:$0x1AA00] =	vst v63  }
0x37: {  	_ =	swait.ge [sflag:s20], $0x2000  }
0x38: {  	[sflag:s20] =	ssyncset.done $0x0  }
0x39: {  	[sflag:s20] =	ssyncadd.s32 $0xFFFFE000  }
0x3a: {  	_ =	swait.ge [sflag:s20], $0x2000  }
0x3b: {  	[sflag:s20] =	ssyncset.done $0x0  }
0x3c: {  	[sflag:s20] =	ssyncadd.s32 $0xFFFFE000  }
0x3d: {  	_ =	swait.ge [sflag:s20], $0x2000  }
0x3e: {  	[sflag:s20] =	ssyncset.done $0x0  }
0x3f: {  	[sflag:s20] =	ssyncadd.s32 $0xFFFFE000  }
0x40: {  	_ =	swait.ge [sflag:s20], $0x2000  }
0x41: {  	[sflag:s20] =	ssyncset.done $0x0  }
0x42: {  	s21 =	simm.s32 $0x3;
	s22 =	rddreg [dreg:$0x6];
	[sflag:s20] =	ssyncadd.s32 $0xFFFFE000  }
0x43: {  	[hbm4b:s22+s3] =	stream.linear.scatter [tilespmem:s12], [sflag:$0x4], $0x8000, $0x38;
	[tilespmem:$0x1AA00] =	vst v63  }
0x44: {  	_ =	swait.ge [sflag:s21], $0x8000  }
0x45: {  	[sflag:s21] =	ssyncset.done $0x0  }
0x46: {  	s22 =	simm.s32 $0x4;
	[sflag:s21] =	ssyncadd.s32 $0xFFFF8000  }
0x47: {  	_ =	swait.ge [sflag:s22], $0x8000  }
0x48: {  	[sflag:s22] =	ssyncset.done $0x0  }
0x49: {  	s23 =	simm.s32 $0x400;
	[sflag:s22] =	ssyncadd.s32 $0xFFFF8000  }
0x4a: {  	[tilespmem:s6], [sflag:$0x1] =	stream.indirect.gather [spmem:s2], $0x40, s23, s5, $0xb8;
	[tilespmem:$0x1AA00] =	vst v63  }
0x4b: {  	s24 =	simm.s32 $0x480  }
0x4c: {  	[tilespmem:s7], [sflag:$0x1] =	stream.indirect.gather [spmem:s2], $0x40, s24, s5, $0xb8;
	[tilespmem:$0x1AA00] =	vst v63  }
0x4d: {  	s25 =	simm.s32 $0x500  }
0x4e: {  	[tilespmem:s8], [sflag:$0x1] =	stream.indirect.gather [spmem:s2], $0x40, s25, s5, $0xb8;
	[tilespmem:$0x1AA00] =	vst v63  }
0x4f: {  	s26 =	simm.s32 $0x580  }
0x50: {  	[tilespmem:s10], [sflag:$0x1] =	stream.indirect.gather [spmem:s2], $0x40, s26, s5, $0xb8;
	[tilespmem:$0x1AA00] =	vst v63  }
0x51: {  	s28 =	simm.s32 $0x600  }
0x52: {  	[tilespmem:s12], [sflag:$0x2] =	stream.indirect.gather [spmem:s2], $0x40, s28, s5, $0xb8;
	[tilespmem:$0x1AA00] =	vst v63  }
0x53: {  	s29 =	simm.s32 $0x680  }
0x54: {  	[tilespmem:s14], [sflag:$0x2] =	stream.indirect.gather [spmem:s2], $0x40, s29, s5, $0xb8;
	[tilespmem:$0x1AA00] =	vst v63  }
0x55: {  	s30 =	simm.s32 $0x700  }
0x56: {  	[tilespmem:s16], [sflag:$0x2] =	stream.indirect.gather [spmem:s2], $0x40, s30, s5, $0xb8;
	[tilespmem:$0x1AA00] =	vst v63  }
0x57: {  	s31 =	simm.s32 $0x780  }
0x58: {  	[tilespmem:s18], [sflag:$0x2] =	stream.indirect.gather [spmem:s2], $0x40, s31, s5, $0xb8;
	[tilespmem:$0x1AA00] =	vst v63  }
0x59: {  	_ =	swait.ge [sflag:s19], $0x2000  }
0x5a: {  	[sflag:s19] =	ssyncset.done $0x0  }
0x5b: {  	[sflag:s19] =	ssyncadd.s32 $0xFFFFE000  }
0x5c: {  	_ =	swait.ge [sflag:s19], $0x2000  }
0x5d: {  	[sflag:s19] =	ssyncset.done $0x0  }
0x5e: {  	[sflag:s19] =	ssyncadd.s32 $0xFFFFE000  }
0x5f: {  	_ =	swait.ge [sflag:s19], $0x2000  }
0x60: {  	[sflag:s19] =	ssyncset.done $0x0  }
0x61: {  	[sflag:s19] =	ssyncadd.s32 $0xFFFFE000  }
0x62: {  	_ =	swait.ge [sflag:s19], $0x2000  }
0x63: {  	[sflag:s19] =	ssyncset.done $0x0  }
0x64: {  	s11 =	rddreg [dreg:$0x7];
	[sflag:s19] =	ssyncadd.s32 $0xFFFFE000  }
0x65: {  	[hbm4b:s11+s3] =	stream.linear.scatter [tilespmem:s6], [sflag:$0x3], $0x8000, $0x38;
	[tilespmem:$0x1AA00] =	vst v63  }
0x66: {  	_ =	swait.ge [sflag:s20], $0x2000  }
0x67: {  	[sflag:s20] =	ssyncset.done $0x0  }
0x68: {  	[sflag:s20] =	ssyncadd.s32 $0xFFFFE000  }
0x69: {  	_ =	swait.ge [sflag:s20], $0x2000  }
0x6a: {  	[sflag:s20] =	ssyncset.done $0x0  }
0x6b: {  	[sflag:s20] =	ssyncadd.s32 $0xFFFFE000  }
0x6c: {  	s9 =	ssub.s32 $0x2, s1;
	_ =	swait.ge [sflag:s20], $0x2000  }
0x6d: {  	s1 =	sshrl.u32 s9, $0x1;
	[sflag:s20] =	ssyncset.done $0x0  }
0x6e: {  	s0 =	ssub.s32 s9, s1;
	[sflag:s20] =	ssyncadd.s32 $0xFFFFE000  }
0x6f: {  	s0 =	smax.u32 s0, $0x1;
	_ =	swait.ge [sflag:s20], $0x2000  }
0x70: {  	p0 =	sne.s32 s0, $0x1;
	[sflag:s20] =	ssyncset.done $0x0  }
.Ltmp0:
0x71: {  	s11 =	rddreg [dreg:$0x8];
	[sflag:s20] =	ssyncadd.s32 $0xFFFFE000;
	(pc) =	sbr.rel @!p0 .LBB2_2-.Ltmp0, $4  }
0x72: {  	[hbm4b:s11+s3] =	stream.linear.scatter [tilespmem:s12], [sflag:$0x4], $0x8000, $0x38;
	[tilespmem:$0x1AA00] =	vst v63  }
0x73: {  	_ =	swait.ge [sflag:s21], $0x8000  }
0x74: {  	[sflag:s21] =	ssyncset.done $0x0  }
0x75: {  	s1 =	sadd.s32 $0xFFFFFFFF, s0;
	[sflag:s21] =	ssyncadd.s32 $0xFFFF8000  }
.LBB2_1:
0x76: {  	_ =	swait.ge [sflag:s22], $0x8000  }
0x77: {  	[sflag:s22] =	ssyncset.done $0x0  }
0x78: {  	s0 =	rddreg [dreg:$0x3];
	[sflag:s22] =	ssyncadd.s32 $0xFFFF8000  }
0x79: {  	[tilespmem:s3], [sflag:$0x5] =	stream.linear.gather [hbm4b:s0+s3], $0xA00, $0x38;
	[tilespmem:$0x1AA00] =	vst v63  }
0x7a: {  	_ =	swait.ge [sflag:s4], $0xA00  }
0x7b: {  	s0 =	rddreg [dreg:$0xa]  }
0x7c: {  	[sflag:s4] =	ssyncset.done $0x0;
	s9 =	rddreg [dreg:$0x4]  }
0x7d: {  	s11 =	rddreg [dreg:$0x9];
	[sflag:s4] =	ssyncadd.s32 $0xFFFFF600  }
0x7e: {  	[spmem:s0], [sflag:s11] =	dma.local [hbm:s9], $0x1400  }
0x7f: {  	_ =	swait.ge [sflag:s4], $0x1400  }
0x80: {  	[sflag:s4] =	ssyncset.done $0x0  }
0x81: {  	[sflag:s4] =	ssyncadd.s32 $0xFFFFEC00  }
0x82: {  	[bflag:$0x0] =	sbarrier.arrive $0xFFFF  }
0x83: {  	[tilespmem:s6], [sflag:$0x1] =	stream.indirect.gather [spmem:s2], $0x40, s3, s5, $0xb8;
	[tilespmem:$0x1AA00] =	vst v63  }
0x84: {  	_ = 	snop  }
0x85: {  	[tilespmem:s7], [sflag:$0x1] =	stream.indirect.gather [spmem:s2], $0x40, s5, s5, $0xb8;
	[tilespmem:$0x1AA00] =	vst v63  }
0x86: {  	s11 =	rddreg [dreg:$0xb]  }
0x87: {  	[tilespmem:s8], [sflag:$0x1] =	stream.indirect.gather [spmem:s2], $0x40, s11, s5, $0xb8;
	[tilespmem:$0x1AA00] =	vst v63  }
0x88: {  	s9 =	simm.s32 $0x180  }
0x89: {  	[tilespmem:s10], [sflag:$0x1] =	stream.indirect.gather [spmem:s2], $0x40, s9, s5, $0xb8;
	[tilespmem:$0x1AA00] =	vst v63  }
0x8a: {  	s11 =	simm.s32 $0x200  }
0x8b: {  	[tilespmem:s12], [sflag:$0x2] =	stream.indirect.gather [spmem:s2], $0x40, s11, s5, $0xb8;
	[tilespmem:$0x1AA00] =	vst v63  }
0x8c: {  	_ = 	snop  }
0x8d: {  	[tilespmem:s14], [sflag:$0x2] =	stream.indirect.gather [spmem:s2], $0x40, s13, s5, $0xb8;
	[tilespmem:$0x1AA00] =	vst v63  }
0x8e: {  	_ = 	snop  }
0x8f: {  	[tilespmem:s16], [sflag:$0x2] =	stream.indirect.gather [spmem:s2], $0x40, s15, s5, $0xb8;
	[tilespmem:$0x1AA00] =	vst v63  }
0x90: {  	_ = 	snop  }
0x91: {  	[tilespmem:s18], [sflag:$0x2] =	stream.indirect.gather [spmem:s2], $0x40, s17, s5, $0xb8;
	[tilespmem:$0x1AA00] =	vst v63  }
0x92: {  	_ =	swait.ge [sflag:s19], $0x2000  }
0x93: {  	[sflag:s19] =	ssyncset.done $0x0  }
0x94: {  	[sflag:s19] =	ssyncadd.s32 $0xFFFFE000  }
0x95: {  	_ =	swait.ge [sflag:s19], $0x2000  }
0x96: {  	[sflag:s19] =	ssyncset.done $0x0  }
0x97: {  	[sflag:s19] =	ssyncadd.s32 $0xFFFFE000  }
0x98: {  	_ =	swait.ge [sflag:s19], $0x2000  }
0x99: {  	[sflag:s19] =	ssyncset.done $0x0  }
0x9a: {  	[sflag:s19] =	ssyncadd.s32 $0xFFFFE000  }
0x9b: {  	_ =	swait.ge [sflag:s19], $0x2000  }
0x9c: {  	[sflag:s19] =	ssyncset.done $0x0  }
0x9d: {  	s9 =	rddreg [dreg:$0x5];
	[sflag:s19] =	ssyncadd.s32 $0xFFFFE000  }
0x9e: {  	[hbm4b:s9+s3] =	stream.linear.scatter [tilespmem:s6], [sflag:$0x3], $0x8000, $0x38;
	[tilespmem:$0x1AA00] =	vst v63  }
0x9f: {  	_ =	swait.ge [sflag:s20], $0x2000  }
0xa0: {  	[sflag:s20] =	ssyncset.done $0x0  }
0xa1: {  	[sflag:s20] =	ssyncadd.s32 $0xFFFFE000  }
0xa2: {  	_ =	swait.ge [sflag:s20], $0x2000  }
0xa3: {  	[sflag:s20] =	ssyncset.done $0x0  }
0xa4: {  	[sflag:s20] =	ssyncadd.s32 $0xFFFFE000  }
0xa5: {  	_ =	swait.ge [sflag:s20], $0x2000  }
0xa6: {  	[sflag:s20] =	ssyncset.done $0x0  }
0xa7: {  	[sflag:s20] =	ssyncadd.s32 $0xFFFFE000  }
0xa8: {  	_ =	swait.ge [sflag:s20], $0x2000  }
0xa9: {  	[sflag:s20] =	ssyncset.done $0x0  }
0xaa: {  	s11 =	rddreg [dreg:$0x6];
	[sflag:s20] =	ssyncadd.s32 $0xFFFFE000  }
0xab: {  	[hbm4b:s11+s3] =	stream.linear.scatter [tilespmem:s12], [sflag:$0x4], $0x8000, $0x38;
	[tilespmem:$0x1AA00] =	vst v63  }
0xac: {  	_ =	swait.ge [sflag:s21], $0x8000  }
0xad: {  	[sflag:s21] =	ssyncset.done $0x0  }
0xae: {  	[sflag:s21] =	ssyncadd.s32 $0xFFFF8000  }
0xaf: {  	_ =	swait.ge [sflag:s22], $0x8000  }
0xb0: {  	[sflag:s22] =	ssyncset.done $0x0  }
0xb1: {  	[sflag:s22] =	ssyncadd.s32 $0xFFFF8000  }
0xb2: {  	[tilespmem:s6], [sflag:$0x1] =	stream.indirect.gather [spmem:s2], $0x40, s23, s5, $0xb8;
	[tilespmem:$0x1AA00] =	vst v63  }
0xb3: {  	_ = 	snop  }
0xb4: {  	[tilespmem:s7], [sflag:$0x1] =	stream.indirect.gather [spmem:s2], $0x40, s24, s5, $0xb8;
	[tilespmem:$0x1AA00] =	vst v63  }
0xb5: {  	_ = 	snop  }
0xb6: {  	[tilespmem:s8], [sflag:$0x1] =	stream.indirect.gather [spmem:s2], $0x40, s25, s5, $0xb8;
	[tilespmem:$0x1AA00] =	vst v63  }
0xb7: {  	_ = 	snop  }
0xb8: {  	[tilespmem:s10], [sflag:$0x1] =	stream.indirect.gather [spmem:s2], $0x40, s26, s5, $0xb8;
	[tilespmem:$0x1AA00] =	vst v63  }
0xb9: {  	_ = 	snop  }
0xba: {  	[tilespmem:s12], [sflag:$0x2] =	stream.indirect.gather [spmem:s2], $0x40, s28, s5, $0xb8;
	[tilespmem:$0x1AA00] =	vst v63  }
0xbb: {  	_ = 	snop  }
0xbc: {  	[tilespmem:s14], [sflag:$0x2] =	stream.indirect.gather [spmem:s2], $0x40, s29, s5, $0xb8;
	[tilespmem:$0x1AA00] =	vst v63  }
0xbd: {  	_ = 	snop  }
0xbe: {  	[tilespmem:s16], [sflag:$0x2] =	stream.indirect.gather [spmem:s2], $0x40, s30, s5, $0xb8;
	[tilespmem:$0x1AA00] =	vst v63  }
0xbf: {  	_ = 	snop  }
0xc0: {  	[tilespmem:s18], [sflag:$0x2] =	stream.indirect.gather [spmem:s2], $0x40, s31, s5, $0xb8;
	[tilespmem:$0x1AA00] =	vst v63  }
0xc1: {  	_ =	swait.ge [sflag:s19], $0x2000  }
0xc2: {  	[sflag:s19] =	ssyncset.done $0x0  }
0xc3: {  	[sflag:s19] =	ssyncadd.s32 $0xFFFFE000  }
0xc4: {  	_ =	swait.ge [sflag:s19], $0x2000  }
0xc5: {  	[sflag:s19] =	ssyncset.done $0x0  }
0xc6: {  	[sflag:s19] =	ssyncadd.s32 $0xFFFFE000  }
0xc7: {  	_ =	swait.ge [sflag:s19], $0x2000  }
0xc8: {  	[sflag:s19] =	ssyncset.done $0x0  }
0xc9: {  	[sflag:s19] =	ssyncadd.s32 $0xFFFFE000  }
0xca: {  	_ =	swait.ge [sflag:s19], $0x2000  }
0xcb: {  	[sflag:s19] =	ssyncset.done $0x0  }
0xcc: {  	s9 =	rddreg [dreg:$0x7];
	[sflag:s19] =	ssyncadd.s32 $0xFFFFE000  }
0xcd: {  	[hbm4b:s9+s3] =	stream.linear.scatter [tilespmem:s6], [sflag:$0x3], $0x8000, $0x38;
	[tilespmem:$0x1AA00] =	vst v63  }
0xce: {  	_ =	swait.ge [sflag:s20], $0x2000  }
0xcf: {  	[sflag:s20] =	ssyncset.done $0x0  }
0xd0: {  	[sflag:s20] =	ssyncadd.s32 $0xFFFFE000  }
0xd1: {  	_ =	swait.ge [sflag:s20], $0x2000  }
0xd2: {  	[sflag:s20] =	ssyncset.done $0x0  }
0xd3: {  	[sflag:s20] =	ssyncadd.s32 $0xFFFFE000  }
0xd4: {  	_ =	swait.ge [sflag:s20], $0x2000  }
0xd5: {  	[sflag:s20] =	ssyncset.done $0x0  }
0xd6: {  	[sflag:s20] =	ssyncadd.s32 $0xFFFFE000  }
0xd7: {  	_ =	swait.ge [sflag:s20], $0x2000  }
0xd8: {  	p0 =	sne.s32 s1, $0x1;
	[sflag:s20] =	ssyncset.done $0x0  }
.Ltmp1:
0xd9: {  	s11 =	rddreg [dreg:$0x8];
	[sflag:s20] =	ssyncadd.s32 $0xFFFFE000;
	(pc) =	sbr.rel @p0 .LBB2_1-.Ltmp1, $4  }
0xda: {  	[hbm4b:s11+s3] =	stream.linear.scatter [tilespmem:s12], [sflag:$0x4], $0x8000, $0x38;
	[tilespmem:$0x1AA00] =	vst v63  }
0xdb: {  	_ =	swait.ge [sflag:s21], $0x8000  }
0xdc: {  	[sflag:s21] =	ssyncset.done $0x0  }
0xdd: {  	s1 =	sadd.s32 $0xFFFFFFFF, s1;
	[sflag:s21] =	ssyncadd.s32 $0xFFFF8000  }
.LBB2_2:
0xde: {  	_ =	swait.ge [sflag:s22], $0x8000  }
0xdf: {  	[sflag:s22] =	ssyncset.done $0x0  }
0xe0: {  	[sflag:s22] =	ssyncadd.s32 $0xFFFF8000  }
0xe1: {  	_ =	sfence.sel $0x180000  }
0xe2: {  	[bflag:$0x0] =	sbarrier.arrive $0xFFFF  }
0xe3: {  	_ =	strace $0x9000004D  }
0xe4: {  	s0 =	stileid.u32;
	[bflag:$0x2] =	sbarrier.arrive $0xFFFF  }
0xe5: {  	p0 =	sne.s32 s0, $0x0;
	s0 =	rddreg [dreg:$0x2]  }
0xe6: {  	s0 =	sadd.s32 @!p0 $0x100000, s0  }
0xe7: {  	[sflag:s0] =	ssyncadd.tile.s32 @!p0 $0x1;
	_ =	shalt  }
.Lfunc_end2:
_tile_overlayer_lowered:
.L_overlay_start_2:
0xe8: {  	(tag) =	ssettag $0x2  }
0xe9: {  	s0 =	rddreg [dreg:$0x0];
	s2 =	stileid.u32  }
0xea: {  	s1 =	rddreg [dreg:$0x1];
	p0 =	sne.s32 s2, $0x0  }
0xeb: {  	s3 =	rddreg [dreg:$0x2];
	[bflag:$0x3] =	sbarrier.arrive $0xFFFF;
	s2 =	simm.s32 @!p0 $0x1C05  }
0xec: {  	[timem:s3], [sflag:s2] =	dma.local @!p0 [hbm:s0], s1  }
0xed: {  	s0 =	simm.s32 @!p0 $0x5  }
0xee: {  	_ =	swait.ge @!p0 [sflag:s0], s1  }
0xef: {  	s1 =	ssub.s32 @!p0 $0x0, s1;
	[sflag:s0] =	ssyncset.done @!p0 $0x0  }
0xf0: {  	[sflag:s0] =	ssyncadd.s32 @!p0 s1  }
0xf1: {  	[bflag:$0x3] =	sbarrier.arrive $0xFFFF  }
0xf2: {  	_ =	shalt  }

// kernel: kernel.26.cloned.1.call-start
scs
__scs_entry_jumppad:
0x0: {  	(pc) =	sbr.rel $0x88, $3  }
0x1: {  	(tag) =	ssettag $0x0;
	lr =	simm.s32 $0x1  }
0x2: {  	[smem:$0x3F6E] =	sst lr;
	_ =	strace $0xD0000000  }
0x3: {  	_ = 	snop  }
0x4: {  	_ = 	snop  }
0x5: {  	_ = 	snop  }
0x6: {  	_ = 	snop  }
0x7: {  	_ = 	snop  }
__scs_overlays_trampoline_lowered:
0x8: {  	[smem:$0x3F7D] =	sst s0  }
0x9: {  	[smem:$0x3F7E] =	sst s1  }
0xa: {  	[smem:$0x3F7F] =	sst s2  }
0xb: {  	[smem:$0x3F80] =	sst s3  }
0xc: {  	[smem:$0x3F81] =	sst s4  }
0xd: {  	[smem:$0x3F82] =	sst s5  }
0xe: {  	[smem:$0x3F83] =	sst s6  }
0xf: {  	[smem:$0x3F84] =	sst s7  }
0x10: {  	[smem:$0x3F85] =	sst s8  }
0x11: {  	[smem:$0x3F86] =	sst s9;
	s0 =	simm.s32 @!p0 $0x0  }
0x12: {  	s1 =	sld [smem:$0x3F6C];
	s0 =	simm.s32 @p0 $0x1  }
0x13: {  	[smem:$0x3F87] =	sst s0;
	s0 =	simm.s32 @!p1 $0x0  }
0x14: {  	s2 =	sld [smem:$0x3F6B];
	s0 =	simm.s32 @p1 $0x1  }
0x15: {  	[smem:$0x3F88] =	sst s0;
	s0 =	simm.s32 @!p2 $0x0  }
0x16: {  	s3 =	sld [smem:$0x3FDB];
	s0 =	simm.s32 @p2 $0x1  }
0x17: {  	s4 =	simm.s32 $0x1BF5;
	[smem:$0x3F8A] =	sst s0  }
0x18: {  	s0 =	sld [smem:$0x3F6D];
	_ =	swait.ge [sflag:s4], $0x0  }
0x19: {  	s7 =	sld [smem:$0x3F6E]  }
0x1a: {  	s8 =	sadd.s32 $0xFFFFE003, lr  }
0x1b: {  	s9 =	sadd.s32 $0xFFFFFEF7, lr;
	s5 =	simm.s32 $0xFFFFFFFF;
	p2 =	slt.u32 s8, $0xFFFFF086  }
0x1c: {  	p1 =	slt.u32 s9, $0xF7A;
	s5 =	simm.s32 @!p2 $0x0  }
0x1d: {  	s5 =	simm.s32 @p1 $0x1;
	p0 =	seq.s32 s7, s2  }
0x1e: {  	s7 =	smul.u32 @!p0 $0xF7A, s2;
	p2 =	seq.s32 @!p0 s5, $0x0  }
0x1f: {  	s9 =	smul.u32 $0xF7A, s1;
	s8 =	simm.s32 @!p0 $0x1BF5;
	p2 =	por !p2, p0  }
0x20: {  	[sflag:s8] =	ssyncset.s32 @!p0 $0xFFFFF086;
	s6 =	sadd.s32 @!p0 s3, s7;
	s7 =	simm.s32 @!p0 $0x108  }
0x21: {  	s3 =	sadd.s32 s3, s9;
	s6 =	sadd.s32 @!p0 $0x88, s6;
	s7 =	simm.s32 @p2 $0x1082  }
0x22: {  	[simem:s7], [sflag:s8] =	dma.local @!p0 [hbm:s6], $0xF7A  }
0x23: {  	s9 =	sor.u32 $0xD0000000, s2;
	s6 =	simm.s32 $0x108;
	_ =	swait.ge @!p0 [sflag:s8], $0x0  }
0x24: {  	s3 =	sadd.s32 $0x88, s3;
	s6 =	simm.s32 @!p1 $0x1082;
	[sflag:s4] =	ssyncset.s32 $0xFFFFF086  }
0x25: {  	[simem:s6], [sflag:s4] =	dma.local [hbm:s3], $0xF7A  }
0x26: {  	[smem:$0x3F6E] =	sst s1;
	(tag) =	ssettag s2;
	_ =	strace s9  }
0x27: {  	s1 =	sld [smem:$0x3F7E]  }
0x28: {  	s2 =	sld [smem:$0x3F7F]  }
0x29: {  	s4 =	sld [smem:$0x3F81]  }
0x2a: {  	p0 =	seq.s32 s5, $0x0;
	s5 =	sld [smem:$0x3F82]  }
0x2b: {  	s6 =	sld [smem:$0x3F83]  }
0x2c: {  	s7 =	sld [smem:$0x3F84]  }
0x2d: {  	s3 =	simm.s32 $0x108;
	s8 =	sld [smem:$0x3F85]  }
0x2e: {  	s3 =	simm.s32 @!p0 $0x1082;
	s9 =	sld [smem:$0x3F86]  }
0x2f: {  	lr =	sadd.s32 s0, s3;
	s0 =	sld [smem:$0x3F7D]  }
0x30: {  	s3 =	sld [smem:$0x3F80]  }
0x31: {  	[smem:$0x3F89] =	sst s10  }
0x32: {  	s10 =	sld [smem:$0x3F87];
	_ =	sdelay $0x3  }
0x33: {  	p0 =	seq.s32 s10, $0x1;
	s10 =	sld [smem:$0x3F89];
	_ =	sdelay $0x3  }
0x34: {  	[smem:$0x3F89] =	sst s10  }
0x35: {  	s10 =	sld [smem:$0x3F88];
	_ =	sdelay $0x3  }
0x36: {  	p1 =	seq.s32 s10, $0x1;
	s10 =	sld [smem:$0x3F89];
	_ =	sdelay $0x3  }
0x37: {  	[smem:$0x3F89] =	sst s10  }
0x38: {  	s10 =	sld [smem:$0x3F8A]  }
0x39: {  	_ = 	snop;
	(pc) =	sbr.ind lr, $3  }
0x3a: {  	_ = 	snop  }
0x3b: {  	_ = 	snop  }
0x3c: {  	p2 =	seq.s32 s10, $0x1;
	s10 =	sld [smem:$0x3F89]  }
0x3d: {  	_ =	shalt  }
0x3e: {  	_ =	shalt  }
0x3f: {  	_ =	shalt  }
0x40: {  	_ =	shalt  }
0x41: {  	_ =	shalt  }
0x42: {  	_ =	shalt  }
0x43: {  	_ =	shalt  }
0x44: {  	_ =	shalt  }
0x45: {  	_ =	shalt  }
0x46: {  	_ =	shalt  }
0x47: {  	_ =	shalt  }
0x48: {  	_ =	shalt  }
0x49: {  	_ =	shalt  }
0x4a: {  	_ =	shalt  }
0x4b: {  	_ =	shalt  }
0x4c: {  	_ =	shalt  }
0x4d: {  	_ =	shalt  }
0x4e: {  	_ =	shalt  }
0x4f: {  	_ =	shalt  }
0x50: {  	_ =	shalt  }
0x51: {  	_ =	shalt  }
0x52: {  	_ =	shalt  }
0x53: {  	_ =	shalt  }
0x54: {  	_ =	shalt  }
0x55: {  	_ =	shalt  }
0x56: {  	_ =	shalt  }
0x57: {  	_ =	shalt  }
0x58: {  	_ =	shalt  }
0x59: {  	_ =	shalt  }
0x5a: {  	_ =	shalt  }
0x5b: {  	_ =	shalt  }
0x5c: {  	_ =	shalt  }
0x5d: {  	_ =	shalt  }
0x5e: {  	_ =	shalt  }
0x5f: {  	_ =	shalt  }
0x60: {  	_ =	shalt  }
0x61: {  	_ =	shalt  }
0x62: {  	_ =	shalt  }
0x63: {  	_ =	shalt  }
0x64: {  	_ =	shalt  }
0x65: {  	_ =	shalt  }
0x66: {  	_ =	shalt  }
0x67: {  	_ =	shalt  }
0x68: {  	_ =	shalt  }
0x69: {  	_ =	shalt  }
0x6a: {  	_ =	shalt  }
0x6b: {  	_ =	shalt  }
0x6c: {  	_ =	shalt  }
0x6d: {  	_ =	shalt  }
0x6e: {  	_ =	shalt  }
0x6f: {  	_ =	shalt  }
0x70: {  	_ =	shalt  }
0x71: {  	_ =	shalt  }
0x72: {  	_ =	shalt  }
0x73: {  	_ =	shalt  }
0x74: {  	_ =	shalt  }
0x75: {  	_ =	shalt  }
0x76: {  	_ =	shalt  }
0x77: {  	_ =	shalt  }
0x78: {  	_ =	shalt  }
0x79: {  	_ =	shalt  }
0x7a: {  	_ =	shalt  }
0x7b: {  	_ =	shalt  }
0x7c: {  	_ =	shalt  }
0x7d: {  	_ =	shalt  }
0x7e: {  	_ =	shalt  }
0x7f: {  	_ =	shalt  }
0x80: {  	_ =	shalt  }
0x81: {  	_ =	shalt  }
0x82: {  	_ =	shalt  }
0x83: {  	_ =	shalt  }
0x84: {  	_ =	shalt  }
0x85: {  	_ =	shalt  }
0x86: {  	_ =	shalt  }
0x87: {  	_ =	shalt  }
.Lfunc_end0:
.L_simem_size_0:
called_computation.3_lowered:
.L_overlay_start_0:
0x88: {  	s2 =	sld [smem:$0x3FD9]  }
0x89: {  	s3 =	sld [smem:$0x3FFE];
	_ =	sdelay $0x1  }
0x8a: {  	s1 =	srdreg.scid  }
0x8b: {  	s0 =	sand.u32 $0x1, s1  }
0x8c: {  	s17 =	sshll.u32 s0, $0xA;
	s2 =	sadd.s32 s3, s2  }
0x8d: {  	s2 =	sadd.s32 s2, s17  }
0x8e: {  	[smem:$0x3F95] =	sst s2  }
0x8f: {  	_ = 	snop  }
0x90: {  	(tm) =	ssettm $0x1  }
0x91: {  	s18 =	sld [smem:$0x3FFB];
	_ =	sdelay $0x3  }
0x92: {  	_ =	strace s18  }
0x93: {  	s2 =	sld [smem:$0x3FFC];
	_ =	sdelay $0x3  }
0x94: {  	_ =	strace s2  }
0x95: {  	s2 =	sld [smem:$0x3FFD];
	_ =	sdelay $0x3  }
0x96: {  	_ =	strace s2  }
0x97: {  	_ =	strace $0x8FFFFFFF  }
0x98: {  	s19 =	sld [smem:$0x3FDB];
	_ =	sdelay $0x1  }
0x99: {  	s20 =	simm.s32 $_scs_section_size  }
0x9a: {  	s4 =	simm.s32 $_size__tile_overlayer_lowered;
	s5 =	simm.s32 $_tile_overlayer_lowered  }
0x9b: {  	s6 =	simm.s32 $0x1BFF;
	s21 =	sshll.u32 s5, $0x1;
	s3 =	sadd.s32 s20, s19  }
0x9c: {  	s22 =	simm.s32 $0x0;
	s4 =	sshll.u32 s4, $0x1;
	s5 =	sadd.s32 s21, s3  }
0x9d: {  	[timem:s22], [sflag:s6] =	dma.local [hbm:s5], s4  }
0x9e: {  	_ =	swait.ge [sflag:s6], s4  }
0x9f: {  	s4 =	ssub.s32 $0x0, s4;
	[sflag:s6] =	ssyncset.done $0x0  }
0xa0: {  	[sflag:s6] =	ssyncadd.s32 s4;
	_ =	sdelay $0x1  }
0xa1: {  	s23 =	simm.s32 $0x1B8B  }
0xa2: {  	_ =	swait.ge [sflag:s23], $0x1  }
0xa3: {  	[sflag:s23] =	ssyncset.done $0x0  }
0xa4: {  	[sflag:s23] =	ssyncadd.s32 $0xFFFFFFFF  }
0xa5: {  	s4 =	sld [smem:$0x0]  }
0xa6: {  	s5 =	sand.u32 $0xFFFFFFFE, s1  }
0xa7: {  	p0 =	sne.s32 s1, s5  }
0xa8: {  	s5 =	sshll.u32 @p0 s5, $0xE  }
0xa9: {  	s5 =	sadd.s32 @p0 $0x11B8D, s5;
	s6 =	sshll.u32 @p0 s4, $0x11  }
0xaa: {  	s5 =	sor.u32 @p0 s6, s5  }
0xab: {  	[sflag:s5] =	ssyncadd.remote.s32 @p0 $0x1;
	_ =	sdelay $0x1  }
0xac: {  	s5 =	simm.s32 @p0 $0x1B8D  }
0xad: {  	_ =	swait.eq @p0 [sflag:s5], $0x1  }
0xae: {  	[sflag:s5] =	ssyncadd.s32 @p0 $0xFFFFFFFF  }
0xaf: {  	s6 =	sshll.u32 @!p0 s1, $0xE  }
0xb0: {  	s6 =	sor.u32 @!p0 $0x4000, s6;
	s5 =	simm.s32 @!p0 $0x1B8D  }
0xb1: {  	s4 =	sshll.u32 @!p0 s4, $0x11;
	s6 =	sadd.s32 @!p0 $0x11B8D, s6;
	_ =	swait.eq @!p0 [sflag:s5], $0x1  }
0xb2: {  	s4 =	sor.u32 @!p0 s4, s6;
	[sflag:s5] =	ssyncadd.s32 @!p0 $0xFFFFFFFF  }
0xb3: {  	s25 =	simm.s32 $0x1B8E;
	s24 =	sld [smem:$0x3FFE];
	[sflag:s4] =	ssyncadd.remote.s32 @!p0 $0x1  }
0xb4: {  	s26 =	simm.s32 $execute0_lowered;
	[smem:$0x3FD2] =	sst s25  }
0xb5: {  	s5 =	sshll.u32 s26, $0x1;
	_ =	strace $0x8000004F;
	[dreg:$0x1] =	wrdreg $0xFFFFFFFF  }
0xb6: {  	s28 =	simm.s32 $_size_execute0_lowered;
	s3 =	sadd.s32 s3, s5;
	[dreg:$0x0] =	wrdreg $0x0  }
0xb7: {  	s5 =	sshll.u32 s28, $0x1;
	[dreg:$0x2] =	wrdreg s3  }
0xb8: {  	[dreg:$0x3] =	wrdreg s5  }
0xb9: {  	[dreg:$0x4] =	wrdreg $0xC0  }
0xba: {  	_ =	task [dreg:s22], $0x5FFFF  }
0xbb: {  	[dreg:$0x1] =	wrdreg $0xFFFFFFFF  }
0xbc: {  	[dreg:$0x0] =	wrdreg $0x60  }
0xbd: {  	[dreg:$0x2] =	wrdreg s24  }
0xbe: {  	[dreg:$0x3] =	wrdreg $0x10A000  }
0xbf: {  	[dreg:$0x4] =	wrdreg $0xA  }
0xc0: {  	_ =	task.clear_ibuf [dreg:s22], $0x5FFFF;
	_ =	strace $0x9000004F  }
0xc1: {  	s29 =	simm.s32 $0xA;
	_ =	strace $0x80000051  }
0xc2: {  	_ =	swait.ge [sflag:s29], $0x1  }
0xc3: {  	[sflag:s29] =	ssyncadd.s32 $0xFFFFFFFF  }
0xc4: {  	_ =	strace $0x90000051  }
0xc5: {  	_ =	sfence  }
0xc6: {  	s30 =	sld [smem:$0x0];
	_ =	sdelay $0x2  }
0xc7: {  	s31 =	sshll.u32 s1, $0xD;
	s1 =	sshrl.u32 s1, $0x2  }
0xc8: {  	s4 =	sand.u32 $0x4000, s31;
	s1 =	sadd.s32 s1, s30  }
0xc9: {  	s0 =	sor.u32 s4, s0;
	s1 =	sshll.u32 s1, $0x11  }
0xca: {  	s0 =	sor.u32 s1, s0  }
0xcb: {  	s0 =	sadd.s32 $0x8F2B, s0  }
0xcc: {  	[sflag:s0] =	ssyncadd.remote.s32 $0x1  }
0xcd: {  	_ =	sfence.sel $0xFFFF  }
0xce: {  	[dreg:$0x0] =	wrdreg $0xFFFFFFFF;
	(pc) =	sbr.abs _section_cstart, $3  }
0xcf: {  	[dreg:$0x1] =	wrdreg $0xFFFFFFFF  }
0xd0: {  	_ =	task.clear_ibuf [dreg:s22], $0x2FFFF;
	_ =	strace $0x9FFFFFFF  }
0xd1: {  	(tm) =	ssettm $0x7FFFFFFF  }
tec
execute0_lowered:
.L_overlay_start_1:
0x0: {  	(tag) =	ssettag $0x1  }
0x1: {  	s0 =	stileid.u32;
	s4 =	rddreg [dreg:$0x0]  }
0x2: {  	s1 =	srdreg.scid;
	s2 =	rddreg [dreg:$0x1]  }
0x3: {  	s21 =	simm.s32 $0x100;
	s1 =	sand.u32 $0x1, s1;
	s3 =	sshll.u32 s0, $0x1  }
0x4: {  	s5 =	smul.u32 $0xA000, s0;
	s17 =	sshll.u32 s0, $0x6;
	s6 =	sor.u32 s1, s3  }
0x5: {  	s3 =	simm.s32 $0x0;
	s18 =	sor.u32 $0x1C05, s17;
	s7 =	smul.u32 $0x140, s6  }
0x6: {  	[smem:$0x7FF] =	sst s3;
	s8 =	sshrl.u32 s5, $0x3;
	s6 =	smul.u32 $0x5000, s6  }
0x7: {  	s5 =	sadd.s32 s5, s2;
	_ =	strace $0x80000050;
	[dreg:$0x9] =	wrdreg s18  }
0x8: {  	s8 =	sadd.s32 s8, s4;
	s19 =	sshrl.u32 s5, $0x3;
	[dreg:$0xb] =	wrdreg s21  }
0x9: {  	s9 =	sadd.s32 $0xC2E00, s4;
	s13 =	sadd.s32 $0xC600, s8;
	[dreg:$0xa] =	wrdreg s19  }
0xa: {  	s7 =	sadd.s32 s7, s4;
	s14 =	sadd.s32 s9, s6;
	[dreg:$0x4] =	wrdreg s13  }
0xb: {  	s4 =	sadd.s32 $0xC3E00, s4;
	s7 =	sadd.s32 $0xC0600, s7;
	[dreg:$0x5] =	wrdreg s14  }
0xc: {  	s15 =	sadd.s32 s6, s4;
	s6 =	sadd.s32 $0x2000, s6;
	[dreg:$0x3] =	wrdreg s7  }
0xd: {  	[dreg:$0x6] =	wrdreg s15;
	s16 =	sadd.s32 s9, s6  }
0xe: {  	s4 =	sadd.s32 s6, s4;
	[dreg:$0x7] =	wrdreg s16  }
0xf: {  	[dreg:$0x8] =	wrdreg s4  }
0x10: {  	s20 =	rddreg [dreg:$0x3];
	s4 =	simm.s32 $0x5  }
0x11: {  	[tilespmem:s3], [sflag:$0x5] =	stream.linear.gather [hbm4b:s20+s3], $0xA00, $0x38;
	[tilespmem:$0x1AA00] =	vst v63  }
0x12: {  	_ =	swait.ge [sflag:s4], $0xA00  }
0x13: {  	s22 =	rddreg [dreg:$0xa]  }
0x14: {  	s23 =	rddreg [dreg:$0x4];
	[sflag:s4] =	ssyncset.done $0x0  }
0x15: {  	s24 =	rddreg [dreg:$0x9];
	[sflag:s4] =	ssyncadd.s32 $0xFFFFF600  }
0x16: {  	[spmem:s22], [sflag:s24] =	dma.local [hbm:s23], $0x1400  }
0x17: {  	_ =	swait.ge [sflag:s4], $0x1400  }
0x18: {  	[sflag:s4] =	ssyncset.done $0x0  }
0x19: {  	[sflag:s4] =	ssyncadd.s32 $0xFFFFEC00  }
0x1a: {  	s5 =	simm.s32 $0x80;
	s6 =	simm.s32 $0xA00;
	[bflag:$0x0] =	sbarrier.arrive $0xFFFF  }
0x1b: {  	[tilespmem:s6], [sflag:$0x1] =	stream.indirect.gather [spmem:s2], $0x40, s3, s5, $0xb8;
	[tilespmem:$0x1AA00] =	vst v63  }
0x1c: {  	s7 =	simm.s32 $0x2A00  }
0x1d: {  	[tilespmem:s7], [sflag:$0x1] =	stream.indirect.gather [spmem:s2], $0x40, s5, s5, $0xb8;
	[tilespmem:$0x1AA00] =	vst v63  }
0x1e: {  	s8 =	simm.s32 $0x4A00;
	s25 =	rddreg [dreg:$0xb]  }
0x1f: {  	[tilespmem:s8], [sflag:$0x1] =	stream.indirect.gather [spmem:s2], $0x40, s25, s5, $0xb8;
	[tilespmem:$0x1AA00] =	vst v63  }
0x20: {  	s26 =	simm.s32 $0x180;
	s10 =	simm.s32 $0x6A00  }
0x21: {  	[tilespmem:s10], [sflag:$0x1] =	stream.indirect.gather [spmem:s2], $0x40, s26, s5, $0xb8;
	[tilespmem:$0x1AA00] =	vst v63  }
0x22: {  	s12 =	simm.s32 $0x8A00;
	s9 =	simm.s32 $0x200  }
0x23: {  	[tilespmem:s12], [sflag:$0x2] =	stream.indirect.gather [spmem:s2], $0x40, s9, s5, $0xb8;
	[tilespmem:$0x1AA00] =	vst v63  }
0x24: {  	s13 =	simm.s32 $0x280;
	s14 =	simm.s32 $0xAA00  }
0x25: {  	[tilespmem:s14], [sflag:$0x2] =	stream.indirect.gather [spmem:s2], $0x40, s13, s5, $0xb8;
	[tilespmem:$0x1AA00] =	vst v63  }
0x26: {  	s15 =	simm.s32 $0x300;
	s16 =	simm.s32 $0xCA00  }
0x27: {  	[tilespmem:s16], [sflag:$0x2] =	stream.indirect.gather [spmem:s2], $0x40, s15, s5, $0xb8;
	[tilespmem:$0x1AA00] =	vst v63  }
0x28: {  	s17 =	simm.s32 $0x380;
	s18 =	simm.s32 $0xEA00;
	s19 =	simm.s32 $0x1  }
0x29: {  	[tilespmem:s18], [sflag:$0x2] =	stream.indirect.gather [spmem:s2], $0x40, s17, s5, $0xb8;
	[tilespmem:$0x1AA00] =	vst v63  }
0x2a: {  	_ =	swait.ge [sflag:s19], $0x2000  }
0x2b: {  	[sflag:s19] =	ssyncset.done $0x0  }
0x2c: {  	[sflag:s19] =	ssyncadd.s32 $0xFFFFE000  }
0x2d: {  	_ =	swait.ge [sflag:s19], $0x2000  }
0x2e: {  	[sflag:s19] =	ssyncset.done $0x0  }
0x2f: {  	[sflag:s19] =	ssyncadd.s32 $0xFFFFE000  }
0x30: {  	_ =	swait.ge [sflag:s19], $0x2000  }
0x31: {  	[sflag:s19] =	ssyncset.done $0x0  }
0x32: {  	[sflag:s19] =	ssyncadd.s32 $0xFFFFE000  }
0x33: {  	_ =	swait.ge [sflag:s19], $0x2000  }
0x34: {  	[sflag:s19] =	ssyncset.done $0x0  }
0x35: {  	s20 =	simm.s32 $0x2;
	s21 =	rddreg [dreg:$0x5];
	[sflag:s19] =	ssyncadd.s32 $0xFFFFE000  }
0x36: {  	[hbm4b:s21+s3] =	stream.linear.scatter [tilespmem:s6], [sflag:$0x3], $0x8000, $0x38;
	[tilespmem:$0x1AA00] =	vst v63  }
0x37: {  	_ =	swait.ge [sflag:s20], $0x2000  }
0x38: {  	[sflag:s20] =	ssyncset.done $0x0  }
0x39: {  	[sflag:s20] =	ssyncadd.s32 $0xFFFFE000  }
0x3a: {  	_ =	swait.ge [sflag:s20], $0x2000  }
0x3b: {  	[sflag:s20] =	ssyncset.done $0x0  }
0x3c: {  	[sflag:s20] =	ssyncadd.s32 $0xFFFFE000  }
0x3d: {  	_ =	swait.ge [sflag:s20], $0x2000  }
0x3e: {  	[sflag:s20] =	ssyncset.done $0x0  }
0x3f: {  	[sflag:s20] =	ssyncadd.s32 $0xFFFFE000  }
0x40: {  	_ =	swait.ge [sflag:s20], $0x2000  }
0x41: {  	[sflag:s20] =	ssyncset.done $0x0  }
0x42: {  	s21 =	simm.s32 $0x3;
	s22 =	rddreg [dreg:$0x6];
	[sflag:s20] =	ssyncadd.s32 $0xFFFFE000  }
0x43: {  	[hbm4b:s22+s3] =	stream.linear.scatter [tilespmem:s12], [sflag:$0x4], $0x8000, $0x38;
	[tilespmem:$0x1AA00] =	vst v63  }
0x44: {  	_ =	swait.ge [sflag:s21], $0x8000  }
0x45: {  	[sflag:s21] =	ssyncset.done $0x0  }
0x46: {  	s22 =	simm.s32 $0x4;
	[sflag:s21] =	ssyncadd.s32 $0xFFFF8000  }
0x47: {  	_ =	swait.ge [sflag:s22], $0x8000  }
0x48: {  	[sflag:s22] =	ssyncset.done $0x0  }
0x49: {  	s23 =	simm.s32 $0x400;
	[sflag:s22] =	ssyncadd.s32 $0xFFFF8000  }
0x4a: {  	[tilespmem:s6], [sflag:$0x1] =	stream.indirect.gather [spmem:s2], $0x40, s23, s5, $0xb8;
	[tilespmem:$0x1AA00] =	vst v63  }
0x4b: {  	s24 =	simm.s32 $0x480  }
0x4c: {  	[tilespmem:s7], [sflag:$0x1] =	stream.indirect.gather [spmem:s2], $0x40, s24, s5, $0xb8;
	[tilespmem:$0x1AA00] =	vst v63  }
0x4d: {  	s25 =	simm.s32 $0x500  }
0x4e: {  	[tilespmem:s8], [sflag:$0x1] =	stream.indirect.gather [spmem:s2], $0x40, s25, s5, $0xb8;
	[tilespmem:$0x1AA00] =	vst v63  }
0x4f: {  	s26 =	simm.s32 $0x580  }
0x50: {  	[tilespmem:s10], [sflag:$0x1] =	stream.indirect.gather [spmem:s2], $0x40, s26, s5, $0xb8;
	[tilespmem:$0x1AA00] =	vst v63  }
0x51: {  	s28 =	simm.s32 $0x600  }
0x52: {  	[tilespmem:s12], [sflag:$0x2] =	stream.indirect.gather [spmem:s2], $0x40, s28, s5, $0xb8;
	[tilespmem:$0x1AA00] =	vst v63  }
0x53: {  	s29 =	simm.s32 $0x680  }
0x54: {  	[tilespmem:s14], [sflag:$0x2] =	stream.indirect.gather [spmem:s2], $0x40, s29, s5, $0xb8;
	[tilespmem:$0x1AA00] =	vst v63  }
0x55: {  	s30 =	simm.s32 $0x700  }
0x56: {  	[tilespmem:s16], [sflag:$0x2] =	stream.indirect.gather [spmem:s2], $0x40, s30, s5, $0xb8;
	[tilespmem:$0x1AA00] =	vst v63  }
0x57: {  	s31 =	simm.s32 $0x780  }
0x58: {  	[tilespmem:s18], [sflag:$0x2] =	stream.indirect.gather [spmem:s2], $0x40, s31, s5, $0xb8;
	[tilespmem:$0x1AA00] =	vst v63  }
0x59: {  	_ =	swait.ge [sflag:s19], $0x2000  }
0x5a: {  	[sflag:s19] =	ssyncset.done $0x0  }
0x5b: {  	[sflag:s19] =	ssyncadd.s32 $0xFFFFE000  }
0x5c: {  	_ =	swait.ge [sflag:s19], $0x2000  }
0x5d: {  	[sflag:s19] =	ssyncset.done $0x0  }
0x5e: {  	[sflag:s19] =	ssyncadd.s32 $0xFFFFE000  }
0x5f: {  	_ =	swait.ge [sflag:s19], $0x2000  }
0x60: {  	[sflag:s19] =	ssyncset.done $0x0  }
0x61: {  	[sflag:s19] =	ssyncadd.s32 $0xFFFFE000  }
0x62: {  	_ =	swait.ge [sflag:s19], $0x2000  }
0x63: {  	[sflag:s19] =	ssyncset.done $0x0  }
0x64: {  	s11 =	rddreg [dreg:$0x7];
	[sflag:s19] =	ssyncadd.s32 $0xFFFFE000  }
0x65: {  	[hbm4b:s11+s3] =	stream.linear.scatter [tilespmem:s6], [sflag:$0x3], $0x8000, $0x38;
	[tilespmem:$0x1AA00] =	vst v63  }
0x66: {  	_ =	swait.ge [sflag:s20], $0x2000  }
0x67: {  	[sflag:s20] =	ssyncset.done $0x0  }
0x68: {  	[sflag:s20] =	ssyncadd.s32 $0xFFFFE000  }
0x69: {  	_ =	swait.ge [sflag:s20], $0x2000  }
0x6a: {  	[sflag:s20] =	ssyncset.done $0x0  }
0x6b: {  	[sflag:s20] =	ssyncadd.s32 $0xFFFFE000  }
0x6c: {  	s9 =	ssub.s32 $0x2, s1;
	_ =	swait.ge [sflag:s20], $0x2000  }
0x6d: {  	s1 =	sshrl.u32 s9, $0x1;
	[sflag:s20] =	ssyncset.done $0x0  }
0x6e: {  	s0 =	ssub.s32 s9, s1;
	[sflag:s20] =	ssyncadd.s32 $0xFFFFE000  }
0x6f: {  	s0 =	smax.u32 s0, $0x1;
	_ =	swait.ge [sflag:s20], $0x2000  }
0x70: {  	p0 =	sne.s32 s0, $0x1;
	[sflag:s20] =	ssyncset.done $0x0  }
.Ltmp0:
0x71: {  	s11 =	rddreg [dreg:$0x8];
	[sflag:s20] =	ssyncadd.s32 $0xFFFFE000;
	(pc) =	sbr.rel @!p0 .LBB2_2-.Ltmp0, $4  }
0x72: {  	[hbm4b:s11+s3] =	stream.linear.scatter [tilespmem:s12], [sflag:$0x4], $0x8000, $0x38;
	[tilespmem:$0x1AA00] =	vst v63  }
0x73: {  	_ =	swait.ge [sflag:s21], $0x8000  }
0x74: {  	[sflag:s21] =	ssyncset.done $0x0  }
0x75: {  	s1 =	sadd.s32 $0xFFFFFFFF, s0;
	[sflag:s21] =	ssyncadd.s32 $0xFFFF8000  }
.LBB2_1:
0x76: {  	_ =	swait.ge [sflag:s22], $0x8000  }
0x77: {  	[sflag:s22] =	ssyncset.done $0x0  }
0x78: {  	s0 =	rddreg [dreg:$0x3];
	[sflag:s22] =	ssyncadd.s32 $0xFFFF8000  }
0x79: {  	[tilespmem:s3], [sflag:$0x5] =	stream.linear.gather [hbm4b:s0+s3], $0xA00, $0x38;
	[tilespmem:$0x1AA00] =	vst v63  }
0x7a: {  	_ =	swait.ge [sflag:s4], $0xA00  }
0x7b: {  	s0 =	rddreg [dreg:$0xa]  }
0x7c: {  	[sflag:s4] =	ssyncset.done $0x0;
	s9 =	rddreg [dreg:$0x4]  }
0x7d: {  	s11 =	rddreg [dreg:$0x9];
	[sflag:s4] =	ssyncadd.s32 $0xFFFFF600  }
0x7e: {  	[spmem:s0], [sflag:s11] =	dma.local [hbm:s9], $0x1400  }
0x7f: {  	_ =	swait.ge [sflag:s4], $0x1400  }
0x80: {  	[sflag:s4] =	ssyncset.done $0x0  }
0x81: {  	[sflag:s4] =	ssyncadd.s32 $0xFFFFEC00  }
0x82: {  	[bflag:$0x0] =	sbarrier.arrive $0xFFFF  }
0x83: {  	[tilespmem:s6], [sflag:$0x1] =	stream.indirect.gather [spmem:s2], $0x40, s3, s5, $0xb8;
	[tilespmem:$0x1AA00] =	vst v63  }
0x84: {  	_ = 	snop  }
0x85: {  	[tilespmem:s7], [sflag:$0x1] =	stream.indirect.gather [spmem:s2], $0x40, s5, s5, $0xb8;
	[tilespmem:$0x1AA00] =	vst v63  }
0x86: {  	s11 =	rddreg [dreg:$0xb]  }
0x87: {  	[tilespmem:s8], [sflag:$0x1] =	stream.indirect.gather [spmem:s2], $0x40, s11, s5, $0xb8;
	[tilespmem:$0x1AA00] =	vst v63  }
0x88: {  	s9 =	simm.s32 $0x180  }
0x89: {  	[tilespmem:s10], [sflag:$0x1] =	stream.indirect.gather [spmem:s2], $0x40, s9, s5, $0xb8;
	[tilespmem:$0x1AA00] =	vst v63  }
0x8a: {  	s11 =	simm.s32 $0x200  }
0x8b: {  	[tilespmem:s12], [sflag:$0x2] =	stream.indirect.gather [spmem:s2], $0x40, s11, s5, $0xb8;
	[tilespmem:$0x1AA00] =	vst v63  }
0x8c: {  	_ = 	snop  }
0x8d: {  	[tilespmem:s14], [sflag:$0x2] =	stream.indirect.gather [spmem:s2], $0x40, s13, s5, $0xb8;
	[tilespmem:$0x1AA00] =	vst v63  }
0x8e: {  	_ = 	snop  }
0x8f: {  	[tilespmem:s16], [sflag:$0x2] =	stream.indirect.gather [spmem:s2], $0x40, s15, s5, $0xb8;
	[tilespmem:$0x1AA00] =	vst v63  }
0x90: {  	_ = 	snop  }
0x91: {  	[tilespmem:s18], [sflag:$0x2] =	stream.indirect.gather [spmem:s2], $0x40, s17, s5, $0xb8;
	[tilespmem:$0x1AA00] =	vst v63  }
0x92: {  	_ =	swait.ge [sflag:s19], $0x2000  }
0x93: {  	[sflag:s19] =	ssyncset.done $0x0  }
0x94: {  	[sflag:s19] =	ssyncadd.s32 $0xFFFFE000  }
0x95: {  	_ =	swait.ge [sflag:s19], $0x2000  }
0x96: {  	[sflag:s19] =	ssyncset.done $0x0  }
0x97: {  	[sflag:s19] =	ssyncadd.s32 $0xFFFFE000  }
0x98: {  	_ =	swait.ge [sflag:s19], $0x2000  }
0x99: {  	[sflag:s19] =	ssyncset.done $0x0  }
0x9a: {  	[sflag:s19] =	ssyncadd.s32 $0xFFFFE000  }
0x9b: {  	_ =	swait.ge [sflag:s19], $0x2000  }
0x9c: {  	[sflag:s19] =	ssyncset.done $0x0  }
0x9d: {  	s9 =	rddreg [dreg:$0x5];
	[sflag:s19] =	ssyncadd.s32 $0xFFFFE000  }
0x9e: {  	[hbm4b:s9+s3] =	stream.linear.scatter [tilespmem:s6], [sflag:$0x3], $0x8000, $0x38;
	[tilespmem:$0x1AA00] =	vst v63  }
0x9f: {  	_ =	swait.ge [sflag:s20], $0x2000  }
0xa0: {  	[sflag:s20] =	ssyncset.done $0x0  }
0xa1: {  	[sflag:s20] =	ssyncadd.s32 $0xFFFFE000  }
0xa2: {  	_ =	swait.ge [sflag:s20], $0x2000  }
0xa3: {  	[sflag:s20] =	ssyncset.done $0x0  }
0xa4: {  	[sflag:s20] =	ssyncadd.s32 $0xFFFFE000  }
0xa5: {  	_ =	swait.ge [sflag:s20], $0x2000  }
0xa6: {  	[sflag:s20] =	ssyncset.done $0x0  }
0xa7: {  	[sflag:s20] =	ssyncadd.s32 $0xFFFFE000  }
0xa8: {  	_ =	swait.ge [sflag:s20], $0x2000  }
0xa9: {  	[sflag:s20] =	ssyncset.done $0x0  }
0xaa: {  	s11 =	rddreg [dreg:$0x6];
	[sflag:s20] =	ssyncadd.s32 $0xFFFFE000  }
0xab: {  	[hbm4b:s11+s3] =	stream.linear.scatter [tilespmem:s12], [sflag:$0x4], $0x8000, $0x38;
	[tilespmem:$0x1AA00] =	vst v63  }
0xac: {  	_ =	swait.ge [sflag:s21], $0x8000  }
0xad: {  	[sflag:s21] =	ssyncset.done $0x0  }
0xae: {  	[sflag:s21] =	ssyncadd.s32 $0xFFFF8000  }
0xaf: {  	_ =	swait.ge [sflag:s22], $0x8000  }
0xb0: {  	[sflag:s22] =	ssyncset.done $0x0  }
0xb1: {  	[sflag:s22] =	ssyncadd.s32 $0xFFFF8000  }
0xb2: {  	[tilespmem:s6], [sflag:$0x1] =	stream.indirect.gather [spmem:s2], $0x40, s23, s5, $0xb8;
	[tilespmem:$0x1AA00] =	vst v63  }
0xb3: {  	_ = 	snop  }
0xb4: {  	[tilespmem:s7], [sflag:$0x1] =	stream.indirect.gather [spmem:s2], $0x40, s24, s5, $0xb8;
	[tilespmem:$0x1AA00] =	vst v63  }
0xb5: {  	_ = 	snop  }
0xb6: {  	[tilespmem:s8], [sflag:$0x1] =	stream.indirect.gather [spmem:s2], $0x40, s25, s5, $0xb8;
	[tilespmem:$0x1AA00] =	vst v63  }
0xb7: {  	_ = 	snop  }
0xb8: {  	[tilespmem:s10], [sflag:$0x1] =	stream.indirect.gather [spmem:s2], $0x40, s26, s5, $0xb8;
	[tilespmem:$0x1AA00] =	vst v63  }
0xb9: {  	_ = 	snop  }
0xba: {  	[tilespmem:s12], [sflag:$0x2] =	stream.indirect.gather [spmem:s2], $0x40, s28, s5, $0xb8;
	[tilespmem:$0x1AA00] =	vst v63  }
0xbb: {  	_ = 	snop  }
0xbc: {  	[tilespmem:s14], [sflag:$0x2] =	stream.indirect.gather [spmem:s2], $0x40, s29, s5, $0xb8;
	[tilespmem:$0x1AA00] =	vst v63  }
0xbd: {  	_ = 	snop  }
0xbe: {  	[tilespmem:s16], [sflag:$0x2] =	stream.indirect.gather [spmem:s2], $0x40, s30, s5, $0xb8;
	[tilespmem:$0x1AA00] =	vst v63  }
0xbf: {  	_ = 	snop  }
0xc0: {  	[tilespmem:s18], [sflag:$0x2] =	stream.indirect.gather [spmem:s2], $0x40, s31, s5, $0xb8;
	[tilespmem:$0x1AA00] =	vst v63  }
0xc1: {  	_ =	swait.ge [sflag:s19], $0x2000  }
0xc2: {  	[sflag:s19] =	ssyncset.done $0x0  }
0xc3: {  	[sflag:s19] =	ssyncadd.s32 $0xFFFFE000  }
0xc4: {  	_ =	swait.ge [sflag:s19], $0x2000  }
0xc5: {  	[sflag:s19] =	ssyncset.done $0x0  }
0xc6: {  	[sflag:s19] =	ssyncadd.s32 $0xFFFFE000  }
0xc7: {  	_ =	swait.ge [sflag:s19], $0x2000  }
0xc8: {  	[sflag:s19] =	ssyncset.done $0x0  }
0xc9: {  	[sflag:s19] =	ssyncadd.s32 $0xFFFFE000  }
0xca: {  	_ =	swait.ge [sflag:s19], $0x2000  }
0xcb: {  	[sflag:s19] =	ssyncset.done $0x0  }
0xcc: {  	s9 =	rddreg [dreg:$0x7];
	[sflag:s19] =	ssyncadd.s32 $0xFFFFE000  }
0xcd: {  	[hbm4b:s9+s3] =	stream.linear.scatter [tilespmem:s6], [sflag:$0x3], $0x8000, $0x38;
	[tilespmem:$0x1AA00] =	vst v63  }
0xce: {  	_ =	swait.ge [sflag:s20], $0x2000  }
0xcf: {  	[sflag:s20] =	ssyncset.done $0x0  }
0xd0: {  	[sflag:s20] =	ssyncadd.s32 $0xFFFFE000  }
0xd1: {  	_ =	swait.ge [sflag:s20], $0x2000  }
0xd2: {  	[sflag:s20] =	ssyncset.done $0x0  }
0xd3: {  	[sflag:s20] =	ssyncadd.s32 $0xFFFFE000  }
0xd4: {  	_ =	swait.ge [sflag:s20], $0x2000  }
0xd5: {  	[sflag:s20] =	ssyncset.done $0x0  }
0xd6: {  	[sflag:s20] =	ssyncadd.s32 $0xFFFFE000  }
0xd7: {  	_ =	swait.ge [sflag:s20], $0x2000  }
0xd8: {  	p0 =	sne.s32 s1, $0x1;
	[sflag:s20] =	ssyncset.done $0x0  }
.Ltmp1:
0xd9: {  	s11 =	rddreg [dreg:$0x8];
	[sflag:s20] =	ssyncadd.s32 $0xFFFFE000;
	(pc) =	sbr.rel @p0 .LBB2_1-.Ltmp1, $4  }
0xda: {  	[hbm4b:s11+s3] =	stream.linear.scatter [tilespmem:s12], [sflag:$0x4], $0x8000, $0x38;
	[tilespmem:$0x1AA00] =	vst v63  }
0xdb: {  	_ =	swait.ge [sflag:s21], $0x8000  }
0xdc: {  	[sflag:s21] =	ssyncset.done $0x0  }
0xdd: {  	s1 =	sadd.s32 $0xFFFFFFFF, s1;
	[sflag:s21] =	ssyncadd.s32 $0xFFFF8000  }
.LBB2_2:
0xde: {  	_ =	swait.ge [sflag:s22], $0x8000  }
0xdf: {  	[sflag:s22] =	ssyncset.done $0x0  }
0xe0: {  	[sflag:s22] =	ssyncadd.s32 $0xFFFF8000  }
0xe1: {  	_ =	sfence.sel $0x180000  }
0xe2: {  	[bflag:$0x0] =	sbarrier.arrive $0xFFFF  }
0xe3: {  	_ =	strace $0x90000050  }
0xe4: {  	s0 =	stileid.u32;
	[bflag:$0x2] =	sbarrier.arrive $0xFFFF  }
0xe5: {  	p0 =	sne.s32 s0, $0x0;
	s0 =	rddreg [dreg:$0x2]  }
0xe6: {  	s0 =	sadd.s32 @!p0 $0x100000, s0  }
0xe7: {  	[sflag:s0] =	ssyncadd.tile.s32 @!p0 $0x1;
	_ =	shalt  }
.Lfunc_end2:
_tile_overlayer_lowered:
.L_overlay_start_2:
0xe8: {  	(tag) =	ssettag $0x2  }
0xe9: {  	s0 =	rddreg [dreg:$0x0];
	s2 =	stileid.u32  }
0xea: {  	s1 =	rddreg [dreg:$0x1];
	p0 =	sne.s32 s2, $0x0  }
0xeb: {  	s3 =	rddreg [dreg:$0x2];
	[bflag:$0x3] =	sbarrier.arrive $0xFFFF;
	s2 =	simm.s32 @!p0 $0x1C05  }
0xec: {  	[timem:s3], [sflag:s2] =	dma.local @!p0 [hbm:s0], s1  }
0xed: {  	s0 =	simm.s32 @!p0 $0x5  }
0xee: {  	_ =	swait.ge @!p0 [sflag:s0], s1  }
0xef: {  	s1 =	ssub.s32 @!p0 $0x0, s1;
	[sflag:s0] =	ssyncset.done @!p0 $0x0  }
0xf0: {  	[sflag:s0] =	ssyncadd.s32 @!p0 s1  }
0xf1: {  	[bflag:$0x3] =	sbarrier.arrive $0xFFFF  }
0xf2: {  	_ =	shalt  }

// kernel: kernel.29.cloned.1.call-start
scs
__scs_entry_jumppad:
0x0: {  	(pc) =	sbr.rel $0x88, $3  }
0x1: {  	(tag) =	ssettag $0x0;
	lr =	simm.s32 $0x1  }
0x2: {  	[smem:$0x3F6E] =	sst lr;
	_ =	strace $0xD0000000  }
0x3: {  	_ = 	snop  }
0x4: {  	_ = 	snop  }
0x5: {  	_ = 	snop  }
0x6: {  	_ = 	snop  }
0x7: {  	_ = 	snop  }
__scs_overlays_trampoline_lowered:
0x8: {  	[smem:$0x3F7D] =	sst s0  }
0x9: {  	[smem:$0x3F7E] =	sst s1  }
0xa: {  	[smem:$0x3F7F] =	sst s2  }
0xb: {  	[smem:$0x3F80] =	sst s3  }
0xc: {  	[smem:$0x3F81] =	sst s4  }
0xd: {  	[smem:$0x3F82] =	sst s5  }
0xe: {  	[smem:$0x3F83] =	sst s6  }
0xf: {  	[smem:$0x3F84] =	sst s7  }
0x10: {  	[smem:$0x3F85] =	sst s8  }
0x11: {  	[smem:$0x3F86] =	sst s9;
	s0 =	simm.s32 @!p0 $0x0  }
0x12: {  	s1 =	sld [smem:$0x3F6C];
	s0 =	simm.s32 @p0 $0x1  }
0x13: {  	[smem:$0x3F87] =	sst s0;
	s0 =	simm.s32 @!p1 $0x0  }
0x14: {  	s2 =	sld [smem:$0x3F6B];
	s0 =	simm.s32 @p1 $0x1  }
0x15: {  	[smem:$0x3F88] =	sst s0;
	s0 =	simm.s32 @!p2 $0x0  }
0x16: {  	s3 =	sld [smem:$0x3FDB];
	s0 =	simm.s32 @p2 $0x1  }
0x17: {  	s4 =	simm.s32 $0x1BF5;
	[smem:$0x3F8A] =	sst s0  }
0x18: {  	s0 =	sld [smem:$0x3F6D];
	_ =	swait.ge [sflag:s4], $0x0  }
0x19: {  	s7 =	sld [smem:$0x3F6E]  }
0x1a: {  	s8 =	sadd.s32 $0xFFFFE003, lr  }
0x1b: {  	s9 =	sadd.s32 $0xFFFFFEF7, lr;
	s5 =	simm.s32 $0xFFFFFFFF;
	p2 =	slt.u32 s8, $0xFFFFF086  }
0x1c: {  	p1 =	slt.u32 s9, $0xF7A;
	s5 =	simm.s32 @!p2 $0x0  }
0x1d: {  	s5 =	simm.s32 @p1 $0x1;
	p0 =	seq.s32 s7, s2  }
0x1e: {  	s7 =	smul.u32 @!p0 $0xF7A, s2;
	p2 =	seq.s32 @!p0 s5, $0x0  }
0x1f: {  	s9 =	smul.u32 $0xF7A, s1;
	s8 =	simm.s32 @!p0 $0x1BF5;
	p2 =	por !p2, p0  }
0x20: {  	[sflag:s8] =	ssyncset.s32 @!p0 $0xFFFFF086;
	s6 =	sadd.s32 @!p0 s3, s7;
	s7 =	simm.s32 @!p0 $0x108  }
0x21: {  	s3 =	sadd.s32 s3, s9;
	s6 =	sadd.s32 @!p0 $0x88, s6;
	s7 =	simm.s32 @p2 $0x1082  }
0x22: {  	[simem:s7], [sflag:s8] =	dma.local @!p0 [hbm:s6], $0xF7A  }
0x23: {  	s9 =	sor.u32 $0xD0000000, s2;
	s6 =	simm.s32 $0x108;
	_ =	swait.ge @!p0 [sflag:s8], $0x0  }
0x24: {  	s3 =	sadd.s32 $0x88, s3;
	s6 =	simm.s32 @!p1 $0x1082;
	[sflag:s4] =	ssyncset.s32 $0xFFFFF086  }
0x25: {  	[simem:s6], [sflag:s4] =	dma.local [hbm:s3], $0xF7A  }
0x26: {  	[smem:$0x3F6E] =	sst s1;
	(tag) =	ssettag s2;
	_ =	strace s9  }
0x27: {  	s1 =	sld [smem:$0x3F7E]  }
0x28: {  	s2 =	sld [smem:$0x3F7F]  }
0x29: {  	s4 =	sld [smem:$0x3F81]  }
0x2a: {  	p0 =	seq.s32 s5, $0x0;
	s5 =	sld [smem:$0x3F82]  }
0x2b: {  	s6 =	sld [smem:$0x3F83]  }
0x2c: {  	s7 =	sld [smem:$0x3F84]  }
0x2d: {  	s3 =	simm.s32 $0x108;
	s8 =	sld [smem:$0x3F85]  }
0x2e: {  	s3 =	simm.s32 @!p0 $0x1082;
	s9 =	sld [smem:$0x3F86]  }
0x2f: {  	lr =	sadd.s32 s0, s3;
	s0 =	sld [smem:$0x3F7D]  }
0x30: {  	s3 =	sld [smem:$0x3F80]  }
0x31: {  	[smem:$0x3F89] =	sst s10  }
0x32: {  	s10 =	sld [smem:$0x3F87];
	_ =	sdelay $0x3  }
0x33: {  	p0 =	seq.s32 s10, $0x1;
	s10 =	sld [smem:$0x3F89];
	_ =	sdelay $0x3  }
0x34: {  	[smem:$0x3F89] =	sst s10  }
0x35: {  	s10 =	sld [smem:$0x3F88];
	_ =	sdelay $0x3  }
0x36: {  	p1 =	seq.s32 s10, $0x1;
	s10 =	sld [smem:$0x3F89];
	_ =	sdelay $0x3  }
0x37: {  	[smem:$0x3F89] =	sst s10  }
0x38: {  	s10 =	sld [smem:$0x3F8A]  }
0x39: {  	_ = 	snop;
	(pc) =	sbr.ind lr, $3  }
0x3a: {  	_ = 	snop  }
0x3b: {  	_ = 	snop  }
0x3c: {  	p2 =	seq.s32 s10, $0x1;
	s10 =	sld [smem:$0x3F89]  }
0x3d: {  	_ =	shalt  }
0x3e: {  	_ =	shalt  }
0x3f: {  	_ =	shalt  }
0x40: {  	_ =	shalt  }
0x41: {  	_ =	shalt  }
0x42: {  	_ =	shalt  }
0x43: {  	_ =	shalt  }
0x44: {  	_ =	shalt  }
0x45: {  	_ =	shalt  }
0x46: {  	_ =	shalt  }
0x47: {  	_ =	shalt  }
0x48: {  	_ =	shalt  }
0x49: {  	_ =	shalt  }
0x4a: {  	_ =	shalt  }
0x4b: {  	_ =	shalt  }
0x4c: {  	_ =	shalt  }
0x4d: {  	_ =	shalt  }
0x4e: {  	_ =	shalt  }
0x4f: {  	_ =	shalt  }
0x50: {  	_ =	shalt  }
0x51: {  	_ =	shalt  }
0x52: {  	_ =	shalt  }
0x53: {  	_ =	shalt  }
0x54: {  	_ =	shalt  }
0x55: {  	_ =	shalt  }
0x56: {  	_ =	shalt  }
0x57: {  	_ =	shalt  }
0x58: {  	_ =	shalt  }
0x59: {  	_ =	shalt  }
0x5a: {  	_ =	shalt  }
0x5b: {  	_ =	shalt  }
0x5c: {  	_ =	shalt  }
0x5d: {  	_ =	shalt  }
0x5e: {  	_ =	shalt  }
0x5f: {  	_ =	shalt  }
0x60: {  	_ =	shalt  }
0x61: {  	_ =	shalt  }
0x62: {  	_ =	shalt  }
0x63: {  	_ =	shalt  }
0x64: {  	_ =	shalt  }
0x65: {  	_ =	shalt  }
0x66: {  	_ =	shalt  }
0x67: {  	_ =	shalt  }
0x68: {  	_ =	shalt  }
0x69: {  	_ =	shalt  }
0x6a: {  	_ =	shalt  }
0x6b: {  	_ =	shalt  }
0x6c: {  	_ =	shalt  }
0x6d: {  	_ =	shalt  }
0x6e: {  	_ =	shalt  }
0x6f: {  	_ =	shalt  }
0x70: {  	_ =	shalt  }
0x71: {  	_ =	shalt  }
0x72: {  	_ =	shalt  }
0x73: {  	_ =	shalt  }
0x74: {  	_ =	shalt  }
0x75: {  	_ =	shalt  }
0x76: {  	_ =	shalt  }
0x77: {  	_ =	shalt  }
0x78: {  	_ =	shalt  }
0x79: {  	_ =	shalt  }
0x7a: {  	_ =	shalt  }
0x7b: {  	_ =	shalt  }
0x7c: {  	_ =	shalt  }
0x7d: {  	_ =	shalt  }
0x7e: {  	_ =	shalt  }
0x7f: {  	_ =	shalt  }
0x80: {  	_ =	shalt  }
0x81: {  	_ =	shalt  }
0x82: {  	_ =	shalt  }
0x83: {  	_ =	shalt  }
0x84: {  	_ =	shalt  }
0x85: {  	_ =	shalt  }
0x86: {  	_ =	shalt  }
0x87: {  	_ =	shalt  }
.Lfunc_end0:
.L_simem_size_0:
called_computation.4_lowered:
.L_overlay_start_0:
0x88: {  	s2 =	sld [smem:$0x3FD9]  }
0x89: {  	s3 =	sld [smem:$0x3FFE];
	_ =	sdelay $0x1  }
0x8a: {  	s1 =	srdreg.scid  }
0x8b: {  	s0 =	sand.u32 $0x1, s1  }
0x8c: {  	s16 =	sshll.u32 s0, $0xA;
	s2 =	sadd.s32 s3, s2  }
0x8d: {  	s2 =	sadd.s32 s2, s16  }
0x8e: {  	[smem:$0x3F95] =	sst s2  }
0x8f: {  	_ = 	snop  }
0x90: {  	(tm) =	ssettm $0x1  }
0x91: {  	s17 =	sld [smem:$0x3FFB];
	_ =	sdelay $0x3  }
0x92: {  	_ =	strace s17  }
0x93: {  	s2 =	sld [smem:$0x3FFC];
	_ =	sdelay $0x3  }
0x94: {  	_ =	strace s2  }
0x95: {  	s2 =	sld [smem:$0x3FFD];
	_ =	sdelay $0x3  }
0x96: {  	_ =	strace s2  }
0x97: {  	_ =	strace $0x8FFFFFFF  }
0x98: {  	s18 =	sld [smem:$0x3FDB];
	_ =	sdelay $0x1  }
0x99: {  	s19 =	simm.s32 $_scs_section_size  }
0x9a: {  	s4 =	simm.s32 $_size__tile_overlayer_lowered;
	s5 =	simm.s32 $_tile_overlayer_lowered  }
0x9b: {  	s22 =	simm.s32 $0x1BFF;
	s21 =	sshll.u32 s5, $0x1;
	s2 =	sadd.s32 s19, s18  }
0x9c: {  	s6 =	simm.s32 $0x0;
	s20 =	sshll.u32 s4, $0x1;
	s4 =	sadd.s32 s21, s2  }
0x9d: {  	[timem:s6], [sflag:s22] =	dma.local [hbm:s4], s20  }
0x9e: {  	_ =	swait.ge [sflag:s22], s20  }
0x9f: {  	s3 =	ssub.s32 $0x0, s20;
	[sflag:s22] =	ssyncset.done $0x0  }
0xa0: {  	[sflag:s22] =	ssyncadd.s32 s3;
	_ =	sdelay $0x1  }
0xa1: {  	s23 =	simm.s32 $0x1B8B  }
0xa2: {  	_ =	swait.ge [sflag:s23], $0x1  }
0xa3: {  	[sflag:s23] =	ssyncset.done $0x0  }
0xa4: {  	s25 =	simm.s32 $0x1B8E;
	s24 =	sld [smem:$0x3FFE];
	[sflag:s23] =	ssyncadd.s32 $0xFFFFFFFF  }
0xa5: {  	s26 =	simm.s32 $execute0_lowered;
	[smem:$0x3FD2] =	sst s25  }
0xa6: {  	s4 =	sshll.u32 s26, $0x1;
	_ =	strace $0x80000052;
	[dreg:$0x1] =	wrdreg $0xFFFFFFFF  }
0xa7: {  	s28 =	simm.s32 $_size_execute0_lowered;
	s2 =	sadd.s32 s2, s4;
	[dreg:$0x0] =	wrdreg $0x0  }
0xa8: {  	s4 =	sshll.u32 s28, $0x1;
	[dreg:$0x2] =	wrdreg s2  }
0xa9: {  	[dreg:$0x3] =	wrdreg s4  }
0xaa: {  	[dreg:$0x4] =	wrdreg $0xC0  }
0xab: {  	_ =	task [dreg:s6], $0x5FFFF  }
0xac: {  	[dreg:$0x1] =	wrdreg $0xFFFFFFFF  }
0xad: {  	[dreg:$0x0] =	wrdreg $0x60  }
0xae: {  	[dreg:$0x2] =	wrdreg s24  }
0xaf: {  	[dreg:$0x3] =	wrdreg $0x10A000  }
0xb0: {  	[dreg:$0x4] =	wrdreg $0x9  }
0xb1: {  	_ =	task.clear_ibuf [dreg:s6], $0x5FFFF;
	_ =	strace $0x90000052  }
0xb2: {  	s29 =	simm.s32 $0x9;
	_ =	strace $0x80000054  }
0xb3: {  	_ =	swait.ge [sflag:s29], $0x1  }
0xb4: {  	[sflag:s29] =	ssyncadd.s32 $0xFFFFFFFF  }
0xb5: {  	_ =	strace $0x90000054  }
0xb6: {  	_ =	sfence  }
0xb7: {  	s30 =	sld [smem:$0x0];
	_ =	sdelay $0x2  }
0xb8: {  	s31 =	sshll.u32 s1, $0xD;
	s1 =	sshrl.u32 s1, $0x2  }
0xb9: {  	s3 =	sand.u32 $0x4000, s31;
	s1 =	sadd.s32 s1, s30  }
0xba: {  	s0 =	sor.u32 s3, s0;
	s1 =	sshll.u32 s1, $0x11  }
0xbb: {  	s0 =	sor.u32 s1, s0  }
0xbc: {  	s0 =	sadd.s32 $0x8F2B, s0  }
0xbd: {  	[sflag:s0] =	ssyncadd.remote.s32 $0x1  }
0xbe: {  	_ =	sfence.sel $0xFFFF  }
0xbf: {  	[dreg:$0x0] =	wrdreg $0xFFFFFFFF;
	(pc) =	sbr.abs _section_cstart, $3  }
0xc0: {  	[dreg:$0x1] =	wrdreg $0xFFFFFFFF  }
0xc1: {  	_ =	task.clear_ibuf [dreg:s6], $0x2FFFF;
	_ =	strace $0x9FFFFFFF  }
0xc2: {  	(tm) =	ssettm $0x7FFFFFFF  }
0xc3: {  	_ =	shalt  }
tec
execute0_lowered:
.L_overlay_start_1:
0x0: {  	(tag) =	ssettag $0x1  }
0x1: {  	s0 =	stileid.u32;
	s4 =	rddreg [dreg:$0x0]  }
0x2: {  	s1 =	srdreg.scid;
	s2 =	rddreg [dreg:$0x1]  }
0x3: {  	s21 =	simm.s32 $0x100;
	s1 =	sand.u32 $0x1, s1;
	s3 =	sshll.u32 s0, $0x1  }
0x4: {  	s5 =	smul.u32 $0xA000, s0;
	s17 =	sshll.u32 s0, $0x6;
	s6 =	sor.u32 s1, s3  }
0x5: {  	s3 =	simm.s32 $0x0;
	s18 =	sor.u32 $0x1C05, s17;
	s7 =	smul.u32 $0x140, s6  }
0x6: {  	[smem:$0x7FF] =	sst s3;
	s8 =	sshrl.u32 s5, $0x3;
	s6 =	smul.u32 $0x5000, s6  }
0x7: {  	s5 =	sadd.s32 s5, s2;
	_ =	strace $0x80000053;
	[dreg:$0x9] =	wrdreg s18  }
0x8: {  	s8 =	sadd.s32 s8, s4;
	s19 =	sshrl.u32 s5, $0x3;
	[dreg:$0xb] =	wrdreg s21  }
0x9: {  	s9 =	sadd.s32 $0x20600, s4;
	s13 =	sadd.s32 $0xC600, s8;
	[dreg:$0xa] =	wrdreg s19  }
0xa: {  	s7 =	sadd.s32 s7, s4;
	s14 =	sadd.s32 s9, s6;
	[dreg:$0x4] =	wrdreg s13  }
0xb: {  	s4 =	sadd.s32 $0x21600, s4;
	s7 =	sadd.s32 $0x9E00, s7;
	[dreg:$0x5] =	wrdreg s14  }
0xc: {  	s15 =	sadd.s32 s6, s4;
	s6 =	sadd.s32 $0x2000, s6;
	[dreg:$0x3] =	wrdreg s7  }
0xd: {  	[dreg:$0x6] =	wrdreg s15;
	s16 =	sadd.s32 s9, s6  }
0xe: {  	s4 =	sadd.s32 s6, s4;
	[dreg:$0x7] =	wrdreg s16  }
0xf: {  	[dreg:$0x8] =	wrdreg s4  }
0x10: {  	s20 =	rddreg [dreg:$0x3];
	s4 =	simm.s32 $0x5  }
0x11: {  	[tilespmem:s3], [sflag:$0x5] =	stream.linear.gather [hbm4b:s20+s3], $0xA00, $0x38;
	[tilespmem:$0x1AA00] =	vst v63  }
0x12: {  	_ =	swait.ge [sflag:s4], $0xA00  }
0x13: {  	s22 =	rddreg [dreg:$0xa]  }
0x14: {  	s23 =	rddreg [dreg:$0x4];
	[sflag:s4] =	ssyncset.done $0x0  }
0x15: {  	s24 =	rddreg [dreg:$0x9];
	[sflag:s4] =	ssyncadd.s32 $0xFFFFF600  }
0x16: {  	[spmem:s22], [sflag:s24] =	dma.local [hbm:s23], $0x1400  }
0x17: {  	_ =	swait.ge [sflag:s4], $0x1400  }
0x18: {  	[sflag:s4] =	ssyncset.done $0x0  }
0x19: {  	[sflag:s4] =	ssyncadd.s32 $0xFFFFEC00  }
0x1a: {  	s5 =	simm.s32 $0x80;
	s6 =	simm.s32 $0xA00;
	[bflag:$0x0] =	sbarrier.arrive $0xFFFF  }
0x1b: {  	[tilespmem:s6], [sflag:$0x1] =	stream.indirect.gather [spmem:s2], $0x40, s3, s5, $0xb8;
	[tilespmem:$0x1AA00] =	vst v63  }
0x1c: {  	s7 =	simm.s32 $0x2A00  }
0x1d: {  	[tilespmem:s7], [sflag:$0x1] =	stream.indirect.gather [spmem:s2], $0x40, s5, s5, $0xb8;
	[tilespmem:$0x1AA00] =	vst v63  }
0x1e: {  	s8 =	simm.s32 $0x4A00;
	s25 =	rddreg [dreg:$0xb]  }
0x1f: {  	[tilespmem:s8], [sflag:$0x1] =	stream.indirect.gather [spmem:s2], $0x40, s25, s5, $0xb8;
	[tilespmem:$0x1AA00] =	vst v63  }
0x20: {  	s26 =	simm.s32 $0x180;
	s10 =	simm.s32 $0x6A00  }
0x21: {  	[tilespmem:s10], [sflag:$0x1] =	stream.indirect.gather [spmem:s2], $0x40, s26, s5, $0xb8;
	[tilespmem:$0x1AA00] =	vst v63  }
0x22: {  	s12 =	simm.s32 $0x8A00;
	s9 =	simm.s32 $0x200  }
0x23: {  	[tilespmem:s12], [sflag:$0x2] =	stream.indirect.gather [spmem:s2], $0x40, s9, s5, $0xb8;
	[tilespmem:$0x1AA00] =	vst v63  }
0x24: {  	s13 =	simm.s32 $0x280;
	s14 =	simm.s32 $0xAA00  }
0x25: {  	[tilespmem:s14], [sflag:$0x2] =	stream.indirect.gather [spmem:s2], $0x40, s13, s5, $0xb8;
	[tilespmem:$0x1AA00] =	vst v63  }
0x26: {  	s15 =	simm.s32 $0x300;
	s16 =	simm.s32 $0xCA00  }
0x27: {  	[tilespmem:s16], [sflag:$0x2] =	stream.indirect.gather [spmem:s2], $0x40, s15, s5, $0xb8;
	[tilespmem:$0x1AA00] =	vst v63  }
0x28: {  	s17 =	simm.s32 $0x380;
	s18 =	simm.s32 $0xEA00;
	s19 =	simm.s32 $0x1  }
0x29: {  	[tilespmem:s18], [sflag:$0x2] =	stream.indirect.gather [spmem:s2], $0x40, s17, s5, $0xb8;
	[tilespmem:$0x1AA00] =	vst v63  }
0x2a: {  	_ =	swait.ge [sflag:s19], $0x2000  }
0x2b: {  	[sflag:s19] =	ssyncset.done $0x0  }
0x2c: {  	[sflag:s19] =	ssyncadd.s32 $0xFFFFE000  }
0x2d: {  	_ =	swait.ge [sflag:s19], $0x2000  }
0x2e: {  	[sflag:s19] =	ssyncset.done $0x0  }
0x2f: {  	[sflag:s19] =	ssyncadd.s32 $0xFFFFE000  }
0x30: {  	_ =	swait.ge [sflag:s19], $0x2000  }
0x31: {  	[sflag:s19] =	ssyncset.done $0x0  }
0x32: {  	[sflag:s19] =	ssyncadd.s32 $0xFFFFE000  }
0x33: {  	_ =	swait.ge [sflag:s19], $0x2000  }
0x34: {  	[sflag:s19] =	ssyncset.done $0x0  }
0x35: {  	s20 =	simm.s32 $0x2;
	s21 =	rddreg [dreg:$0x5];
	[sflag:s19] =	ssyncadd.s32 $0xFFFFE000  }
0x36: {  	[hbm4b:s21+s3] =	stream.linear.scatter [tilespmem:s6], [sflag:$0x3], $0x8000, $0x38;
	[tilespmem:$0x1AA00] =	vst v63  }
0x37: {  	_ =	swait.ge [sflag:s20], $0x2000  }
0x38: {  	[sflag:s20] =	ssyncset.done $0x0  }
0x39: {  	[sflag:s20] =	ssyncadd.s32 $0xFFFFE000  }
0x3a: {  	_ =	swait.ge [sflag:s20], $0x2000  }
0x3b: {  	[sflag:s20] =	ssyncset.done $0x0  }
0x3c: {  	[sflag:s20] =	ssyncadd.s32 $0xFFFFE000  }
0x3d: {  	_ =	swait.ge [sflag:s20], $0x2000  }
0x3e: {  	[sflag:s20] =	ssyncset.done $0x0  }
0x3f: {  	[sflag:s20] =	ssyncadd.s32 $0xFFFFE000  }
0x40: {  	_ =	swait.ge [sflag:s20], $0x2000  }
0x41: {  	[sflag:s20] =	ssyncset.done $0x0  }
0x42: {  	s21 =	simm.s32 $0x3;
	s22 =	rddreg [dreg:$0x6];
	[sflag:s20] =	ssyncadd.s32 $0xFFFFE000  }
0x43: {  	[hbm4b:s22+s3] =	stream.linear.scatter [tilespmem:s12], [sflag:$0x4], $0x8000, $0x38;
	[tilespmem:$0x1AA00] =	vst v63  }
0x44: {  	_ =	swait.ge [sflag:s21], $0x8000  }
0x45: {  	[sflag:s21] =	ssyncset.done $0x0  }
0x46: {  	s22 =	simm.s32 $0x4;
	[sflag:s21] =	ssyncadd.s32 $0xFFFF8000  }
0x47: {  	_ =	swait.ge [sflag:s22], $0x8000  }
0x48: {  	[sflag:s22] =	ssyncset.done $0x0  }
0x49: {  	s23 =	simm.s32 $0x400;
	[sflag:s22] =	ssyncadd.s32 $0xFFFF8000  }
0x4a: {  	[tilespmem:s6], [sflag:$0x1] =	stream.indirect.gather [spmem:s2], $0x40, s23, s5, $0xb8;
	[tilespmem:$0x1AA00] =	vst v63  }
0x4b: {  	s24 =	simm.s32 $0x480  }
0x4c: {  	[tilespmem:s7], [sflag:$0x1] =	stream.indirect.gather [spmem:s2], $0x40, s24, s5, $0xb8;
	[tilespmem:$0x1AA00] =	vst v63  }
0x4d: {  	s25 =	simm.s32 $0x500  }
0x4e: {  	[tilespmem:s8], [sflag:$0x1] =	stream.indirect.gather [spmem:s2], $0x40, s25, s5, $0xb8;
	[tilespmem:$0x1AA00] =	vst v63  }
0x4f: {  	s26 =	simm.s32 $0x580  }
0x50: {  	[tilespmem:s10], [sflag:$0x1] =	stream.indirect.gather [spmem:s2], $0x40, s26, s5, $0xb8;
	[tilespmem:$0x1AA00] =	vst v63  }
0x51: {  	s28 =	simm.s32 $0x600  }
0x52: {  	[tilespmem:s12], [sflag:$0x2] =	stream.indirect.gather [spmem:s2], $0x40, s28, s5, $0xb8;
	[tilespmem:$0x1AA00] =	vst v63  }
0x53: {  	s29 =	simm.s32 $0x680  }
0x54: {  	[tilespmem:s14], [sflag:$0x2] =	stream.indirect.gather [spmem:s2], $0x40, s29, s5, $0xb8;
	[tilespmem:$0x1AA00] =	vst v63  }
0x55: {  	s30 =	simm.s32 $0x700  }
0x56: {  	[tilespmem:s16], [sflag:$0x2] =	stream.indirect.gather [spmem:s2], $0x40, s30, s5, $0xb8;
	[tilespmem:$0x1AA00] =	vst v63  }
0x57: {  	s31 =	simm.s32 $0x780  }
0x58: {  	[tilespmem:s18], [sflag:$0x2] =	stream.indirect.gather [spmem:s2], $0x40, s31, s5, $0xb8;
	[tilespmem:$0x1AA00] =	vst v63  }
0x59: {  	_ =	swait.ge [sflag:s19], $0x2000  }
0x5a: {  	[sflag:s19] =	ssyncset.done $0x0  }
0x5b: {  	[sflag:s19] =	ssyncadd.s32 $0xFFFFE000  }
0x5c: {  	_ =	swait.ge [sflag:s19], $0x2000  }
0x5d: {  	[sflag:s19] =	ssyncset.done $0x0  }
0x5e: {  	[sflag:s19] =	ssyncadd.s32 $0xFFFFE000  }
0x5f: {  	_ =	swait.ge [sflag:s19], $0x2000  }
0x60: {  	[sflag:s19] =	ssyncset.done $0x0  }
0x61: {  	[sflag:s19] =	ssyncadd.s32 $0xFFFFE000  }
0x62: {  	_ =	swait.ge [sflag:s19], $0x2000  }
0x63: {  	[sflag:s19] =	ssyncset.done $0x0  }
0x64: {  	s11 =	rddreg [dreg:$0x7];
	[sflag:s19] =	ssyncadd.s32 $0xFFFFE000  }
0x65: {  	[hbm4b:s11+s3] =	stream.linear.scatter [tilespmem:s6], [sflag:$0x3], $0x8000, $0x38;
	[tilespmem:$0x1AA00] =	vst v63  }
0x66: {  	_ =	swait.ge [sflag:s20], $0x2000  }
0x67: {  	[sflag:s20] =	ssyncset.done $0x0  }
0x68: {  	[sflag:s20] =	ssyncadd.s32 $0xFFFFE000  }
0x69: {  	_ =	swait.ge [sflag:s20], $0x2000  }
0x6a: {  	[sflag:s20] =	ssyncset.done $0x0  }
0x6b: {  	[sflag:s20] =	ssyncadd.s32 $0xFFFFE000  }
0x6c: {  	s9 =	ssub.s32 $0x2, s1;
	_ =	swait.ge [sflag:s20], $0x2000  }
0x6d: {  	s1 =	sshrl.u32 s9, $0x1;
	[sflag:s20] =	ssyncset.done $0x0  }
0x6e: {  	s0 =	ssub.s32 s9, s1;
	[sflag:s20] =	ssyncadd.s32 $0xFFFFE000  }
0x6f: {  	s0 =	smax.u32 s0, $0x1;
	_ =	swait.ge [sflag:s20], $0x2000  }
0x70: {  	p0 =	sne.s32 s0, $0x1;
	[sflag:s20] =	ssyncset.done $0x0  }
.Ltmp0:
0x71: {  	s11 =	rddreg [dreg:$0x8];
	[sflag:s20] =	ssyncadd.s32 $0xFFFFE000;
	(pc) =	sbr.rel @!p0 .LBB2_2-.Ltmp0, $4  }
0x72: {  	[hbm4b:s11+s3] =	stream.linear.scatter [tilespmem:s12], [sflag:$0x4], $0x8000, $0x38;
	[tilespmem:$0x1AA00] =	vst v63  }
0x73: {  	_ =	swait.ge [sflag:s21], $0x8000  }
0x74: {  	[sflag:s21] =	ssyncset.done $0x0  }
0x75: {  	s1 =	sadd.s32 $0xFFFFFFFF, s0;
	[sflag:s21] =	ssyncadd.s32 $0xFFFF8000  }
.LBB2_1:
0x76: {  	_ =	swait.ge [sflag:s22], $0x8000  }
0x77: {  	[sflag:s22] =	ssyncset.done $0x0  }
0x78: {  	s0 =	rddreg [dreg:$0x3];
	[sflag:s22] =	ssyncadd.s32 $0xFFFF8000  }
0x79: {  	[tilespmem:s3], [sflag:$0x5] =	stream.linear.gather [hbm4b:s0+s3], $0xA00, $0x38;
	[tilespmem:$0x1AA00] =	vst v63  }
0x7a: {  	_ =	swait.ge [sflag:s4], $0xA00  }
0x7b: {  	s0 =	rddreg [dreg:$0xa]  }
0x7c: {  	[sflag:s4] =	ssyncset.done $0x0;
	s9 =	rddreg [dreg:$0x4]  }
0x7d: {  	s11 =	rddreg [dreg:$0x9];
	[sflag:s4] =	ssyncadd.s32 $0xFFFFF600  }
0x7e: {  	[spmem:s0], [sflag:s11] =	dma.local [hbm:s9], $0x1400  }
0x7f: {  	_ =	swait.ge [sflag:s4], $0x1400  }
0x80: {  	[sflag:s4] =	ssyncset.done $0x0  }
0x81: {  	[sflag:s4] =	ssyncadd.s32 $0xFFFFEC00  }
0x82: {  	[bflag:$0x0] =	sbarrier.arrive $0xFFFF  }
0x83: {  	[tilespmem:s6], [sflag:$0x1] =	stream.indirect.gather [spmem:s2], $0x40, s3, s5, $0xb8;
	[tilespmem:$0x1AA00] =	vst v63  }
0x84: {  	_ = 	snop  }
0x85: {  	[tilespmem:s7], [sflag:$0x1] =	stream.indirect.gather [spmem:s2], $0x40, s5, s5, $0xb8;
	[tilespmem:$0x1AA00] =	vst v63  }
0x86: {  	s11 =	rddreg [dreg:$0xb]  }
0x87: {  	[tilespmem:s8], [sflag:$0x1] =	stream.indirect.gather [spmem:s2], $0x40, s11, s5, $0xb8;
	[tilespmem:$0x1AA00] =	vst v63  }
0x88: {  	s9 =	simm.s32 $0x180  }
0x89: {  	[tilespmem:s10], [sflag:$0x1] =	stream.indirect.gather [spmem:s2], $0x40, s9, s5, $0xb8;
	[tilespmem:$0x1AA00] =	vst v63  }
0x8a: {  	s11 =	simm.s32 $0x200  }
0x8b: {  	[tilespmem:s12], [sflag:$0x2] =	stream.indirect.gather [spmem:s2], $0x40, s11, s5, $0xb8;
	[tilespmem:$0x1AA00] =	vst v63  }
0x8c: {  	_ = 	snop  }
0x8d: {  	[tilespmem:s14], [sflag:$0x2] =	stream.indirect.gather [spmem:s2], $0x40, s13, s5, $0xb8;
	[tilespmem:$0x1AA00] =	vst v63  }
0x8e: {  	_ = 	snop  }
0x8f: {  	[tilespmem:s16], [sflag:$0x2] =	stream.indirect.gather [spmem:s2], $0x40, s15, s5, $0xb8;
	[tilespmem:$0x1AA00] =	vst v63  }
0x90: {  	_ = 	snop  }
0x91: {  	[tilespmem:s18], [sflag:$0x2] =	stream.indirect.gather [spmem:s2], $0x40, s17, s5, $0xb8;
	[tilespmem:$0x1AA00] =	vst v63  }
0x92: {  	_ =	swait.ge [sflag:s19], $0x2000  }
0x93: {  	[sflag:s19] =	ssyncset.done $0x0  }
0x94: {  	[sflag:s19] =	ssyncadd.s32 $0xFFFFE000  }
0x95: {  	_ =	swait.ge [sflag:s19], $0x2000  }
0x96: {  	[sflag:s19] =	ssyncset.done $0x0  }
0x97: {  	[sflag:s19] =	ssyncadd.s32 $0xFFFFE000  }
0x98: {  	_ =	swait.ge [sflag:s19], $0x2000  }
0x99: {  	[sflag:s19] =	ssyncset.done $0x0  }
0x9a: {  	[sflag:s19] =	ssyncadd.s32 $0xFFFFE000  }
0x9b: {  	_ =	swait.ge [sflag:s19], $0x2000  }
0x9c: {  	[sflag:s19] =	ssyncset.done $0x0  }
0x9d: {  	s9 =	rddreg [dreg:$0x5];
	[sflag:s19] =	ssyncadd.s32 $0xFFFFE000  }
0x9e: {  	[hbm4b:s9+s3] =	stream.linear.scatter [tilespmem:s6], [sflag:$0x3], $0x8000, $0x38;
	[tilespmem:$0x1AA00] =	vst v63  }
0x9f: {  	_ =	swait.ge [sflag:s20], $0x2000  }
0xa0: {  	[sflag:s20] =	ssyncset.done $0x0  }
0xa1: {  	[sflag:s20] =	ssyncadd.s32 $0xFFFFE000  }
0xa2: {  	_ =	swait.ge [sflag:s20], $0x2000  }
0xa3: {  	[sflag:s20] =	ssyncset.done $0x0  }
0xa4: {  	[sflag:s20] =	ssyncadd.s32 $0xFFFFE000  }
0xa5: {  	_ =	swait.ge [sflag:s20], $0x2000  }
0xa6: {  	[sflag:s20] =	ssyncset.done $0x0  }
0xa7: {  	[sflag:s20] =	ssyncadd.s32 $0xFFFFE000  }
0xa8: {  	_ =	swait.ge [sflag:s20], $0x2000  }
0xa9: {  	[sflag:s20] =	ssyncset.done $0x0  }
0xaa: {  	s11 =	rddreg [dreg:$0x6];
	[sflag:s20] =	ssyncadd.s32 $0xFFFFE000  }
0xab: {  	[hbm4b:s11+s3] =	stream.linear.scatter [tilespmem:s12], [sflag:$0x4], $0x8000, $0x38;
	[tilespmem:$0x1AA00] =	vst v63  }
0xac: {  	_ =	swait.ge [sflag:s21], $0x8000  }
0xad: {  	[sflag:s21] =	ssyncset.done $0x0  }
0xae: {  	[sflag:s21] =	ssyncadd.s32 $0xFFFF8000  }
0xaf: {  	_ =	swait.ge [sflag:s22], $0x8000  }
0xb0: {  	[sflag:s22] =	ssyncset.done $0x0  }
0xb1: {  	[sflag:s22] =	ssyncadd.s32 $0xFFFF8000  }
0xb2: {  	[tilespmem:s6], [sflag:$0x1] =	stream.indirect.gather [spmem:s2], $0x40, s23, s5, $0xb8;
	[tilespmem:$0x1AA00] =	vst v63  }
0xb3: {  	_ = 	snop  }
0xb4: {  	[tilespmem:s7], [sflag:$0x1] =	stream.indirect.gather [spmem:s2], $0x40, s24, s5, $0xb8;
	[tilespmem:$0x1AA00] =	vst v63  }
0xb5: {  	_ = 	snop  }
0xb6: {  	[tilespmem:s8], [sflag:$0x1] =	stream.indirect.gather [spmem:s2], $0x40, s25, s5, $0xb8;
	[tilespmem:$0x1AA00] =	vst v63  }
0xb7: {  	_ = 	snop  }
0xb8: {  	[tilespmem:s10], [sflag:$0x1] =	stream.indirect.gather [spmem:s2], $0x40, s26, s5, $0xb8;
	[tilespmem:$0x1AA00] =	vst v63  }
0xb9: {  	_ = 	snop  }
0xba: {  	[tilespmem:s12], [sflag:$0x2] =	stream.indirect.gather [spmem:s2], $0x40, s28, s5, $0xb8;
	[tilespmem:$0x1AA00] =	vst v63  }
0xbb: {  	_ = 	snop  }
0xbc: {  	[tilespmem:s14], [sflag:$0x2] =	stream.indirect.gather [spmem:s2], $0x40, s29, s5, $0xb8;
	[tilespmem:$0x1AA00] =	vst v63  }
0xbd: {  	_ = 	snop  }
0xbe: {  	[tilespmem:s16], [sflag:$0x2] =	stream.indirect.gather [spmem:s2], $0x40, s30, s5, $0xb8;
	[tilespmem:$0x1AA00] =	vst v63  }
0xbf: {  	_ = 	snop  }
0xc0: {  	[tilespmem:s18], [sflag:$0x2] =	stream.indirect.gather [spmem:s2], $0x40, s31, s5, $0xb8;
	[tilespmem:$0x1AA00] =	vst v63  }
0xc1: {  	_ =	swait.ge [sflag:s19], $0x2000  }
0xc2: {  	[sflag:s19] =	ssyncset.done $0x0  }
0xc3: {  	[sflag:s19] =	ssyncadd.s32 $0xFFFFE000  }
0xc4: {  	_ =	swait.ge [sflag:s19], $0x2000  }
0xc5: {  	[sflag:s19] =	ssyncset.done $0x0  }
0xc6: {  	[sflag:s19] =	ssyncadd.s32 $0xFFFFE000  }
0xc7: {  	_ =	swait.ge [sflag:s19], $0x2000  }
0xc8: {  	[sflag:s19] =	ssyncset.done $0x0  }
0xc9: {  	[sflag:s19] =	ssyncadd.s32 $0xFFFFE000  }
0xca: {  	_ =	swait.ge [sflag:s19], $0x2000  }
0xcb: {  	[sflag:s19] =	ssyncset.done $0x0  }
0xcc: {  	s9 =	rddreg [dreg:$0x7];
	[sflag:s19] =	ssyncadd.s32 $0xFFFFE000  }
0xcd: {  	[hbm4b:s9+s3] =	stream.linear.scatter [tilespmem:s6], [sflag:$0x3], $0x8000, $0x38;
	[tilespmem:$0x1AA00] =	vst v63  }
0xce: {  	_ =	swait.ge [sflag:s20], $0x2000  }
0xcf: {  	[sflag:s20] =	ssyncset.done $0x0  }
0xd0: {  	[sflag:s20] =	ssyncadd.s32 $0xFFFFE000  }
0xd1: {  	_ =	swait.ge [sflag:s20], $0x2000  }
0xd2: {  	[sflag:s20] =	ssyncset.done $0x0  }
0xd3: {  	[sflag:s20] =	ssyncadd.s32 $0xFFFFE000  }
0xd4: {  	_ =	swait.ge [sflag:s20], $0x2000  }
0xd5: {  	[sflag:s20] =	ssyncset.done $0x0  }
0xd6: {  	[sflag:s20] =	ssyncadd.s32 $0xFFFFE000  }
0xd7: {  	_ =	swait.ge [sflag:s20], $0x2000  }
0xd8: {  	p0 =	sne.s32 s1, $0x1;
	[sflag:s20] =	ssyncset.done $0x0  }
.Ltmp1:
0xd9: {  	s11 =	rddreg [dreg:$0x8];
	[sflag:s20] =	ssyncadd.s32 $0xFFFFE000;
	(pc) =	sbr.rel @p0 .LBB2_1-.Ltmp1, $4  }
0xda: {  	[hbm4b:s11+s3] =	stream.linear.scatter [tilespmem:s12], [sflag:$0x4], $0x8000, $0x38;
	[tilespmem:$0x1AA00] =	vst v63  }
0xdb: {  	_ =	swait.ge [sflag:s21], $0x8000  }
0xdc: {  	[sflag:s21] =	ssyncset.done $0x0  }
0xdd: {  	s1 =	sadd.s32 $0xFFFFFFFF, s1;
	[sflag:s21] =	ssyncadd.s32 $0xFFFF8000  }
.LBB2_2:
0xde: {  	_ =	swait.ge [sflag:s22], $0x8000  }
0xdf: {  	[sflag:s22] =	ssyncset.done $0x0  }
0xe0: {  	[sflag:s22] =	ssyncadd.s32 $0xFFFF8000  }
0xe1: {  	_ =	sfence.sel $0x180000  }
0xe2: {  	[bflag:$0x0] =	sbarrier.arrive $0xFFFF  }
0xe3: {  	_ =	strace $0x90000053  }
0xe4: {  	s0 =	stileid.u32;
	[bflag:$0x2] =	sbarrier.arrive $0xFFFF  }
0xe5: {  	p0 =	sne.s32 s0, $0x0;
	s0 =	rddreg [dreg:$0x2]  }
0xe6: {  	s0 =	sadd.s32 @!p0 $0x100000, s0  }
0xe7: {  	[sflag:s0] =	ssyncadd.tile.s32 @!p0 $0x1;
	_ =	shalt  }
.Lfunc_end2:
_tile_overlayer_lowered:
.L_overlay_start_2:
0xe8: {  	(tag) =	ssettag $0x2  }
0xe9: {  	s0 =	rddreg [dreg:$0x0];
	s2 =	stileid.u32  }
0xea: {  	s1 =	rddreg [dreg:$0x1];
	p0 =	sne.s32 s2, $0x0  }
0xeb: {  	s3 =	rddreg [dreg:$0x2];
	[bflag:$0x3] =	sbarrier.arrive $0xFFFF;
	s2 =	simm.s32 @!p0 $0x1C05  }
0xec: {  	[timem:s3], [sflag:s2] =	dma.local @!p0 [hbm:s0], s1  }
0xed: {  	s0 =	simm.s32 @!p0 $0x5  }
0xee: {  	_ =	swait.ge @!p0 [sflag:s0], s1  }
0xef: {  	s1 =	ssub.s32 @!p0 $0x0, s1;
	[sflag:s0] =	ssyncset.done @!p0 $0x0  }
0xf0: {  	[sflag:s0] =	ssyncadd.s32 @!p0 s1  }
0xf1: {  	[bflag:$0x3] =	sbarrier.arrive $0xFFFF  }
0xf2: {  	_ =	shalt  }

// kernel: kernel.32.cloned.1.call-start
scs
__scs_entry_jumppad:
0x0: {  	(pc) =	sbr.rel $0x88, $3  }
0x1: {  	(tag) =	ssettag $0x0;
	lr =	simm.s32 $0x1  }
0x2: {  	[smem:$0x3F6E] =	sst lr;
	_ =	strace $0xD0000000  }
0x3: {  	_ = 	snop  }
0x4: {  	_ = 	snop  }
0x5: {  	_ = 	snop  }
0x6: {  	_ = 	snop  }
0x7: {  	_ = 	snop  }
__scs_overlays_trampoline_lowered:
0x8: {  	[smem:$0x3F7D] =	sst s0  }
0x9: {  	[smem:$0x3F7E] =	sst s1  }
0xa: {  	[smem:$0x3F7F] =	sst s2  }
0xb: {  	[smem:$0x3F80] =	sst s3  }
0xc: {  	[smem:$0x3F81] =	sst s4  }
0xd: {  	[smem:$0x3F82] =	sst s5  }
0xe: {  	[smem:$0x3F83] =	sst s6  }
0xf: {  	[smem:$0x3F84] =	sst s7  }
0x10: {  	[smem:$0x3F85] =	sst s8  }
0x11: {  	[smem:$0x3F86] =	sst s9;
	s0 =	simm.s32 @!p0 $0x0  }
0x12: {  	s1 =	sld [smem:$0x3F6C];
	s0 =	simm.s32 @p0 $0x1  }
0x13: {  	[smem:$0x3F87] =	sst s0;
	s0 =	simm.s32 @!p1 $0x0  }
0x14: {  	s2 =	sld [smem:$0x3F6B];
	s0 =	simm.s32 @p1 $0x1  }
0x15: {  	[smem:$0x3F88] =	sst s0;
	s0 =	simm.s32 @!p2 $0x0  }
0x16: {  	s3 =	sld [smem:$0x3FDB];
	s0 =	simm.s32 @p2 $0x1  }
0x17: {  	s4 =	simm.s32 $0x1BF5;
	[smem:$0x3F8A] =	sst s0  }
0x18: {  	s0 =	sld [smem:$0x3F6D];
	_ =	swait.ge [sflag:s4], $0x0  }
0x19: {  	s7 =	sld [smem:$0x3F6E]  }
0x1a: {  	s8 =	sadd.s32 $0xFFFFE003, lr  }
0x1b: {  	s9 =	sadd.s32 $0xFFFFFEF7, lr;
	s5 =	simm.s32 $0xFFFFFFFF;
	p2 =	slt.u32 s8, $0xFFFFF086  }
0x1c: {  	p1 =	slt.u32 s9, $0xF7A;
	s5 =	simm.s32 @!p2 $0x0  }
0x1d: {  	s5 =	simm.s32 @p1 $0x1;
	p0 =	seq.s32 s7, s2  }
0x1e: {  	s7 =	smul.u32 @!p0 $0xF7A, s2;
	p2 =	seq.s32 @!p0 s5, $0x0  }
0x1f: {  	s9 =	smul.u32 $0xF7A, s1;
	s8 =	simm.s32 @!p0 $0x1BF5;
	p2 =	por !p2, p0  }
0x20: {  	[sflag:s8] =	ssyncset.s32 @!p0 $0xFFFFF086;
	s6 =	sadd.s32 @!p0 s3, s7;
	s7 =	simm.s32 @!p0 $0x108  }
0x21: {  	s3 =	sadd.s32 s3, s9;
	s6 =	sadd.s32 @!p0 $0x88, s6;
	s7 =	simm.s32 @p2 $0x1082  }
0x22: {  	[simem:s7], [sflag:s8] =	dma.local @!p0 [hbm:s6], $0xF7A  }
0x23: {  	s9 =	sor.u32 $0xD0000000, s2;
	s6 =	simm.s32 $0x108;
	_ =	swait.ge @!p0 [sflag:s8], $0x0  }
0x24: {  	s3 =	sadd.s32 $0x88, s3;
	s6 =	simm.s32 @!p1 $0x1082;
	[sflag:s4] =	ssyncset.s32 $0xFFFFF086  }
0x25: {  	[simem:s6], [sflag:s4] =	dma.local [hbm:s3], $0xF7A  }
0x26: {  	[smem:$0x3F6E] =	sst s1;
	(tag) =	ssettag s2;
	_ =	strace s9  }
0x27: {  	s1 =	sld [smem:$0x3F7E]  }
0x28: {  	s2 =	sld [smem:$0x3F7F]  }
0x29: {  	s4 =	sld [smem:$0x3F81]  }
0x2a: {  	p0 =	seq.s32 s5, $0x0;
	s5 =	sld [smem:$0x3F82]  }
0x2b: {  	s6 =	sld [smem:$0x3F83]  }
0x2c: {  	s7 =	sld [smem:$0x3F84]  }
0x2d: {  	s3 =	simm.s32 $0x108;
	s8 =	sld [smem:$0x3F85]  }
0x2e: {  	s3 =	simm.s32 @!p0 $0x1082;
	s9 =	sld [smem:$0x3F86]  }
0x2f: {  	lr =	sadd.s32 s0, s3;
	s0 =	sld [smem:$0x3F7D]  }
0x30: {  	s3 =	sld [smem:$0x3F80]  }
0x31: {  	[smem:$0x3F89] =	sst s10  }
0x32: {  	s10 =	sld [smem:$0x3F87];
	_ =	sdelay $0x3  }
0x33: {  	p0 =	seq.s32 s10, $0x1;
	s10 =	sld [smem:$0x3F89];
	_ =	sdelay $0x3  }
0x34: {  	[smem:$0x3F89] =	sst s10  }
0x35: {  	s10 =	sld [smem:$0x3F88];
	_ =	sdelay $0x3  }
0x36: {  	p1 =	seq.s32 s10, $0x1;
	s10 =	sld [smem:$0x3F89];
	_ =	sdelay $0x3  }
0x37: {  	[smem:$0x3F89] =	sst s10  }
0x38: {  	s10 =	sld [smem:$0x3F8A]  }
0x39: {  	_ = 	snop;
	(pc) =	sbr.ind lr, $3  }
0x3a: {  	_ = 	snop  }
0x3b: {  	_ = 	snop  }
0x3c: {  	p2 =	seq.s32 s10, $0x1;
	s10 =	sld [smem:$0x3F89]  }
0x3d: {  	_ =	shalt  }
0x3e: {  	_ =	shalt  }
0x3f: {  	_ =	shalt  }
0x40: {  	_ =	shalt  }
0x41: {  	_ =	shalt  }
0x42: {  	_ =	shalt  }
0x43: {  	_ =	shalt  }
0x44: {  	_ =	shalt  }
0x45: {  	_ =	shalt  }
0x46: {  	_ =	shalt  }
0x47: {  	_ =	shalt  }
0x48: {  	_ =	shalt  }
0x49: {  	_ =	shalt  }
0x4a: {  	_ =	shalt  }
0x4b: {  	_ =	shalt  }
0x4c: {  	_ =	shalt  }
0x4d: {  	_ =	shalt  }
0x4e: {  	_ =	shalt  }
0x4f: {  	_ =	shalt  }
0x50: {  	_ =	shalt  }
0x51: {  	_ =	shalt  }
0x52: {  	_ =	shalt  }
0x53: {  	_ =	shalt  }
0x54: {  	_ =	shalt  }
0x55: {  	_ =	shalt  }
0x56: {  	_ =	shalt  }
0x57: {  	_ =	shalt  }
0x58: {  	_ =	shalt  }
0x59: {  	_ =	shalt  }
0x5a: {  	_ =	shalt  }
0x5b: {  	_ =	shalt  }
0x5c: {  	_ =	shalt  }
0x5d: {  	_ =	shalt  }
0x5e: {  	_ =	shalt  }
0x5f: {  	_ =	shalt  }
0x60: {  	_ =	shalt  }
0x61: {  	_ =	shalt  }
0x62: {  	_ =	shalt  }
0x63: {  	_ =	shalt  }
0x64: {  	_ =	shalt  }
0x65: {  	_ =	shalt  }
0x66: {  	_ =	shalt  }
0x67: {  	_ =	shalt  }
0x68: {  	_ =	shalt  }
0x69: {  	_ =	shalt  }
0x6a: {  	_ =	shalt  }
0x6b: {  	_ =	shalt  }
0x6c: {  	_ =	shalt  }
0x6d: {  	_ =	shalt  }
0x6e: {  	_ =	shalt  }
0x6f: {  	_ =	shalt  }
0x70: {  	_ =	shalt  }
0x71: {  	_ =	shalt  }
0x72: {  	_ =	shalt  }
0x73: {  	_ =	shalt  }
0x74: {  	_ =	shalt  }
0x75: {  	_ =	shalt  }
0x76: {  	_ =	shalt  }
0x77: {  	_ =	shalt  }
0x78: {  	_ =	shalt  }
0x79: {  	_ =	shalt  }
0x7a: {  	_ =	shalt  }
0x7b: {  	_ =	shalt  }
0x7c: {  	_ =	shalt  }
0x7d: {  	_ =	shalt  }
0x7e: {  	_ =	shalt  }
0x7f: {  	_ =	shalt  }
0x80: {  	_ =	shalt  }
0x81: {  	_ =	shalt  }
0x82: {  	_ =	shalt  }
0x83: {  	_ =	shalt  }
0x84: {  	_ =	shalt  }
0x85: {  	_ =	shalt  }
0x86: {  	_ =	shalt  }
0x87: {  	_ =	shalt  }
.Lfunc_end0:
.L_simem_size_0:
called_computation.5_lowered:
.L_overlay_start_0:
0x88: {  	s2 =	sld [smem:$0x3FD9]  }
0x89: {  	s3 =	sld [smem:$0x3FFE];
	_ =	sdelay $0x1  }
0x8a: {  	s1 =	srdreg.scid  }
0x8b: {  	s0 =	sand.u32 $0x1, s1  }
0x8c: {  	s17 =	sshll.u32 s0, $0xA;
	s2 =	sadd.s32 s3, s2  }
0x8d: {  	s2 =	sadd.s32 s2, s17  }
0x8e: {  	[smem:$0x3F95] =	sst s2  }
0x8f: {  	_ = 	snop  }
0x90: {  	(tm) =	ssettm $0x1  }
0x91: {  	s18 =	sld [smem:$0x3FFB];
	_ =	sdelay $0x3  }
0x92: {  	_ =	strace s18  }
0x93: {  	s2 =	sld [smem:$0x3FFC];
	_ =	sdelay $0x3  }
0x94: {  	_ =	strace s2  }
0x95: {  	s2 =	sld [smem:$0x3FFD];
	_ =	sdelay $0x3  }
0x96: {  	_ =	strace s2  }
0x97: {  	_ =	strace $0x8FFFFFFF  }
0x98: {  	s19 =	sld [smem:$0x3FDB];
	_ =	sdelay $0x1  }
0x99: {  	s20 =	simm.s32 $_scs_section_size  }
0x9a: {  	s4 =	simm.s32 $_size__tile_overlayer_lowered;
	s5 =	simm.s32 $_tile_overlayer_lowered  }
0x9b: {  	s6 =	simm.s32 $0x1BFF;
	s21 =	sshll.u32 s5, $0x1;
	s3 =	sadd.s32 s20, s19  }
0x9c: {  	s22 =	simm.s32 $0x0;
	s4 =	sshll.u32 s4, $0x1;
	s5 =	sadd.s32 s21, s3  }
0x9d: {  	[timem:s22], [sflag:s6] =	dma.local [hbm:s5], s4  }
0x9e: {  	_ =	swait.ge [sflag:s6], s4  }
0x9f: {  	s4 =	ssub.s32 $0x0, s4;
	[sflag:s6] =	ssyncset.done $0x0  }
0xa0: {  	[sflag:s6] =	ssyncadd.s32 s4;
	_ =	sdelay $0x1  }
0xa1: {  	s23 =	simm.s32 $0x1B8B  }
0xa2: {  	_ =	swait.ge [sflag:s23], $0x1  }
0xa3: {  	[sflag:s23] =	ssyncset.done $0x0  }
0xa4: {  	[sflag:s23] =	ssyncadd.s32 $0xFFFFFFFF  }
0xa5: {  	s4 =	sld [smem:$0x0]  }
0xa6: {  	s5 =	sand.u32 $0xFFFFFFFE, s1  }
0xa7: {  	p0 =	sne.s32 s1, s5  }
0xa8: {  	s5 =	sshll.u32 @p0 s5, $0xE  }
0xa9: {  	s5 =	sadd.s32 @p0 $0x11B8D, s5;
	s6 =	sshll.u32 @p0 s4, $0x11  }
0xaa: {  	s5 =	sor.u32 @p0 s6, s5  }
0xab: {  	[sflag:s5] =	ssyncadd.remote.s32 @p0 $0x1;
	_ =	sdelay $0x1  }
0xac: {  	s5 =	simm.s32 @p0 $0x1B8D  }
0xad: {  	_ =	swait.eq @p0 [sflag:s5], $0x1  }
0xae: {  	[sflag:s5] =	ssyncadd.s32 @p0 $0xFFFFFFFF  }
0xaf: {  	s6 =	sshll.u32 @!p0 s1, $0xE  }
0xb0: {  	s6 =	sor.u32 @!p0 $0x4000, s6;
	s5 =	simm.s32 @!p0 $0x1B8D  }
0xb1: {  	s4 =	sshll.u32 @!p0 s4, $0x11;
	s6 =	sadd.s32 @!p0 $0x11B8D, s6;
	_ =	swait.eq @!p0 [sflag:s5], $0x1  }
0xb2: {  	s4 =	sor.u32 @!p0 s4, s6;
	[sflag:s5] =	ssyncadd.s32 @!p0 $0xFFFFFFFF  }
0xb3: {  	s25 =	simm.s32 $0x1B8E;
	s24 =	sld [smem:$0x3FFE];
	[sflag:s4] =	ssyncadd.remote.s32 @!p0 $0x1  }
0xb4: {  	s26 =	simm.s32 $execute0_lowered;
	[smem:$0x3FD2] =	sst s25  }
0xb5: {  	s5 =	sshll.u32 s26, $0x1;
	_ =	strace $0x80000055;
	[dreg:$0x1] =	wrdreg $0xFFFFFFFF  }
0xb6: {  	s28 =	simm.s32 $_size_execute0_lowered;
	s3 =	sadd.s32 s3, s5;
	[dreg:$0x0] =	wrdreg $0x0  }
0xb7: {  	s5 =	sshll.u32 s28, $0x1;
	[dreg:$0x2] =	wrdreg s3  }
0xb8: {  	[dreg:$0x3] =	wrdreg s5  }
0xb9: {  	[dreg:$0x4] =	wrdreg $0xC0  }
0xba: {  	_ =	task [dreg:s22], $0x5FFFF  }
0xbb: {  	[dreg:$0x1] =	wrdreg $0xFFFFFFFF  }
0xbc: {  	[dreg:$0x0] =	wrdreg $0x60  }
0xbd: {  	[dreg:$0x2] =	wrdreg s24  }
0xbe: {  	[dreg:$0x3] =	wrdreg $0x10A000  }
0xbf: {  	[dreg:$0x4] =	wrdreg $0xA  }
0xc0: {  	_ =	task.clear_ibuf [dreg:s22], $0x5FFFF;
	_ =	strace $0x90000055  }
0xc1: {  	s29 =	simm.s32 $0xA;
	_ =	strace $0x80000057  }
0xc2: {  	_ =	swait.ge [sflag:s29], $0x1  }
0xc3: {  	[sflag:s29] =	ssyncadd.s32 $0xFFFFFFFF  }
0xc4: {  	_ =	strace $0x90000057  }
0xc5: {  	_ =	sfence  }
0xc6: {  	s30 =	sld [smem:$0x0];
	_ =	sdelay $0x2  }
0xc7: {  	s31 =	sshll.u32 s1, $0xD;
	s1 =	sshrl.u32 s1, $0x2  }
0xc8: {  	s4 =	sand.u32 $0x4000, s31;
	s1 =	sadd.s32 s1, s30  }
0xc9: {  	s0 =	sor.u32 s4, s0;
	s1 =	sshll.u32 s1, $0x11  }
0xca: {  	s0 =	sor.u32 s1, s0  }
0xcb: {  	s0 =	sadd.s32 $0x8F2B, s0  }
0xcc: {  	[sflag:s0] =	ssyncadd.remote.s32 $0x1  }
0xcd: {  	_ =	sfence.sel $0xFFFF  }
0xce: {  	[dreg:$0x0] =	wrdreg $0xFFFFFFFF;
	(pc) =	sbr.abs _section_cstart, $3  }
0xcf: {  	[dreg:$0x1] =	wrdreg $0xFFFFFFFF  }
0xd0: {  	_ =	task.clear_ibuf [dreg:s22], $0x2FFFF;
	_ =	strace $0x9FFFFFFF  }
0xd1: {  	(tm) =	ssettm $0x7FFFFFFF  }
tec
execute0_lowered:
.L_overlay_start_1:
0x0: {  	(tag) =	ssettag $0x1  }
0x1: {  	s0 =	stileid.u32;
	s4 =	rddreg [dreg:$0x0]  }
0x2: {  	s1 =	srdreg.scid;
	s2 =	rddreg [dreg:$0x1]  }
0x3: {  	s21 =	simm.s32 $0x100;
	s1 =	sand.u32 $0x1, s1;
	s3 =	sshll.u32 s0, $0x1  }
0x4: {  	s5 =	smul.u32 $0xA000, s0;
	s17 =	sshll.u32 s0, $0x6;
	s6 =	sor.u32 s1, s3  }
0x5: {  	s3 =	simm.s32 $0x0;
	s18 =	sor.u32 $0x1C05, s17;
	s7 =	smul.u32 $0x140, s6  }
0x6: {  	[smem:$0x7FF] =	sst s3;
	s8 =	sshrl.u32 s5, $0x3;
	s6 =	smul.u32 $0x5000, s6  }
0x7: {  	s5 =	sadd.s32 s5, s2;
	_ =	strace $0x80000056;
	[dreg:$0x9] =	wrdreg s18  }
0x8: {  	s8 =	sadd.s32 s8, s4;
	s19 =	sshrl.u32 s5, $0x3;
	[dreg:$0xb] =	wrdreg s21  }
0x9: {  	s9 =	sadd.s32 $0xC2E00, s4;
	s13 =	sadd.s32 $0xC600, s8;
	[dreg:$0xa] =	wrdreg s19  }
0xa: {  	s7 =	sadd.s32 s7, s4;
	s14 =	sadd.s32 s9, s6;
	[dreg:$0x4] =	wrdreg s13  }
0xb: {  	s4 =	sadd.s32 $0xC3E00, s4;
	s7 =	sadd.s32 $0xC0600, s7;
	[dreg:$0x5] =	wrdreg s14  }
0xc: {  	s15 =	sadd.s32 s6, s4;
	s6 =	sadd.s32 $0x2000, s6;
	[dreg:$0x3] =	wrdreg s7  }
0xd: {  	[dreg:$0x6] =	wrdreg s15;
	s16 =	sadd.s32 s9, s6  }
0xe: {  	s4 =	sadd.s32 s6, s4;
	[dreg:$0x7] =	wrdreg s16  }
0xf: {  	[dreg:$0x8] =	wrdreg s4  }
0x10: {  	s20 =	rddreg [dreg:$0x3];
	s4 =	simm.s32 $0x5  }
0x11: {  	[tilespmem:s3], [sflag:$0x5] =	stream.linear.gather [hbm4b:s20+s3], $0xA00, $0x38;
	[tilespmem:$0x1AA00] =	vst v63  }
0x12: {  	_ =	swait.ge [sflag:s4], $0xA00  }
0x13: {  	s22 =	rddreg [dreg:$0xa]  }
0x14: {  	s23 =	rddreg [dreg:$0x4];
	[sflag:s4] =	ssyncset.done $0x0  }
0x15: {  	s24 =	rddreg [dreg:$0x9];
	[sflag:s4] =	ssyncadd.s32 $0xFFFFF600  }
0x16: {  	[spmem:s22], [sflag:s24] =	dma.local [hbm:s23], $0x1400  }
0x17: {  	_ =	swait.ge [sflag:s4], $0x1400  }
0x18: {  	[sflag:s4] =	ssyncset.done $0x0  }
0x19: {  	[sflag:s4] =	ssyncadd.s32 $0xFFFFEC00  }
0x1a: {  	s5 =	simm.s32 $0x80;
	s6 =	simm.s32 $0xA00;
	[bflag:$0x0] =	sbarrier.arrive $0xFFFF  }
0x1b: {  	[tilespmem:s6], [sflag:$0x1] =	stream.indirect.gather [spmem:s2], $0x40, s3, s5, $0xb8;
	[tilespmem:$0x1AA00] =	vst v63  }
0x1c: {  	s7 =	simm.s32 $0x2A00  }
0x1d: {  	[tilespmem:s7], [sflag:$0x1] =	stream.indirect.gather [spmem:s2], $0x40, s5, s5, $0xb8;
	[tilespmem:$0x1AA00] =	vst v63  }
0x1e: {  	s8 =	simm.s32 $0x4A00;
	s25 =	rddreg [dreg:$0xb]  }
0x1f: {  	[tilespmem:s8], [sflag:$0x1] =	stream.indirect.gather [spmem:s2], $0x40, s25, s5, $0xb8;
	[tilespmem:$0x1AA00] =	vst v63  }
0x20: {  	s26 =	simm.s32 $0x180;
	s10 =	simm.s32 $0x6A00  }
0x21: {  	[tilespmem:s10], [sflag:$0x1] =	stream.indirect.gather [spmem:s2], $0x40, s26, s5, $0xb8;
	[tilespmem:$0x1AA00] =	vst v63  }
0x22: {  	s12 =	simm.s32 $0x8A00;
	s9 =	simm.s32 $0x200  }
0x23: {  	[tilespmem:s12], [sflag:$0x2] =	stream.indirect.gather [spmem:s2], $0x40, s9, s5, $0xb8;
	[tilespmem:$0x1AA00] =	vst v63  }
0x24: {  	s13 =	simm.s32 $0x280;
	s14 =	simm.s32 $0xAA00  }
0x25: {  	[tilespmem:s14], [sflag:$0x2] =	stream.indirect.gather [spmem:s2], $0x40, s13, s5, $0xb8;
	[tilespmem:$0x1AA00] =	vst v63  }
0x26: {  	s15 =	simm.s32 $0x300;
	s16 =	simm.s32 $0xCA00  }
0x27: {  	[tilespmem:s16], [sflag:$0x2] =	stream.indirect.gather [spmem:s2], $0x40, s15, s5, $0xb8;
	[tilespmem:$0x1AA00] =	vst v63  }
0x28: {  	s17 =	simm.s32 $0x380;
	s18 =	simm.s32 $0xEA00;
	s19 =	simm.s32 $0x1  }
0x29: {  	[tilespmem:s18], [sflag:$0x2] =	stream.indirect.gather [spmem:s2], $0x40, s17, s5, $0xb8;
	[tilespmem:$0x1AA00] =	vst v63  }
0x2a: {  	_ =	swait.ge [sflag:s19], $0x2000  }
0x2b: {  	[sflag:s19] =	ssyncset.done $0x0  }
0x2c: {  	[sflag:s19] =	ssyncadd.s32 $0xFFFFE000  }
0x2d: {  	_ =	swait.ge [sflag:s19], $0x2000  }
0x2e: {  	[sflag:s19] =	ssyncset.done $0x0  }
0x2f: {  	[sflag:s19] =	ssyncadd.s32 $0xFFFFE000  }
0x30: {  	_ =	swait.ge [sflag:s19], $0x2000  }
0x31: {  	[sflag:s19] =	ssyncset.done $0x0  }
0x32: {  	[sflag:s19] =	ssyncadd.s32 $0xFFFFE000  }
0x33: {  	_ =	swait.ge [sflag:s19], $0x2000  }
0x34: {  	[sflag:s19] =	ssyncset.done $0x0  }
0x35: {  	s20 =	simm.s32 $0x2;
	s21 =	rddreg [dreg:$0x5];
	[sflag:s19] =	ssyncadd.s32 $0xFFFFE000  }
0x36: {  	[hbm4b:s21+s3] =	stream.linear.scatter [tilespmem:s6], [sflag:$0x3], $0x8000, $0x38;
	[tilespmem:$0x1AA00] =	vst v63  }
0x37: {  	_ =	swait.ge [sflag:s20], $0x2000  }
0x38: {  	[sflag:s20] =	ssyncset.done $0x0  }
0x39: {  	[sflag:s20] =	ssyncadd.s32 $0xFFFFE000  }
0x3a: {  	_ =	swait.ge [sflag:s20], $0x2000  }
0x3b: {  	[sflag:s20] =	ssyncset.done $0x0  }
0x3c: {  	[sflag:s20] =	ssyncadd.s32 $0xFFFFE000  }
0x3d: {  	_ =	swait.ge [sflag:s20], $0x2000  }
0x3e: {  	[sflag:s20] =	ssyncset.done $0x0  }
0x3f: {  	[sflag:s20] =	ssyncadd.s32 $0xFFFFE000  }
0x40: {  	_ =	swait.ge [sflag:s20], $0x2000  }
0x41: {  	[sflag:s20] =	ssyncset.done $0x0  }
0x42: {  	s21 =	simm.s32 $0x3;
	s22 =	rddreg [dreg:$0x6];
	[sflag:s20] =	ssyncadd.s32 $0xFFFFE000  }
0x43: {  	[hbm4b:s22+s3] =	stream.linear.scatter [tilespmem:s12], [sflag:$0x4], $0x8000, $0x38;
	[tilespmem:$0x1AA00] =	vst v63  }
0x44: {  	_ =	swait.ge [sflag:s21], $0x8000  }
0x45: {  	[sflag:s21] =	ssyncset.done $0x0  }
0x46: {  	s22 =	simm.s32 $0x4;
	[sflag:s21] =	ssyncadd.s32 $0xFFFF8000  }
0x47: {  	_ =	swait.ge [sflag:s22], $0x8000  }
0x48: {  	[sflag:s22] =	ssyncset.done $0x0  }
0x49: {  	s23 =	simm.s32 $0x400;
	[sflag:s22] =	ssyncadd.s32 $0xFFFF8000  }
0x4a: {  	[tilespmem:s6], [sflag:$0x1] =	stream.indirect.gather [spmem:s2], $0x40, s23, s5, $0xb8;
	[tilespmem:$0x1AA00] =	vst v63  }
0x4b: {  	s24 =	simm.s32 $0x480  }
0x4c: {  	[tilespmem:s7], [sflag:$0x1] =	stream.indirect.gather [spmem:s2], $0x40, s24, s5, $0xb8;
	[tilespmem:$0x1AA00] =	vst v63  }
0x4d: {  	s25 =	simm.s32 $0x500  }
0x4e: {  	[tilespmem:s8], [sflag:$0x1] =	stream.indirect.gather [spmem:s2], $0x40, s25, s5, $0xb8;
	[tilespmem:$0x1AA00] =	vst v63  }
0x4f: {  	s26 =	simm.s32 $0x580  }
0x50: {  	[tilespmem:s10], [sflag:$0x1] =	stream.indirect.gather [spmem:s2], $0x40, s26, s5, $0xb8;
	[tilespmem:$0x1AA00] =	vst v63  }
0x51: {  	s28 =	simm.s32 $0x600  }
0x52: {  	[tilespmem:s12], [sflag:$0x2] =	stream.indirect.gather [spmem:s2], $0x40, s28, s5, $0xb8;
	[tilespmem:$0x1AA00] =	vst v63  }
0x53: {  	s29 =	simm.s32 $0x680  }
0x54: {  	[tilespmem:s14], [sflag:$0x2] =	stream.indirect.gather [spmem:s2], $0x40, s29, s5, $0xb8;
	[tilespmem:$0x1AA00] =	vst v63  }
0x55: {  	s30 =	simm.s32 $0x700  }
0x56: {  	[tilespmem:s16], [sflag:$0x2] =	stream.indirect.gather [spmem:s2], $0x40, s30, s5, $0xb8;
	[tilespmem:$0x1AA00] =	vst v63  }
0x57: {  	s31 =	simm.s32 $0x780  }
0x58: {  	[tilespmem:s18], [sflag:$0x2] =	stream.indirect.gather [spmem:s2], $0x40, s31, s5, $0xb8;
	[tilespmem:$0x1AA00] =	vst v63  }
0x59: {  	_ =	swait.ge [sflag:s19], $0x2000  }
0x5a: {  	[sflag:s19] =	ssyncset.done $0x0  }
0x5b: {  	[sflag:s19] =	ssyncadd.s32 $0xFFFFE000  }
0x5c: {  	_ =	swait.ge [sflag:s19], $0x2000  }
0x5d: {  	[sflag:s19] =	ssyncset.done $0x0  }
0x5e: {  	[sflag:s19] =	ssyncadd.s32 $0xFFFFE000  }
0x5f: {  	_ =	swait.ge [sflag:s19], $0x2000  }
0x60: {  	[sflag:s19] =	ssyncset.done $0x0  }
0x61: {  	[sflag:s19] =	ssyncadd.s32 $0xFFFFE000  }
0x62: {  	_ =	swait.ge [sflag:s19], $0x2000  }
0x63: {  	[sflag:s19] =	ssyncset.done $0x0  }
0x64: {  	s11 =	rddreg [dreg:$0x7];
	[sflag:s19] =	ssyncadd.s32 $0xFFFFE000  }
0x65: {  	[hbm4b:s11+s3] =	stream.linear.scatter [tilespmem:s6], [sflag:$0x3], $0x8000, $0x38;
	[tilespmem:$0x1AA00] =	vst v63  }
0x66: {  	_ =	swait.ge [sflag:s20], $0x2000  }
0x67: {  	[sflag:s20] =	ssyncset.done $0x0  }
0x68: {  	[sflag:s20] =	ssyncadd.s32 $0xFFFFE000  }
0x69: {  	_ =	swait.ge [sflag:s20], $0x2000  }
0x6a: {  	[sflag:s20] =	ssyncset.done $0x0  }
0x6b: {  	[sflag:s20] =	ssyncadd.s32 $0xFFFFE000  }
0x6c: {  	s9 =	ssub.s32 $0x2, s1;
	_ =	swait.ge [sflag:s20], $0x2000  }
0x6d: {  	s1 =	sshrl.u32 s9, $0x1;
	[sflag:s20] =	ssyncset.done $0x0  }
0x6e: {  	s0 =	ssub.s32 s9, s1;
	[sflag:s20] =	ssyncadd.s32 $0xFFFFE000  }
0x6f: {  	s0 =	smax.u32 s0, $0x1;
	_ =	swait.ge [sflag:s20], $0x2000  }
0x70: {  	p0 =	sne.s32 s0, $0x1;
	[sflag:s20] =	ssyncset.done $0x0  }
.Ltmp0:
0x71: {  	s11 =	rddreg [dreg:$0x8];
	[sflag:s20] =	ssyncadd.s32 $0xFFFFE000;
	(pc) =	sbr.rel @!p0 .LBB2_2-.Ltmp0, $4  }
0x72: {  	[hbm4b:s11+s3] =	stream.linear.scatter [tilespmem:s12], [sflag:$0x4], $0x8000, $0x38;
	[tilespmem:$0x1AA00] =	vst v63  }
0x73: {  	_ =	swait.ge [sflag:s21], $0x8000  }
0x74: {  	[sflag:s21] =	ssyncset.done $0x0  }
0x75: {  	s1 =	sadd.s32 $0xFFFFFFFF, s0;
	[sflag:s21] =	ssyncadd.s32 $0xFFFF8000  }
.LBB2_1:
0x76: {  	_ =	swait.ge [sflag:s22], $0x8000  }
0x77: {  	[sflag:s22] =	ssyncset.done $0x0  }
0x78: {  	s0 =	rddreg [dreg:$0x3];
	[sflag:s22] =	ssyncadd.s32 $0xFFFF8000  }
0x79: {  	[tilespmem:s3], [sflag:$0x5] =	stream.linear.gather [hbm4b:s0+s3], $0xA00, $0x38;
	[tilespmem:$0x1AA00] =	vst v63  }
0x7a: {  	_ =	swait.ge [sflag:s4], $0xA00  }
0x7b: {  	s0 =	rddreg [dreg:$0xa]  }
0x7c: {  	[sflag:s4] =	ssyncset.done $0x0;
	s9 =	rddreg [dreg:$0x4]  }
0x7d: {  	s11 =	rddreg [dreg:$0x9];
	[sflag:s4] =	ssyncadd.s32 $0xFFFFF600  }
0x7e: {  	[spmem:s0], [sflag:s11] =	dma.local [hbm:s9], $0x1400  }
0x7f: {  	_ =	swait.ge [sflag:s4], $0x1400  }
0x80: {  	[sflag:s4] =	ssyncset.done $0x0  }
0x81: {  	[sflag:s4] =	ssyncadd.s32 $0xFFFFEC00  }
0x82: {  	[bflag:$0x0] =	sbarrier.arrive $0xFFFF  }
0x83: {  	[tilespmem:s6], [sflag:$0x1] =	stream.indirect.gather [spmem:s2], $0x40, s3, s5, $0xb8;
	[tilespmem:$0x1AA00] =	vst v63  }
0x84: {  	_ = 	snop  }
0x85: {  	[tilespmem:s7], [sflag:$0x1] =	stream.indirect.gather [spmem:s2], $0x40, s5, s5, $0xb8;
	[tilespmem:$0x1AA00] =	vst v63  }
0x86: {  	s11 =	rddreg [dreg:$0xb]  }
0x87: {  	[tilespmem:s8], [sflag:$0x1] =	stream.indirect.gather [spmem:s2], $0x40, s11, s5, $0xb8;
	[tilespmem:$0x1AA00] =	vst v63  }
0x88: {  	s9 =	simm.s32 $0x180  }
0x89: {  	[tilespmem:s10], [sflag:$0x1] =	stream.indirect.gather [spmem:s2], $0x40, s9, s5, $0xb8;
	[tilespmem:$0x1AA00] =	vst v63  }
0x8a: {  	s11 =	simm.s32 $0x200  }
0x8b: {  	[tilespmem:s12], [sflag:$0x2] =	stream.indirect.gather [spmem:s2], $0x40, s11, s5, $0xb8;
	[tilespmem:$0x1AA00] =	vst v63  }
0x8c: {  	_ = 	snop  }
0x8d: {  	[tilespmem:s14], [sflag:$0x2] =	stream.indirect.gather [spmem:s2], $0x40, s13, s5, $0xb8;
	[tilespmem:$0x1AA00] =	vst v63  }
0x8e: {  	_ = 	snop  }
0x8f: {  	[tilespmem:s16], [sflag:$0x2] =	stream.indirect.gather [spmem:s2], $0x40, s15, s5, $0xb8;
	[tilespmem:$0x1AA00] =	vst v63  }
0x90: {  	_ = 	snop  }
0x91: {  	[tilespmem:s18], [sflag:$0x2] =	stream.indirect.gather [spmem:s2], $0x40, s17, s5, $0xb8;
	[tilespmem:$0x1AA00] =	vst v63  }
0x92: {  	_ =	swait.ge [sflag:s19], $0x2000  }
0x93: {  	[sflag:s19] =	ssyncset.done $0x0  }
0x94: {  	[sflag:s19] =	ssyncadd.s32 $0xFFFFE000  }
0x95: {  	_ =	swait.ge [sflag:s19], $0x2000  }
0x96: {  	[sflag:s19] =	ssyncset.done $0x0  }
0x97: {  	[sflag:s19] =	ssyncadd.s32 $0xFFFFE000  }
0x98: {  	_ =	swait.ge [sflag:s19], $0x2000  }
0x99: {  	[sflag:s19] =	ssyncset.done $0x0  }
0x9a: {  	[sflag:s19] =	ssyncadd.s32 $0xFFFFE000  }
0x9b: {  	_ =	swait.ge [sflag:s19], $0x2000  }
0x9c: {  	[sflag:s19] =	ssyncset.done $0x0  }
0x9d: {  	s9 =	rddreg [dreg:$0x5];
	[sflag:s19] =	ssyncadd.s32 $0xFFFFE000  }
0x9e: {  	[hbm4b:s9+s3] =	stream.linear.scatter [tilespmem:s6], [sflag:$0x3], $0x8000, $0x38;
	[tilespmem:$0x1AA00] =	vst v63  }
0x9f: {  	_ =	swait.ge [sflag:s20], $0x2000  }
0xa0: {  	[sflag:s20] =	ssyncset.done $0x0  }
0xa1: {  	[sflag:s20] =	ssyncadd.s32 $0xFFFFE000  }
0xa2: {  	_ =	swait.ge [sflag:s20], $0x2000  }
0xa3: {  	[sflag:s20] =	ssyncset.done $0x0  }
0xa4: {  	[sflag:s20] =	ssyncadd.s32 $0xFFFFE000  }
0xa5: {  	_ =	swait.ge [sflag:s20], $0x2000  }
0xa6: {  	[sflag:s20] =	ssyncset.done $0x0  }
0xa7: {  	[sflag:s20] =	ssyncadd.s32 $0xFFFFE000  }
0xa8: {  	_ =	swait.ge [sflag:s20], $0x2000  }
0xa9: {  	[sflag:s20] =	ssyncset.done $0x0  }
0xaa: {  	s11 =	rddreg [dreg:$0x6];
	[sflag:s20] =	ssyncadd.s32 $0xFFFFE000  }
0xab: {  	[hbm4b:s11+s3] =	stream.linear.scatter [tilespmem:s12], [sflag:$0x4], $0x8000, $0x38;
	[tilespmem:$0x1AA00] =	vst v63  }
0xac: {  	_ =	swait.ge [sflag:s21], $0x8000  }
0xad: {  	[sflag:s21] =	ssyncset.done $0x0  }
0xae: {  	[sflag:s21] =	ssyncadd.s32 $0xFFFF8000  }
0xaf: {  	_ =	swait.ge [sflag:s22], $0x8000  }
0xb0: {  	[sflag:s22] =	ssyncset.done $0x0  }
0xb1: {  	[sflag:s22] =	ssyncadd.s32 $0xFFFF8000  }
0xb2: {  	[tilespmem:s6], [sflag:$0x1] =	stream.indirect.gather [spmem:s2], $0x40, s23, s5, $0xb8;
	[tilespmem:$0x1AA00] =	vst v63  }
0xb3: {  	_ = 	snop  }
0xb4: {  	[tilespmem:s7], [sflag:$0x1] =	stream.indirect.gather [spmem:s2], $0x40, s24, s5, $0xb8;
	[tilespmem:$0x1AA00] =	vst v63  }
0xb5: {  	_ = 	snop  }
0xb6: {  	[tilespmem:s8], [sflag:$0x1] =	stream.indirect.gather [spmem:s2], $0x40, s25, s5, $0xb8;
	[tilespmem:$0x1AA00] =	vst v63  }
0xb7: {  	_ = 	snop  }
0xb8: {  	[tilespmem:s10], [sflag:$0x1] =	stream.indirect.gather [spmem:s2], $0x40, s26, s5, $0xb8;
	[tilespmem:$0x1AA00] =	vst v63  }
0xb9: {  	_ = 	snop  }
0xba: {  	[tilespmem:s12], [sflag:$0x2] =	stream.indirect.gather [spmem:s2], $0x40, s28, s5, $0xb8;
	[tilespmem:$0x1AA00] =	vst v63  }
0xbb: {  	_ = 	snop  }
0xbc: {  	[tilespmem:s14], [sflag:$0x2] =	stream.indirect.gather [spmem:s2], $0x40, s29, s5, $0xb8;
	[tilespmem:$0x1AA00] =	vst v63  }
0xbd: {  	_ = 	snop  }
0xbe: {  	[tilespmem:s16], [sflag:$0x2] =	stream.indirect.gather [spmem:s2], $0x40, s30, s5, $0xb8;
	[tilespmem:$0x1AA00] =	vst v63  }
0xbf: {  	_ = 	snop  }
0xc0: {  	[tilespmem:s18], [sflag:$0x2] =	stream.indirect.gather [spmem:s2], $0x40, s31, s5, $0xb8;
	[tilespmem:$0x1AA00] =	vst v63  }
0xc1: {  	_ =	swait.ge [sflag:s19], $0x2000  }
0xc2: {  	[sflag:s19] =	ssyncset.done $0x0  }
0xc3: {  	[sflag:s19] =	ssyncadd.s32 $0xFFFFE000  }
0xc4: {  	_ =	swait.ge [sflag:s19], $0x2000  }
0xc5: {  	[sflag:s19] =	ssyncset.done $0x0  }
0xc6: {  	[sflag:s19] =	ssyncadd.s32 $0xFFFFE000  }
0xc7: {  	_ =	swait.ge [sflag:s19], $0x2000  }
0xc8: {  	[sflag:s19] =	ssyncset.done $0x0  }
0xc9: {  	[sflag:s19] =	ssyncadd.s32 $0xFFFFE000  }
0xca: {  	_ =	swait.ge [sflag:s19], $0x2000  }
0xcb: {  	[sflag:s19] =	ssyncset.done $0x0  }
0xcc: {  	s9 =	rddreg [dreg:$0x7];
	[sflag:s19] =	ssyncadd.s32 $0xFFFFE000  }
0xcd: {  	[hbm4b:s9+s3] =	stream.linear.scatter [tilespmem:s6], [sflag:$0x3], $0x8000, $0x38;
	[tilespmem:$0x1AA00] =	vst v63  }
0xce: {  	_ =	swait.ge [sflag:s20], $0x2000  }
0xcf: {  	[sflag:s20] =	ssyncset.done $0x0  }
0xd0: {  	[sflag:s20] =	ssyncadd.s32 $0xFFFFE000  }
0xd1: {  	_ =	swait.ge [sflag:s20], $0x2000  }
0xd2: {  	[sflag:s20] =	ssyncset.done $0x0  }
0xd3: {  	[sflag:s20] =	ssyncadd.s32 $0xFFFFE000  }
0xd4: {  	_ =	swait.ge [sflag:s20], $0x2000  }
0xd5: {  	[sflag:s20] =	ssyncset.done $0x0  }
0xd6: {  	[sflag:s20] =	ssyncadd.s32 $0xFFFFE000  }
0xd7: {  	_ =	swait.ge [sflag:s20], $0x2000  }
0xd8: {  	p0 =	sne.s32 s1, $0x1;
	[sflag:s20] =	ssyncset.done $0x0  }
.Ltmp1:
0xd9: {  	s11 =	rddreg [dreg:$0x8];
	[sflag:s20] =	ssyncadd.s32 $0xFFFFE000;
	(pc) =	sbr.rel @p0 .LBB2_1-.Ltmp1, $4  }
0xda: {  	[hbm4b:s11+s3] =	stream.linear.scatter [tilespmem:s12], [sflag:$0x4], $0x8000, $0x38;
	[tilespmem:$0x1AA00] =	vst v63  }
0xdb: {  	_ =	swait.ge [sflag:s21], $0x8000  }
0xdc: {  	[sflag:s21] =	ssyncset.done $0x0  }
0xdd: {  	s1 =	sadd.s32 $0xFFFFFFFF, s1;
	[sflag:s21] =	ssyncadd.s32 $0xFFFF8000  }
.LBB2_2:
0xde: {  	_ =	swait.ge [sflag:s22], $0x8000  }
0xdf: {  	[sflag:s22] =	ssyncset.done $0x0  }
0xe0: {  	[sflag:s22] =	ssyncadd.s32 $0xFFFF8000  }
0xe1: {  	_ =	sfence.sel $0x180000  }
0xe2: {  	[bflag:$0x0] =	sbarrier.arrive $0xFFFF  }
0xe3: {  	_ =	strace $0x90000056  }
0xe4: {  	s0 =	stileid.u32;
	[bflag:$0x2] =	sbarrier.arrive $0xFFFF  }
0xe5: {  	p0 =	sne.s32 s0, $0x0;
	s0 =	rddreg [dreg:$0x2]  }
0xe6: {  	s0 =	sadd.s32 @!p0 $0x100000, s0  }
0xe7: {  	[sflag:s0] =	ssyncadd.tile.s32 @!p0 $0x1;
	_ =	shalt  }
.Lfunc_end2:
_tile_overlayer_lowered:
.L_overlay_start_2:
0xe8: {  	(tag) =	ssettag $0x2  }
0xe9: {  	s0 =	rddreg [dreg:$0x0];
	s2 =	stileid.u32  }
0xea: {  	s1 =	rddreg [dreg:$0x1];
	p0 =	sne.s32 s2, $0x0  }
0xeb: {  	s3 =	rddreg [dreg:$0x2];
	[bflag:$0x3] =	sbarrier.arrive $0xFFFF;
	s2 =	simm.s32 @!p0 $0x1C05  }
0xec: {  	[timem:s3], [sflag:s2] =	dma.local @!p0 [hbm:s0], s1  }
0xed: {  	s0 =	simm.s32 @!p0 $0x5  }
0xee: {  	_ =	swait.ge @!p0 [sflag:s0], s1  }
0xef: {  	s1 =	ssub.s32 @!p0 $0x0, s1;
	[sflag:s0] =	ssyncset.done @!p0 $0x0  }
0xf0: {  	[sflag:s0] =	ssyncadd.s32 @!p0 s1  }
0xf1: {  	[bflag:$0x3] =	sbarrier.arrive $0xFFFF  }
0xf2: {  	_ =	shalt  }

</sc_bundles>
